<compile_context>
chip_gen: v7x
topology: tpu7x:2x2x1
jax: 0.10.2.dev20260603
libtpu: 0.0.44.dev20260713+nightly
codegen_flags: <defaults>
</compile_context>

<pallas_src>
import functools

import jax
import jax.numpy as jnp
from jax import lax
from jax.experimental import pallas as pl
from jax.experimental.pallas import tpu as pltpu
from jax.experimental.pallas import tpu_sc as plsc

N_NODES = 10000
D_FEAT = 256
HIDDEN = 256
N_CLASSES = 64
N_EDGES = 160000

NC, NS, L = 2, 16, 16
CHUNK = 128
E_PAD = 163840
ACC_ROWS = 10240
JUNK_ROW = 10008
ROWS_PER_TILE = ACC_ROWS // NS
ACC1_ROWS = 10016
ROWS1_PER_TILE = ACC1_ROWS // NS
CW = 64
K1 = 8
K2 = 8

N_CHUNKS_1 = E_PAD // NS // CHUNK
N_CHUNKS_2 = E_PAD // (NC * NS) // CHUNK


def _fill(ref, n_rows, n_cols, val):
    lanes = 2 * L if ref.dtype == jnp.bfloat16 else L
    groups = n_cols // lanes

    def body(i, _):
        r = i // groups
        g = i % groups
        ref[r, pl.ds(g * lanes, lanes)] = jnp.full((lanes,), val, ref.dtype)
        return 0

    lax.fori_loop(0, n_rows * groups, body, 0)


def _mesh():
    return plsc.VectorSubcoreMesh(core_axis_name="c", subcore_axis_name="s")


_SC_PARAMS = pltpu.CompilerParams(use_tc_tiling_on_sc=False)


@functools.partial(
    pl.kernel,
    out_type=[
        jax.ShapeDtypeStruct((ACC1_ROWS, 128), jnp.bfloat16),
        jax.ShapeDtypeStruct((ACC1_ROWS, 128), jnp.bfloat16),
        jax.ShapeDtypeStruct((ACC1_ROWS, L), jnp.float32),
        jax.ShapeDtypeStruct((ACC1_ROWS, L), jnp.float32),
    ],
    mesh=_mesh(),
    compiler_params=_SC_PARAMS,
    scratch_types=[
        pltpu.VMEM((2, K1, CHUNK), jnp.int32),
        pltpu.VMEM((2, K1, CHUNK), jnp.int32),
        pltpu.VMEM((K1, CHUNK, 128), jnp.bfloat16),
        pltpu.VMEM((CHUNK, L), jnp.float32),
        pltpu.VMEM_SHARED((ACC1_ROWS, 128), jnp.bfloat16),
        pltpu.VMEM_SHARED((ACC1_ROWS, L), jnp.float32),
        pltpu.SemaphoreType.DMA((2,)),
        pltpu.SemaphoreType.DMA((2,)),
        pltpu.SemaphoreType.DMA((K1,)),
        pltpu.SemaphoreType.DMA((K1,)),
        pltpu.SemaphoreType.DMA,
    ],
)
def _sc_agg1(xa, xb, srcp, dstp, oa, ob, outc0, outc1,
             sidx, didx, rows, ones, acc, cacc, isems, idems, gsem, ssem, csem):
    c = lax.axis_index("c")
    s = lax.axis_index("s")

    row0 = s * ROWS1_PER_TILE
    sl = pl.ds(row0, ROWS1_PER_TILE)
    n_chunks = E_PAD // NS // CHUNK
    n_groups = n_chunks // K1
    half = n_groups // 2
    crow0 = s * n_chunks

    _fill(ones, CHUNK, L, 0.0)
    _fill(rows.at[0], CHUNK, 128, 0.0)
    for k in range(4):
        pltpu.sync_copy(rows.at[0], acc.at[pl.ds(row0 + k * CHUNK, CHUNK)])
        pltpu.sync_copy(ones, cacc.at[pl.ds(row0 + k * CHUNK, CHUNK)])
    pltpu.sync_copy(rows.at[0, pl.ds(0, ROWS1_PER_TILE - 4 * CHUNK)],
                    acc.at[pl.ds(row0 + 4 * CHUNK, ROWS1_PER_TILE - 4 * CHUNK)])
    pltpu.sync_copy(ones.at[pl.ds(0, ROWS1_PER_TILE - 4 * CHUNK)],
                    cacc.at[pl.ds(row0 + 4 * CHUNK, ROWS1_PER_TILE - 4 * CHUNK)])
    _fill(ones, CHUNK, L, 1.0)

    pltpu.async_copy(srcp.at[pl.ds(crow0, K1)], sidx.at[0], isems.at[0])
    pltpu.async_copy(dstp.at[pl.ds(crow0, K1)], didx.at[0], idems.at[0])
    plsc.subcore_barrier()

    def group(g, _):
        parity = lax.rem(g, 2)
        nxt = 1 - parity
        cnt_here = ((c == 0) & (g < half)) | ((c == 1) & (g >= half))

        @pl.when(g > 0)
        def _():
            for b in range(K1):
                pltpu.make_async_copy(
                    rows.at[b], acc.at[didx.at[0, 0]], ssem.at[b]).wait()

        @pl.when(g + 1 < n_groups)
        def _():
            r = crow0 + (g + 1) * K1
            pltpu.async_copy(srcp.at[pl.ds(r, K1)], sidx.at[nxt], isems.at[nxt])
            pltpu.async_copy(dstp.at[pl.ds(r, K1)], didx.at[nxt], idems.at[nxt])

        pltpu.make_async_copy(
            srcp.at[pl.ds(0, K1)], sidx.at[parity], isems.at[parity]).wait()
        pltpu.make_async_copy(
            dstp.at[pl.ds(0, K1)], didx.at[parity], idems.at[parity]).wait()

        for b in range(K1):
            @pl.when(c == 0)
            def _():
                pltpu.async_copy(
                    xa.at[sidx.at[parity, b]], rows.at[b], gsem.at[b])

            @pl.when(c == 1)
            def _():
                pltpu.async_copy(
                    xb.at[sidx.at[parity, b]], rows.at[b], gsem.at[b])

        for b in range(K1):
            pltpu.make_async_copy(
                xa.at[sidx.at[parity, b]], rows.at[b], gsem.at[b]).wait()
            pltpu.async_copy(
                rows.at[b], acc.at[didx.at[parity, b]], ssem.at[b], add=True)

            @pl.when(cnt_here)
            def _():
                pltpu.async_copy(
                    ones, cacc.at[didx.at[parity, b]], csem, add=True)

        @pl.when(cnt_here)
        def _():
            for b in range(K1):
                pltpu.make_async_copy(
                    ones, cacc.at[didx.at[parity, b]], csem).wait()

        return 0

    lax.fori_loop(0, n_groups, group, 0)
    for b in range(K1):
        pltpu.make_async_copy(
            rows.at[b], acc.at[didx.at[0, 0]], ssem.at[b]).wait()
    plsc.subcore_barrier()

    @pl.when(c == 0)
    def _():
        pltpu.sync_copy(acc.at[sl], oa.at[sl])
        pltpu.sync_copy(cacc.at[sl], outc0.at[sl])

    @pl.when(c == 1)
    def _():
        pltpu.sync_copy(acc.at[sl], ob.at[sl])
        pltpu.sync_copy(cacc.at[sl], outc1.at[sl])


@functools.partial(
    pl.kernel,
    out_type=[
        jax.ShapeDtypeStruct((ACC_ROWS, N_CLASSES), jnp.bfloat16),
        jax.ShapeDtypeStruct((ACC_ROWS, N_CLASSES), jnp.bfloat16),
    ],
    mesh=_mesh(),
    compiler_params=_SC_PARAMS,
    scratch_types=[
        pltpu.VMEM((N_CHUNKS_2, CHUNK), jnp.int32),
        pltpu.VMEM((N_CHUNKS_2, CHUNK), jnp.int32),
        pltpu.VMEM((K2, CHUNK, N_CLASSES), jnp.bfloat16),
        pltpu.VMEM((CHUNK, N_CLASSES), jnp.bfloat16),
        pltpu.VMEM_SHARED((ACC_ROWS, N_CLASSES), jnp.bfloat16),
        pltpu.SemaphoreType.DMA((K2,)),
        pltpu.SemaphoreType.DMA((K2,)),
    ],
)
def _sc_agg2(p, srcp, dstp, out0, out1, sidx, didx, rows, zb, acc, gsem, ssem):
    c = lax.axis_index("c")
    s = lax.axis_index("s")

    _fill(zb, CHUNK, N_CLASSES, 0.0)

    crow = pl.ds((c * NS + s) * N_CHUNKS_2, N_CHUNKS_2)
    pltpu.sync_copy(srcp.at[crow], sidx)
    pltpu.sync_copy(dstp.at[crow], didx)

    row0 = s * ROWS_PER_TILE
    for k in range(ROWS_PER_TILE // CHUNK):
        pltpu.sync_copy(zb, acc.at[pl.ds(row0 + k * CHUNK, CHUNK)])
    plsc.subcore_barrier()

    def group(g, _):
        for b in range(K2):
            i = g * K2 + b

            @pl.when(g > 0)
            def _():
                pltpu.make_async_copy(
                    rows.at[b], acc.at[didx.at[0]], ssem.at[b]).wait()

            pltpu.async_copy(p.at[sidx.at[i]], rows.at[b], gsem.at[b])

        for b in range(K2):
            i = g * K2 + b
            pltpu.make_async_copy(
                p.at[sidx.at[i]], rows.at[b], gsem.at[b]).wait()
            pltpu.async_copy(
                rows.at[b], acc.at[didx.at[i]], ssem.at[b], add=True)
        return 0

    lax.fori_loop(0, N_CHUNKS_2 // K2, group, 0)
    for b in range(K2):
        pltpu.make_async_copy(
            rows.at[b], acc.at[didx.at[0]], ssem.at[b]).wait()
    plsc.subcore_barrier()

    sl = pl.ds(row0, ROWS_PER_TILE)

    @pl.when(c == 0)
    def _():
        pltpu.sync_copy(acc.at[sl], out0.at[sl])

    @pl.when(c == 1)
    def _():
        pltpu.sync_copy(acc.at[sl], out1.at[sl])


BLK = 1000


def _tc_mid_body(oa, ob, c0, c1, x, w1l, w1r, b1, w2l, w2r, b2,
                 p_out, r2_out):
    c = jnp.maximum(c0[:, 0:1] + c1[:, 0:1], 1.0)
    mean = jnp.concatenate([oa[...].astype(jnp.float32),
                            ob[...].astype(jnp.float32)], axis=1) / c
    h = mean @ w1l[...] + (x[...] @ w1r[...]).astype(jnp.float32) + b1[...]
    h = jnp.maximum(h, 0.0)
    p_out[...] = (h @ w2l[...]).astype(jnp.bfloat16)
    r2_out[...] = h @ w2r[...] + b2[...]


def _tc_mid(oa, ob, cnt0, cnt1, x, w1l, w1r, b1, w2l, w2r, b2):
    full = lambda shape: pl.BlockSpec(shape, lambda i: (0, 0))
    rows = lambda shape: pl.BlockSpec(shape, lambda i: (i, 0))
    return pl.pallas_call(
        _tc_mid_body,
        grid=(N_NODES // BLK,),
        in_specs=[
            rows((BLK, 128)), rows((BLK, 128)),
            rows((BLK, L)), rows((BLK, L)), rows((BLK, D_FEAT)),
            full((D_FEAT, HIDDEN)), full((D_FEAT, HIDDEN)), full((1, HIDDEN)),
            full((HIDDEN, N_CLASSES)), full((HIDDEN, N_CLASSES)), full((1, N_CLASSES)),
        ],
        out_specs=[rows((BLK, N_CLASSES)), rows((BLK, N_CLASSES))],
        out_shape=[
            jax.ShapeDtypeStruct((N_NODES, N_CLASSES), jnp.bfloat16),
            jax.ShapeDtypeStruct((N_NODES, N_CLASSES), jnp.float32),
        ],
    )(oa, ob, cnt0, cnt1, x, w1l, w1r, b1, w2l, w2r, b2)


def _tc_final_body(a0, a1, c0, c1, r2, out):
    c = jnp.maximum(c0[:, 0:1] + c1[:, 0:1], 1.0)
    z = (a0[...].astype(jnp.float32) + a1[...].astype(jnp.float32)) / c + r2[...]
    m = jnp.max(z, axis=1, keepdims=True)
    zs = z - m
    out[...] = zs - jnp.log(jnp.sum(jnp.exp(zs), axis=1, keepdims=True))


def _tc_final(a0, a1, cnt0, cnt1, r2):
    rows = lambda shape: pl.BlockSpec(shape, lambda i: (i, 0))
    return pl.pallas_call(
        _tc_final_body,
        grid=(N_NODES // BLK,),
        in_specs=[rows((BLK, N_CLASSES)), rows((BLK, N_CLASSES)),
                  rows((BLK, L)), rows((BLK, L)), rows((BLK, N_CLASSES))],
        out_specs=rows((BLK, N_CLASSES)),
        out_shape=jax.ShapeDtypeStruct((N_NODES, N_CLASSES), jnp.float32),
    )(a0, a1, cnt0, cnt1, r2)


def kernel(x, edge_index, W1l, W1r, b1, W2l, W2r, b2):
    src = edge_index[0].astype(jnp.int32)
    dst = edge_index[1].astype(jnp.int32)
    n_pad = E_PAD - N_EDGES
    srcp = jnp.concatenate([src, jnp.zeros((n_pad,), jnp.int32)])
    dstp = jnp.concatenate([dst, jnp.full((n_pad,), JUNK_ROW, jnp.int32)])
    srcp = srcp.reshape(E_PAD // CHUNK, CHUNK)
    dstp = dstp.reshape(E_PAD // CHUNK, CHUNK)

    x_bf = x.astype(jnp.bfloat16)
    xa = x_bf[:, :128]
    xb = x_bf[:, 128:]
    oa, ob, cnt0, cnt1 = _sc_agg1(xa, xb, srcp, dstp)

    p, r2 = _tc_mid(oa, ob, cnt0, cnt1, x_bf, W1l, W1r,
                    b1.reshape(1, -1), W2l, W2r, b2.reshape(1, -1))

    a0, a1 = _sc_agg2(p, srcp, dstp)
    return _tc_final(a0, a1, cnt0, cnt1, r2)

# --- scband reference (transcript-rebuilt; emitter-appended) ---
"""Pipeline reference for scband-graph-sage-52261162057814 (READ-ONLY COPY).

The authoritative reference and input builder live on the scoring server;
editing this copy changes nothing except your own understanding.
"""

import jax, jax.numpy as jnp
import numpy as np

N_NODES = 10000
D_FEAT = 256
HIDDEN = 256
N_CLASSES = 64
N_EDGES = 160000


def setup_inputs(seed: int = 0) -> dict:
    key = jax.random.key(seed)
    ks = jax.random.split(key, 8)
    x = jax.random.normal(ks[0], (N_NODES, D_FEAT), dtype=jnp.float32)
    edge_index = jax.random.randint(ks[1], (2, N_EDGES), 0, N_NODES, dtype=jnp.int64 if jax.config.read('jax_enable_x64') else jnp.int32)
    # SAGEConv layer 1: lin_l (applied to aggregated neighbors, has bias), lin_r (applied to root)
    s1 = 1.0 / np.sqrt(D_FEAT)
    W1l = jax.random.uniform(ks[2], (D_FEAT, HIDDEN), jnp.float32, -s1, s1)
    W1r = jax.random.uniform(ks[3], (D_FEAT, HIDDEN), jnp.float32, -s1, s1)
    b1 = jnp.zeros((HIDDEN,), jnp.float32)
    # SAGEConv layer 2
    s2 = 1.0 / np.sqrt(HIDDEN)
    W2l = jax.random.uniform(ks[4], (HIDDEN, N_CLASSES), jnp.float32, -s2, s2)
    W2r = jax.random.uniform(ks[5], (HIDDEN, N_CLASSES), jnp.float32, -s2, s2)
    b2 = jnp.zeros((N_CLASSES,), jnp.float32)
    return {"x": x, "edge_index": edge_index, "W1l": W1l, "W1r": W1r, "b1": b1,
            "W2l": W2l, "W2r": W2r, "b2": b2}


def _sage_conv(x, edge_index, Wl, Wr, b):
    src = edge_index[0]
    dst = edge_index[1]
    n = x.shape[0]
    msgs = jnp.take(x, src, axis=0)                      # gather source features
    agg = jax.ops.segment_sum(msgs, dst, num_segments=n) # scatter-add by dst
    cnt = jax.ops.segment_sum(jnp.ones((msgs.shape[0],), jnp.float32), dst, num_segments=n)
    mean = agg / jnp.clip(cnt, 1.0, None)[:, None]       # mean aggregation
    return mean @ Wl + x @ Wr + b


def reference(x, edge_index, W1l, W1r, b1, W2l, W2r, b2):
    h = jax.nn.relu(_sage_conv(x, edge_index, W1l, W1r, b1))
    # dropout is identity in eval mode
    out = _sage_conv(h, edge_index, W2l, W2r, b2)
    return jax.nn.log_softmax(out, axis=1)

if __name__ == "__main__":
    import jax
    _d = setup_inputs()
    print(jax.jit(kernel)(*tuple(_d.values())))

</pallas_src>

<mosaic_0001>
#map = affine_map<(d0, d1) -> (0, 0)>
module attributes {stable_mosaic.version = 14 : i64} {
  func.func @_sc_agg1(%arg0: i32, %arg1: i32, %arg2: memref<10000x128xbf16, #tpu.memory_space<hbm>>, %arg3: memref<10000x128xbf16, #tpu.memory_space<hbm>>, %arg4: memref<1280x128xi32, #tpu.memory_space<hbm>>, %arg5: memref<1280x128xi32, #tpu.memory_space<hbm>>, %arg6: memref<10016x128xbf16, #tpu.memory_space<hbm>>, %arg7: memref<10016x128xbf16, #tpu.memory_space<hbm>>, %arg8: memref<10016x16xf32, #tpu.memory_space<hbm>>, %arg9: memref<10016x16xf32, #tpu.memory_space<hbm>>, %arg10: memref<2x8x128xi32, #tpu.memory_space<vmem>>, %arg11: memref<2x8x128xi32, #tpu.memory_space<vmem>>, %arg12: memref<8x128x128xbf16, #tpu.memory_space<vmem>>, %arg13: memref<128x16xf32, #tpu.memory_space<vmem>>, %arg14: memref<10016x128xbf16, #tpu.memory_space<vmem_shared>>, %arg15: memref<10016x16xf32, #tpu.memory_space<vmem_shared>>, %arg16: memref<2x!tpu.dma_semaphore, #tpu.memory_space<semaphore_mem>>, %arg17: memref<2x!tpu.dma_semaphore, #tpu.memory_space<semaphore_mem>>, %arg18: memref<8x!tpu.dma_semaphore, #tpu.memory_space<semaphore_mem>>, %arg19: memref<8x!tpu.dma_semaphore, #tpu.memory_space<semaphore_mem>>, %arg20: memref<!tpu.dma_semaphore, #tpu.memory_space<semaphore_mem>>) attributes {dimension_semantics = [#tpu.dimension_semantics<core_parallel>, #tpu.dimension_semantics<subcore_parallel>], iteration_bounds = array<i64: 2, 16>, scalar_prefetch = 0 : i64, scratch_operands = 11 : i64, tpu.core_type = #tpu.core_type<sc_vector_subcore>, window_params = [{transform_indices = #map}, {transform_indices = #map}, {transform_indices = #map}, {transform_indices = #map}, {transform_indices = #map}, {transform_indices = #map}, {transform_indices = #map}, {transform_indices = #map}]} {
    %mul3A = arith.constant 626 : i32
    %mul3A_0 = arith.muli %arg1, %mul3A : i32
    %mul3A_1 = arith.constant 80 : i32
    %mul3A_2 = arith.muli %arg1, %mul3A_1 : i32
    %scan3A = arith.constant 0 : i32
    %scan3A_3 = arith.constant 0 : i32
    %scan3A_4 = arith.constant 128 : i32
    %scan3A_5 = arith.addi %scan3A_3, %scan3A_4 : i32
    %scan3A_6 = arith.constant 1 : i32
    %scan3A_7 = scf.for %scan3A_220 = %scan3A_3 to %scan3A_5 step %scan3A_6 iter_args(%scan3A_221 = %scan3A) -> (i32)  : i32 {
      %jit3A = arith.constant 1 : i32
      %div3A = arith.divsi %scan3A_220, %jit3A : i32
      %sign3A = arith.constant 0 : i32
      %sign3A_222 = arith.cmpi sgt, %scan3A_220, %sign3A : i32
      %sign3A_223 = arith.extui %sign3A_222 : i1 to i32
      %sign3A_224 = arith.constant 0 : i32
      %sign3A_225 = arith.cmpi slt, %scan3A_220, %sign3A_224 : i32
      %sign3A_226 = arith.extui %sign3A_225 : i1 to i32
      %sign3A_227 = arith.subi %sign3A_223, %sign3A_226 : i32
      %sign3A_228 = arith.constant 0 : i32
      %sign3A_229 = arith.cmpi sgt, %jit3A, %sign3A_228 : i32
      %sign3A_230 = arith.extui %sign3A_229 : i1 to i32
      %sign3A_231 = arith.constant 0 : i32
      %sign3A_232 = arith.cmpi slt, %jit3A, %sign3A_231 : i32
      %sign3A_233 = arith.extui %sign3A_232 : i1 to i32
      %sign3A_234 = arith.subi %sign3A_230, %sign3A_233 : i32
      %ne3A = arith.cmpi ne, %sign3A_227, %sign3A_234 : i32
      %rem3A = arith.remsi %scan3A_220, %jit3A : i32
      %ne3A_235 = arith.constant 0 : i32
      %ne3A_236 = arith.cmpi ne, %rem3A, %ne3A_235 : i32
      %and3A = arith.andi %ne3A, %ne3A_236 : i1
      %sub3A = arith.constant 1 : i32
      %sub3A_237 = arith.subi %div3A, %sub3A : i32
      %select_n3A = arith.select %and3A, %sub3A_237, %div3A : i32
      %jit3A_238 = arith.constant 1 : i32
      %eq3A_239 = arith.constant 0 : i32
      %eq3A_240 = arith.cmpi eq, %jit3A_238, %eq3A_239 : i32
      %jit3A_241 = arith.constant 1 : i32
      %select_n3A_242 = arith.select %eq3A_240, %jit3A_241, %jit3A_238 : i32
      %rem3A_243 = arith.remsi %scan3A_220, %select_n3A_242 : i32
      %ne3A_244 = arith.constant 0 : i32
      %ne3A_245 = arith.cmpi ne, %rem3A_243, %ne3A_244 : i32
      %lt3A = arith.constant 0 : i32
      %lt3A_246 = arith.cmpi slt, %rem3A_243, %lt3A : i32
      %lt3A_247 = arith.constant 0 : i32
      %lt3A_248 = arith.cmpi slt, %select_n3A_242, %lt3A_247 : i32
      %ne3A_249 = arith.xori %lt3A_246, %lt3A_248 : i1
      %and3A_250 = arith.andi %ne3A_249, %ne3A_245 : i1
      %add3A_251 = arith.addi %rem3A_243, %select_n3A_242 : i32
      %select_n3A_252 = arith.select %and3A_250, %add3A_251, %rem3A_243 : i32
      %broadcast_in_dim3A = arith.constant 0.000000e+00 : f32
      %broadcast_in_dim3A_253 = vector.broadcast %broadcast_in_dim3A : f32 to vector<16xf32>
      %mul3A_254 = arith.constant 16 : i32
      %mul3A_255 = arith.muli %select_n3A_252, %mul3A_254 : i32
      %swap3A = arith.index_cast %select_n3A : i32 to index
      %swap3A_256 = arith.index_cast %mul3A_255 : i32 to index
      %swap3A_257 = tpu.vector_load %arg13[%swap3A, %swap3A_256] {strides = array<i32>} : memref<128x16xf32, #tpu.memory_space<vmem>>, vector<1x16xf32>,
      %swap3A_258 = vector.shape_cast %swap3A_257 : vector<1x16xf32> to vector<16xf32>
      %swap3A_259 = vector.shape_cast %broadcast_in_dim3A_253 : vector<16xf32> to vector<1x16xf32>
      tpu.vector_store %arg13[%swap3A, %swap3A_256], %swap3A_259 {strides = array<i32>} : memref<128x16xf32, #tpu.memory_space<vmem>>, vector<1x16xf32>,
      %scan3A_260 = arith.constant 0 : i32
      scf.yield %scan3A_260 : i32
    }
    %scan3A_8 = arith.constant 128 : i32
    %scan3A_9 = arith.constant 0 : i32
    %scan3A_10 = arith.constant 0 : i32
    %scan3A_11 = arith.constant 0 : i32
    %scan3A_12 = arith.constant 512 : i32
    %scan3A_13 = arith.addi %scan3A_11, %scan3A_12 : i32
    %scan3A_14 = arith.constant 1 : i32
    %scan3A_15 = scf.for %scan3A_220 = %scan3A_11 to %scan3A_13 step %scan3A_14 iter_args(%scan3A_221 = %scan3A_10) -> (i32)  : i32 {
      %jit3A = arith.constant 4 : i32
      %div3A = arith.divsi %scan3A_220, %jit3A : i32
      %sign3A = arith.constant 0 : i32
      %sign3A_222 = arith.cmpi sgt, %scan3A_220, %sign3A : i32
      %sign3A_223 = arith.extui %sign3A_222 : i1 to i32
      %sign3A_224 = arith.constant 0 : i32
      %sign3A_225 = arith.cmpi slt, %scan3A_220, %sign3A_224 : i32
      %sign3A_226 = arith.extui %sign3A_225 : i1 to i32
      %sign3A_227 = arith.subi %sign3A_223, %sign3A_226 : i32
      %sign3A_228 = arith.constant 0 : i32
      %sign3A_229 = arith.cmpi sgt, %jit3A, %sign3A_228 : i32
      %sign3A_230 = arith.extui %sign3A_229 : i1 to i32
      %sign3A_231 = arith.constant 0 : i32
      %sign3A_232 = arith.cmpi slt, %jit3A, %sign3A_231 : i32
      %sign3A_233 = arith.extui %sign3A_232 : i1 to i32
      %sign3A_234 = arith.subi %sign3A_230, %sign3A_233 : i32
      %ne3A = arith.cmpi ne, %sign3A_227, %sign3A_234 : i32
      %rem3A = arith.remsi %scan3A_220, %jit3A : i32
      %ne3A_235 = arith.constant 0 : i32
      %ne3A_236 = arith.cmpi ne, %rem3A, %ne3A_235 : i32
      %and3A = arith.andi %ne3A, %ne3A_236 : i1
      %sub3A = arith.constant 1 : i32
      %sub3A_237 = arith.subi %div3A, %sub3A : i32
      %select_n3A = arith.select %and3A, %sub3A_237, %div3A : i32
      %jit3A_238 = arith.constant 4 : i32
      %eq3A_239 = arith.constant 0 : i32
      %eq3A_240 = arith.cmpi eq, %jit3A_238, %eq3A_239 : i32
      %jit3A_241 = arith.constant 1 : i32
      %select_n3A_242 = arith.select %eq3A_240, %jit3A_241, %jit3A_238 : i32
      %rem3A_243 = arith.remsi %scan3A_220, %select_n3A_242 : i32
      %ne3A_244 = arith.constant 0 : i32
      %ne3A_245 = arith.cmpi ne, %rem3A_243, %ne3A_244 : i32
      %lt3A = arith.constant 0 : i32
      %lt3A_246 = arith.cmpi slt, %rem3A_243, %lt3A : i32
      %lt3A_247 = arith.constant 0 : i32
      %lt3A_248 = arith.cmpi slt, %select_n3A_242, %lt3A_247 : i32
      %ne3A_249 = arith.xori %lt3A_246, %lt3A_248 : i1
      %and3A_250 = arith.andi %ne3A_249, %ne3A_245 : i1
      %add3A_251 = arith.addi %rem3A_243, %select_n3A_242 : i32
      %select_n3A_252 = arith.select %and3A_250, %add3A_251, %rem3A_243 : i32
      %broadcast_in_dim3A = arith.constant 0.000000e+00 : bf16
      %broadcast_in_dim3A_253 = vector.broadcast %broadcast_in_dim3A : bf16 to vector<32xbf16>
      %mul3A_254 = arith.constant 32 : i32
      %mul3A_255 = arith.muli %select_n3A_252, %mul3A_254 : i32
      %swap3A = arith.constant 0 : i32
      %swap3A_256 = arith.constant 0 : i32
      %swap3A_257 = tpu.memref_slice %arg12[%scan3A_9, %swap3A, %swap3A_256] : memref<8x128x128xbf16, #tpu.memory_space<vmem>> -> memref<1x128x128xbf16, #tpu.memory_space<vmem>>
      %swap3A_258 = tpu.memref_squeeze %swap3A_257 : memref<1x128x128xbf16, #tpu.memory_space<vmem>> -> memref<128x128xbf16, #tpu.memory_space<vmem>>
      %swap3A_259 = arith.index_cast %select_n3A : i32 to index
      %swap3A_260 = arith.index_cast %mul3A_255 : i32 to index
      %swap3A_261 = tpu.vector_load %swap3A_258[%swap3A_259, %swap3A_260] {strides = array<i32>} : memref<128x128xbf16, #tpu.memory_space<vmem>>, vector<1x32xbf16>,
      %swap3A_262 = vector.shape_cast %swap3A_261 : vector<1x32xbf16> to vector<32xbf16>
      %swap3A_263 = vector.shape_cast %broadcast_in_dim3A_253 : vector<32xbf16> to vector<1x32xbf16>
      tpu.vector_store %swap3A_258[%swap3A_259, %swap3A_260], %swap3A_263 {strides = array<i32>} : memref<128x128xbf16, #tpu.memory_space<vmem>>, vector<1x32xbf16>,
      %scan3A_264 = arith.constant 0 : i32
      scf.yield %scan3A_264 : i32
    }
    %scan3A_16 = arith.constant 512 : i32
    %add3A = arith.constant 0 : i32
    %add3A_17 = arith.addi %mul3A_0, %add3A : i32
    %run_scoped3A = arith.constant 0 : i32
    "tpu.region"() ({
      %run_scoped3A_220 = tpu.sem_alloc : memref<!tpu.dma_semaphore, #tpu.memory_space<semaphore_mem>>
      %dma_start3A_221 = arith.constant 0 : i32
      %dma_start3A_222 = arith.constant 0 : i32
      %dma_start3A_223 = tpu.memref_slice %arg12[%run_scoped3A, %dma_start3A_221, %dma_start3A_222] : memref<8x128x128xbf16, #tpu.memory_space<vmem>> -> memref<1x128x128xbf16, #tpu.memory_space<vmem>>
      %dma_start3A_224 = tpu.memref_squeeze %dma_start3A_223 : memref<1x128x128xbf16, #tpu.memory_space<vmem>> -> memref<128x128xbf16, #tpu.memory_space<vmem>>
      %dma_start3A_225 = arith.constant 0 : i32
      %dma_start3A_226 = tpu.memref_slice %arg14[%add3A_17, %dma_start3A_225] : memref<10016x128xbf16, #tpu.memory_space<vmem_shared>> -> memref<128x128xbf16, #tpu.memory_space<vmem_shared>>
      %dma_start3A_227 = arith.constant 0 : i32
      %dma_start3A_228 = tpu.memref_slice %arg14[%add3A_17, %dma_start3A_227] : memref<10016x128xbf16, #tpu.memory_space<vmem_shared>> -> memref<128x128xbf16, #tpu.memory_space<vmem_shared>>
      %dma_start3A_229 = arith.constant 0 : i32
      %dma_start3A_230 = arith.constant 0 : i32
      %dma_start3A_231 = tpu.memref_slice %arg12[%run_scoped3A, %dma_start3A_229, %dma_start3A_230] : memref<8x128x128xbf16, #tpu.memory_space<vmem>> -> memref<1x128x128xbf16, #tpu.memory_space<vmem>>
      %dma_start3A_232 = tpu.memref_squeeze %dma_start3A_231 : memref<1x128x128xbf16, #tpu.memory_space<vmem>> -> memref<128x128xbf16, #tpu.memory_space<vmem>>
      tpu.enqueue_dma source(%dma_start3A_232 : memref<128x128xbf16, #tpu.memory_space<vmem>>) target(%dma_start3A_228 : memref<128x128xbf16, #tpu.memory_space<vmem_shared>>) target_semaphore(%run_scoped3A_220 : memref<!tpu.dma_semaphore, #tpu.memory_space<semaphore_mem>>)
      %dma_wait3A_233 = arith.constant 0 : i32
      %dma_wait3A_234 = arith.constant 0 : i32
      %dma_wait3A_235 = tpu.memref_slice %arg12[%run_scoped3A, %dma_wait3A_233, %dma_wait3A_234] : memref<8x128x128xbf16, #tpu.memory_space<vmem>> -> memref<1x128x128xbf16, #tpu.memory_space<vmem>>
      %dma_wait3A_236 = tpu.memref_squeeze %dma_wait3A_235 : memref<1x128x128xbf16, #tpu.memory_space<vmem>> -> memref<128x128xbf16, #tpu.memory_space<vmem>>
      %dma_wait3A_237 = arith.constant 0 : i32
      %dma_wait3A_238 = tpu.memref_slice %arg14[%add3A_17, %dma_wait3A_237] : memref<10016x128xbf16, #tpu.memory_space<vmem_shared>> -> memref<128x128xbf16, #tpu.memory_space<vmem_shared>>
      %dma_wait3A_239 = arith.constant 0 : i32
      %dma_wait3A_240 = tpu.memref_slice %arg14[%add3A_17, %dma_wait3A_239] : memref<10016x128xbf16, #tpu.memory_space<vmem_shared>> -> memref<128x128xbf16, #tpu.memory_space<vmem_shared>>
      %dma_wait3A_241 = arith.constant 0 : i32
      %dma_wait3A_242 = arith.constant 0 : i32
      %dma_wait3A_243 = tpu.memref_slice %arg12[%run_scoped3A, %dma_wait3A_241, %dma_wait3A_242] : memref<8x128x128xbf16, #tpu.memory_space<vmem>> -> memref<1x128x128xbf16, #tpu.memory_space<vmem>>
      %dma_wait3A_244 = tpu.memref_squeeze %dma_wait3A_243 : memref<1x128x128xbf16, #tpu.memory_space<vmem>> -> memref<128x128xbf16, #tpu.memory_space<vmem>>
      tpu.wait_dma2 semaphore(%run_scoped3A_220 : memref<!tpu.dma_semaphore, #tpu.memory_space<semaphore_mem>>) src(%dma_wait3A_244 : memref<128x128xbf16, #tpu.memory_space<vmem>>) dst(%dma_wait3A_240 : memref<128x128xbf16, #tpu.memory_space<vmem_shared>>)
      tpu.yield
    }) : () -> ()
    %add3A_18 = arith.constant 0 : i32
    %add3A_19 = arith.addi %mul3A_0, %add3A_18 : i32
    "tpu.region"() ({
      %run_scoped3A_220 = tpu.sem_alloc : memref<!tpu.dma_semaphore, #tpu.memory_space<semaphore_mem>>
      %dma_start3A_221 = arith.constant 0 : i32
      %dma_start3A_222 = tpu.memref_slice %arg15[%add3A_19, %dma_start3A_221] : memref<10016x16xf32, #tpu.memory_space<vmem_shared>> -> memref<128x16xf32, #tpu.memory_space<vmem_shared>>
      %dma_start3A_223 = arith.constant 0 : i32
      %dma_start3A_224 = tpu.memref_slice %arg15[%add3A_19, %dma_start3A_223] : memref<10016x16xf32, #tpu.memory_space<vmem_shared>> -> memref<128x16xf32, #tpu.memory_space<vmem_shared>>
      tpu.enqueue_dma source(%arg13 : memref<128x16xf32, #tpu.memory_space<vmem>>) target(%dma_start3A_224 : memref<128x16xf32, #tpu.memory_space<vmem_shared>>) target_semaphore(%run_scoped3A_220 : memref<!tpu.dma_semaphore, #tpu.memory_space<semaphore_mem>>)
      %dma_wait3A_225 = arith.constant 0 : i32
      %dma_wait3A_226 = tpu.memref_slice %arg15[%add3A_19, %dma_wait3A_225] : memref<10016x16xf32, #tpu.memory_space<vmem_shared>> -> memref<128x16xf32, #tpu.memory_space<vmem_shared>>
      %dma_wait3A_227 = arith.constant 0 : i32
      %dma_wait3A_228 = tpu.memref_slice %arg15[%add3A_19, %dma_wait3A_227] : memref<10016x16xf32, #tpu.memory_space<vmem_shared>> -> memref<128x16xf32, #tpu.memory_space<vmem_shared>>
      tpu.wait_dma2 semaphore(%run_scoped3A_220 : memref<!tpu.dma_semaphore, #tpu.memory_space<semaphore_mem>>) src(%arg13 : memref<128x16xf32, #tpu.memory_space<vmem>>) dst(%dma_wait3A_228 : memref<128x16xf32, #tpu.memory_space<vmem_shared>>)
      tpu.yield
    }) : () -> ()
    %add3A_20 = arith.constant 128 : i32
    %add3A_21 = arith.addi %mul3A_0, %add3A_20 : i32
    %run_scoped3A_22 = arith.constant 0 : i32
    "tpu.region"() ({
      %run_scoped3A_220 = tpu.sem_alloc : memref<!tpu.dma_semaphore, #tpu.memory_space<semaphore_mem>>
      %dma_start3A_221 = arith.constant 0 : i32
      %dma_start3A_222 = arith.constant 0 : i32
      %dma_start3A_223 = tpu.memref_slice %arg12[%run_scoped3A_22, %dma_start3A_221, %dma_start3A_222] : memref<8x128x128xbf16, #tpu.memory_space<vmem>> -> memref<1x128x128xbf16, #tpu.memory_space<vmem>>
      %dma_start3A_224 = tpu.memref_squeeze %dma_start3A_223 : memref<1x128x128xbf16, #tpu.memory_space<vmem>> -> memref<128x128xbf16, #tpu.memory_space<vmem>>
      %dma_start3A_225 = arith.constant 0 : i32
      %dma_start3A_226 = tpu.memref_slice %arg14[%add3A_21, %dma_start3A_225] : memref<10016x128xbf16, #tpu.memory_space<vmem_shared>> -> memref<128x128xbf16, #tpu.memory_space<vmem_shared>>
      %dma_start3A_227 = arith.constant 0 : i32
      %dma_start3A_228 = tpu.memref_slice %arg14[%add3A_21, %dma_start3A_227] : memref<10016x128xbf16, #tpu.memory_space<vmem_shared>> -> memref<128x128xbf16, #tpu.memory_space<vmem_shared>>
      %dma_start3A_229 = arith.constant 0 : i32
      %dma_start3A_230 = arith.constant 0 : i32
      %dma_start3A_231 = tpu.memref_slice %arg12[%run_scoped3A_22, %dma_start3A_229, %dma_start3A_230] : memref<8x128x128xbf16, #tpu.memory_space<vmem>> -> memref<1x128x128xbf16, #tpu.memory_space<vmem>>
      %dma_start3A_232 = tpu.memref_squeeze %dma_start3A_231 : memref<1x128x128xbf16, #tpu.memory_space<vmem>> -> memref<128x128xbf16, #tpu.memory_space<vmem>>
      tpu.enqueue_dma source(%dma_start3A_232 : memref<128x128xbf16, #tpu.memory_space<vmem>>) target(%dma_start3A_228 : memref<128x128xbf16, #tpu.memory_space<vmem_shared>>) target_semaphore(%run_scoped3A_220 : memref<!tpu.dma_semaphore, #tpu.memory_space<semaphore_mem>>)
      %dma_wait3A_233 = arith.constant 0 : i32
      %dma_wait3A_234 = arith.constant 0 : i32
      %dma_wait3A_235 = tpu.memref_slice %arg12[%run_scoped3A_22, %dma_wait3A_233, %dma_wait3A_234] : memref<8x128x128xbf16, #tpu.memory_space<vmem>> -> memref<1x128x128xbf16, #tpu.memory_space<vmem>>
      %dma_wait3A_236 = tpu.memref_squeeze %dma_wait3A_235 : memref<1x128x128xbf16, #tpu.memory_space<vmem>> -> memref<128x128xbf16, #tpu.memory_space<vmem>>
      %dma_wait3A_237 = arith.constant 0 : i32
      %dma_wait3A_238 = tpu.memref_slice %arg14[%add3A_21, %dma_wait3A_237] : memref<10016x128xbf16, #tpu.memory_space<vmem_shared>> -> memref<128x128xbf16, #tpu.memory_space<vmem_shared>>
      %dma_wait3A_239 = arith.constant 0 : i32
      %dma_wait3A_240 = tpu.memref_slice %arg14[%add3A_21, %dma_wait3A_239] : memref<10016x128xbf16, #tpu.memory_space<vmem_shared>> -> memref<128x128xbf16, #tpu.memory_space<vmem_shared>>
      %dma_wait3A_241 = arith.constant 0 : i32
      %dma_wait3A_242 = arith.constant 0 : i32
      %dma_wait3A_243 = tpu.memref_slice %arg12[%run_scoped3A_22, %dma_wait3A_241, %dma_wait3A_242] : memref<8x128x128xbf16, #tpu.memory_space<vmem>> -> memref<1x128x128xbf16, #tpu.memory_space<vmem>>
      %dma_wait3A_244 = tpu.memref_squeeze %dma_wait3A_243 : memref<1x128x128xbf16, #tpu.memory_space<vmem>> -> memref<128x128xbf16, #tpu.memory_space<vmem>>
      tpu.wait_dma2 semaphore(%run_scoped3A_220 : memref<!tpu.dma_semaphore, #tpu.memory_space<semaphore_mem>>) src(%dma_wait3A_244 : memref<128x128xbf16, #tpu.memory_space<vmem>>) dst(%dma_wait3A_240 : memref<128x128xbf16, #tpu.memory_space<vmem_shared>>)
      tpu.yield
    }) : () -> ()
    %add3A_23 = arith.constant 128 : i32
    %add3A_24 = arith.addi %mul3A_0, %add3A_23 : i32
    "tpu.region"() ({
      %run_scoped3A_220 = tpu.sem_alloc : memref<!tpu.dma_semaphore, #tpu.memory_space<semaphore_mem>>
      %dma_start3A_221 = arith.constant 0 : i32
      %dma_start3A_222 = tpu.memref_slice %arg15[%add3A_24, %dma_start3A_221] : memref<10016x16xf32, #tpu.memory_space<vmem_shared>> -> memref<128x16xf32, #tpu.memory_space<vmem_shared>>
      %dma_start3A_223 = arith.constant 0 : i32
      %dma_start3A_224 = tpu.memref_slice %arg15[%add3A_24, %dma_start3A_223] : memref<10016x16xf32, #tpu.memory_space<vmem_shared>> -> memref<128x16xf32, #tpu.memory_space<vmem_shared>>
      tpu.enqueue_dma source(%arg13 : memref<128x16xf32, #tpu.memory_space<vmem>>) target(%dma_start3A_224 : memref<128x16xf32, #tpu.memory_space<vmem_shared>>) target_semaphore(%run_scoped3A_220 : memref<!tpu.dma_semaphore, #tpu.memory_space<semaphore_mem>>)
      %dma_wait3A_225 = arith.constant 0 : i32
      %dma_wait3A_226 = tpu.memref_slice %arg15[%add3A_24, %dma_wait3A_225] : memref<10016x16xf32, #tpu.memory_space<vmem_shared>> -> memref<128x16xf32, #tpu.memory_space<vmem_shared>>
      %dma_wait3A_227 = arith.constant 0 : i32
      %dma_wait3A_228 = tpu.memref_slice %arg15[%add3A_24, %dma_wait3A_227] : memref<10016x16xf32, #tpu.memory_space<vmem_shared>> -> memref<128x16xf32, #tpu.memory_space<vmem_shared>>
      tpu.wait_dma2 semaphore(%run_scoped3A_220 : memref<!tpu.dma_semaphore, #tpu.memory_space<semaphore_mem>>) src(%arg13 : memref<128x16xf32, #tpu.memory_space<vmem>>) dst(%dma_wait3A_228 : memref<128x16xf32, #tpu.memory_space<vmem_shared>>)
      tpu.yield
    }) : () -> ()
    %add3A_25 = arith.constant 256 : i32
    %add3A_26 = arith.addi %mul3A_0, %add3A_25 : i32
    %run_scoped3A_27 = arith.constant 0 : i32
    "tpu.region"() ({
      %run_scoped3A_220 = tpu.sem_alloc : memref<!tpu.dma_semaphore, #tpu.memory_space<semaphore_mem>>
      %dma_start3A_221 = arith.constant 0 : i32
      %dma_start3A_222 = arith.constant 0 : i32
      %dma_start3A_223 = tpu.memref_slice %arg12[%run_scoped3A_27, %dma_start3A_221, %dma_start3A_222] : memref<8x128x128xbf16, #tpu.memory_space<vmem>> -> memref<1x128x128xbf16, #tpu.memory_space<vmem>>
      %dma_start3A_224 = tpu.memref_squeeze %dma_start3A_223 : memref<1x128x128xbf16, #tpu.memory_space<vmem>> -> memref<128x128xbf16, #tpu.memory_space<vmem>>
      %dma_start3A_225 = arith.constant 0 : i32
      %dma_start3A_226 = tpu.memref_slice %arg14[%add3A_26, %dma_start3A_225] : memref<10016x128xbf16, #tpu.memory_space<vmem_shared>> -> memref<128x128xbf16, #tpu.memory_space<vmem_shared>>
      %dma_start3A_227 = arith.constant 0 : i32
      %dma_start3A_228 = tpu.memref_slice %arg14[%add3A_26, %dma_start3A_227] : memref<10016x128xbf16, #tpu.memory_space<vmem_shared>> -> memref<128x128xbf16, #tpu.memory_space<vmem_shared>>
      %dma_start3A_229 = arith.constant 0 : i32
      %dma_start3A_230 = arith.constant 0 : i32
      %dma_start3A_231 = tpu.memref_slice %arg12[%run_scoped3A_27, %dma_start3A_229, %dma_start3A_230] : memref<8x128x128xbf16, #tpu.memory_space<vmem>> -> memref<1x128x128xbf16, #tpu.memory_space<vmem>>
      %dma_start3A_232 = tpu.memref_squeeze %dma_start3A_231 : memref<1x128x128xbf16, #tpu.memory_space<vmem>> -> memref<128x128xbf16, #tpu.memory_space<vmem>>
      tpu.enqueue_dma source(%dma_start3A_232 : memref<128x128xbf16, #tpu.memory_space<vmem>>) target(%dma_start3A_228 : memref<128x128xbf16, #tpu.memory_space<vmem_shared>>) target_semaphore(%run_scoped3A_220 : memref<!tpu.dma_semaphore, #tpu.memory_space<semaphore_mem>>)
      %dma_wait3A_233 = arith.constant 0 : i32
      %dma_wait3A_234 = arith.constant 0 : i32
      %dma_wait3A_235 = tpu.memref_slice %arg12[%run_scoped3A_27, %dma_wait3A_233, %dma_wait3A_234] : memref<8x128x128xbf16, #tpu.memory_space<vmem>> -> memref<1x128x128xbf16, #tpu.memory_space<vmem>>
      %dma_wait3A_236 = tpu.memref_squeeze %dma_wait3A_235 : memref<1x128x128xbf16, #tpu.memory_space<vmem>> -> memref<128x128xbf16, #tpu.memory_space<vmem>>
      %dma_wait3A_237 = arith.constant 0 : i32
      %dma_wait3A_238 = tpu.memref_slice %arg14[%add3A_26, %dma_wait3A_237] : memref<10016x128xbf16, #tpu.memory_space<vmem_shared>> -> memref<128x128xbf16, #tpu.memory_space<vmem_shared>>
      %dma_wait3A_239 = arith.constant 0 : i32
      %dma_wait3A_240 = tpu.memref_slice %arg14[%add3A_26, %dma_wait3A_239] : memref<10016x128xbf16, #tpu.memory_space<vmem_shared>> -> memref<128x128xbf16, #tpu.memory_space<vmem_shared>>
      %dma_wait3A_241 = arith.constant 0 : i32
      %dma_wait3A_242 = arith.constant 0 : i32
      %dma_wait3A_243 = tpu.memref_slice %arg12[%run_scoped3A_27, %dma_wait3A_241, %dma_wait3A_242] : memref<8x128x128xbf16, #tpu.memory_space<vmem>> -> memref<1x128x128xbf16, #tpu.memory_space<vmem>>
      %dma_wait3A_244 = tpu.memref_squeeze %dma_wait3A_243 : memref<1x128x128xbf16, #tpu.memory_space<vmem>> -> memref<128x128xbf16, #tpu.memory_space<vmem>>
      tpu.wait_dma2 semaphore(%run_scoped3A_220 : memref<!tpu.dma_semaphore, #tpu.memory_space<semaphore_mem>>) src(%dma_wait3A_244 : memref<128x128xbf16, #tpu.memory_space<vmem>>) dst(%dma_wait3A_240 : memref<128x128xbf16, #tpu.memory_space<vmem_shared>>)
      tpu.yield
    }) : () -> ()
    %add3A_28 = arith.constant 256 : i32
    %add3A_29 = arith.addi %mul3A_0, %add3A_28 : i32
    "tpu.region"() ({
      %run_scoped3A_220 = tpu.sem_alloc : memref<!tpu.dma_semaphore, #tpu.memory_space<semaphore_mem>>
      %dma_start3A_221 = arith.constant 0 : i32
      %dma_start3A_222 = tpu.memref_slice %arg15[%add3A_29, %dma_start3A_221] : memref<10016x16xf32, #tpu.memory_space<vmem_shared>> -> memref<128x16xf32, #tpu.memory_space<vmem_shared>>
      %dma_start3A_223 = arith.constant 0 : i32
      %dma_start3A_224 = tpu.memref_slice %arg15[%add3A_29, %dma_start3A_223] : memref<10016x16xf32, #tpu.memory_space<vmem_shared>> -> memref<128x16xf32, #tpu.memory_space<vmem_shared>>
      tpu.enqueue_dma source(%arg13 : memref<128x16xf32, #tpu.memory_space<vmem>>) target(%dma_start3A_224 : memref<128x16xf32, #tpu.memory_space<vmem_shared>>) target_semaphore(%run_scoped3A_220 : memref<!tpu.dma_semaphore, #tpu.memory_space<semaphore_mem>>)
      %dma_wait3A_225 = arith.constant 0 : i32
      %dma_wait3A_226 = tpu.memref_slice %arg15[%add3A_29, %dma_wait3A_225] : memref<10016x16xf32, #tpu.memory_space<vmem_shared>> -> memref<128x16xf32, #tpu.memory_space<vmem_shared>>
      %dma_wait3A_227 = arith.constant 0 : i32
      %dma_wait3A_228 = tpu.memref_slice %arg15[%add3A_29, %dma_wait3A_227] : memref<10016x16xf32, #tpu.memory_space<vmem_shared>> -> memref<128x16xf32, #tpu.memory_space<vmem_shared>>
      tpu.wait_dma2 semaphore(%run_scoped3A_220 : memref<!tpu.dma_semaphore, #tpu.memory_space<semaphore_mem>>) src(%arg13 : memref<128x16xf32, #tpu.memory_space<vmem>>) dst(%dma_wait3A_228 : memref<128x16xf32, #tpu.memory_space<vmem_shared>>)
      tpu.yield
    }) : () -> ()
    %add3A_30 = arith.constant 384 : i32
    %add3A_31 = arith.addi %mul3A_0, %add3A_30 : i32
    %run_scoped3A_32 = arith.constant 0 : i32
    "tpu.region"() ({
      %run_scoped3A_220 = tpu.sem_alloc : memref<!tpu.dma_semaphore, #tpu.memory_space<semaphore_mem>>
      %dma_start3A_221 = arith.constant 0 : i32
      %dma_start3A_222 = arith.constant 0 : i32
      %dma_start3A_223 = tpu.memref_slice %arg12[%run_scoped3A_32, %dma_start3A_221, %dma_start3A_222] : memref<8x128x128xbf16, #tpu.memory_space<vmem>> -> memref<1x128x128xbf16, #tpu.memory_space<vmem>>
      %dma_start3A_224 = tpu.memref_squeeze %dma_start3A_223 : memref<1x128x128xbf16, #tpu.memory_space<vmem>> -> memref<128x128xbf16, #tpu.memory_space<vmem>>
      %dma_start3A_225 = arith.constant 0 : i32
      %dma_start3A_226 = tpu.memref_slice %arg14[%add3A_31, %dma_start3A_225] : memref<10016x128xbf16, #tpu.memory_space<vmem_shared>> -> memref<128x128xbf16, #tpu.memory_space<vmem_shared>>
      %dma_start3A_227 = arith.constant 0 : i32
      %dma_start3A_228 = tpu.memref_slice %arg14[%add3A_31, %dma_start3A_227] : memref<10016x128xbf16, #tpu.memory_space<vmem_shared>> -> memref<128x128xbf16, #tpu.memory_space<vmem_shared>>
      %dma_start3A_229 = arith.constant 0 : i32
      %dma_start3A_230 = arith.constant 0 : i32
      %dma_start3A_231 = tpu.memref_slice %arg12[%run_scoped3A_32, %dma_start3A_229, %dma_start3A_230] : memref<8x128x128xbf16, #tpu.memory_space<vmem>> -> memref<1x128x128xbf16, #tpu.memory_space<vmem>>
      %dma_start3A_232 = tpu.memref_squeeze %dma_start3A_231 : memref<1x128x128xbf16, #tpu.memory_space<vmem>> -> memref<128x128xbf16, #tpu.memory_space<vmem>>
      tpu.enqueue_dma source(%dma_start3A_232 : memref<128x128xbf16, #tpu.memory_space<vmem>>) target(%dma_start3A_228 : memref<128x128xbf16, #tpu.memory_space<vmem_shared>>) target_semaphore(%run_scoped3A_220 : memref<!tpu.dma_semaphore, #tpu.memory_space<semaphore_mem>>)
      %dma_wait3A_233 = arith.constant 0 : i32
      %dma_wait3A_234 = arith.constant 0 : i32
      %dma_wait3A_235 = tpu.memref_slice %arg12[%run_scoped3A_32, %dma_wait3A_233, %dma_wait3A_234] : memref<8x128x128xbf16, #tpu.memory_space<vmem>> -> memref<1x128x128xbf16, #tpu.memory_space<vmem>>
      %dma_wait3A_236 = tpu.memref_squeeze %dma_wait3A_235 : memref<1x128x128xbf16, #tpu.memory_space<vmem>> -> memref<128x128xbf16, #tpu.memory_space<vmem>>
      %dma_wait3A_237 = arith.constant 0 : i32
      %dma_wait3A_238 = tpu.memref_slice %arg14[%add3A_31, %dma_wait3A_237] : memref<10016x128xbf16, #tpu.memory_space<vmem_shared>> -> memref<128x128xbf16, #tpu.memory_space<vmem_shared>>
      %dma_wait3A_239 = arith.constant 0 : i32
      %dma_wait3A_240 = tpu.memref_slice %arg14[%add3A_31, %dma_wait3A_239] : memref<10016x128xbf16, #tpu.memory_space<vmem_shared>> -> memref<128x128xbf16, #tpu.memory_space<vmem_shared>>
      %dma_wait3A_241 = arith.constant 0 : i32
      %dma_wait3A_242 = arith.constant 0 : i32
      %dma_wait3A_243 = tpu.memref_slice %arg12[%run_scoped3A_32, %dma_wait3A_241, %dma_wait3A_242] : memref<8x128x128xbf16, #tpu.memory_space<vmem>> -> memref<1x128x128xbf16, #tpu.memory_space<vmem>>
      %dma_wait3A_244 = tpu.memref_squeeze %dma_wait3A_243 : memref<1x128x128xbf16, #tpu.memory_space<vmem>> -> memref<128x128xbf16, #tpu.memory_space<vmem>>
      tpu.wait_dma2 semaphore(%run_scoped3A_220 : memref<!tpu.dma_semaphore, #tpu.memory_space<semaphore_mem>>) src(%dma_wait3A_244 : memref<128x128xbf16, #tpu.memory_space<vmem>>) dst(%dma_wait3A_240 : memref<128x128xbf16, #tpu.memory_space<vmem_shared>>)
      tpu.yield
    }) : () -> ()
    %add3A_33 = arith.constant 384 : i32
    %add3A_34 = arith.addi %mul3A_0, %add3A_33 : i32
    "tpu.region"() ({
      %run_scoped3A_220 = tpu.sem_alloc : memref<!tpu.dma_semaphore, #tpu.memory_space<semaphore_mem>>
      %dma_start3A_221 = arith.constant 0 : i32
      %dma_start3A_222 = tpu.memref_slice %arg15[%add3A_34, %dma_start3A_221] : memref<10016x16xf32, #tpu.memory_space<vmem_shared>> -> memref<128x16xf32, #tpu.memory_space<vmem_shared>>
      %dma_start3A_223 = arith.constant 0 : i32
      %dma_start3A_224 = tpu.memref_slice %arg15[%add3A_34, %dma_start3A_223] : memref<10016x16xf32, #tpu.memory_space<vmem_shared>> -> memref<128x16xf32, #tpu.memory_space<vmem_shared>>
      tpu.enqueue_dma source(%arg13 : memref<128x16xf32, #tpu.memory_space<vmem>>) target(%dma_start3A_224 : memref<128x16xf32, #tpu.memory_space<vmem_shared>>) target_semaphore(%run_scoped3A_220 : memref<!tpu.dma_semaphore, #tpu.memory_space<semaphore_mem>>)
      %dma_wait3A_225 = arith.constant 0 : i32
      %dma_wait3A_226 = tpu.memref_slice %arg15[%add3A_34, %dma_wait3A_225] : memref<10016x16xf32, #tpu.memory_space<vmem_shared>> -> memref<128x16xf32, #tpu.memory_space<vmem_shared>>
      %dma_wait3A_227 = arith.constant 0 : i32
      %dma_wait3A_228 = tpu.memref_slice %arg15[%add3A_34, %dma_wait3A_227] : memref<10016x16xf32, #tpu.memory_space<vmem_shared>> -> memref<128x16xf32, #tpu.memory_space<vmem_shared>>
      tpu.wait_dma2 semaphore(%run_scoped3A_220 : memref<!tpu.dma_semaphore, #tpu.memory_space<semaphore_mem>>) src(%arg13 : memref<128x16xf32, #tpu.memory_space<vmem>>) dst(%dma_wait3A_228 : memref<128x16xf32, #tpu.memory_space<vmem_shared>>)
      tpu.yield
    }) : () -> ()
    %add3A_35 = arith.constant 512 : i32
    %add3A_36 = arith.addi %mul3A_0, %add3A_35 : i32
    %run_scoped3A_37 = arith.constant 0 : i32
    "tpu.region"() ({
      %run_scoped3A_220 = tpu.sem_alloc : memref<!tpu.dma_semaphore, #tpu.memory_space<semaphore_mem>>
      %dma_start3A_221 = arith.constant 0 : i32
      %dma_start3A_222 = arith.constant 0 : i32
      %dma_start3A_223 = tpu.memref_slice %arg12[%run_scoped3A_37, %dma_start3A_221, %dma_start3A_222] : memref<8x128x128xbf16, #tpu.memory_space<vmem>> -> memref<1x114x128xbf16, #tpu.memory_space<vmem>>
      %dma_start3A_224 = tpu.memref_squeeze %dma_start3A_223 : memref<1x114x128xbf16, #tpu.memory_space<vmem>> -> memref<114x128xbf16, #tpu.memory_space<vmem>>
      %dma_start3A_225 = arith.constant 0 : i32
      %dma_start3A_226 = tpu.memref_slice %arg14[%add3A_36, %dma_start3A_225] : memref<10016x128xbf16, #tpu.memory_space<vmem_shared>> -> memref<114x128xbf16, #tpu.memory_space<vmem_shared>>
      %dma_start3A_227 = arith.constant 0 : i32
      %dma_start3A_228 = tpu.memref_slice %arg14[%add3A_36, %dma_start3A_227] : memref<10016x128xbf16, #tpu.memory_space<vmem_shared>> -> memref<114x128xbf16, #tpu.memory_space<vmem_shared>>
      %dma_start3A_229 = arith.constant 0 : i32
      %dma_start3A_230 = arith.constant 0 : i32
      %dma_start3A_231 = tpu.memref_slice %arg12[%run_scoped3A_37, %dma_start3A_229, %dma_start3A_230] : memref<8x128x128xbf16, #tpu.memory_space<vmem>> -> memref<1x114x128xbf16, #tpu.memory_space<vmem>>
      %dma_start3A_232 = tpu.memref_squeeze %dma_start3A_231 : memref<1x114x128xbf16, #tpu.memory_space<vmem>> -> memref<114x128xbf16, #tpu.memory_space<vmem>>
      tpu.enqueue_dma source(%dma_start3A_232 : memref<114x128xbf16, #tpu.memory_space<vmem>>) target(%dma_start3A_228 : memref<114x128xbf16, #tpu.memory_space<vmem_shared>>) target_semaphore(%run_scoped3A_220 : memref<!tpu.dma_semaphore, #tpu.memory_space<semaphore_mem>>)
      %dma_wait3A_233 = arith.constant 0 : i32
      %dma_wait3A_234 = arith.constant 0 : i32
      %dma_wait3A_235 = tpu.memref_slice %arg12[%run_scoped3A_37, %dma_wait3A_233, %dma_wait3A_234] : memref<8x128x128xbf16, #tpu.memory_space<vmem>> -> memref<1x114x128xbf16, #tpu.memory_space<vmem>>
      %dma_wait3A_236 = tpu.memref_squeeze %dma_wait3A_235 : memref<1x114x128xbf16, #tpu.memory_space<vmem>> -> memref<114x128xbf16, #tpu.memory_space<vmem>>
      %dma_wait3A_237 = arith.constant 0 : i32
      %dma_wait3A_238 = tpu.memref_slice %arg14[%add3A_36, %dma_wait3A_237] : memref<10016x128xbf16, #tpu.memory_space<vmem_shared>> -> memref<114x128xbf16, #tpu.memory_space<vmem_shared>>
      %dma_wait3A_239 = arith.constant 0 : i32
      %dma_wait3A_240 = tpu.memref_slice %arg14[%add3A_36, %dma_wait3A_239] : memref<10016x128xbf16, #tpu.memory_space<vmem_shared>> -> memref<114x128xbf16, #tpu.memory_space<vmem_shared>>
      %dma_wait3A_241 = arith.constant 0 : i32
      %dma_wait3A_242 = arith.constant 0 : i32
      %dma_wait3A_243 = tpu.memref_slice %arg12[%run_scoped3A_37, %dma_wait3A_241, %dma_wait3A_242] : memref<8x128x128xbf16, #tpu.memory_space<vmem>> -> memref<1x114x128xbf16, #tpu.memory_space<vmem>>
      %dma_wait3A_244 = tpu.memref_squeeze %dma_wait3A_243 : memref<1x114x128xbf16, #tpu.memory_space<vmem>> -> memref<114x128xbf16, #tpu.memory_space<vmem>>
      tpu.wait_dma2 semaphore(%run_scoped3A_220 : memref<!tpu.dma_semaphore, #tpu.memory_space<semaphore_mem>>) src(%dma_wait3A_244 : memref<114x128xbf16, #tpu.memory_space<vmem>>) dst(%dma_wait3A_240 : memref<114x128xbf16, #tpu.memory_space<vmem_shared>>)
      tpu.yield
    }) : () -> ()
    %add3A_38 = arith.constant 512 : i32
    %add3A_39 = arith.addi %mul3A_0, %add3A_38 : i32
    "tpu.region"() ({
      %run_scoped3A_220 = tpu.sem_alloc : memref<!tpu.dma_semaphore, #tpu.memory_space<semaphore_mem>>
      %dma_start3A_221 = arith.constant 0 : i32
      %dma_start3A_222 = arith.constant 0 : i32
      %dma_start3A_223 = tpu.memref_slice %arg13[%dma_start3A_221, %dma_start3A_222] : memref<128x16xf32, #tpu.memory_space<vmem>> -> memref<114x16xf32, #tpu.memory_space<vmem>>
      %dma_start3A_224 = arith.constant 0 : i32
      %dma_start3A_225 = tpu.memref_slice %arg15[%add3A_39, %dma_start3A_224] : memref<10016x16xf32, #tpu.memory_space<vmem_shared>> -> memref<114x16xf32, #tpu.memory_space<vmem_shared>>
      %dma_start3A_226 = arith.constant 0 : i32
      %dma_start3A_227 = tpu.memref_slice %arg15[%add3A_39, %dma_start3A_226] : memref<10016x16xf32, #tpu.memory_space<vmem_shared>> -> memref<114x16xf32, #tpu.memory_space<vmem_shared>>
      %dma_start3A_228 = arith.constant 0 : i32
      %dma_start3A_229 = arith.constant 0 : i32
      %dma_start3A_230 = tpu.memref_slice %arg13[%dma_start3A_228, %dma_start3A_229] : memref<128x16xf32, #tpu.memory_space<vmem>> -> memref<114x16xf32, #tpu.memory_space<vmem>>
      tpu.enqueue_dma source(%dma_start3A_230 : memref<114x16xf32, #tpu.memory_space<vmem>>) target(%dma_start3A_227 : memref<114x16xf32, #tpu.memory_space<vmem_shared>>) target_semaphore(%run_scoped3A_220 : memref<!tpu.dma_semaphore, #tpu.memory_space<semaphore_mem>>)
      %dma_wait3A_231 = arith.constant 0 : i32
      %dma_wait3A_232 = arith.constant 0 : i32
      %dma_wait3A_233 = tpu.memref_slice %arg13[%dma_wait3A_231, %dma_wait3A_232] : memref<128x16xf32, #tpu.memory_space<vmem>> -> memref<114x16xf32, #tpu.memory_space<vmem>>
      %dma_wait3A_234 = arith.constant 0 : i32
      %dma_wait3A_235 = tpu.memref_slice %arg15[%add3A_39, %dma_wait3A_234] : memref<10016x16xf32, #tpu.memory_space<vmem_shared>> -> memref<114x16xf32, #tpu.memory_space<vmem_shared>>
      %dma_wait3A_236 = arith.constant 0 : i32
      %dma_wait3A_237 = tpu.memref_slice %arg15[%add3A_39, %dma_wait3A_236] : memref<10016x16xf32, #tpu.memory_space<vmem_shared>> -> memref<114x16xf32, #tpu.memory_space<vmem_shared>>
      %dma_wait3A_238 = arith.constant 0 : i32
      %dma_wait3A_239 = arith.constant 0 : i32
      %dma_wait3A_240 = tpu.memref_slice %arg13[%dma_wait3A_238, %dma_wait3A_239] : memref<128x16xf32, #tpu.memory_space<vmem>> -> memref<114x16xf32, #tpu.memory_space<vmem>>
      tpu.wait_dma2 semaphore(%run_scoped3A_220 : memref<!tpu.dma_semaphore, #tpu.memory_space<semaphore_mem>>) src(%dma_wait3A_240 : memref<114x16xf32, #tpu.memory_space<vmem>>) dst(%dma_wait3A_237 : memref<114x16xf32, #tpu.memory_space<vmem_shared>>)
      tpu.yield
    }) : () -> ()
    %scan3A_40 = arith.constant 0 : i32
    %scan3A_41 = arith.constant 0 : i32
    %scan3A_42 = arith.constant 128 : i32
    %scan3A_43 = arith.addi %scan3A_41, %scan3A_42 : i32
    %scan3A_44 = arith.constant 1 : i32
    %scan3A_45 = scf.for %scan3A_220 = %scan3A_41 to %scan3A_43 step %scan3A_44 iter_args(%scan3A_221 = %scan3A_40) -> (i32)  : i32 {
      %jit3A = arith.constant 1 : i32
      %div3A = arith.divsi %scan3A_220, %jit3A : i32
      %sign3A = arith.constant 0 : i32
      %sign3A_222 = arith.cmpi sgt, %scan3A_220, %sign3A : i32
      %sign3A_223 = arith.extui %sign3A_222 : i1 to i32
      %sign3A_224 = arith.constant 0 : i32
      %sign3A_225 = arith.cmpi slt, %scan3A_220, %sign3A_224 : i32
      %sign3A_226 = arith.extui %sign3A_225 : i1 to i32
      %sign3A_227 = arith.subi %sign3A_223, %sign3A_226 : i32
      %sign3A_228 = arith.constant 0 : i32
      %sign3A_229 = arith.cmpi sgt, %jit3A, %sign3A_228 : i32
      %sign3A_230 = arith.extui %sign3A_229 : i1 to i32
      %sign3A_231 = arith.constant 0 : i32
      %sign3A_232 = arith.cmpi slt, %jit3A, %sign3A_231 : i32
      %sign3A_233 = arith.extui %sign3A_232 : i1 to i32
      %sign3A_234 = arith.subi %sign3A_230, %sign3A_233 : i32
      %ne3A = arith.cmpi ne, %sign3A_227, %sign3A_234 : i32
      %rem3A = arith.remsi %scan3A_220, %jit3A : i32
      %ne3A_235 = arith.constant 0 : i32
      %ne3A_236 = arith.cmpi ne, %rem3A, %ne3A_235 : i32
      %and3A = arith.andi %ne3A, %ne3A_236 : i1
      %sub3A = arith.constant 1 : i32
      %sub3A_237 = arith.subi %div3A, %sub3A : i32
      %select_n3A = arith.select %and3A, %sub3A_237, %div3A : i32
      %jit3A_238 = arith.constant 1 : i32
      %eq3A_239 = arith.constant 0 : i32
      %eq3A_240 = arith.cmpi eq, %jit3A_238, %eq3A_239 : i32
      %jit3A_241 = arith.constant 1 : i32
      %select_n3A_242 = arith.select %eq3A_240, %jit3A_241, %jit3A_238 : i32
      %rem3A_243 = arith.remsi %scan3A_220, %select_n3A_242 : i32
      %ne3A_244 = arith.constant 0 : i32
      %ne3A_245 = arith.cmpi ne, %rem3A_243, %ne3A_244 : i32
      %lt3A = arith.constant 0 : i32
      %lt3A_246 = arith.cmpi slt, %rem3A_243, %lt3A : i32
      %lt3A_247 = arith.constant 0 : i32
      %lt3A_248 = arith.cmpi slt, %select_n3A_242, %lt3A_247 : i32
      %ne3A_249 = arith.xori %lt3A_246, %lt3A_248 : i1
      %and3A_250 = arith.andi %ne3A_249, %ne3A_245 : i1
      %add3A_251 = arith.addi %rem3A_243, %select_n3A_242 : i32
      %select_n3A_252 = arith.select %and3A_250, %add3A_251, %rem3A_243 : i32
      %broadcast_in_dim3A = arith.constant 1.000000e+00 : f32
      %broadcast_in_dim3A_253 = vector.broadcast %broadcast_in_dim3A : f32 to vector<16xf32>
      %mul3A_254 = arith.constant 16 : i32
      %mul3A_255 = arith.muli %select_n3A_252, %mul3A_254 : i32
      %swap3A = arith.index_cast %select_n3A : i32 to index
      %swap3A_256 = arith.index_cast %mul3A_255 : i32 to index
      %swap3A_257 = tpu.vector_load %arg13[%swap3A, %swap3A_256] {strides = array<i32>} : memref<128x16xf32, #tpu.memory_space<vmem>>, vector<1x16xf32>,
      %swap3A_258 = vector.shape_cast %swap3A_257 : vector<1x16xf32> to vector<16xf32>
      %swap3A_259 = vector.shape_cast %broadcast_in_dim3A_253 : vector<16xf32> to vector<1x16xf32>
      tpu.vector_store %arg13[%swap3A, %swap3A_256], %swap3A_259 {strides = array<i32>} : memref<128x16xf32, #tpu.memory_space<vmem>>, vector<1x16xf32>,
      %scan3A_260 = arith.constant 0 : i32
      scf.yield %scan3A_260 : i32
    }
    %scan3A_46 = arith.constant 128 : i32
    %dma_start3A = arith.constant 0 : i32
    %dma_start3A_47 = arith.constant 0 : i32
    %dma_start3A_48 = arith.constant 0 : i32
    %dma_start3A_49 = arith.constant 0 : i32
    %dma_start3A_50 = tpu.memref_slice %arg10[%dma_start3A, %dma_start3A_48, %dma_start3A_49] : memref<2x8x128xi32, #tpu.memory_space<vmem>> -> memref<1x8x128xi32, #tpu.memory_space<vmem>>
    %dma_start3A_51 = tpu.memref_squeeze %dma_start3A_50 : memref<1x8x128xi32, #tpu.memory_space<vmem>> -> memref<8x128xi32, #tpu.memory_space<vmem>>
    %dma_start3A_52 = arith.constant 0 : i32
    %dma_start3A_53 = tpu.memref_slice %arg4[%mul3A_2, %dma_start3A_52] : memref<1280x128xi32, #tpu.memory_space<hbm>> -> memref<8x128xi32, #tpu.memory_space<hbm>>
    %dma_start3A_54 = tpu.memref_slice %arg16[%dma_start3A_47] : memref<2x!tpu.dma_semaphore, #tpu.memory_space<semaphore_mem>> -> memref<1x!tpu.dma_semaphore, #tpu.memory_space<semaphore_mem>>
    %dma_start3A_55 = tpu.memref_squeeze %dma_start3A_54 : memref<1x!tpu.dma_semaphore, #tpu.memory_space<semaphore_mem>> -> memref<!tpu.dma_semaphore, #tpu.memory_space<semaphore_mem>>
    %dma_start3A_56 = arith.constant 0 : i32
    %dma_start3A_57 = arith.constant 0 : i32
    %dma_start3A_58 = tpu.memref_slice %arg10[%dma_start3A, %dma_start3A_56, %dma_start3A_57] : memref<2x8x128xi32, #tpu.memory_space<vmem>> -> memref<1x8x128xi32, #tpu.memory_space<vmem>>
    %dma_start3A_59 = tpu.memref_squeeze %dma_start3A_58 : memref<1x8x128xi32, #tpu.memory_space<vmem>> -> memref<8x128xi32, #tpu.memory_space<vmem>>
    %dma_start3A_60 = arith.constant 0 : i32
    %dma_start3A_61 = tpu.memref_slice %arg4[%mul3A_2, %dma_start3A_60] : memref<1280x128xi32, #tpu.memory_space<hbm>> -> memref<8x128xi32, #tpu.memory_space<hbm>>
    tpu.enqueue_dma source(%dma_start3A_61 : memref<8x128xi32, #tpu.memory_space<hbm>>) target(%dma_start3A_59 : memref<8x128xi32, #tpu.memory_space<vmem>>) target_semaphore(%dma_start3A_55 : memref<!tpu.dma_semaphore, #tpu.memory_space<semaphore_mem>>)
    %dma_start3A_62 = arith.constant 0 : i32
    %dma_start3A_63 = arith.constant 0 : i32
    %dma_start3A_64 = arith.constant 0 : i32
    %dma_start3A_65 = arith.constant 0 : i32
    %dma_start3A_66 = tpu.memref_slice %arg11[%dma_start3A_62, %dma_start3A_64, %dma_start3A_65] : memref<2x8x128xi32, #tpu.memory_space<vmem>> -> memref<1x8x128xi32, #tpu.memory_space<vmem>>
    %dma_start3A_67 = tpu.memref_squeeze %dma_start3A_66 : memref<1x8x128xi32, #tpu.memory_space<vmem>> -> memref<8x128xi32, #tpu.memory_space<vmem>>
    %dma_start3A_68 = arith.constant 0 : i32
    %dma_start3A_69 = tpu.memref_slice %arg5[%mul3A_2, %dma_start3A_68] : memref<1280x128xi32, #tpu.memory_space<hbm>> -> memref<8x128xi32, #tpu.memory_space<hbm>>
    %dma_start3A_70 = tpu.memref_slice %arg17[%dma_start3A_63] : memref<2x!tpu.dma_semaphore, #tpu.memory_space<semaphore_mem>> -> memref<1x!tpu.dma_semaphore, #tpu.memory_space<semaphore_mem>>
    %dma_start3A_71 = tpu.memref_squeeze %dma_start3A_70 : memref<1x!tpu.dma_semaphore, #tpu.memory_space<semaphore_mem>> -> memref<!tpu.dma_semaphore, #tpu.memory_space<semaphore_mem>>
    %dma_start3A_72 = arith.constant 0 : i32
    %dma_start3A_73 = arith.constant 0 : i32
    %dma_start3A_74 = tpu.memref_slice %arg11[%dma_start3A_62, %dma_start3A_72, %dma_start3A_73] : memref<2x8x128xi32, #tpu.memory_space<vmem>> -> memref<1x8x128xi32, #tpu.memory_space<vmem>>
    %dma_start3A_75 = tpu.memref_squeeze %dma_start3A_74 : memref<1x8x128xi32, #tpu.memory_space<vmem>> -> memref<8x128xi32, #tpu.memory_space<vmem>>
    %dma_start3A_76 = arith.constant 0 : i32
    %dma_start3A_77 = tpu.memref_slice %arg5[%mul3A_2, %dma_start3A_76] : memref<1280x128xi32, #tpu.memory_space<hbm>> -> memref<8x128xi32, #tpu.memory_space<hbm>>
    tpu.enqueue_dma source(%dma_start3A_77 : memref<8x128xi32, #tpu.memory_space<hbm>>) target(%dma_start3A_75 : memref<8x128xi32, #tpu.memory_space<vmem>>) target_semaphore(%dma_start3A_71 : memref<!tpu.dma_semaphore, #tpu.memory_space<semaphore_mem>>)
    %barrier3A = arith.constant 0 : index
    tpu.barrier barrier_id(%barrier3A)
    %scan3A_78 = arith.constant 0 : i32
    %scan3A_79 = arith.constant 0 : i32
    %scan3A_80 = arith.constant 10 : i32
    %scan3A_81 = arith.addi %scan3A_79, %scan3A_80 : i32
    %scan3A_82 = arith.constant 1 : i32
    %scan3A_83 = scf.for %scan3A_220 = %scan3A_79 to %scan3A_81 step %scan3A_82 iter_args(%scan3A_221 = %scan3A_78) -> (i32)  : i32 {
      %rem3A = arith.constant 2 : i32
      %rem3A_222 = arith.remsi %scan3A_220, %rem3A : i32
      %sub3A = arith.constant 1 : i32
      %sub3A_223 = arith.subi %sub3A, %rem3A_222 : i32
      %eq3A_224 = arith.constant 0 : i32
      %eq3A_225 = arith.cmpi eq, %arg0, %eq3A_224 : i32
      %lt3A = arith.constant 5 : i32
      %lt3A_226 = arith.cmpi slt, %scan3A_220, %lt3A : i32
      %and3A = arith.andi %eq3A_225, %lt3A_226 : i1
      %eq3A_227 = arith.constant 1 : i32
      %eq3A_228 = arith.cmpi eq, %arg0, %eq3A_227 : i32
      %ge3A = arith.constant 5 : i32
      %ge3A_229 = arith.cmpi sge, %scan3A_220, %ge3A : i32
      %and3A_230 = arith.andi %eq3A_228, %ge3A_229 : i1
      %or3A = arith.ori %and3A, %and3A_230 : i1
      %gt3A = arith.constant 0 : i32
      %gt3A_231 = arith.cmpi sgt, %scan3A_220, %gt3A : i32
      %convert_element_type3A_232 = arith.extui %gt3A_231 : i1 to i32
      %cond3A_233 = arith.constant 0 : i32
      %cond3A_234 = arith.cmpi ne, %convert_element_type3A_232, %cond3A_233 : i32
      scf.if %cond3A_234 {
        %dma_wait3A_622 = arith.constant 0 : i32
        %dma_wait3A_623 = arith.constant 0 : i32
        %dma_wait3A_624 = arith.constant 0 : i32
        %dma_wait3A_625 = arith.constant 0 : i32
        %dma_wait3A_626 = arith.constant 0 : i32
        %dma_wait3A_627 = arith.constant 0 : i32
        %dma_wait3A_628 = tpu.memref_slice %arg12[%dma_wait3A_622, %dma_wait3A_626, %dma_wait3A_627] : memref<8x128x128xbf16, #tpu.memory_space<vmem>> -> memref<1x128x128xbf16, #tpu.memory_space<vmem>>
        %dma_wait3A_629 = tpu.memref_squeeze %dma_wait3A_628 : memref<1x128x128xbf16, #tpu.memory_space<vmem>> -> memref<128x128xbf16, #tpu.memory_space<vmem>>
        %dma_wait3A_630 = arith.constant 0 : i32
        %dma_wait3A_631 = tpu.memref_slice %arg11[%dma_wait3A_623, %dma_wait3A_624, %dma_wait3A_630] : memref<2x8x128xi32, #tpu.memory_space<vmem>> -> memref<1x1x128xi32, #tpu.memory_space<vmem>>
        %dma_wait3A_632 = tpu.memref_squeeze %dma_wait3A_631 : memref<1x1x128xi32, #tpu.memory_space<vmem>> -> memref<128xi32, #tpu.memory_space<vmem>>
        %dma_wait3A_633 = arith.constant 0 : i32
        %dma_wait3A_634 = arith.constant 0 : i32
        %dma_wait3A_635 = tpu.memref_slice %arg14[%dma_wait3A_633, %dma_wait3A_634] : memref<10016x128xbf16, #tpu.memory_space<vmem_shared>> -> memref<10016x128xbf16, #tpu.memory_space<vmem_shared>>
        %dma_wait3A_636 = tpu.memref_slice %arg19[%dma_wait3A_625] : memref<8x!tpu.dma_semaphore, #tpu.memory_space<semaphore_mem>> -> memref<1x!tpu.dma_semaphore, #tpu.memory_space<semaphore_mem>>
        %dma_wait3A_637 = tpu.memref_squeeze %dma_wait3A_636 : memref<1x!tpu.dma_semaphore, #tpu.memory_space<semaphore_mem>> -> memref<!tpu.dma_semaphore, #tpu.memory_space<semaphore_mem>>
        tpu.wait_indirect_dma semaphore(%dma_wait3A_637 : memref<!tpu.dma_semaphore, #tpu.memory_space<semaphore_mem>>) src(%dma_wait3A_629 : memref<128x128xbf16, #tpu.memory_space<vmem>>) dst(%dma_wait3A_635 : memref<10016x128xbf16, #tpu.memory_space<vmem_shared>>)
        %dma_wait3A_638 = arith.constant 1 : i32
        %dma_wait3A_639 = arith.constant 0 : i32
        %dma_wait3A_640 = arith.constant 0 : i32
        %dma_wait3A_641 = arith.constant 1 : i32
        %dma_wait3A_642 = arith.constant 0 : i32
        %dma_wait3A_643 = arith.constant 0 : i32
        %dma_wait3A_644 = tpu.memref_slice %arg12[%dma_wait3A_638, %dma_wait3A_642, %dma_wait3A_643] : memref<8x128x128xbf16, #tpu.memory_space<vmem>> -> memref<1x128x128xbf16, #tpu.memory_space<vmem>>
        %dma_wait3A_645 = tpu.memref_squeeze %dma_wait3A_644 : memref<1x128x128xbf16, #tpu.memory_space<vmem>> -> memref<128x128xbf16, #tpu.memory_space<vmem>>
        %dma_wait3A_646 = arith.constant 0 : i32
        %dma_wait3A_647 = tpu.memref_slice %arg11[%dma_wait3A_639, %dma_wait3A_640, %dma_wait3A_646] : memref<2x8x128xi32, #tpu.memory_space<vmem>> -> memref<1x1x128xi32, #tpu.memory_space<vmem>>
        %dma_wait3A_648 = tpu.memref_squeeze %dma_wait3A_647 : memref<1x1x128xi32, #tpu.memory_space<vmem>> -> memref<128xi32, #tpu.memory_space<vmem>>
        %dma_wait3A_649 = arith.constant 0 : i32
        %dma_wait3A_650 = arith.constant 0 : i32
        %dma_wait3A_651 = tpu.memref_slice %arg14[%dma_wait3A_649, %dma_wait3A_650] : memref<10016x128xbf16, #tpu.memory_space<vmem_shared>> -> memref<10016x128xbf16, #tpu.memory_space<vmem_shared>>
        %dma_wait3A_652 = tpu.memref_slice %arg19[%dma_wait3A_641] : memref<8x!tpu.dma_semaphore, #tpu.memory_space<semaphore_mem>> -> memref<1x!tpu.dma_semaphore, #tpu.memory_space<semaphore_mem>>
        %dma_wait3A_653 = tpu.memref_squeeze %dma_wait3A_652 : memref<1x!tpu.dma_semaphore, #tpu.memory_space<semaphore_mem>> -> memref<!tpu.dma_semaphore, #tpu.memory_space<semaphore_mem>>
        tpu.wait_indirect_dma semaphore(%dma_wait3A_653 : memref<!tpu.dma_semaphore, #tpu.memory_space<semaphore_mem>>) src(%dma_wait3A_645 : memref<128x128xbf16, #tpu.memory_space<vmem>>) dst(%dma_wait3A_651 : memref<10016x128xbf16, #tpu.memory_space<vmem_shared>>)
        %dma_wait3A_654 = arith.constant 2 : i32
        %dma_wait3A_655 = arith.constant 0 : i32
        %dma_wait3A_656 = arith.constant 0 : i32
        %dma_wait3A_657 = arith.constant 2 : i32
        %dma_wait3A_658 = arith.constant 0 : i32
        %dma_wait3A_659 = arith.constant 0 : i32
        %dma_wait3A_660 = tpu.memref_slice %arg12[%dma_wait3A_654, %dma_wait3A_658, %dma_wait3A_659] : memref<8x128x128xbf16, #tpu.memory_space<vmem>> -> memref<1x128x128xbf16, #tpu.memory_space<vmem>>
        %dma_wait3A_661 = tpu.memref_squeeze %dma_wait3A_660 : memref<1x128x128xbf16, #tpu.memory_space<vmem>> -> memref<128x128xbf16, #tpu.memory_space<vmem>>
        %dma_wait3A_662 = arith.constant 0 : i32
        %dma_wait3A_663 = tpu.memref_slice %arg11[%dma_wait3A_655, %dma_wait3A_656, %dma_wait3A_662] : memref<2x8x128xi32, #tpu.memory_space<vmem>> -> memref<1x1x128xi32, #tpu.memory_space<vmem>>
        %dma_wait3A_664 = tpu.memref_squeeze %dma_wait3A_663 : memref<1x1x128xi32, #tpu.memory_space<vmem>> -> memref<128xi32, #tpu.memory_space<vmem>>
        %dma_wait3A_665 = arith.constant 0 : i32
        %dma_wait3A_666 = arith.constant 0 : i32
        %dma_wait3A_667 = tpu.memref_slice %arg14[%dma_wait3A_665, %dma_wait3A_666] : memref<10016x128xbf16, #tpu.memory_space<vmem_shared>> -> memref<10016x128xbf16, #tpu.memory_space<vmem_shared>>
        %dma_wait3A_668 = tpu.memref_slice %arg19[%dma_wait3A_657] : memref<8x!tpu.dma_semaphore, #tpu.memory_space<semaphore_mem>> -> memref<1x!tpu.dma_semaphore, #tpu.memory_space<semaphore_mem>>
        %dma_wait3A_669 = tpu.memref_squeeze %dma_wait3A_668 : memref<1x!tpu.dma_semaphore, #tpu.memory_space<semaphore_mem>> -> memref<!tpu.dma_semaphore, #tpu.memory_space<semaphore_mem>>
        tpu.wait_indirect_dma semaphore(%dma_wait3A_669 : memref<!tpu.dma_semaphore, #tpu.memory_space<semaphore_mem>>) src(%dma_wait3A_661 : memref<128x128xbf16, #tpu.memory_space<vmem>>) dst(%dma_wait3A_667 : memref<10016x128xbf16, #tpu.memory_space<vmem_shared>>)
        %dma_wait3A_670 = arith.constant 3 : i32
        %dma_wait3A_671 = arith.constant 0 : i32
        %dma_wait3A_672 = arith.constant 0 : i32
        %dma_wait3A_673 = arith.constant 3 : i32
        %dma_wait3A_674 = arith.constant 0 : i32
        %dma_wait3A_675 = arith.constant 0 : i32
        %dma_wait3A_676 = tpu.memref_slice %arg12[%dma_wait3A_670, %dma_wait3A_674, %dma_wait3A_675] : memref<8x128x128xbf16, #tpu.memory_space<vmem>> -> memref<1x128x128xbf16, #tpu.memory_space<vmem>>
        %dma_wait3A_677 = tpu.memref_squeeze %dma_wait3A_676 : memref<1x128x128xbf16, #tpu.memory_space<vmem>> -> memref<128x128xbf16, #tpu.memory_space<vmem>>
        %dma_wait3A_678 = arith.constant 0 : i32
        %dma_wait3A_679 = tpu.memref_slice %arg11[%dma_wait3A_671, %dma_wait3A_672, %dma_wait3A_678] : memref<2x8x128xi32, #tpu.memory_space<vmem>> -> memref<1x1x128xi32, #tpu.memory_space<vmem>>
        %dma_wait3A_680 = tpu.memref_squeeze %dma_wait3A_679 : memref<1x1x128xi32, #tpu.memory_space<vmem>> -> memref<128xi32, #tpu.memory_space<vmem>>
        %dma_wait3A_681 = arith.constant 0 : i32
        %dma_wait3A_682 = arith.constant 0 : i32
        %dma_wait3A_683 = tpu.memref_slice %arg14[%dma_wait3A_681, %dma_wait3A_682] : memref<10016x128xbf16, #tpu.memory_space<vmem_shared>> -> memref<10016x128xbf16, #tpu.memory_space<vmem_shared>>
        %dma_wait3A_684 = tpu.memref_slice %arg19[%dma_wait3A_673] : memref<8x!tpu.dma_semaphore, #tpu.memory_space<semaphore_mem>> -> memref<1x!tpu.dma_semaphore, #tpu.memory_space<semaphore_mem>>
        %dma_wait3A_685 = tpu.memref_squeeze %dma_wait3A_684 : memref<1x!tpu.dma_semaphore, #tpu.memory_space<semaphore_mem>> -> memref<!tpu.dma_semaphore, #tpu.memory_space<semaphore_mem>>
        tpu.wait_indirect_dma semaphore(%dma_wait3A_685 : memref<!tpu.dma_semaphore, #tpu.memory_space<semaphore_mem>>) src(%dma_wait3A_677 : memref<128x128xbf16, #tpu.memory_space<vmem>>) dst(%dma_wait3A_683 : memref<10016x128xbf16, #tpu.memory_space<vmem_shared>>)
        %dma_wait3A_686 = arith.constant 4 : i32
        %dma_wait3A_687 = arith.constant 0 : i32
        %dma_wait3A_688 = arith.constant 0 : i32
        %dma_wait3A_689 = arith.constant 4 : i32
        %dma_wait3A_690 = arith.constant 0 : i32
        %dma_wait3A_691 = arith.constant 0 : i32
        %dma_wait3A_692 = tpu.memref_slice %arg12[%dma_wait3A_686, %dma_wait3A_690, %dma_wait3A_691] : memref<8x128x128xbf16, #tpu.memory_space<vmem>> -> memref<1x128x128xbf16, #tpu.memory_space<vmem>>
        %dma_wait3A_693 = tpu.memref_squeeze %dma_wait3A_692 : memref<1x128x128xbf16, #tpu.memory_space<vmem>> -> memref<128x128xbf16, #tpu.memory_space<vmem>>
        %dma_wait3A_694 = arith.constant 0 : i32
        %dma_wait3A_695 = tpu.memref_slice %arg11[%dma_wait3A_687, %dma_wait3A_688, %dma_wait3A_694] : memref<2x8x128xi32, #tpu.memory_space<vmem>> -> memref<1x1x128xi32, #tpu.memory_space<vmem>>
        %dma_wait3A_696 = tpu.memref_squeeze %dma_wait3A_695 : memref<1x1x128xi32, #tpu.memory_space<vmem>> -> memref<128xi32, #tpu.memory_space<vmem>>
        %dma_wait3A_697 = arith.constant 0 : i32
        %dma_wait3A_698 = arith.constant 0 : i32
        %dma_wait3A_699 = tpu.memref_slice %arg14[%dma_wait3A_697, %dma_wait3A_698] : memref<10016x128xbf16, #tpu.memory_space<vmem_shared>> -> memref<10016x128xbf16, #tpu.memory_space<vmem_shared>>
        %dma_wait3A_700 = tpu.memref_slice %arg19[%dma_wait3A_689] : memref<8x!tpu.dma_semaphore, #tpu.memory_space<semaphore_mem>> -> memref<1x!tpu.dma_semaphore, #tpu.memory_space<semaphore_mem>>
        %dma_wait3A_701 = tpu.memref_squeeze %dma_wait3A_700 : memref<1x!tpu.dma_semaphore, #tpu.memory_space<semaphore_mem>> -> memref<!tpu.dma_semaphore, #tpu.memory_space<semaphore_mem>>
        tpu.wait_indirect_dma semaphore(%dma_wait3A_701 : memref<!tpu.dma_semaphore, #tpu.memory_space<semaphore_mem>>) src(%dma_wait3A_693 : memref<128x128xbf16, #tpu.memory_space<vmem>>) dst(%dma_wait3A_699 : memref<10016x128xbf16, #tpu.memory_space<vmem_shared>>)
        %dma_wait3A_702 = arith.constant 5 : i32
        %dma_wait3A_703 = arith.constant 0 : i32
        %dma_wait3A_704 = arith.constant 0 : i32
        %dma_wait3A_705 = arith.constant 5 : i32
        %dma_wait3A_706 = arith.constant 0 : i32
        %dma_wait3A_707 = arith.constant 0 : i32
        %dma_wait3A_708 = tpu.memref_slice %arg12[%dma_wait3A_702, %dma_wait3A_706, %dma_wait3A_707] : memref<8x128x128xbf16, #tpu.memory_space<vmem>> -> memref<1x128x128xbf16, #tpu.memory_space<vmem>>
        %dma_wait3A_709 = tpu.memref_squeeze %dma_wait3A_708 : memref<1x128x128xbf16, #tpu.memory_space<vmem>> -> memref<128x128xbf16, #tpu.memory_space<vmem>>
        %dma_wait3A_710 = arith.constant 0 : i32
        %dma_wait3A_711 = tpu.memref_slice %arg11[%dma_wait3A_703, %dma_wait3A_704, %dma_wait3A_710] : memref<2x8x128xi32, #tpu.memory_space<vmem>> -> memref<1x1x128xi32, #tpu.memory_space<vmem>>
        %dma_wait3A_712 = tpu.memref_squeeze %dma_wait3A_711 : memref<1x1x128xi32, #tpu.memory_space<vmem>> -> memref<128xi32, #tpu.memory_space<vmem>>
        %dma_wait3A_713 = arith.constant 0 : i32
        %dma_wait3A_714 = arith.constant 0 : i32
        %dma_wait3A_715 = tpu.memref_slice %arg14[%dma_wait3A_713, %dma_wait3A_714] : memref<10016x128xbf16, #tpu.memory_space<vmem_shared>> -> memref<10016x128xbf16, #tpu.memory_space<vmem_shared>>
        %dma_wait3A_716 = tpu.memref_slice %arg19[%dma_wait3A_705] : memref<8x!tpu.dma_semaphore, #tpu.memory_space<semaphore_mem>> -> memref<1x!tpu.dma_semaphore, #tpu.memory_space<semaphore_mem>>
        %dma_wait3A_717 = tpu.memref_squeeze %dma_wait3A_716 : memref<1x!tpu.dma_semaphore, #tpu.memory_space<semaphore_mem>> -> memref<!tpu.dma_semaphore, #tpu.memory_space<semaphore_mem>>
        tpu.wait_indirect_dma semaphore(%dma_wait3A_717 : memref<!tpu.dma_semaphore, #tpu.memory_space<semaphore_mem>>) src(%dma_wait3A_709 : memref<128x128xbf16, #tpu.memory_space<vmem>>) dst(%dma_wait3A_715 : memref<10016x128xbf16, #tpu.memory_space<vmem_shared>>)
        %dma_wait3A_718 = arith.constant 6 : i32
        %dma_wait3A_719 = arith.constant 0 : i32
        %dma_wait3A_720 = arith.constant 0 : i32
        %dma_wait3A_721 = arith.constant 6 : i32
        %dma_wait3A_722 = arith.constant 0 : i32
        %dma_wait3A_723 = arith.constant 0 : i32
        %dma_wait3A_724 = tpu.memref_slice %arg12[%dma_wait3A_718, %dma_wait3A_722, %dma_wait3A_723] : memref<8x128x128xbf16, #tpu.memory_space<vmem>> -> memref<1x128x128xbf16, #tpu.memory_space<vmem>>
        %dma_wait3A_725 = tpu.memref_squeeze %dma_wait3A_724 : memref<1x128x128xbf16, #tpu.memory_space<vmem>> -> memref<128x128xbf16, #tpu.memory_space<vmem>>
        %dma_wait3A_726 = arith.constant 0 : i32
        %dma_wait3A_727 = tpu.memref_slice %arg11[%dma_wait3A_719, %dma_wait3A_720, %dma_wait3A_726] : memref<2x8x128xi32, #tpu.memory_space<vmem>> -> memref<1x1x128xi32, #tpu.memory_space<vmem>>
        %dma_wait3A_728 = tpu.memref_squeeze %dma_wait3A_727 : memref<1x1x128xi32, #tpu.memory_space<vmem>> -> memref<128xi32, #tpu.memory_space<vmem>>
        %dma_wait3A_729 = arith.constant 0 : i32
        %dma_wait3A_730 = arith.constant 0 : i32
        %dma_wait3A_731 = tpu.memref_slice %arg14[%dma_wait3A_729, %dma_wait3A_730] : memref<10016x128xbf16, #tpu.memory_space<vmem_shared>> -> memref<10016x128xbf16, #tpu.memory_space<vmem_shared>>
        %dma_wait3A_732 = tpu.memref_slice %arg19[%dma_wait3A_721] : memref<8x!tpu.dma_semaphore, #tpu.memory_space<semaphore_mem>> -> memref<1x!tpu.dma_semaphore, #tpu.memory_space<semaphore_mem>>
        %dma_wait3A_733 = tpu.memref_squeeze %dma_wait3A_732 : memref<1x!tpu.dma_semaphore, #tpu.memory_space<semaphore_mem>> -> memref<!tpu.dma_semaphore, #tpu.memory_space<semaphore_mem>>
        tpu.wait_indirect_dma semaphore(%dma_wait3A_733 : memref<!tpu.dma_semaphore, #tpu.memory_space<semaphore_mem>>) src(%dma_wait3A_725 : memref<128x128xbf16, #tpu.memory_space<vmem>>) dst(%dma_wait3A_731 : memref<10016x128xbf16, #tpu.memory_space<vmem_shared>>)
        %dma_wait3A_734 = arith.constant 7 : i32
        %dma_wait3A_735 = arith.constant 0 : i32
        %dma_wait3A_736 = arith.constant 0 : i32
        %dma_wait3A_737 = arith.constant 7 : i32
        %dma_wait3A_738 = arith.constant 0 : i32
        %dma_wait3A_739 = arith.constant 0 : i32
        %dma_wait3A_740 = tpu.memref_slice %arg12[%dma_wait3A_734, %dma_wait3A_738, %dma_wait3A_739] : memref<8x128x128xbf16, #tpu.memory_space<vmem>> -> memref<1x128x128xbf16, #tpu.memory_space<vmem>>
        %dma_wait3A_741 = tpu.memref_squeeze %dma_wait3A_740 : memref<1x128x128xbf16, #tpu.memory_space<vmem>> -> memref<128x128xbf16, #tpu.memory_space<vmem>>
        %dma_wait3A_742 = arith.constant 0 : i32
        %dma_wait3A_743 = tpu.memref_slice %arg11[%dma_wait3A_735, %dma_wait3A_736, %dma_wait3A_742] : memref<2x8x128xi32, #tpu.memory_space<vmem>> -> memref<1x1x128xi32, #tpu.memory_space<vmem>>
        %dma_wait3A_744 = tpu.memref_squeeze %dma_wait3A_743 : memref<1x1x128xi32, #tpu.memory_space<vmem>> -> memref<128xi32, #tpu.memory_space<vmem>>
        %dma_wait3A_745 = arith.constant 0 : i32
        %dma_wait3A_746 = arith.constant 0 : i32
        %dma_wait3A_747 = tpu.memref_slice %arg14[%dma_wait3A_745, %dma_wait3A_746] : memref<10016x128xbf16, #tpu.memory_space<vmem_shared>> -> memref<10016x128xbf16, #tpu.memory_space<vmem_shared>>
        %dma_wait3A_748 = tpu.memref_slice %arg19[%dma_wait3A_737] : memref<8x!tpu.dma_semaphore, #tpu.memory_space<semaphore_mem>> -> memref<1x!tpu.dma_semaphore, #tpu.memory_space<semaphore_mem>>
        %dma_wait3A_749 = tpu.memref_squeeze %dma_wait3A_748 : memref<1x!tpu.dma_semaphore, #tpu.memory_space<semaphore_mem>> -> memref<!tpu.dma_semaphore, #tpu.memory_space<semaphore_mem>>
        tpu.wait_indirect_dma semaphore(%dma_wait3A_749 : memref<!tpu.dma_semaphore, #tpu.memory_space<semaphore_mem>>) src(%dma_wait3A_741 : memref<128x128xbf16, #tpu.memory_space<vmem>>) dst(%dma_wait3A_747 : memref<10016x128xbf16, #tpu.memory_space<vmem_shared>>)
      } else {
      }
      %add3A_235 = arith.constant 1 : i32
      %add3A_236 = arith.addi %scan3A_220, %add3A_235 : i32
      %lt3A_237 = arith.constant 10 : i32
      %lt3A_238 = arith.cmpi slt, %add3A_236, %lt3A_237 : i32
      %convert_element_type3A_239 = arith.extui %lt3A_238 : i1 to i32
      %cond3A_240 = arith.constant 0 : i32
      %cond3A_241 = arith.cmpi ne, %convert_element_type3A_239, %cond3A_240 : i32
      scf.if %cond3A_241 {
        %add3A_622 = arith.constant 1 : i32
        %add3A_623 = arith.addi %scan3A_220, %add3A_622 : i32
        %mul3A_624 = arith.constant 8 : i32
        %mul3A_625 = arith.muli %add3A_623, %mul3A_624 : i32
        %add3A_626 = arith.addi %mul3A_2, %mul3A_625 : i32
        %dma_start3A_627 = arith.constant 0 : i32
        %dma_start3A_628 = arith.constant 0 : i32
        %dma_start3A_629 = tpu.memref_slice %arg10[%sub3A_223, %dma_start3A_627, %dma_start3A_628] : memref<2x8x128xi32, #tpu.memory_space<vmem>> -> memref<1x8x128xi32, #tpu.memory_space<vmem>>
        %dma_start3A_630 = tpu.memref_squeeze %dma_start3A_629 : memref<1x8x128xi32, #tpu.memory_space<vmem>> -> memref<8x128xi32, #tpu.memory_space<vmem>>
        %dma_start3A_631 = arith.constant 0 : i32
        %dma_start3A_632 = tpu.memref_slice %arg4[%add3A_626, %dma_start3A_631] : memref<1280x128xi32, #tpu.memory_space<hbm>> -> memref<8x128xi32, #tpu.memory_space<hbm>>
        %dma_start3A_633 = tpu.memref_slice %arg16[%sub3A_223] : memref<2x!tpu.dma_semaphore, #tpu.memory_space<semaphore_mem>> -> memref<1x!tpu.dma_semaphore, #tpu.memory_space<semaphore_mem>>
        %dma_start3A_634 = tpu.memref_squeeze %dma_start3A_633 : memref<1x!tpu.dma_semaphore, #tpu.memory_space<semaphore_mem>> -> memref<!tpu.dma_semaphore, #tpu.memory_space<semaphore_mem>>
        %dma_start3A_635 = arith.constant 0 : i32
        %dma_start3A_636 = arith.constant 0 : i32
        %dma_start3A_637 = tpu.memref_slice %arg10[%sub3A_223, %dma_start3A_635, %dma_start3A_636] : memref<2x8x128xi32, #tpu.memory_space<vmem>> -> memref<1x8x128xi32, #tpu.memory_space<vmem>>
        %dma_start3A_638 = tpu.memref_squeeze %dma_start3A_637 : memref<1x8x128xi32, #tpu.memory_space<vmem>> -> memref<8x128xi32, #tpu.memory_space<vmem>>
        %dma_start3A_639 = arith.constant 0 : i32
        %dma_start3A_640 = tpu.memref_slice %arg4[%add3A_626, %dma_start3A_639] : memref<1280x128xi32, #tpu.memory_space<hbm>> -> memref<8x128xi32, #tpu.memory_space<hbm>>
        tpu.enqueue_dma source(%dma_start3A_640 : memref<8x128xi32, #tpu.memory_space<hbm>>) target(%dma_start3A_638 : memref<8x128xi32, #tpu.memory_space<vmem>>) target_semaphore(%dma_start3A_634 : memref<!tpu.dma_semaphore, #tpu.memory_space<semaphore_mem>>)
        %dma_start3A_641 = arith.constant 0 : i32
        %dma_start3A_642 = arith.constant 0 : i32
        %dma_start3A_643 = tpu.memref_slice %arg11[%sub3A_223, %dma_start3A_641, %dma_start3A_642] : memref<2x8x128xi32, #tpu.memory_space<vmem>> -> memref<1x8x128xi32, #tpu.memory_space<vmem>>
        %dma_start3A_644 = tpu.memref_squeeze %dma_start3A_643 : memref<1x8x128xi32, #tpu.memory_space<vmem>> -> memref<8x128xi32, #tpu.memory_space<vmem>>
        %dma_start3A_645 = arith.constant 0 : i32
        %dma_start3A_646 = tpu.memref_slice %arg5[%add3A_626, %dma_start3A_645] : memref<1280x128xi32, #tpu.memory_space<hbm>> -> memref<8x128xi32, #tpu.memory_space<hbm>>
        %dma_start3A_647 = tpu.memref_slice %arg17[%sub3A_223] : memref<2x!tpu.dma_semaphore, #tpu.memory_space<semaphore_mem>> -> memref<1x!tpu.dma_semaphore, #tpu.memory_space<semaphore_mem>>
        %dma_start3A_648 = tpu.memref_squeeze %dma_start3A_647 : memref<1x!tpu.dma_semaphore, #tpu.memory_space<semaphore_mem>> -> memref<!tpu.dma_semaphore, #tpu.memory_space<semaphore_mem>>
        %dma_start3A_649 = arith.constant 0 : i32
        %dma_start3A_650 = arith.constant 0 : i32
        %dma_start3A_651 = tpu.memref_slice %arg11[%sub3A_223, %dma_start3A_649, %dma_start3A_650] : memref<2x8x128xi32, #tpu.memory_space<vmem>> -> memref<1x8x128xi32, #tpu.memory_space<vmem>>
        %dma_start3A_652 = tpu.memref_squeeze %dma_start3A_651 : memref<1x8x128xi32, #tpu.memory_space<vmem>> -> memref<8x128xi32, #tpu.memory_space<vmem>>
        %dma_start3A_653 = arith.constant 0 : i32
        %dma_start3A_654 = tpu.memref_slice %arg5[%add3A_626, %dma_start3A_653] : memref<1280x128xi32, #tpu.memory_space<hbm>> -> memref<8x128xi32, #tpu.memory_space<hbm>>
        tpu.enqueue_dma source(%dma_start3A_654 : memref<8x128xi32, #tpu.memory_space<hbm>>) target(%dma_start3A_652 : memref<8x128xi32, #tpu.memory_space<vmem>>) target_semaphore(%dma_start3A_648 : memref<!tpu.dma_semaphore, #tpu.memory_space<semaphore_mem>>)
      } else {
      }
      %dma_wait3A_242 = arith.constant 0 : i32
      %dma_wait3A_243 = arith.constant 0 : i32
      %dma_wait3A_244 = tpu.memref_slice %arg10[%rem3A_222, %dma_wait3A_242, %dma_wait3A_243] : memref<2x8x128xi32, #tpu.memory_space<vmem>> -> memref<1x8x128xi32, #tpu.memory_space<vmem>>
      %dma_wait3A_245 = tpu.memref_squeeze %dma_wait3A_244 : memref<1x8x128xi32, #tpu.memory_space<vmem>> -> memref<8x128xi32, #tpu.memory_space<vmem>>
      %dma_wait3A_246 = arith.constant 0 : i32
      %dma_wait3A_247 = arith.constant 0 : i32
      %dma_wait3A_248 = tpu.memref_slice %arg4[%dma_wait3A_246, %dma_wait3A_247] : memref<1280x128xi32, #tpu.memory_space<hbm>> -> memref<8x128xi32, #tpu.memory_space<hbm>>
      %dma_wait3A_249 = tpu.memref_slice %arg16[%rem3A_222] : memref<2x!tpu.dma_semaphore, #tpu.memory_space<semaphore_mem>> -> memref<1x!tpu.dma_semaphore, #tpu.memory_space<semaphore_mem>>
      %dma_wait3A_250 = tpu.memref_squeeze %dma_wait3A_249 : memref<1x!tpu.dma_semaphore, #tpu.memory_space<semaphore_mem>> -> memref<!tpu.dma_semaphore, #tpu.memory_space<semaphore_mem>>
      %dma_wait3A_251 = arith.constant 0 : i32
      %dma_wait3A_252 = arith.constant 0 : i32
      %dma_wait3A_253 = tpu.memref_slice %arg10[%rem3A_222, %dma_wait3A_251, %dma_wait3A_252] : memref<2x8x128xi32, #tpu.memory_space<vmem>> -> memref<1x8x128xi32, #tpu.memory_space<vmem>>
      %dma_wait3A_254 = tpu.memref_squeeze %dma_wait3A_253 : memref<1x8x128xi32, #tpu.memory_space<vmem>> -> memref<8x128xi32, #tpu.memory_space<vmem>>
      %dma_wait3A_255 = arith.constant 0 : i32
      %dma_wait3A_256 = arith.constant 0 : i32
      %dma_wait3A_257 = tpu.memref_slice %arg4[%dma_wait3A_255, %dma_wait3A_256] : memref<1280x128xi32, #tpu.memory_space<hbm>> -> memref<8x128xi32, #tpu.memory_space<hbm>>
      tpu.wait_dma2 semaphore(%dma_wait3A_250 : memref<!tpu.dma_semaphore, #tpu.memory_space<semaphore_mem>>) src(%dma_wait3A_257 : memref<8x128xi32, #tpu.memory_space<hbm>>) dst(%dma_wait3A_254 : memref<8x128xi32, #tpu.memory_space<vmem>>)
      %dma_wait3A_258 = arith.constant 0 : i32
      %dma_wait3A_259 = arith.constant 0 : i32
      %dma_wait3A_260 = tpu.memref_slice %arg11[%rem3A_222, %dma_wait3A_258, %dma_wait3A_259] : memref<2x8x128xi32, #tpu.memory_space<vmem>> -> memref<1x8x128xi32, #tpu.memory_space<vmem>>
      %dma_wait3A_261 = tpu.memref_squeeze %dma_wait3A_260 : memref<1x8x128xi32, #tpu.memory_space<vmem>> -> memref<8x128xi32, #tpu.memory_space<vmem>>
      %dma_wait3A_262 = arith.constant 0 : i32
      %dma_wait3A_263 = arith.constant 0 : i32
      %dma_wait3A_264 = tpu.memref_slice %arg5[%dma_wait3A_262, %dma_wait3A_263] : memref<1280x128xi32, #tpu.memory_space<hbm>> -> memref<8x128xi32, #tpu.memory_space<hbm>>
      %dma_wait3A_265 = tpu.memref_slice %arg17[%rem3A_222] : memref<2x!tpu.dma_semaphore, #tpu.memory_space<semaphore_mem>> -> memref<1x!tpu.dma_semaphore, #tpu.memory_space<semaphore_mem>>
      %dma_wait3A_266 = tpu.memref_squeeze %dma_wait3A_265 : memref<1x!tpu.dma_semaphore, #tpu.memory_space<semaphore_mem>> -> memref<!tpu.dma_semaphore, #tpu.memory_space<semaphore_mem>>
      %dma_wait3A_267 = arith.constant 0 : i32
      %dma_wait3A_268 = arith.constant 0 : i32
      %dma_wait3A_269 = tpu.memref_slice %arg11[%rem3A_222, %dma_wait3A_267, %dma_wait3A_268] : memref<2x8x128xi32, #tpu.memory_space<vmem>> -> memref<1x8x128xi32, #tpu.memory_space<vmem>>
      %dma_wait3A_270 = tpu.memref_squeeze %dma_wait3A_269 : memref<1x8x128xi32, #tpu.memory_space<vmem>> -> memref<8x128xi32, #tpu.memory_space<vmem>>
      %dma_wait3A_271 = arith.constant 0 : i32
      %dma_wait3A_272 = arith.constant 0 : i32
      %dma_wait3A_273 = tpu.memref_slice %arg5[%dma_wait3A_271, %dma_wait3A_272] : memref<1280x128xi32, #tpu.memory_space<hbm>> -> memref<8x128xi32, #tpu.memory_space<hbm>>
      tpu.wait_dma2 semaphore(%dma_wait3A_266 : memref<!tpu.dma_semaphore, #tpu.memory_space<semaphore_mem>>) src(%dma_wait3A_273 : memref<8x128xi32, #tpu.memory_space<hbm>>) dst(%dma_wait3A_270 : memref<8x128xi32, #tpu.memory_space<vmem>>)
      %eq3A_274 = arith.constant 0 : i32
      %eq3A_275 = arith.cmpi eq, %arg0, %eq3A_274 : i32
      %convert_element_type3A_276 = arith.extui %eq3A_275 : i1 to i32
      %cond3A_277 = arith.constant 0 : i32
      %cond3A_278 = arith.cmpi ne, %convert_element_type3A_276, %cond3A_277 : i32
      scf.if %cond3A_278 {
        %dma_start3A_622 = arith.constant 0 : i32
        %dma_start3A_623 = arith.constant 0 : i32
        %dma_start3A_624 = arith.constant 0 : i32
        %dma_start3A_625 = arith.constant 0 : i32
        %dma_start3A_626 = arith.constant 0 : i32
        %dma_start3A_627 = tpu.memref_slice %arg12[%dma_start3A_623, %dma_start3A_625, %dma_start3A_626] : memref<8x128x128xbf16, #tpu.memory_space<vmem>> -> memref<1x128x128xbf16, #tpu.memory_space<vmem>>
        %dma_start3A_628 = tpu.memref_squeeze %dma_start3A_627 : memref<1x128x128xbf16, #tpu.memory_space<vmem>> -> memref<128x128xbf16, #tpu.memory_space<vmem>>
        %dma_start3A_629 = arith.constant 0 : i32
        %dma_start3A_630 = tpu.memref_slice %arg10[%rem3A_222, %dma_start3A_622, %dma_start3A_629] : memref<2x8x128xi32, #tpu.memory_space<vmem>> -> memref<1x1x128xi32, #tpu.memory_space<vmem>>
        %dma_start3A_631 = tpu.memref_squeeze %dma_start3A_630 : memref<1x1x128xi32, #tpu.memory_space<vmem>> -> memref<128xi32, #tpu.memory_space<vmem>>
        %dma_start3A_632 = arith.constant 0 : i32
        %dma_start3A_633 = arith.constant 0 : i32
        %dma_start3A_634 = tpu.memref_slice %arg2[%dma_start3A_632, %dma_start3A_633] : memref<10000x128xbf16, #tpu.memory_space<hbm>> -> memref<10000x128xbf16, #tpu.memory_space<hbm>>
        %dma_start3A_635 = tpu.memref_slice %arg18[%dma_start3A_624] : memref<8x!tpu.dma_semaphore, #tpu.memory_space<semaphore_mem>> -> memref<1x!tpu.dma_semaphore, #tpu.memory_space<semaphore_mem>>
        %dma_start3A_636 = tpu.memref_squeeze %dma_start3A_635 : memref<1x!tpu.dma_semaphore, #tpu.memory_space<semaphore_mem>> -> memref<!tpu.dma_semaphore, #tpu.memory_space<semaphore_mem>>
        tpu.enqueue_indirect_dma source(%dma_start3A_634 : memref<10000x128xbf16, #tpu.memory_space<hbm>>) target(%dma_start3A_628 : memref<128x128xbf16, #tpu.memory_space<vmem>>) offsets(%dma_start3A_631 : memref<128xi32, #tpu.memory_space<vmem>>) semaphore(%dma_start3A_636 : memref<!tpu.dma_semaphore, #tpu.memory_space<semaphore_mem>>)
      } else {
      }
      %eq3A_279 = arith.constant 1 : i32
      %eq3A_280 = arith.cmpi eq, %arg0, %eq3A_279 : i32
      %convert_element_type3A_281 = arith.extui %eq3A_280 : i1 to i32
      %cond3A_282 = arith.constant 0 : i32
      %cond3A_283 = arith.cmpi ne, %convert_element_type3A_281, %cond3A_282 : i32
      scf.if %cond3A_283 {
        %dma_start3A_622 = arith.constant 0 : i32
        %dma_start3A_623 = arith.constant 0 : i32
        %dma_start3A_624 = arith.constant 0 : i32
        %dma_start3A_625 = arith.constant 0 : i32
        %dma_start3A_626 = arith.constant 0 : i32
        %dma_start3A_627 = tpu.memref_slice %arg12[%dma_start3A_623, %dma_start3A_625, %dma_start3A_626] : memref<8x128x128xbf16, #tpu.memory_space<vmem>> -> memref<1x128x128xbf16, #tpu.memory_space<vmem>>
        %dma_start3A_628 = tpu.memref_squeeze %dma_start3A_627 : memref<1x128x128xbf16, #tpu.memory_space<vmem>> -> memref<128x128xbf16, #tpu.memory_space<vmem>>
        %dma_start3A_629 = arith.constant 0 : i32
        %dma_start3A_630 = tpu.memref_slice %arg10[%rem3A_222, %dma_start3A_622, %dma_start3A_629] : memref<2x8x128xi32, #tpu.memory_space<vmem>> -> memref<1x1x128xi32, #tpu.memory_space<vmem>>
        %dma_start3A_631 = tpu.memref_squeeze %dma_start3A_630 : memref<1x1x128xi32, #tpu.memory_space<vmem>> -> memref<128xi32, #tpu.memory_space<vmem>>
        %dma_start3A_632 = arith.constant 0 : i32
        %dma_start3A_633 = arith.constant 0 : i32
        %dma_start3A_634 = tpu.memref_slice %arg3[%dma_start3A_632, %dma_start3A_633] : memref<10000x128xbf16, #tpu.memory_space<hbm>> -> memref<10000x128xbf16, #tpu.memory_space<hbm>>
        %dma_start3A_635 = tpu.memref_slice %arg18[%dma_start3A_624] : memref<8x!tpu.dma_semaphore, #tpu.memory_space<semaphore_mem>> -> memref<1x!tpu.dma_semaphore, #tpu.memory_space<semaphore_mem>>
        %dma_start3A_636 = tpu.memref_squeeze %dma_start3A_635 : memref<1x!tpu.dma_semaphore, #tpu.memory_space<semaphore_mem>> -> memref<!tpu.dma_semaphore, #tpu.memory_space<semaphore_mem>>
        tpu.enqueue_indirect_dma source(%dma_start3A_634 : memref<10000x128xbf16, #tpu.memory_space<hbm>>) target(%dma_start3A_628 : memref<128x128xbf16, #tpu.memory_space<vmem>>) offsets(%dma_start3A_631 : memref<128xi32, #tpu.memory_space<vmem>>) semaphore(%dma_start3A_636 : memref<!tpu.dma_semaphore, #tpu.memory_space<semaphore_mem>>)
      } else {
      }
      %eq3A_284 = arith.constant 0 : i32
      %eq3A_285 = arith.cmpi eq, %arg0, %eq3A_284 : i32
      %convert_element_type3A_286 = arith.extui %eq3A_285 : i1 to i32
      %cond3A_287 = arith.constant 0 : i32
      %cond3A_288 = arith.cmpi ne, %convert_element_type3A_286, %cond3A_287 : i32
      scf.if %cond3A_288 {
        %dma_start3A_622 = arith.constant 1 : i32
        %dma_start3A_623 = arith.constant 1 : i32
        %dma_start3A_624 = arith.constant 1 : i32
        %dma_start3A_625 = arith.constant 0 : i32
        %dma_start3A_626 = arith.constant 0 : i32
        %dma_start3A_627 = tpu.memref_slice %arg12[%dma_start3A_623, %dma_start3A_625, %dma_start3A_626] : memref<8x128x128xbf16, #tpu.memory_space<vmem>> -> memref<1x128x128xbf16, #tpu.memory_space<vmem>>
        %dma_start3A_628 = tpu.memref_squeeze %dma_start3A_627 : memref<1x128x128xbf16, #tpu.memory_space<vmem>> -> memref<128x128xbf16, #tpu.memory_space<vmem>>
        %dma_start3A_629 = arith.constant 0 : i32
        %dma_start3A_630 = tpu.memref_slice %arg10[%rem3A_222, %dma_start3A_622, %dma_start3A_629] : memref<2x8x128xi32, #tpu.memory_space<vmem>> -> memref<1x1x128xi32, #tpu.memory_space<vmem>>
        %dma_start3A_631 = tpu.memref_squeeze %dma_start3A_630 : memref<1x1x128xi32, #tpu.memory_space<vmem>> -> memref<128xi32, #tpu.memory_space<vmem>>
        %dma_start3A_632 = arith.constant 0 : i32
        %dma_start3A_633 = arith.constant 0 : i32
        %dma_start3A_634 = tpu.memref_slice %arg2[%dma_start3A_632, %dma_start3A_633] : memref<10000x128xbf16, #tpu.memory_space<hbm>> -> memref<10000x128xbf16, #tpu.memory_space<hbm>>
        %dma_start3A_635 = tpu.memref_slice %arg18[%dma_start3A_624] : memref<8x!tpu.dma_semaphore, #tpu.memory_space<semaphore_mem>> -> memref<1x!tpu.dma_semaphore, #tpu.memory_space<semaphore_mem>>
        %dma_start3A_636 = tpu.memref_squeeze %dma_start3A_635 : memref<1x!tpu.dma_semaphore, #tpu.memory_space<semaphore_mem>> -> memref<!tpu.dma_semaphore, #tpu.memory_space<semaphore_mem>>
        tpu.enqueue_indirect_dma source(%dma_start3A_634 : memref<10000x128xbf16, #tpu.memory_space<hbm>>) target(%dma_start3A_628 : memref<128x128xbf16, #tpu.memory_space<vmem>>) offsets(%dma_start3A_631 : memref<128xi32, #tpu.memory_space<vmem>>) semaphore(%dma_start3A_636 : memref<!tpu.dma_semaphore, #tpu.memory_space<semaphore_mem>>)
      } else {
      }
      %eq3A_289 = arith.constant 1 : i32
      %eq3A_290 = arith.cmpi eq, %arg0, %eq3A_289 : i32
      %convert_element_type3A_291 = arith.extui %eq3A_290 : i1 to i32
      %cond3A_292 = arith.constant 0 : i32
      %cond3A_293 = arith.cmpi ne, %convert_element_type3A_291, %cond3A_292 : i32
      scf.if %cond3A_293 {
        %dma_start3A_622 = arith.constant 1 : i32
        %dma_start3A_623 = arith.constant 1 : i32
        %dma_start3A_624 = arith.constant 1 : i32
        %dma_start3A_625 = arith.constant 0 : i32
        %dma_start3A_626 = arith.constant 0 : i32
        %dma_start3A_627 = tpu.memref_slice %arg12[%dma_start3A_623, %dma_start3A_625, %dma_start3A_626] : memref<8x128x128xbf16, #tpu.memory_space<vmem>> -> memref<1x128x128xbf16, #tpu.memory_space<vmem>>
        %dma_start3A_628 = tpu.memref_squeeze %dma_start3A_627 : memref<1x128x128xbf16, #tpu.memory_space<vmem>> -> memref<128x128xbf16, #tpu.memory_space<vmem>>
        %dma_start3A_629 = arith.constant 0 : i32
        %dma_start3A_630 = tpu.memref_slice %arg10[%rem3A_222, %dma_start3A_622, %dma_start3A_629] : memref<2x8x128xi32, #tpu.memory_space<vmem>> -> memref<1x1x128xi32, #tpu.memory_space<vmem>>
        %dma_start3A_631 = tpu.memref_squeeze %dma_start3A_630 : memref<1x1x128xi32, #tpu.memory_space<vmem>> -> memref<128xi32, #tpu.memory_space<vmem>>
        %dma_start3A_632 = arith.constant 0 : i32
        %dma_start3A_633 = arith.constant 0 : i32
        %dma_start3A_634 = tpu.memref_slice %arg3[%dma_start3A_632, %dma_start3A_633] : memref<10000x128xbf16, #tpu.memory_space<hbm>> -> memref<10000x128xbf16, #tpu.memory_space<hbm>>
        %dma_start3A_635 = tpu.memref_slice %arg18[%dma_start3A_624] : memref<8x!tpu.dma_semaphore, #tpu.memory_space<semaphore_mem>> -> memref<1x!tpu.dma_semaphore, #tpu.memory_space<semaphore_mem>>
        %dma_start3A_636 = tpu.memref_squeeze %dma_start3A_635 : memref<1x!tpu.dma_semaphore, #tpu.memory_space<semaphore_mem>> -> memref<!tpu.dma_semaphore, #tpu.memory_space<semaphore_mem>>
        tpu.enqueue_indirect_dma source(%dma_start3A_634 : memref<10000x128xbf16, #tpu.memory_space<hbm>>) target(%dma_start3A_628 : memref<128x128xbf16, #tpu.memory_space<vmem>>) offsets(%dma_start3A_631 : memref<128xi32, #tpu.memory_space<vmem>>) semaphore(%dma_start3A_636 : memref<!tpu.dma_semaphore, #tpu.memory_space<semaphore_mem>>)
      } else {
      }
      %eq3A_294 = arith.constant 0 : i32
      %eq3A_295 = arith.cmpi eq, %arg0, %eq3A_294 : i32
      %convert_element_type3A_296 = arith.extui %eq3A_295 : i1 to i32
      %cond3A_297 = arith.constant 0 : i32
      %cond3A_298 = arith.cmpi ne, %convert_element_type3A_296, %cond3A_297 : i32
      scf.if %cond3A_298 {
        %dma_start3A_622 = arith.constant 2 : i32
        %dma_start3A_623 = arith.constant 2 : i32
        %dma_start3A_624 = arith.constant 2 : i32
        %dma_start3A_625 = arith.constant 0 : i32
        %dma_start3A_626 = arith.constant 0 : i32
        %dma_start3A_627 = tpu.memref_slice %arg12[%dma_start3A_623, %dma_start3A_625, %dma_start3A_626] : memref<8x128x128xbf16, #tpu.memory_space<vmem>> -> memref<1x128x128xbf16, #tpu.memory_space<vmem>>
        %dma_start3A_628 = tpu.memref_squeeze %dma_start3A_627 : memref<1x128x128xbf16, #tpu.memory_space<vmem>> -> memref<128x128xbf16, #tpu.memory_space<vmem>>
        %dma_start3A_629 = arith.constant 0 : i32
        %dma_start3A_630 = tpu.memref_slice %arg10[%rem3A_222, %dma_start3A_622, %dma_start3A_629] : memref<2x8x128xi32, #tpu.memory_space<vmem>> -> memref<1x1x128xi32, #tpu.memory_space<vmem>>
        %dma_start3A_631 = tpu.memref_squeeze %dma_start3A_630 : memref<1x1x128xi32, #tpu.memory_space<vmem>> -> memref<128xi32, #tpu.memory_space<vmem>>
        %dma_start3A_632 = arith.constant 0 : i32
        %dma_start3A_633 = arith.constant 0 : i32
        %dma_start3A_634 = tpu.memref_slice %arg2[%dma_start3A_632, %dma_start3A_633] : memref<10000x128xbf16, #tpu.memory_space<hbm>> -> memref<10000x128xbf16, #tpu.memory_space<hbm>>
        %dma_start3A_635 = tpu.memref_slice %arg18[%dma_start3A_624] : memref<8x!tpu.dma_semaphore, #tpu.memory_space<semaphore_mem>> -> memref<1x!tpu.dma_semaphore, #tpu.memory_space<semaphore_mem>>
        %dma_start3A_636 = tpu.memref_squeeze %dma_start3A_635 : memref<1x!tpu.dma_semaphore, #tpu.memory_space<semaphore_mem>> -> memref<!tpu.dma_semaphore, #tpu.memory_space<semaphore_mem>>
        tpu.enqueue_indirect_dma source(%dma_start3A_634 : memref<10000x128xbf16, #tpu.memory_space<hbm>>) target(%dma_start3A_628 : memref<128x128xbf16, #tpu.memory_space<vmem>>) offsets(%dma_start3A_631 : memref<128xi32, #tpu.memory_space<vmem>>) semaphore(%dma_start3A_636 : memref<!tpu.dma_semaphore, #tpu.memory_space<semaphore_mem>>)
      } else {
      }
      %eq3A_299 = arith.constant 1 : i32
      %eq3A_300 = arith.cmpi eq, %arg0, %eq3A_299 : i32
      %convert_element_type3A_301 = arith.extui %eq3A_300 : i1 to i32
      %cond3A_302 = arith.constant 0 : i32
      %cond3A_303 = arith.cmpi ne, %convert_element_type3A_301, %cond3A_302 : i32
      scf.if %cond3A_303 {
        %dma_start3A_622 = arith.constant 2 : i32
        %dma_start3A_623 = arith.constant 2 : i32
        %dma_start3A_624 = arith.constant 2 : i32
        %dma_start3A_625 = arith.constant 0 : i32
        %dma_start3A_626 = arith.constant 0 : i32
        %dma_start3A_627 = tpu.memref_slice %arg12[%dma_start3A_623, %dma_start3A_625, %dma_start3A_626] : memref<8x128x128xbf16, #tpu.memory_space<vmem>> -> memref<1x128x128xbf16, #tpu.memory_space<vmem>>
        %dma_start3A_628 = tpu.memref_squeeze %dma_start3A_627 : memref<1x128x128xbf16, #tpu.memory_space<vmem>> -> memref<128x128xbf16, #tpu.memory_space<vmem>>
        %dma_start3A_629 = arith.constant 0 : i32
        %dma_start3A_630 = tpu.memref_slice %arg10[%rem3A_222, %dma_start3A_622, %dma_start3A_629] : memref<2x8x128xi32, #tpu.memory_space<vmem>> -> memref<1x1x128xi32, #tpu.memory_space<vmem>>
        %dma_start3A_631 = tpu.memref_squeeze %dma_start3A_630 : memref<1x1x128xi32, #tpu.memory_space<vmem>> -> memref<128xi32, #tpu.memory_space<vmem>>
        %dma_start3A_632 = arith.constant 0 : i32
        %dma_start3A_633 = arith.constant 0 : i32
        %dma_start3A_634 = tpu.memref_slice %arg3[%dma_start3A_632, %dma_start3A_633] : memref<10000x128xbf16, #tpu.memory_space<hbm>> -> memref<10000x128xbf16, #tpu.memory_space<hbm>>
        %dma_start3A_635 = tpu.memref_slice %arg18[%dma_start3A_624] : memref<8x!tpu.dma_semaphore, #tpu.memory_space<semaphore_mem>> -> memref<1x!tpu.dma_semaphore, #tpu.memory_space<semaphore_mem>>
        %dma_start3A_636 = tpu.memref_squeeze %dma_start3A_635 : memref<1x!tpu.dma_semaphore, #tpu.memory_space<semaphore_mem>> -> memref<!tpu.dma_semaphore, #tpu.memory_space<semaphore_mem>>
        tpu.enqueue_indirect_dma source(%dma_start3A_634 : memref<10000x128xbf16, #tpu.memory_space<hbm>>) target(%dma_start3A_628 : memref<128x128xbf16, #tpu.memory_space<vmem>>) offsets(%dma_start3A_631 : memref<128xi32, #tpu.memory_space<vmem>>) semaphore(%dma_start3A_636 : memref<!tpu.dma_semaphore, #tpu.memory_space<semaphore_mem>>)
      } else {
      }
      %eq3A_304 = arith.constant 0 : i32
      %eq3A_305 = arith.cmpi eq, %arg0, %eq3A_304 : i32
      %convert_element_type3A_306 = arith.extui %eq3A_305 : i1 to i32
      %cond3A_307 = arith.constant 0 : i32
      %cond3A_308 = arith.cmpi ne, %convert_element_type3A_306, %cond3A_307 : i32
      scf.if %cond3A_308 {
        %dma_start3A_622 = arith.constant 3 : i32
        %dma_start3A_623 = arith.constant 3 : i32
        %dma_start3A_624 = arith.constant 3 : i32
        %dma_start3A_625 = arith.constant 0 : i32
        %dma_start3A_626 = arith.constant 0 : i32
        %dma_start3A_627 = tpu.memref_slice %arg12[%dma_start3A_623, %dma_start3A_625, %dma_start3A_626] : memref<8x128x128xbf16, #tpu.memory_space<vmem>> -> memref<1x128x128xbf16, #tpu.memory_space<vmem>>
        %dma_start3A_628 = tpu.memref_squeeze %dma_start3A_627 : memref<1x128x128xbf16, #tpu.memory_space<vmem>> -> memref<128x128xbf16, #tpu.memory_space<vmem>>
        %dma_start3A_629 = arith.constant 0 : i32
        %dma_start3A_630 = tpu.memref_slice %arg10[%rem3A_222, %dma_start3A_622, %dma_start3A_629] : memref<2x8x128xi32, #tpu.memory_space<vmem>> -> memref<1x1x128xi32, #tpu.memory_space<vmem>>
        %dma_start3A_631 = tpu.memref_squeeze %dma_start3A_630 : memref<1x1x128xi32, #tpu.memory_space<vmem>> -> memref<128xi32, #tpu.memory_space<vmem>>
        %dma_start3A_632 = arith.constant 0 : i32
        %dma_start3A_633 = arith.constant 0 : i32
        %dma_start3A_634 = tpu.memref_slice %arg2[%dma_start3A_632, %dma_start3A_633] : memref<10000x128xbf16, #tpu.memory_space<hbm>> -> memref<10000x128xbf16, #tpu.memory_space<hbm>>
        %dma_start3A_635 = tpu.memref_slice %arg18[%dma_start3A_624] : memref<8x!tpu.dma_semaphore, #tpu.memory_space<semaphore_mem>> -> memref<1x!tpu.dma_semaphore, #tpu.memory_space<semaphore_mem>>
        %dma_start3A_636 = tpu.memref_squeeze %dma_start3A_635 : memref<1x!tpu.dma_semaphore, #tpu.memory_space<semaphore_mem>> -> memref<!tpu.dma_semaphore, #tpu.memory_space<semaphore_mem>>
        tpu.enqueue_indirect_dma source(%dma_start3A_634 : memref<10000x128xbf16, #tpu.memory_space<hbm>>) target(%dma_start3A_628 : memref<128x128xbf16, #tpu.memory_space<vmem>>) offsets(%dma_start3A_631 : memref<128xi32, #tpu.memory_space<vmem>>) semaphore(%dma_start3A_636 : memref<!tpu.dma_semaphore, #tpu.memory_space<semaphore_mem>>)
      } else {
      }
      %eq3A_309 = arith.constant 1 : i32
      %eq3A_310 = arith.cmpi eq, %arg0, %eq3A_309 : i32
      %convert_element_type3A_311 = arith.extui %eq3A_310 : i1 to i32
      %cond3A_312 = arith.constant 0 : i32
      %cond3A_313 = arith.cmpi ne, %convert_element_type3A_311, %cond3A_312 : i32
      scf.if %cond3A_313 {
        %dma_start3A_622 = arith.constant 3 : i32
        %dma_start3A_623 = arith.constant 3 : i32
        %dma_start3A_624 = arith.constant 3 : i32
        %dma_start3A_625 = arith.constant 0 : i32
        %dma_start3A_626 = arith.constant 0 : i32
        %dma_start3A_627 = tpu.memref_slice %arg12[%dma_start3A_623, %dma_start3A_625, %dma_start3A_626] : memref<8x128x128xbf16, #tpu.memory_space<vmem>> -> memref<1x128x128xbf16, #tpu.memory_space<vmem>>
        %dma_start3A_628 = tpu.memref_squeeze %dma_start3A_627 : memref<1x128x128xbf16, #tpu.memory_space<vmem>> -> memref<128x128xbf16, #tpu.memory_space<vmem>>
        %dma_start3A_629 = arith.constant 0 : i32
        %dma_start3A_630 = tpu.memref_slice %arg10[%rem3A_222, %dma_start3A_622, %dma_start3A_629] : memref<2x8x128xi32, #tpu.memory_space<vmem>> -> memref<1x1x128xi32, #tpu.memory_space<vmem>>
        %dma_start3A_631 = tpu.memref_squeeze %dma_start3A_630 : memref<1x1x128xi32, #tpu.memory_space<vmem>> -> memref<128xi32, #tpu.memory_space<vmem>>
        %dma_start3A_632 = arith.constant 0 : i32
        %dma_start3A_633 = arith.constant 0 : i32
        %dma_start3A_634 = tpu.memref_slice %arg3[%dma_start3A_632, %dma_start3A_633] : memref<10000x128xbf16, #tpu.memory_space<hbm>> -> memref<10000x128xbf16, #tpu.memory_space<hbm>>
        %dma_start3A_635 = tpu.memref_slice %arg18[%dma_start3A_624] : memref<8x!tpu.dma_semaphore, #tpu.memory_space<semaphore_mem>> -> memref<1x!tpu.dma_semaphore, #tpu.memory_space<semaphore_mem>>
        %dma_start3A_636 = tpu.memref_squeeze %dma_start3A_635 : memref<1x!tpu.dma_semaphore, #tpu.memory_space<semaphore_mem>> -> memref<!tpu.dma_semaphore, #tpu.memory_space<semaphore_mem>>
        tpu.enqueue_indirect_dma source(%dma_start3A_634 : memref<10000x128xbf16, #tpu.memory_space<hbm>>) target(%dma_start3A_628 : memref<128x128xbf16, #tpu.memory_space<vmem>>) offsets(%dma_start3A_631 : memref<128xi32, #tpu.memory_space<vmem>>) semaphore(%dma_start3A_636 : memref<!tpu.dma_semaphore, #tpu.memory_space<semaphore_mem>>)
      } else {
      }
      %eq3A_314 = arith.constant 0 : i32
      %eq3A_315 = arith.cmpi eq, %arg0, %eq3A_314 : i32
      %convert_element_type3A_316 = arith.extui %eq3A_315 : i1 to i32
      %cond3A_317 = arith.constant 0 : i32
      %cond3A_318 = arith.cmpi ne, %convert_element_type3A_316, %cond3A_317 : i32
      scf.if %cond3A_318 {
        %dma_start3A_622 = arith.constant 4 : i32
        %dma_start3A_623 = arith.constant 4 : i32
        %dma_start3A_624 = arith.constant 4 : i32
        %dma_start3A_625 = arith.constant 0 : i32
        %dma_start3A_626 = arith.constant 0 : i32
        %dma_start3A_627 = tpu.memref_slice %arg12[%dma_start3A_623, %dma_start3A_625, %dma_start3A_626] : memref<8x128x128xbf16, #tpu.memory_space<vmem>> -> memref<1x128x128xbf16, #tpu.memory_space<vmem>>
        %dma_start3A_628 = tpu.memref_squeeze %dma_start3A_627 : memref<1x128x128xbf16, #tpu.memory_space<vmem>> -> memref<128x128xbf16, #tpu.memory_space<vmem>>
        %dma_start3A_629 = arith.constant 0 : i32
        %dma_start3A_630 = tpu.memref_slice %arg10[%rem3A_222, %dma_start3A_622, %dma_start3A_629] : memref<2x8x128xi32, #tpu.memory_space<vmem>> -> memref<1x1x128xi32, #tpu.memory_space<vmem>>
        %dma_start3A_631 = tpu.memref_squeeze %dma_start3A_630 : memref<1x1x128xi32, #tpu.memory_space<vmem>> -> memref<128xi32, #tpu.memory_space<vmem>>
        %dma_start3A_632 = arith.constant 0 : i32
        %dma_start3A_633 = arith.constant 0 : i32
        %dma_start3A_634 = tpu.memref_slice %arg2[%dma_start3A_632, %dma_start3A_633] : memref<10000x128xbf16, #tpu.memory_space<hbm>> -> memref<10000x128xbf16, #tpu.memory_space<hbm>>
        %dma_start3A_635 = tpu.memref_slice %arg18[%dma_start3A_624] : memref<8x!tpu.dma_semaphore, #tpu.memory_space<semaphore_mem>> -> memref<1x!tpu.dma_semaphore, #tpu.memory_space<semaphore_mem>>
        %dma_start3A_636 = tpu.memref_squeeze %dma_start3A_635 : memref<1x!tpu.dma_semaphore, #tpu.memory_space<semaphore_mem>> -> memref<!tpu.dma_semaphore, #tpu.memory_space<semaphore_mem>>
        tpu.enqueue_indirect_dma source(%dma_start3A_634 : memref<10000x128xbf16, #tpu.memory_space<hbm>>) target(%dma_start3A_628 : memref<128x128xbf16, #tpu.memory_space<vmem>>) offsets(%dma_start3A_631 : memref<128xi32, #tpu.memory_space<vmem>>) semaphore(%dma_start3A_636 : memref<!tpu.dma_semaphore, #tpu.memory_space<semaphore_mem>>)
      } else {
      }
      %eq3A_319 = arith.constant 1 : i32
      %eq3A_320 = arith.cmpi eq, %arg0, %eq3A_319 : i32
      %convert_element_type3A_321 = arith.extui %eq3A_320 : i1 to i32
      %cond3A_322 = arith.constant 0 : i32
      %cond3A_323 = arith.cmpi ne, %convert_element_type3A_321, %cond3A_322 : i32
      scf.if %cond3A_323 {
        %dma_start3A_622 = arith.constant 4 : i32
        %dma_start3A_623 = arith.constant 4 : i32
        %dma_start3A_624 = arith.constant 4 : i32
        %dma_start3A_625 = arith.constant 0 : i32
        %dma_start3A_626 = arith.constant 0 : i32
        %dma_start3A_627 = tpu.memref_slice %arg12[%dma_start3A_623, %dma_start3A_625, %dma_start3A_626] : memref<8x128x128xbf16, #tpu.memory_space<vmem>> -> memref<1x128x128xbf16, #tpu.memory_space<vmem>>
        %dma_start3A_628 = tpu.memref_squeeze %dma_start3A_627 : memref<1x128x128xbf16, #tpu.memory_space<vmem>> -> memref<128x128xbf16, #tpu.memory_space<vmem>>
        %dma_start3A_629 = arith.constant 0 : i32
        %dma_start3A_630 = tpu.memref_slice %arg10[%rem3A_222, %dma_start3A_622, %dma_start3A_629] : memref<2x8x128xi32, #tpu.memory_space<vmem>> -> memref<1x1x128xi32, #tpu.memory_space<vmem>>
        %dma_start3A_631 = tpu.memref_squeeze %dma_start3A_630 : memref<1x1x128xi32, #tpu.memory_space<vmem>> -> memref<128xi32, #tpu.memory_space<vmem>>
        %dma_start3A_632 = arith.constant 0 : i32
        %dma_start3A_633 = arith.constant 0 : i32
        %dma_start3A_634 = tpu.memref_slice %arg3[%dma_start3A_632, %dma_start3A_633] : memref<10000x128xbf16, #tpu.memory_space<hbm>> -> memref<10000x128xbf16, #tpu.memory_space<hbm>>
        %dma_start3A_635 = tpu.memref_slice %arg18[%dma_start3A_624] : memref<8x!tpu.dma_semaphore, #tpu.memory_space<semaphore_mem>> -> memref<1x!tpu.dma_semaphore, #tpu.memory_space<semaphore_mem>>
        %dma_start3A_636 = tpu.memref_squeeze %dma_start3A_635 : memref<1x!tpu.dma_semaphore, #tpu.memory_space<semaphore_mem>> -> memref<!tpu.dma_semaphore, #tpu.memory_space<semaphore_mem>>
        tpu.enqueue_indirect_dma source(%dma_start3A_634 : memref<10000x128xbf16, #tpu.memory_space<hbm>>) target(%dma_start3A_628 : memref<128x128xbf16, #tpu.memory_space<vmem>>) offsets(%dma_start3A_631 : memref<128xi32, #tpu.memory_space<vmem>>) semaphore(%dma_start3A_636 : memref<!tpu.dma_semaphore, #tpu.memory_space<semaphore_mem>>)
      } else {
      }
      %eq3A_324 = arith.constant 0 : i32
      %eq3A_325 = arith.cmpi eq, %arg0, %eq3A_324 : i32
      %convert_element_type3A_326 = arith.extui %eq3A_325 : i1 to i32
      %cond3A_327 = arith.constant 0 : i32
      %cond3A_328 = arith.cmpi ne, %convert_element_type3A_326, %cond3A_327 : i32
      scf.if %cond3A_328 {
        %dma_start3A_622 = arith.constant 5 : i32
        %dma_start3A_623 = arith.constant 5 : i32
        %dma_start3A_624 = arith.constant 5 : i32
        %dma_start3A_625 = arith.constant 0 : i32
        %dma_start3A_626 = arith.constant 0 : i32
        %dma_start3A_627 = tpu.memref_slice %arg12[%dma_start3A_623, %dma_start3A_625, %dma_start3A_626] : memref<8x128x128xbf16, #tpu.memory_space<vmem>> -> memref<1x128x128xbf16, #tpu.memory_space<vmem>>
        %dma_start3A_628 = tpu.memref_squeeze %dma_start3A_627 : memref<1x128x128xbf16, #tpu.memory_space<vmem>> -> memref<128x128xbf16, #tpu.memory_space<vmem>>
        %dma_start3A_629 = arith.constant 0 : i32
        %dma_start3A_630 = tpu.memref_slice %arg10[%rem3A_222, %dma_start3A_622, %dma_start3A_629] : memref<2x8x128xi32, #tpu.memory_space<vmem>> -> memref<1x1x128xi32, #tpu.memory_space<vmem>>
        %dma_start3A_631 = tpu.memref_squeeze %dma_start3A_630 : memref<1x1x128xi32, #tpu.memory_space<vmem>> -> memref<128xi32, #tpu.memory_space<vmem>>
        %dma_start3A_632 = arith.constant 0 : i32
        %dma_start3A_633 = arith.constant 0 : i32
        %dma_start3A_634 = tpu.memref_slice %arg2[%dma_start3A_632, %dma_start3A_633] : memref<10000x128xbf16, #tpu.memory_space<hbm>> -> memref<10000x128xbf16, #tpu.memory_space<hbm>>
        %dma_start3A_635 = tpu.memref_slice %arg18[%dma_start3A_624] : memref<8x!tpu.dma_semaphore, #tpu.memory_space<semaphore_mem>> -> memref<1x!tpu.dma_semaphore, #tpu.memory_space<semaphore_mem>>
        %dma_start3A_636 = tpu.memref_squeeze %dma_start3A_635 : memref<1x!tpu.dma_semaphore, #tpu.memory_space<semaphore_mem>> -> memref<!tpu.dma_semaphore, #tpu.memory_space<semaphore_mem>>
        tpu.enqueue_indirect_dma source(%dma_start3A_634 : memref<10000x128xbf16, #tpu.memory_space<hbm>>) target(%dma_start3A_628 : memref<128x128xbf16, #tpu.memory_space<vmem>>) offsets(%dma_start3A_631 : memref<128xi32, #tpu.memory_space<vmem>>) semaphore(%dma_start3A_636 : memref<!tpu.dma_semaphore, #tpu.memory_space<semaphore_mem>>)
      } else {
      }
      %eq3A_329 = arith.constant 1 : i32
      %eq3A_330 = arith.cmpi eq, %arg0, %eq3A_329 : i32
      %convert_element_type3A_331 = arith.extui %eq3A_330 : i1 to i32
      %cond3A_332 = arith.constant 0 : i32
      %cond3A_333 = arith.cmpi ne, %convert_element_type3A_331, %cond3A_332 : i32
      scf.if %cond3A_333 {
        %dma_start3A_622 = arith.constant 5 : i32
        %dma_start3A_623 = arith.constant 5 : i32
        %dma_start3A_624 = arith.constant 5 : i32
        %dma_start3A_625 = arith.constant 0 : i32
        %dma_start3A_626 = arith.constant 0 : i32
        %dma_start3A_627 = tpu.memref_slice %arg12[%dma_start3A_623, %dma_start3A_625, %dma_start3A_626] : memref<8x128x128xbf16, #tpu.memory_space<vmem>> -> memref<1x128x128xbf16, #tpu.memory_space<vmem>>
        %dma_start3A_628 = tpu.memref_squeeze %dma_start3A_627 : memref<1x128x128xbf16, #tpu.memory_space<vmem>> -> memref<128x128xbf16, #tpu.memory_space<vmem>>
        %dma_start3A_629 = arith.constant 0 : i32
        %dma_start3A_630 = tpu.memref_slice %arg10[%rem3A_222, %dma_start3A_622, %dma_start3A_629] : memref<2x8x128xi32, #tpu.memory_space<vmem>> -> memref<1x1x128xi32, #tpu.memory_space<vmem>>
        %dma_start3A_631 = tpu.memref_squeeze %dma_start3A_630 : memref<1x1x128xi32, #tpu.memory_space<vmem>> -> memref<128xi32, #tpu.memory_space<vmem>>
        %dma_start3A_632 = arith.constant 0 : i32
        %dma_start3A_633 = arith.constant 0 : i32
        %dma_start3A_634 = tpu.memref_slice %arg3[%dma_start3A_632, %dma_start3A_633] : memref<10000x128xbf16, #tpu.memory_space<hbm>> -> memref<10000x128xbf16, #tpu.memory_space<hbm>>
        %dma_start3A_635 = tpu.memref_slice %arg18[%dma_start3A_624] : memref<8x!tpu.dma_semaphore, #tpu.memory_space<semaphore_mem>> -> memref<1x!tpu.dma_semaphore, #tpu.memory_space<semaphore_mem>>
        %dma_start3A_636 = tpu.memref_squeeze %dma_start3A_635 : memref<1x!tpu.dma_semaphore, #tpu.memory_space<semaphore_mem>> -> memref<!tpu.dma_semaphore, #tpu.memory_space<semaphore_mem>>
        tpu.enqueue_indirect_dma source(%dma_start3A_634 : memref<10000x128xbf16, #tpu.memory_space<hbm>>) target(%dma_start3A_628 : memref<128x128xbf16, #tpu.memory_space<vmem>>) offsets(%dma_start3A_631 : memref<128xi32, #tpu.memory_space<vmem>>) semaphore(%dma_start3A_636 : memref<!tpu.dma_semaphore, #tpu.memory_space<semaphore_mem>>)
      } else {
      }
      %eq3A_334 = arith.constant 0 : i32
      %eq3A_335 = arith.cmpi eq, %arg0, %eq3A_334 : i32
      %convert_element_type3A_336 = arith.extui %eq3A_335 : i1 to i32
      %cond3A_337 = arith.constant 0 : i32
      %cond3A_338 = arith.cmpi ne, %convert_element_type3A_336, %cond3A_337 : i32
      scf.if %cond3A_338 {
        %dma_start3A_622 = arith.constant 6 : i32
        %dma_start3A_623 = arith.constant 6 : i32
        %dma_start3A_624 = arith.constant 6 : i32
        %dma_start3A_625 = arith.constant 0 : i32
        %dma_start3A_626 = arith.constant 0 : i32
        %dma_start3A_627 = tpu.memref_slice %arg12[%dma_start3A_623, %dma_start3A_625, %dma_start3A_626] : memref<8x128x128xbf16, #tpu.memory_space<vmem>> -> memref<1x128x128xbf16, #tpu.memory_space<vmem>>
        %dma_start3A_628 = tpu.memref_squeeze %dma_start3A_627 : memref<1x128x128xbf16, #tpu.memory_space<vmem>> -> memref<128x128xbf16, #tpu.memory_space<vmem>>
        %dma_start3A_629 = arith.constant 0 : i32
        %dma_start3A_630 = tpu.memref_slice %arg10[%rem3A_222, %dma_start3A_622, %dma_start3A_629] : memref<2x8x128xi32, #tpu.memory_space<vmem>> -> memref<1x1x128xi32, #tpu.memory_space<vmem>>
        %dma_start3A_631 = tpu.memref_squeeze %dma_start3A_630 : memref<1x1x128xi32, #tpu.memory_space<vmem>> -> memref<128xi32, #tpu.memory_space<vmem>>
        %dma_start3A_632 = arith.constant 0 : i32
        %dma_start3A_633 = arith.constant 0 : i32
        %dma_start3A_634 = tpu.memref_slice %arg2[%dma_start3A_632, %dma_start3A_633] : memref<10000x128xbf16, #tpu.memory_space<hbm>> -> memref<10000x128xbf16, #tpu.memory_space<hbm>>
        %dma_start3A_635 = tpu.memref_slice %arg18[%dma_start3A_624] : memref<8x!tpu.dma_semaphore, #tpu.memory_space<semaphore_mem>> -> memref<1x!tpu.dma_semaphore, #tpu.memory_space<semaphore_mem>>
        %dma_start3A_636 = tpu.memref_squeeze %dma_start3A_635 : memref<1x!tpu.dma_semaphore, #tpu.memory_space<semaphore_mem>> -> memref<!tpu.dma_semaphore, #tpu.memory_space<semaphore_mem>>
        tpu.enqueue_indirect_dma source(%dma_start3A_634 : memref<10000x128xbf16, #tpu.memory_space<hbm>>) target(%dma_start3A_628 : memref<128x128xbf16, #tpu.memory_space<vmem>>) offsets(%dma_start3A_631 : memref<128xi32, #tpu.memory_space<vmem>>) semaphore(%dma_start3A_636 : memref<!tpu.dma_semaphore, #tpu.memory_space<semaphore_mem>>)
      } else {
      }
      %eq3A_339 = arith.constant 1 : i32
      %eq3A_340 = arith.cmpi eq, %arg0, %eq3A_339 : i32
      %convert_element_type3A_341 = arith.extui %eq3A_340 : i1 to i32
      %cond3A_342 = arith.constant 0 : i32
      %cond3A_343 = arith.cmpi ne, %convert_element_type3A_341, %cond3A_342 : i32
      scf.if %cond3A_343 {
        %dma_start3A_622 = arith.constant 6 : i32
        %dma_start3A_623 = arith.constant 6 : i32
        %dma_start3A_624 = arith.constant 6 : i32
        %dma_start3A_625 = arith.constant 0 : i32
        %dma_start3A_626 = arith.constant 0 : i32
        %dma_start3A_627 = tpu.memref_slice %arg12[%dma_start3A_623, %dma_start3A_625, %dma_start3A_626] : memref<8x128x128xbf16, #tpu.memory_space<vmem>> -> memref<1x128x128xbf16, #tpu.memory_space<vmem>>
        %dma_start3A_628 = tpu.memref_squeeze %dma_start3A_627 : memref<1x128x128xbf16, #tpu.memory_space<vmem>> -> memref<128x128xbf16, #tpu.memory_space<vmem>>
        %dma_start3A_629 = arith.constant 0 : i32
        %dma_start3A_630 = tpu.memref_slice %arg10[%rem3A_222, %dma_start3A_622, %dma_start3A_629] : memref<2x8x128xi32, #tpu.memory_space<vmem>> -> memref<1x1x128xi32, #tpu.memory_space<vmem>>
        %dma_start3A_631 = tpu.memref_squeeze %dma_start3A_630 : memref<1x1x128xi32, #tpu.memory_space<vmem>> -> memref<128xi32, #tpu.memory_space<vmem>>
        %dma_start3A_632 = arith.constant 0 : i32
        %dma_start3A_633 = arith.constant 0 : i32
        %dma_start3A_634 = tpu.memref_slice %arg3[%dma_start3A_632, %dma_start3A_633] : memref<10000x128xbf16, #tpu.memory_space<hbm>> -> memref<10000x128xbf16, #tpu.memory_space<hbm>>
        %dma_start3A_635 = tpu.memref_slice %arg18[%dma_start3A_624] : memref<8x!tpu.dma_semaphore, #tpu.memory_space<semaphore_mem>> -> memref<1x!tpu.dma_semaphore, #tpu.memory_space<semaphore_mem>>
        %dma_start3A_636 = tpu.memref_squeeze %dma_start3A_635 : memref<1x!tpu.dma_semaphore, #tpu.memory_space<semaphore_mem>> -> memref<!tpu.dma_semaphore, #tpu.memory_space<semaphore_mem>>
        tpu.enqueue_indirect_dma source(%dma_start3A_634 : memref<10000x128xbf16, #tpu.memory_space<hbm>>) target(%dma_start3A_628 : memref<128x128xbf16, #tpu.memory_space<vmem>>) offsets(%dma_start3A_631 : memref<128xi32, #tpu.memory_space<vmem>>) semaphore(%dma_start3A_636 : memref<!tpu.dma_semaphore, #tpu.memory_space<semaphore_mem>>)
      } else {
      }
      %eq3A_344 = arith.constant 0 : i32
      %eq3A_345 = arith.cmpi eq, %arg0, %eq3A_344 : i32
      %convert_element_type3A_346 = arith.extui %eq3A_345 : i1 to i32
      %cond3A_347 = arith.constant 0 : i32
      %cond3A_348 = arith.cmpi ne, %convert_element_type3A_346, %cond3A_347 : i32
      scf.if %cond3A_348 {
        %dma_start3A_622 = arith.constant 7 : i32
        %dma_start3A_623 = arith.constant 7 : i32
        %dma_start3A_624 = arith.constant 7 : i32
        %dma_start3A_625 = arith.constant 0 : i32
        %dma_start3A_626 = arith.constant 0 : i32
        %dma_start3A_627 = tpu.memref_slice %arg12[%dma_start3A_623, %dma_start3A_625, %dma_start3A_626] : memref<8x128x128xbf16, #tpu.memory_space<vmem>> -> memref<1x128x128xbf16, #tpu.memory_space<vmem>>
        %dma_start3A_628 = tpu.memref_squeeze %dma_start3A_627 : memref<1x128x128xbf16, #tpu.memory_space<vmem>> -> memref<128x128xbf16, #tpu.memory_space<vmem>>
        %dma_start3A_629 = arith.constant 0 : i32
        %dma_start3A_630 = tpu.memref_slice %arg10[%rem3A_222, %dma_start3A_622, %dma_start3A_629] : memref<2x8x128xi32, #tpu.memory_space<vmem>> -> memref<1x1x128xi32, #tpu.memory_space<vmem>>
        %dma_start3A_631 = tpu.memref_squeeze %dma_start3A_630 : memref<1x1x128xi32, #tpu.memory_space<vmem>> -> memref<128xi32, #tpu.memory_space<vmem>>
        %dma_start3A_632 = arith.constant 0 : i32
        %dma_start3A_633 = arith.constant 0 : i32
        %dma_start3A_634 = tpu.memref_slice %arg2[%dma_start3A_632, %dma_start3A_633] : memref<10000x128xbf16, #tpu.memory_space<hbm>> -> memref<10000x128xbf16, #tpu.memory_space<hbm>>
        %dma_start3A_635 = tpu.memref_slice %arg18[%dma_start3A_624] : memref<8x!tpu.dma_semaphore, #tpu.memory_space<semaphore_mem>> -> memref<1x!tpu.dma_semaphore, #tpu.memory_space<semaphore_mem>>
        %dma_start3A_636 = tpu.memref_squeeze %dma_start3A_635 : memref<1x!tpu.dma_semaphore, #tpu.memory_space<semaphore_mem>> -> memref<!tpu.dma_semaphore, #tpu.memory_space<semaphore_mem>>
        tpu.enqueue_indirect_dma source(%dma_start3A_634 : memref<10000x128xbf16, #tpu.memory_space<hbm>>) target(%dma_start3A_628 : memref<128x128xbf16, #tpu.memory_space<vmem>>) offsets(%dma_start3A_631 : memref<128xi32, #tpu.memory_space<vmem>>) semaphore(%dma_start3A_636 : memref<!tpu.dma_semaphore, #tpu.memory_space<semaphore_mem>>)
      } else {
      }
      %eq3A_349 = arith.constant 1 : i32
      %eq3A_350 = arith.cmpi eq, %arg0, %eq3A_349 : i32
      %convert_element_type3A_351 = arith.extui %eq3A_350 : i1 to i32
      %cond3A_352 = arith.constant 0 : i32
      %cond3A_353 = arith.cmpi ne, %convert_element_type3A_351, %cond3A_352 : i32
      scf.if %cond3A_353 {
        %dma_start3A_622 = arith.constant 7 : i32
        %dma_start3A_623 = arith.constant 7 : i32
        %dma_start3A_624 = arith.constant 7 : i32
        %dma_start3A_625 = arith.constant 0 : i32
        %dma_start3A_626 = arith.constant 0 : i32
        %dma_start3A_627 = tpu.memref_slice %arg12[%dma_start3A_623, %dma_start3A_625, %dma_start3A_626] : memref<8x128x128xbf16, #tpu.memory_space<vmem>> -> memref<1x128x128xbf16, #tpu.memory_space<vmem>>
        %dma_start3A_628 = tpu.memref_squeeze %dma_start3A_627 : memref<1x128x128xbf16, #tpu.memory_space<vmem>> -> memref<128x128xbf16, #tpu.memory_space<vmem>>
        %dma_start3A_629 = arith.constant 0 : i32
        %dma_start3A_630 = tpu.memref_slice %arg10[%rem3A_222, %dma_start3A_622, %dma_start3A_629] : memref<2x8x128xi32, #tpu.memory_space<vmem>> -> memref<1x1x128xi32, #tpu.memory_space<vmem>>
        %dma_start3A_631 = tpu.memref_squeeze %dma_start3A_630 : memref<1x1x128xi32, #tpu.memory_space<vmem>> -> memref<128xi32, #tpu.memory_space<vmem>>
        %dma_start3A_632 = arith.constant 0 : i32
        %dma_start3A_633 = arith.constant 0 : i32
        %dma_start3A_634 = tpu.memref_slice %arg3[%dma_start3A_632, %dma_start3A_633] : memref<10000x128xbf16, #tpu.memory_space<hbm>> -> memref<10000x128xbf16, #tpu.memory_space<hbm>>
        %dma_start3A_635 = tpu.memref_slice %arg18[%dma_start3A_624] : memref<8x!tpu.dma_semaphore, #tpu.memory_space<semaphore_mem>> -> memref<1x!tpu.dma_semaphore, #tpu.memory_space<semaphore_mem>>
        %dma_start3A_636 = tpu.memref_squeeze %dma_start3A_635 : memref<1x!tpu.dma_semaphore, #tpu.memory_space<semaphore_mem>> -> memref<!tpu.dma_semaphore, #tpu.memory_space<semaphore_mem>>
        tpu.enqueue_indirect_dma source(%dma_start3A_634 : memref<10000x128xbf16, #tpu.memory_space<hbm>>) target(%dma_start3A_628 : memref<128x128xbf16, #tpu.memory_space<vmem>>) offsets(%dma_start3A_631 : memref<128xi32, #tpu.memory_space<vmem>>) semaphore(%dma_start3A_636 : memref<!tpu.dma_semaphore, #tpu.memory_space<semaphore_mem>>)
      } else {
      }
      %dma_wait3A_354 = arith.constant 0 : i32
      %dma_wait3A_355 = arith.constant 0 : i32
      %dma_wait3A_356 = arith.constant 0 : i32
      %dma_wait3A_357 = arith.constant 0 : i32
      %dma_wait3A_358 = arith.constant 0 : i32
      %dma_wait3A_359 = tpu.memref_slice %arg12[%dma_wait3A_355, %dma_wait3A_357, %dma_wait3A_358] : memref<8x128x128xbf16, #tpu.memory_space<vmem>> -> memref<1x128x128xbf16, #tpu.memory_space<vmem>>
      %dma_wait3A_360 = tpu.memref_squeeze %dma_wait3A_359 : memref<1x128x128xbf16, #tpu.memory_space<vmem>> -> memref<128x128xbf16, #tpu.memory_space<vmem>>
      %dma_wait3A_361 = arith.constant 0 : i32
      %dma_wait3A_362 = tpu.memref_slice %arg10[%rem3A_222, %dma_wait3A_354, %dma_wait3A_361] : memref<2x8x128xi32, #tpu.memory_space<vmem>> -> memref<1x1x128xi32, #tpu.memory_space<vmem>>
      %dma_wait3A_363 = tpu.memref_squeeze %dma_wait3A_362 : memref<1x1x128xi32, #tpu.memory_space<vmem>> -> memref<128xi32, #tpu.memory_space<vmem>>
      %dma_wait3A_364 = arith.constant 0 : i32
      %dma_wait3A_365 = arith.constant 0 : i32
      %dma_wait3A_366 = tpu.memref_slice %arg2[%dma_wait3A_364, %dma_wait3A_365] : memref<10000x128xbf16, #tpu.memory_space<hbm>> -> memref<10000x128xbf16, #tpu.memory_space<hbm>>
      %dma_wait3A_367 = tpu.memref_slice %arg18[%dma_wait3A_356] : memref<8x!tpu.dma_semaphore, #tpu.memory_space<semaphore_mem>> -> memref<1x!tpu.dma_semaphore, #tpu.memory_space<semaphore_mem>>
      %dma_wait3A_368 = tpu.memref_squeeze %dma_wait3A_367 : memref<1x!tpu.dma_semaphore, #tpu.memory_space<semaphore_mem>> -> memref<!tpu.dma_semaphore, #tpu.memory_space<semaphore_mem>>
      tpu.wait_indirect_dma semaphore(%dma_wait3A_368 : memref<!tpu.dma_semaphore, #tpu.memory_space<semaphore_mem>>) src(%dma_wait3A_366 : memref<10000x128xbf16, #tpu.memory_space<hbm>>) dst(%dma_wait3A_360 : memref<128x128xbf16, #tpu.memory_space<vmem>>)
      %dma_start3A_369 = arith.constant 0 : i32
      %dma_start3A_370 = arith.constant 0 : i32
      %dma_start3A_371 = arith.constant 0 : i32
      %dma_start3A_372 = arith.constant 0 : i32
      %dma_start3A_373 = arith.constant 0 : i32
      %dma_start3A_374 = tpu.memref_slice %arg12[%dma_start3A_369, %dma_start3A_372, %dma_start3A_373] : memref<8x128x128xbf16, #tpu.memory_space<vmem>> -> memref<1x128x128xbf16, #tpu.memory_space<vmem>>
      %dma_start3A_375 = tpu.memref_squeeze %dma_start3A_374 : memref<1x128x128xbf16, #tpu.memory_space<vmem>> -> memref<128x128xbf16, #tpu.memory_space<vmem>>
      %dma_start3A_376 = arith.constant 0 : i32
      %dma_start3A_377 = tpu.memref_slice %arg11[%rem3A_222, %dma_start3A_370, %dma_start3A_376] : memref<2x8x128xi32, #tpu.memory_space<vmem>> -> memref<1x1x128xi32, #tpu.memory_space<vmem>>
      %dma_start3A_378 = tpu.memref_squeeze %dma_start3A_377 : memref<1x1x128xi32, #tpu.memory_space<vmem>> -> memref<128xi32, #tpu.memory_space<vmem>>
      %dma_start3A_379 = arith.constant 0 : i32
      %dma_start3A_380 = arith.constant 0 : i32
      %dma_start3A_381 = tpu.memref_slice %arg14[%dma_start3A_379, %dma_start3A_380] : memref<10016x128xbf16, #tpu.memory_space<vmem_shared>> -> memref<10016x128xbf16, #tpu.memory_space<vmem_shared>>
      %dma_start3A_382 = tpu.memref_slice %arg19[%dma_start3A_371] : memref<8x!tpu.dma_semaphore, #tpu.memory_space<semaphore_mem>> -> memref<1x!tpu.dma_semaphore, #tpu.memory_space<semaphore_mem>>
      %dma_start3A_383 = tpu.memref_squeeze %dma_start3A_382 : memref<1x!tpu.dma_semaphore, #tpu.memory_space<semaphore_mem>> -> memref<!tpu.dma_semaphore, #tpu.memory_space<semaphore_mem>>
      tpu.enqueue_indirect_dma source(%dma_start3A_375 : memref<128x128xbf16, #tpu.memory_space<vmem>>) target(%dma_start3A_381 : memref<10016x128xbf16, #tpu.memory_space<vmem_shared>>) offsets(%dma_start3A_378 : memref<128xi32, #tpu.memory_space<vmem>>) semaphore(%dma_start3A_383 : memref<!tpu.dma_semaphore, #tpu.memory_space<semaphore_mem>>) {add = true}
      %convert_element_type3A_384 = arith.extui %or3A : i1 to i32
      %cond3A_385 = arith.constant 0 : i32
      %cond3A_386 = arith.cmpi ne, %convert_element_type3A_384, %cond3A_385 : i32
      scf.if %cond3A_386 {
        %dma_start3A_622 = arith.constant 0 : i32
        %dma_start3A_623 = arith.constant 0 : i32
        %dma_start3A_624 = tpu.memref_slice %arg11[%rem3A_222, %dma_start3A_622, %dma_start3A_623] : memref<2x8x128xi32, #tpu.memory_space<vmem>> -> memref<1x1x128xi32, #tpu.memory_space<vmem>>
        %dma_start3A_625 = tpu.memref_squeeze %dma_start3A_624 : memref<1x1x128xi32, #tpu.memory_space<vmem>> -> memref<128xi32, #tpu.memory_space<vmem>>
        %dma_start3A_626 = arith.constant 0 : i32
        %dma_start3A_627 = arith.constant 0 : i32
        %dma_start3A_628 = tpu.memref_slice %arg15[%dma_start3A_626, %dma_start3A_627] : memref<10016x16xf32, #tpu.memory_space<vmem_shared>> -> memref<10016x16xf32, #tpu.memory_space<vmem_shared>>
        tpu.enqueue_indirect_dma source(%arg13 : memref<128x16xf32, #tpu.memory_space<vmem>>) target(%dma_start3A_628 : memref<10016x16xf32, #tpu.memory_space<vmem_shared>>) offsets(%dma_start3A_625 : memref<128xi32, #tpu.memory_space<vmem>>) semaphore(%arg20 : memref<!tpu.dma_semaphore, #tpu.memory_space<semaphore_mem>>) {add = true}
      } else {
      }
      %dma_wait3A_387 = arith.constant 1 : i32
      %dma_wait3A_388 = arith.constant 1 : i32
      %dma_wait3A_389 = arith.constant 1 : i32
      %dma_wait3A_390 = arith.constant 0 : i32
      %dma_wait3A_391 = arith.constant 0 : i32
      %dma_wait3A_392 = tpu.memref_slice %arg12[%dma_wait3A_388, %dma_wait3A_390, %dma_wait3A_391] : memref<8x128x128xbf16, #tpu.memory_space<vmem>> -> memref<1x128x128xbf16, #tpu.memory_space<vmem>>
      %dma_wait3A_393 = tpu.memref_squeeze %dma_wait3A_392 : memref<1x128x128xbf16, #tpu.memory_space<vmem>> -> memref<128x128xbf16, #tpu.memory_space<vmem>>
      %dma_wait3A_394 = arith.constant 0 : i32
      %dma_wait3A_395 = tpu.memref_slice %arg10[%rem3A_222, %dma_wait3A_387, %dma_wait3A_394] : memref<2x8x128xi32, #tpu.memory_space<vmem>> -> memref<1x1x128xi32, #tpu.memory_space<vmem>>
      %dma_wait3A_396 = tpu.memref_squeeze %dma_wait3A_395 : memref<1x1x128xi32, #tpu.memory_space<vmem>> -> memref<128xi32, #tpu.memory_space<vmem>>
      %dma_wait3A_397 = arith.constant 0 : i32
      %dma_wait3A_398 = arith.constant 0 : i32
      %dma_wait3A_399 = tpu.memref_slice %arg2[%dma_wait3A_397, %dma_wait3A_398] : memref<10000x128xbf16, #tpu.memory_space<hbm>> -> memref<10000x128xbf16, #tpu.memory_space<hbm>>
      %dma_wait3A_400 = tpu.memref_slice %arg18[%dma_wait3A_389] : memref<8x!tpu.dma_semaphore, #tpu.memory_space<semaphore_mem>> -> memref<1x!tpu.dma_semaphore, #tpu.memory_space<semaphore_mem>>
      %dma_wait3A_401 = tpu.memref_squeeze %dma_wait3A_400 : memref<1x!tpu.dma_semaphore, #tpu.memory_space<semaphore_mem>> -> memref<!tpu.dma_semaphore, #tpu.memory_space<semaphore_mem>>
      tpu.wait_indirect_dma semaphore(%dma_wait3A_401 : memref<!tpu.dma_semaphore, #tpu.memory_space<semaphore_mem>>) src(%dma_wait3A_399 : memref<10000x128xbf16, #tpu.memory_space<hbm>>) dst(%dma_wait3A_393 : memref<128x128xbf16, #tpu.memory_space<vmem>>)
      %dma_start3A_402 = arith.constant 1 : i32
      %dma_start3A_403 = arith.constant 1 : i32
      %dma_start3A_404 = arith.constant 1 : i32
      %dma_start3A_405 = arith.constant 0 : i32
      %dma_start3A_406 = arith.constant 0 : i32
      %dma_start3A_407 = tpu.memref_slice %arg12[%dma_start3A_402, %dma_start3A_405, %dma_start3A_406] : memref<8x128x128xbf16, #tpu.memory_space<vmem>> -> memref<1x128x128xbf16, #tpu.memory_space<vmem>>
      %dma_start3A_408 = tpu.memref_squeeze %dma_start3A_407 : memref<1x128x128xbf16, #tpu.memory_space<vmem>> -> memref<128x128xbf16, #tpu.memory_space<vmem>>
      %dma_start3A_409 = arith.constant 0 : i32
      %dma_start3A_410 = tpu.memref_slice %arg11[%rem3A_222, %dma_start3A_403, %dma_start3A_409] : memref<2x8x128xi32, #tpu.memory_space<vmem>> -> memref<1x1x128xi32, #tpu.memory_space<vmem>>
      %dma_start3A_411 = tpu.memref_squeeze %dma_start3A_410 : memref<1x1x128xi32, #tpu.memory_space<vmem>> -> memref<128xi32, #tpu.memory_space<vmem>>
      %dma_start3A_412 = arith.constant 0 : i32
      %dma_start3A_413 = arith.constant 0 : i32
      %dma_start3A_414 = tpu.memref_slice %arg14[%dma_start3A_412, %dma_start3A_413] : memref<10016x128xbf16, #tpu.memory_space<vmem_shared>> -> memref<10016x128xbf16, #tpu.memory_space<vmem_shared>>
      %dma_start3A_415 = tpu.memref_slice %arg19[%dma_start3A_404] : memref<8x!tpu.dma_semaphore, #tpu.memory_space<semaphore_mem>> -> memref<1x!tpu.dma_semaphore, #tpu.memory_space<semaphore_mem>>
      %dma_start3A_416 = tpu.memref_squeeze %dma_start3A_415 : memref<1x!tpu.dma_semaphore, #tpu.memory_space<semaphore_mem>> -> memref<!tpu.dma_semaphore, #tpu.memory_space<semaphore_mem>>
      tpu.enqueue_indirect_dma source(%dma_start3A_408 : memref<128x128xbf16, #tpu.memory_space<vmem>>) target(%dma_start3A_414 : memref<10016x128xbf16, #tpu.memory_space<vmem_shared>>) offsets(%dma_start3A_411 : memref<128xi32, #tpu.memory_space<vmem>>) semaphore(%dma_start3A_416 : memref<!tpu.dma_semaphore, #tpu.memory_space<semaphore_mem>>) {add = true}
      %convert_element_type3A_417 = arith.extui %or3A : i1 to i32
      %cond3A_418 = arith.constant 0 : i32
      %cond3A_419 = arith.cmpi ne, %convert_element_type3A_417, %cond3A_418 : i32
      scf.if %cond3A_419 {
        %dma_start3A_622 = arith.constant 1 : i32
        %dma_start3A_623 = arith.constant 0 : i32
        %dma_start3A_624 = tpu.memref_slice %arg11[%rem3A_222, %dma_start3A_622, %dma_start3A_623] : memref<2x8x128xi32, #tpu.memory_space<vmem>> -> memref<1x1x128xi32, #tpu.memory_space<vmem>>
        %dma_start3A_625 = tpu.memref_squeeze %dma_start3A_624 : memref<1x1x128xi32, #tpu.memory_space<vmem>> -> memref<128xi32, #tpu.memory_space<vmem>>
        %dma_start3A_626 = arith.constant 0 : i32
        %dma_start3A_627 = arith.constant 0 : i32
        %dma_start3A_628 = tpu.memref_slice %arg15[%dma_start3A_626, %dma_start3A_627] : memref<10016x16xf32, #tpu.memory_space<vmem_shared>> -> memref<10016x16xf32, #tpu.memory_space<vmem_shared>>
        tpu.enqueue_indirect_dma source(%arg13 : memref<128x16xf32, #tpu.memory_space<vmem>>) target(%dma_start3A_628 : memref<10016x16xf32, #tpu.memory_space<vmem_shared>>) offsets(%dma_start3A_625 : memref<128xi32, #tpu.memory_space<vmem>>) semaphore(%arg20 : memref<!tpu.dma_semaphore, #tpu.memory_space<semaphore_mem>>) {add = true}
      } else {
      }
      %dma_wait3A_420 = arith.constant 2 : i32
      %dma_wait3A_421 = arith.constant 2 : i32
      %dma_wait3A_422 = arith.constant 2 : i32
      %dma_wait3A_423 = arith.constant 0 : i32
      %dma_wait3A_424 = arith.constant 0 : i32
      %dma_wait3A_425 = tpu.memref_slice %arg12[%dma_wait3A_421, %dma_wait3A_423, %dma_wait3A_424] : memref<8x128x128xbf16, #tpu.memory_space<vmem>> -> memref<1x128x128xbf16, #tpu.memory_space<vmem>>
      %dma_wait3A_426 = tpu.memref_squeeze %dma_wait3A_425 : memref<1x128x128xbf16, #tpu.memory_space<vmem>> -> memref<128x128xbf16, #tpu.memory_space<vmem>>
      %dma_wait3A_427 = arith.constant 0 : i32
      %dma_wait3A_428 = tpu.memref_slice %arg10[%rem3A_222, %dma_wait3A_420, %dma_wait3A_427] : memref<2x8x128xi32, #tpu.memory_space<vmem>> -> memref<1x1x128xi32, #tpu.memory_space<vmem>>
      %dma_wait3A_429 = tpu.memref_squeeze %dma_wait3A_428 : memref<1x1x128xi32, #tpu.memory_space<vmem>> -> memref<128xi32, #tpu.memory_space<vmem>>
      %dma_wait3A_430 = arith.constant 0 : i32
      %dma_wait3A_431 = arith.constant 0 : i32
      %dma_wait3A_432 = tpu.memref_slice %arg2[%dma_wait3A_430, %dma_wait3A_431] : memref<10000x128xbf16, #tpu.memory_space<hbm>> -> memref<10000x128xbf16, #tpu.memory_space<hbm>>
      %dma_wait3A_433 = tpu.memref_slice %arg18[%dma_wait3A_422] : memref<8x!tpu.dma_semaphore, #tpu.memory_space<semaphore_mem>> -> memref<1x!tpu.dma_semaphore, #tpu.memory_space<semaphore_mem>>
      %dma_wait3A_434 = tpu.memref_squeeze %dma_wait3A_433 : memref<1x!tpu.dma_semaphore, #tpu.memory_space<semaphore_mem>> -> memref<!tpu.dma_semaphore, #tpu.memory_space<semaphore_mem>>
      tpu.wait_indirect_dma semaphore(%dma_wait3A_434 : memref<!tpu.dma_semaphore, #tpu.memory_space<semaphore_mem>>) src(%dma_wait3A_432 : memref<10000x128xbf16, #tpu.memory_space<hbm>>) dst(%dma_wait3A_426 : memref<128x128xbf16, #tpu.memory_space<vmem>>)
      %dma_start3A_435 = arith.constant 2 : i32
      %dma_start3A_436 = arith.constant 2 : i32
      %dma_start3A_437 = arith.constant 2 : i32
      %dma_start3A_438 = arith.constant 0 : i32
      %dma_start3A_439 = arith.constant 0 : i32
      %dma_start3A_440 = tpu.memref_slice %arg12[%dma_start3A_435, %dma_start3A_438, %dma_start3A_439] : memref<8x128x128xbf16, #tpu.memory_space<vmem>> -> memref<1x128x128xbf16, #tpu.memory_space<vmem>>
      %dma_start3A_441 = tpu.memref_squeeze %dma_start3A_440 : memref<1x128x128xbf16, #tpu.memory_space<vmem>> -> memref<128x128xbf16, #tpu.memory_space<vmem>>
      %dma_start3A_442 = arith.constant 0 : i32
      %dma_start3A_443 = tpu.memref_slice %arg11[%rem3A_222, %dma_start3A_436, %dma_start3A_442] : memref<2x8x128xi32, #tpu.memory_space<vmem>> -> memref<1x1x128xi32, #tpu.memory_space<vmem>>
      %dma_start3A_444 = tpu.memref_squeeze %dma_start3A_443 : memref<1x1x128xi32, #tpu.memory_space<vmem>> -> memref<128xi32, #tpu.memory_space<vmem>>
      %dma_start3A_445 = arith.constant 0 : i32
      %dma_start3A_446 = arith.constant 0 : i32
      %dma_start3A_447 = tpu.memref_slice %arg14[%dma_start3A_445, %dma_start3A_446] : memref<10016x128xbf16, #tpu.memory_space<vmem_shared>> -> memref<10016x128xbf16, #tpu.memory_space<vmem_shared>>
      %dma_start3A_448 = tpu.memref_slice %arg19[%dma_start3A_437] : memref<8x!tpu.dma_semaphore, #tpu.memory_space<semaphore_mem>> -> memref<1x!tpu.dma_semaphore, #tpu.memory_space<semaphore_mem>>
      %dma_start3A_449 = tpu.memref_squeeze %dma_start3A_448 : memref<1x!tpu.dma_semaphore, #tpu.memory_space<semaphore_mem>> -> memref<!tpu.dma_semaphore, #tpu.memory_space<semaphore_mem>>
      tpu.enqueue_indirect_dma source(%dma_start3A_441 : memref<128x128xbf16, #tpu.memory_space<vmem>>) target(%dma_start3A_447 : memref<10016x128xbf16, #tpu.memory_space<vmem_shared>>) offsets(%dma_start3A_444 : memref<128xi32, #tpu.memory_space<vmem>>) semaphore(%dma_start3A_449 : memref<!tpu.dma_semaphore, #tpu.memory_space<semaphore_mem>>) {add = true}
      %convert_element_type3A_450 = arith.extui %or3A : i1 to i32
      %cond3A_451 = arith.constant 0 : i32
      %cond3A_452 = arith.cmpi ne, %convert_element_type3A_450, %cond3A_451 : i32
      scf.if %cond3A_452 {
        %dma_start3A_622 = arith.constant 2 : i32
        %dma_start3A_623 = arith.constant 0 : i32
        %dma_start3A_624 = tpu.memref_slice %arg11[%rem3A_222, %dma_start3A_622, %dma_start3A_623] : memref<2x8x128xi32, #tpu.memory_space<vmem>> -> memref<1x1x128xi32, #tpu.memory_space<vmem>>
        %dma_start3A_625 = tpu.memref_squeeze %dma_start3A_624 : memref<1x1x128xi32, #tpu.memory_space<vmem>> -> memref<128xi32, #tpu.memory_space<vmem>>
        %dma_start3A_626 = arith.constant 0 : i32
        %dma_start3A_627 = arith.constant 0 : i32
        %dma_start3A_628 = tpu.memref_slice %arg15[%dma_start3A_626, %dma_start3A_627] : memref<10016x16xf32, #tpu.memory_space<vmem_shared>> -> memref<10016x16xf32, #tpu.memory_space<vmem_shared>>
        tpu.enqueue_indirect_dma source(%arg13 : memref<128x16xf32, #tpu.memory_space<vmem>>) target(%dma_start3A_628 : memref<10016x16xf32, #tpu.memory_space<vmem_shared>>) offsets(%dma_start3A_625 : memref<128xi32, #tpu.memory_space<vmem>>) semaphore(%arg20 : memref<!tpu.dma_semaphore, #tpu.memory_space<semaphore_mem>>) {add = true}
      } else {
      }
      %dma_wait3A_453 = arith.constant 3 : i32
      %dma_wait3A_454 = arith.constant 3 : i32
      %dma_wait3A_455 = arith.constant 3 : i32
      %dma_wait3A_456 = arith.constant 0 : i32
      %dma_wait3A_457 = arith.constant 0 : i32
      %dma_wait3A_458 = tpu.memref_slice %arg12[%dma_wait3A_454, %dma_wait3A_456, %dma_wait3A_457] : memref<8x128x128xbf16, #tpu.memory_space<vmem>> -> memref<1x128x128xbf16, #tpu.memory_space<vmem>>
      %dma_wait3A_459 = tpu.memref_squeeze %dma_wait3A_458 : memref<1x128x128xbf16, #tpu.memory_space<vmem>> -> memref<128x128xbf16, #tpu.memory_space<vmem>>
      %dma_wait3A_460 = arith.constant 0 : i32
      %dma_wait3A_461 = tpu.memref_slice %arg10[%rem3A_222, %dma_wait3A_453, %dma_wait3A_460] : memref<2x8x128xi32, #tpu.memory_space<vmem>> -> memref<1x1x128xi32, #tpu.memory_space<vmem>>
      %dma_wait3A_462 = tpu.memref_squeeze %dma_wait3A_461 : memref<1x1x128xi32, #tpu.memory_space<vmem>> -> memref<128xi32, #tpu.memory_space<vmem>>
      %dma_wait3A_463 = arith.constant 0 : i32
      %dma_wait3A_464 = arith.constant 0 : i32
      %dma_wait3A_465 = tpu.memref_slice %arg2[%dma_wait3A_463, %dma_wait3A_464] : memref<10000x128xbf16, #tpu.memory_space<hbm>> -> memref<10000x128xbf16, #tpu.memory_space<hbm>>
      %dma_wait3A_466 = tpu.memref_slice %arg18[%dma_wait3A_455] : memref<8x!tpu.dma_semaphore, #tpu.memory_space<semaphore_mem>> -> memref<1x!tpu.dma_semaphore, #tpu.memory_space<semaphore_mem>>
      %dma_wait3A_467 = tpu.memref_squeeze %dma_wait3A_466 : memref<1x!tpu.dma_semaphore, #tpu.memory_space<semaphore_mem>> -> memref<!tpu.dma_semaphore, #tpu.memory_space<semaphore_mem>>
      tpu.wait_indirect_dma semaphore(%dma_wait3A_467 : memref<!tpu.dma_semaphore, #tpu.memory_space<semaphore_mem>>) src(%dma_wait3A_465 : memref<10000x128xbf16, #tpu.memory_space<hbm>>) dst(%dma_wait3A_459 : memref<128x128xbf16, #tpu.memory_space<vmem>>)
      %dma_start3A_468 = arith.constant 3 : i32
      %dma_start3A_469 = arith.constant 3 : i32
      %dma_start3A_470 = arith.constant 3 : i32
      %dma_start3A_471 = arith.constant 0 : i32
      %dma_start3A_472 = arith.constant 0 : i32
      %dma_start3A_473 = tpu.memref_slice %arg12[%dma_start3A_468, %dma_start3A_471, %dma_start3A_472] : memref<8x128x128xbf16, #tpu.memory_space<vmem>> -> memref<1x128x128xbf16, #tpu.memory_space<vmem>>
      %dma_start3A_474 = tpu.memref_squeeze %dma_start3A_473 : memref<1x128x128xbf16, #tpu.memory_space<vmem>> -> memref<128x128xbf16, #tpu.memory_space<vmem>>
      %dma_start3A_475 = arith.constant 0 : i32
      %dma_start3A_476 = tpu.memref_slice %arg11[%rem3A_222, %dma_start3A_469, %dma_start3A_475] : memref<2x8x128xi32, #tpu.memory_space<vmem>> -> memref<1x1x128xi32, #tpu.memory_space<vmem>>
      %dma_start3A_477 = tpu.memref_squeeze %dma_start3A_476 : memref<1x1x128xi32, #tpu.memory_space<vmem>> -> memref<128xi32, #tpu.memory_space<vmem>>
      %dma_start3A_478 = arith.constant 0 : i32
      %dma_start3A_479 = arith.constant 0 : i32
      %dma_start3A_480 = tpu.memref_slice %arg14[%dma_start3A_478, %dma_start3A_479] : memref<10016x128xbf16, #tpu.memory_space<vmem_shared>> -> memref<10016x128xbf16, #tpu.memory_space<vmem_shared>>
      %dma_start3A_481 = tpu.memref_slice %arg19[%dma_start3A_470] : memref<8x!tpu.dma_semaphore, #tpu.memory_space<semaphore_mem>> -> memref<1x!tpu.dma_semaphore, #tpu.memory_space<semaphore_mem>>
      %dma_start3A_482 = tpu.memref_squeeze %dma_start3A_481 : memref<1x!tpu.dma_semaphore, #tpu.memory_space<semaphore_mem>> -> memref<!tpu.dma_semaphore, #tpu.memory_space<semaphore_mem>>
      tpu.enqueue_indirect_dma source(%dma_start3A_474 : memref<128x128xbf16, #tpu.memory_space<vmem>>) target(%dma_start3A_480 : memref<10016x128xbf16, #tpu.memory_space<vmem_shared>>) offsets(%dma_start3A_477 : memref<128xi32, #tpu.memory_space<vmem>>) semaphore(%dma_start3A_482 : memref<!tpu.dma_semaphore, #tpu.memory_space<semaphore_mem>>) {add = true}
      %convert_element_type3A_483 = arith.extui %or3A : i1 to i32
      %cond3A_484 = arith.constant 0 : i32
      %cond3A_485 = arith.cmpi ne, %convert_element_type3A_483, %cond3A_484 : i32
      scf.if %cond3A_485 {
        %dma_start3A_622 = arith.constant 3 : i32
        %dma_start3A_623 = arith.constant 0 : i32
        %dma_start3A_624 = tpu.memref_slice %arg11[%rem3A_222, %dma_start3A_622, %dma_start3A_623] : memref<2x8x128xi32, #tpu.memory_space<vmem>> -> memref<1x1x128xi32, #tpu.memory_space<vmem>>
        %dma_start3A_625 = tpu.memref_squeeze %dma_start3A_624 : memref<1x1x128xi32, #tpu.memory_space<vmem>> -> memref<128xi32, #tpu.memory_space<vmem>>
        %dma_start3A_626 = arith.constant 0 : i32
        %dma_start3A_627 = arith.constant 0 : i32
        %dma_start3A_628 = tpu.memref_slice %arg15[%dma_start3A_626, %dma_start3A_627] : memref<10016x16xf32, #tpu.memory_space<vmem_shared>> -> memref<10016x16xf32, #tpu.memory_space<vmem_shared>>
        tpu.enqueue_indirect_dma source(%arg13 : memref<128x16xf32, #tpu.memory_space<vmem>>) target(%dma_start3A_628 : memref<10016x16xf32, #tpu.memory_space<vmem_shared>>) offsets(%dma_start3A_625 : memref<128xi32, #tpu.memory_space<vmem>>) semaphore(%arg20 : memref<!tpu.dma_semaphore, #tpu.memory_space<semaphore_mem>>) {add = true}
      } else {
      }
      %dma_wait3A_486 = arith.constant 4 : i32
      %dma_wait3A_487 = arith.constant 4 : i32
      %dma_wait3A_488 = arith.constant 4 : i32
      %dma_wait3A_489 = arith.constant 0 : i32
      %dma_wait3A_490 = arith.constant 0 : i32
      %dma_wait3A_491 = tpu.memref_slice %arg12[%dma_wait3A_487, %dma_wait3A_489, %dma_wait3A_490] : memref<8x128x128xbf16, #tpu.memory_space<vmem>> -> memref<1x128x128xbf16, #tpu.memory_space<vmem>>
      %dma_wait3A_492 = tpu.memref_squeeze %dma_wait3A_491 : memref<1x128x128xbf16, #tpu.memory_space<vmem>> -> memref<128x128xbf16, #tpu.memory_space<vmem>>
      %dma_wait3A_493 = arith.constant 0 : i32
      %dma_wait3A_494 = tpu.memref_slice %arg10[%rem3A_222, %dma_wait3A_486, %dma_wait3A_493] : memref<2x8x128xi32, #tpu.memory_space<vmem>> -> memref<1x1x128xi32, #tpu.memory_space<vmem>>
      %dma_wait3A_495 = tpu.memref_squeeze %dma_wait3A_494 : memref<1x1x128xi32, #tpu.memory_space<vmem>> -> memref<128xi32, #tpu.memory_space<vmem>>
      %dma_wait3A_496 = arith.constant 0 : i32
      %dma_wait3A_497 = arith.constant 0 : i32
      %dma_wait3A_498 = tpu.memref_slice %arg2[%dma_wait3A_496, %dma_wait3A_497] : memref<10000x128xbf16, #tpu.memory_space<hbm>> -> memref<10000x128xbf16, #tpu.memory_space<hbm>>
      %dma_wait3A_499 = tpu.memref_slice %arg18[%dma_wait3A_488] : memref<8x!tpu.dma_semaphore, #tpu.memory_space<semaphore_mem>> -> memref<1x!tpu.dma_semaphore, #tpu.memory_space<semaphore_mem>>
      %dma_wait3A_500 = tpu.memref_squeeze %dma_wait3A_499 : memref<1x!tpu.dma_semaphore, #tpu.memory_space<semaphore_mem>> -> memref<!tpu.dma_semaphore, #tpu.memory_space<semaphore_mem>>
      tpu.wait_indirect_dma semaphore(%dma_wait3A_500 : memref<!tpu.dma_semaphore, #tpu.memory_space<semaphore_mem>>) src(%dma_wait3A_498 : memref<10000x128xbf16, #tpu.memory_space<hbm>>) dst(%dma_wait3A_492 : memref<128x128xbf16, #tpu.memory_space<vmem>>)
      %dma_start3A_501 = arith.constant 4 : i32
      %dma_start3A_502 = arith.constant 4 : i32
      %dma_start3A_503 = arith.constant 4 : i32
      %dma_start3A_504 = arith.constant 0 : i32
      %dma_start3A_505 = arith.constant 0 : i32
      %dma_start3A_506 = tpu.memref_slice %arg12[%dma_start3A_501, %dma_start3A_504, %dma_start3A_505] : memref<8x128x128xbf16, #tpu.memory_space<vmem>> -> memref<1x128x128xbf16, #tpu.memory_space<vmem>>
      %dma_start3A_507 = tpu.memref_squeeze %dma_start3A_506 : memref<1x128x128xbf16, #tpu.memory_space<vmem>> -> memref<128x128xbf16, #tpu.memory_space<vmem>>
      %dma_start3A_508 = arith.constant 0 : i32
      %dma_start3A_509 = tpu.memref_slice %arg11[%rem3A_222, %dma_start3A_502, %dma_start3A_508] : memref<2x8x128xi32, #tpu.memory_space<vmem>> -> memref<1x1x128xi32, #tpu.memory_space<vmem>>
      %dma_start3A_510 = tpu.memref_squeeze %dma_start3A_509 : memref<1x1x128xi32, #tpu.memory_space<vmem>> -> memref<128xi32, #tpu.memory_space<vmem>>
      %dma_start3A_511 = arith.constant 0 : i32
      %dma_start3A_512 = arith.constant 0 : i32
      %dma_start3A_513 = tpu.memref_slice %arg14[%dma_start3A_511, %dma_start3A_512] : memref<10016x128xbf16, #tpu.memory_space<vmem_shared>> -> memref<10016x128xbf16, #tpu.memory_space<vmem_shared>>
      %dma_start3A_514 = tpu.memref_slice %arg19[%dma_start3A_503] : memref<8x!tpu.dma_semaphore, #tpu.memory_space<semaphore_mem>> -> memref<1x!tpu.dma_semaphore, #tpu.memory_space<semaphore_mem>>
      %dma_start3A_515 = tpu.memref_squeeze %dma_start3A_514 : memref<1x!tpu.dma_semaphore, #tpu.memory_space<semaphore_mem>> -> memref<!tpu.dma_semaphore, #tpu.memory_space<semaphore_mem>>
      tpu.enqueue_indirect_dma source(%dma_start3A_507 : memref<128x128xbf16, #tpu.memory_space<vmem>>) target(%dma_start3A_513 : memref<10016x128xbf16, #tpu.memory_space<vmem_shared>>) offsets(%dma_start3A_510 : memref<128xi32, #tpu.memory_space<vmem>>) semaphore(%dma_start3A_515 : memref<!tpu.dma_semaphore, #tpu.memory_space<semaphore_mem>>) {add = true}
      %convert_element_type3A_516 = arith.extui %or3A : i1 to i32
      %cond3A_517 = arith.constant 0 : i32
      %cond3A_518 = arith.cmpi ne, %convert_element_type3A_516, %cond3A_517 : i32
      scf.if %cond3A_518 {
        %dma_start3A_622 = arith.constant 4 : i32
        %dma_start3A_623 = arith.constant 0 : i32
        %dma_start3A_624 = tpu.memref_slice %arg11[%rem3A_222, %dma_start3A_622, %dma_start3A_623] : memref<2x8x128xi32, #tpu.memory_space<vmem>> -> memref<1x1x128xi32, #tpu.memory_space<vmem>>
        %dma_start3A_625 = tpu.memref_squeeze %dma_start3A_624 : memref<1x1x128xi32, #tpu.memory_space<vmem>> -> memref<128xi32, #tpu.memory_space<vmem>>
        %dma_start3A_626 = arith.constant 0 : i32
        %dma_start3A_627 = arith.constant 0 : i32
        %dma_start3A_628 = tpu.memref_slice %arg15[%dma_start3A_626, %dma_start3A_627] : memref<10016x16xf32, #tpu.memory_space<vmem_shared>> -> memref<10016x16xf32, #tpu.memory_space<vmem_shared>>
        tpu.enqueue_indirect_dma source(%arg13 : memref<128x16xf32, #tpu.memory_space<vmem>>) target(%dma_start3A_628 : memref<10016x16xf32, #tpu.memory_space<vmem_shared>>) offsets(%dma_start3A_625 : memref<128xi32, #tpu.memory_space<vmem>>) semaphore(%arg20 : memref<!tpu.dma_semaphore, #tpu.memory_space<semaphore_mem>>) {add = true}
      } else {
      }
      %dma_wait3A_519 = arith.constant 5 : i32
      %dma_wait3A_520 = arith.constant 5 : i32
      %dma_wait3A_521 = arith.constant 5 : i32
      %dma_wait3A_522 = arith.constant 0 : i32
      %dma_wait3A_523 = arith.constant 0 : i32
      %dma_wait3A_524 = tpu.memref_slice %arg12[%dma_wait3A_520, %dma_wait3A_522, %dma_wait3A_523] : memref<8x128x128xbf16, #tpu.memory_space<vmem>> -> memref<1x128x128xbf16, #tpu.memory_space<vmem>>
      %dma_wait3A_525 = tpu.memref_squeeze %dma_wait3A_524 : memref<1x128x128xbf16, #tpu.memory_space<vmem>> -> memref<128x128xbf16, #tpu.memory_space<vmem>>
      %dma_wait3A_526 = arith.constant 0 : i32
      %dma_wait3A_527 = tpu.memref_slice %arg10[%rem3A_222, %dma_wait3A_519, %dma_wait3A_526] : memref<2x8x128xi32, #tpu.memory_space<vmem>> -> memref<1x1x128xi32, #tpu.memory_space<vmem>>
      %dma_wait3A_528 = tpu.memref_squeeze %dma_wait3A_527 : memref<1x1x128xi32, #tpu.memory_space<vmem>> -> memref<128xi32, #tpu.memory_space<vmem>>
      %dma_wait3A_529 = arith.constant 0 : i32
      %dma_wait3A_530 = arith.constant 0 : i32
      %dma_wait3A_531 = tpu.memref_slice %arg2[%dma_wait3A_529, %dma_wait3A_530] : memref<10000x128xbf16, #tpu.memory_space<hbm>> -> memref<10000x128xbf16, #tpu.memory_space<hbm>>
      %dma_wait3A_532 = tpu.memref_slice %arg18[%dma_wait3A_521] : memref<8x!tpu.dma_semaphore, #tpu.memory_space<semaphore_mem>> -> memref<1x!tpu.dma_semaphore, #tpu.memory_space<semaphore_mem>>
      %dma_wait3A_533 = tpu.memref_squeeze %dma_wait3A_532 : memref<1x!tpu.dma_semaphore, #tpu.memory_space<semaphore_mem>> -> memref<!tpu.dma_semaphore, #tpu.memory_space<semaphore_mem>>
      tpu.wait_indirect_dma semaphore(%dma_wait3A_533 : memref<!tpu.dma_semaphore, #tpu.memory_space<semaphore_mem>>) src(%dma_wait3A_531 : memref<10000x128xbf16, #tpu.memory_space<hbm>>) dst(%dma_wait3A_525 : memref<128x128xbf16, #tpu.memory_space<vmem>>)
      %dma_start3A_534 = arith.constant 5 : i32
      %dma_start3A_535 = arith.constant 5 : i32
      %dma_start3A_536 = arith.constant 5 : i32
      %dma_start3A_537 = arith.constant 0 : i32
      %dma_start3A_538 = arith.constant 0 : i32
      %dma_start3A_539 = tpu.memref_slice %arg12[%dma_start3A_534, %dma_start3A_537, %dma_start3A_538] : memref<8x128x128xbf16, #tpu.memory_space<vmem>> -> memref<1x128x128xbf16, #tpu.memory_space<vmem>>
      %dma_start3A_540 = tpu.memref_squeeze %dma_start3A_539 : memref<1x128x128xbf16, #tpu.memory_space<vmem>> -> memref<128x128xbf16, #tpu.memory_space<vmem>>
      %dma_start3A_541 = arith.constant 0 : i32
      %dma_start3A_542 = tpu.memref_slice %arg11[%rem3A_222, %dma_start3A_535, %dma_start3A_541] : memref<2x8x128xi32, #tpu.memory_space<vmem>> -> memref<1x1x128xi32, #tpu.memory_space<vmem>>
      %dma_start3A_543 = tpu.memref_squeeze %dma_start3A_542 : memref<1x1x128xi32, #tpu.memory_space<vmem>> -> memref<128xi32, #tpu.memory_space<vmem>>
      %dma_start3A_544 = arith.constant 0 : i32
      %dma_start3A_545 = arith.constant 0 : i32
      %dma_start3A_546 = tpu.memref_slice %arg14[%dma_start3A_544, %dma_start3A_545] : memref<10016x128xbf16, #tpu.memory_space<vmem_shared>> -> memref<10016x128xbf16, #tpu.memory_space<vmem_shared>>
      %dma_start3A_547 = tpu.memref_slice %arg19[%dma_start3A_536] : memref<8x!tpu.dma_semaphore, #tpu.memory_space<semaphore_mem>> -> memref<1x!tpu.dma_semaphore, #tpu.memory_space<semaphore_mem>>
      %dma_start3A_548 = tpu.memref_squeeze %dma_start3A_547 : memref<1x!tpu.dma_semaphore, #tpu.memory_space<semaphore_mem>> -> memref<!tpu.dma_semaphore, #tpu.memory_space<semaphore_mem>>
      tpu.enqueue_indirect_dma source(%dma_start3A_540 : memref<128x128xbf16, #tpu.memory_space<vmem>>) target(%dma_start3A_546 : memref<10016x128xbf16, #tpu.memory_space<vmem_shared>>) offsets(%dma_start3A_543 : memref<128xi32, #tpu.memory_space<vmem>>) semaphore(%dma_start3A_548 : memref<!tpu.dma_semaphore, #tpu.memory_space<semaphore_mem>>) {add = true}
      %convert_element_type3A_549 = arith.extui %or3A : i1 to i32
      %cond3A_550 = arith.constant 0 : i32
      %cond3A_551 = arith.cmpi ne, %convert_element_type3A_549, %cond3A_550 : i32
      scf.if %cond3A_551 {
        %dma_start3A_622 = arith.constant 5 : i32
        %dma_start3A_623 = arith.constant 0 : i32
        %dma_start3A_624 = tpu.memref_slice %arg11[%rem3A_222, %dma_start3A_622, %dma_start3A_623] : memref<2x8x128xi32, #tpu.memory_space<vmem>> -> memref<1x1x128xi32, #tpu.memory_space<vmem>>
        %dma_start3A_625 = tpu.memref_squeeze %dma_start3A_624 : memref<1x1x128xi32, #tpu.memory_space<vmem>> -> memref<128xi32, #tpu.memory_space<vmem>>
        %dma_start3A_626 = arith.constant 0 : i32
        %dma_start3A_627 = arith.constant 0 : i32
        %dma_start3A_628 = tpu.memref_slice %arg15[%dma_start3A_626, %dma_start3A_627] : memref<10016x16xf32, #tpu.memory_space<vmem_shared>> -> memref<10016x16xf32, #tpu.memory_space<vmem_shared>>
        tpu.enqueue_indirect_dma source(%arg13 : memref<128x16xf32, #tpu.memory_space<vmem>>) target(%dma_start3A_628 : memref<10016x16xf32, #tpu.memory_space<vmem_shared>>) offsets(%dma_start3A_625 : memref<128xi32, #tpu.memory_space<vmem>>) semaphore(%arg20 : memref<!tpu.dma_semaphore, #tpu.memory_space<semaphore_mem>>) {add = true}
      } else {
      }
      %dma_wait3A_552 = arith.constant 6 : i32
      %dma_wait3A_553 = arith.constant 6 : i32
      %dma_wait3A_554 = arith.constant 6 : i32
      %dma_wait3A_555 = arith.constant 0 : i32
      %dma_wait3A_556 = arith.constant 0 : i32
      %dma_wait3A_557 = tpu.memref_slice %arg12[%dma_wait3A_553, %dma_wait3A_555, %dma_wait3A_556] : memref<8x128x128xbf16, #tpu.memory_space<vmem>> -> memref<1x128x128xbf16, #tpu.memory_space<vmem>>
      %dma_wait3A_558 = tpu.memref_squeeze %dma_wait3A_557 : memref<1x128x128xbf16, #tpu.memory_space<vmem>> -> memref<128x128xbf16, #tpu.memory_space<vmem>>
      %dma_wait3A_559 = arith.constant 0 : i32
      %dma_wait3A_560 = tpu.memref_slice %arg10[%rem3A_222, %dma_wait3A_552, %dma_wait3A_559] : memref<2x8x128xi32, #tpu.memory_space<vmem>> -> memref<1x1x128xi32, #tpu.memory_space<vmem>>
      %dma_wait3A_561 = tpu.memref_squeeze %dma_wait3A_560 : memref<1x1x128xi32, #tpu.memory_space<vmem>> -> memref<128xi32, #tpu.memory_space<vmem>>
      %dma_wait3A_562 = arith.constant 0 : i32
      %dma_wait3A_563 = arith.constant 0 : i32
      %dma_wait3A_564 = tpu.memref_slice %arg2[%dma_wait3A_562, %dma_wait3A_563] : memref<10000x128xbf16, #tpu.memory_space<hbm>> -> memref<10000x128xbf16, #tpu.memory_space<hbm>>
      %dma_wait3A_565 = tpu.memref_slice %arg18[%dma_wait3A_554] : memref<8x!tpu.dma_semaphore, #tpu.memory_space<semaphore_mem>> -> memref<1x!tpu.dma_semaphore, #tpu.memory_space<semaphore_mem>>
      %dma_wait3A_566 = tpu.memref_squeeze %dma_wait3A_565 : memref<1x!tpu.dma_semaphore, #tpu.memory_space<semaphore_mem>> -> memref<!tpu.dma_semaphore, #tpu.memory_space<semaphore_mem>>
      tpu.wait_indirect_dma semaphore(%dma_wait3A_566 : memref<!tpu.dma_semaphore, #tpu.memory_space<semaphore_mem>>) src(%dma_wait3A_564 : memref<10000x128xbf16, #tpu.memory_space<hbm>>) dst(%dma_wait3A_558 : memref<128x128xbf16, #tpu.memory_space<vmem>>)
      %dma_start3A_567 = arith.constant 6 : i32
      %dma_start3A_568 = arith.constant 6 : i32
      %dma_start3A_569 = arith.constant 6 : i32
      %dma_start3A_570 = arith.constant 0 : i32
      %dma_start3A_571 = arith.constant 0 : i32
      %dma_start3A_572 = tpu.memref_slice %arg12[%dma_start3A_567, %dma_start3A_570, %dma_start3A_571] : memref<8x128x128xbf16, #tpu.memory_space<vmem>> -> memref<1x128x128xbf16, #tpu.memory_space<vmem>>
      %dma_start3A_573 = tpu.memref_squeeze %dma_start3A_572 : memref<1x128x128xbf16, #tpu.memory_space<vmem>> -> memref<128x128xbf16, #tpu.memory_space<vmem>>
      %dma_start3A_574 = arith.constant 0 : i32
      %dma_start3A_575 = tpu.memref_slice %arg11[%rem3A_222, %dma_start3A_568, %dma_start3A_574] : memref<2x8x128xi32, #tpu.memory_space<vmem>> -> memref<1x1x128xi32, #tpu.memory_space<vmem>>
      %dma_start3A_576 = tpu.memref_squeeze %dma_start3A_575 : memref<1x1x128xi32, #tpu.memory_space<vmem>> -> memref<128xi32, #tpu.memory_space<vmem>>
      %dma_start3A_577 = arith.constant 0 : i32
      %dma_start3A_578 = arith.constant 0 : i32
      %dma_start3A_579 = tpu.memref_slice %arg14[%dma_start3A_577, %dma_start3A_578] : memref<10016x128xbf16, #tpu.memory_space<vmem_shared>> -> memref<10016x128xbf16, #tpu.memory_space<vmem_shared>>
      %dma_start3A_580 = tpu.memref_slice %arg19[%dma_start3A_569] : memref<8x!tpu.dma_semaphore, #tpu.memory_space<semaphore_mem>> -> memref<1x!tpu.dma_semaphore, #tpu.memory_space<semaphore_mem>>
      %dma_start3A_581 = tpu.memref_squeeze %dma_start3A_580 : memref<1x!tpu.dma_semaphore, #tpu.memory_space<semaphore_mem>> -> memref<!tpu.dma_semaphore, #tpu.memory_space<semaphore_mem>>
      tpu.enqueue_indirect_dma source(%dma_start3A_573 : memref<128x128xbf16, #tpu.memory_space<vmem>>) target(%dma_start3A_579 : memref<10016x128xbf16, #tpu.memory_space<vmem_shared>>) offsets(%dma_start3A_576 : memref<128xi32, #tpu.memory_space<vmem>>) semaphore(%dma_start3A_581 : memref<!tpu.dma_semaphore, #tpu.memory_space<semaphore_mem>>) {add = true}
      %convert_element_type3A_582 = arith.extui %or3A : i1 to i32
      %cond3A_583 = arith.constant 0 : i32
      %cond3A_584 = arith.cmpi ne, %convert_element_type3A_582, %cond3A_583 : i32
      scf.if %cond3A_584 {
        %dma_start3A_622 = arith.constant 6 : i32
        %dma_start3A_623 = arith.constant 0 : i32
        %dma_start3A_624 = tpu.memref_slice %arg11[%rem3A_222, %dma_start3A_622, %dma_start3A_623] : memref<2x8x128xi32, #tpu.memory_space<vmem>> -> memref<1x1x128xi32, #tpu.memory_space<vmem>>
        %dma_start3A_625 = tpu.memref_squeeze %dma_start3A_624 : memref<1x1x128xi32, #tpu.memory_space<vmem>> -> memref<128xi32, #tpu.memory_space<vmem>>
        %dma_start3A_626 = arith.constant 0 : i32
        %dma_start3A_627 = arith.constant 0 : i32
        %dma_start3A_628 = tpu.memref_slice %arg15[%dma_start3A_626, %dma_start3A_627] : memref<10016x16xf32, #tpu.memory_space<vmem_shared>> -> memref<10016x16xf32, #tpu.memory_space<vmem_shared>>
        tpu.enqueue_indirect_dma source(%arg13 : memref<128x16xf32, #tpu.memory_space<vmem>>) target(%dma_start3A_628 : memref<10016x16xf32, #tpu.memory_space<vmem_shared>>) offsets(%dma_start3A_625 : memref<128xi32, #tpu.memory_space<vmem>>) semaphore(%arg20 : memref<!tpu.dma_semaphore, #tpu.memory_space<semaphore_mem>>) {add = true}
      } else {
      }
      %dma_wait3A_585 = arith.constant 7 : i32
      %dma_wait3A_586 = arith.constant 7 : i32
      %dma_wait3A_587 = arith.constant 7 : i32
      %dma_wait3A_588 = arith.constant 0 : i32
      %dma_wait3A_589 = arith.constant 0 : i32
      %dma_wait3A_590 = tpu.memref_slice %arg12[%dma_wait3A_586, %dma_wait3A_588, %dma_wait3A_589] : memref<8x128x128xbf16, #tpu.memory_space<vmem>> -> memref<1x128x128xbf16, #tpu.memory_space<vmem>>
      %dma_wait3A_591 = tpu.memref_squeeze %dma_wait3A_590 : memref<1x128x128xbf16, #tpu.memory_space<vmem>> -> memref<128x128xbf16, #tpu.memory_space<vmem>>
      %dma_wait3A_592 = arith.constant 0 : i32
      %dma_wait3A_593 = tpu.memref_slice %arg10[%rem3A_222, %dma_wait3A_585, %dma_wait3A_592] : memref<2x8x128xi32, #tpu.memory_space<vmem>> -> memref<1x1x128xi32, #tpu.memory_space<vmem>>
      %dma_wait3A_594 = tpu.memref_squeeze %dma_wait3A_593 : memref<1x1x128xi32, #tpu.memory_space<vmem>> -> memref<128xi32, #tpu.memory_space<vmem>>
      %dma_wait3A_595 = arith.constant 0 : i32
      %dma_wait3A_596 = arith.constant 0 : i32
      %dma_wait3A_597 = tpu.memref_slice %arg2[%dma_wait3A_595, %dma_wait3A_596] : memref<10000x128xbf16, #tpu.memory_space<hbm>> -> memref<10000x128xbf16, #tpu.memory_space<hbm>>
      %dma_wait3A_598 = tpu.memref_slice %arg18[%dma_wait3A_587] : memref<8x!tpu.dma_semaphore, #tpu.memory_space<semaphore_mem>> -> memref<1x!tpu.dma_semaphore, #tpu.memory_space<semaphore_mem>>
      %dma_wait3A_599 = tpu.memref_squeeze %dma_wait3A_598 : memref<1x!tpu.dma_semaphore, #tpu.memory_space<semaphore_mem>> -> memref<!tpu.dma_semaphore, #tpu.memory_space<semaphore_mem>>
      tpu.wait_indirect_dma semaphore(%dma_wait3A_599 : memref<!tpu.dma_semaphore, #tpu.memory_space<semaphore_mem>>) src(%dma_wait3A_597 : memref<10000x128xbf16, #tpu.memory_space<hbm>>) dst(%dma_wait3A_591 : memref<128x128xbf16, #tpu.memory_space<vmem>>)
      %dma_start3A_600 = arith.constant 7 : i32
      %dma_start3A_601 = arith.constant 7 : i32
      %dma_start3A_602 = arith.constant 7 : i32
      %dma_start3A_603 = arith.constant 0 : i32
      %dma_start3A_604 = arith.constant 0 : i32
      %dma_start3A_605 = tpu.memref_slice %arg12[%dma_start3A_600, %dma_start3A_603, %dma_start3A_604] : memref<8x128x128xbf16, #tpu.memory_space<vmem>> -> memref<1x128x128xbf16, #tpu.memory_space<vmem>>
      %dma_start3A_606 = tpu.memref_squeeze %dma_start3A_605 : memref<1x128x128xbf16, #tpu.memory_space<vmem>> -> memref<128x128xbf16, #tpu.memory_space<vmem>>
      %dma_start3A_607 = arith.constant 0 : i32
      %dma_start3A_608 = tpu.memref_slice %arg11[%rem3A_222, %dma_start3A_601, %dma_start3A_607] : memref<2x8x128xi32, #tpu.memory_space<vmem>> -> memref<1x1x128xi32, #tpu.memory_space<vmem>>
      %dma_start3A_609 = tpu.memref_squeeze %dma_start3A_608 : memref<1x1x128xi32, #tpu.memory_space<vmem>> -> memref<128xi32, #tpu.memory_space<vmem>>
      %dma_start3A_610 = arith.constant 0 : i32
      %dma_start3A_611 = arith.constant 0 : i32
      %dma_start3A_612 = tpu.memref_slice %arg14[%dma_start3A_610, %dma_start3A_611] : memref<10016x128xbf16, #tpu.memory_space<vmem_shared>> -> memref<10016x128xbf16, #tpu.memory_space<vmem_shared>>
      %dma_start3A_613 = tpu.memref_slice %arg19[%dma_start3A_602] : memref<8x!tpu.dma_semaphore, #tpu.memory_space<semaphore_mem>> -> memref<1x!tpu.dma_semaphore, #tpu.memory_space<semaphore_mem>>
      %dma_start3A_614 = tpu.memref_squeeze %dma_start3A_613 : memref<1x!tpu.dma_semaphore, #tpu.memory_space<semaphore_mem>> -> memref<!tpu.dma_semaphore, #tpu.memory_space<semaphore_mem>>
      tpu.enqueue_indirect_dma source(%dma_start3A_606 : memref<128x128xbf16, #tpu.memory_space<vmem>>) target(%dma_start3A_612 : memref<10016x128xbf16, #tpu.memory_space<vmem_shared>>) offsets(%dma_start3A_609 : memref<128xi32, #tpu.memory_space<vmem>>) semaphore(%dma_start3A_614 : memref<!tpu.dma_semaphore, #tpu.memory_space<semaphore_mem>>) {add = true}
      %convert_element_type3A_615 = arith.extui %or3A : i1 to i32
      %cond3A_616 = arith.constant 0 : i32
      %cond3A_617 = arith.cmpi ne, %convert_element_type3A_615, %cond3A_616 : i32
      scf.if %cond3A_617 {
        %dma_start3A_622 = arith.constant 7 : i32
        %dma_start3A_623 = arith.constant 0 : i32
        %dma_start3A_624 = tpu.memref_slice %arg11[%rem3A_222, %dma_start3A_622, %dma_start3A_623] : memref<2x8x128xi32, #tpu.memory_space<vmem>> -> memref<1x1x128xi32, #tpu.memory_space<vmem>>
        %dma_start3A_625 = tpu.memref_squeeze %dma_start3A_624 : memref<1x1x128xi32, #tpu.memory_space<vmem>> -> memref<128xi32, #tpu.memory_space<vmem>>
        %dma_start3A_626 = arith.constant 0 : i32
        %dma_start3A_627 = arith.constant 0 : i32
        %dma_start3A_628 = tpu.memref_slice %arg15[%dma_start3A_626, %dma_start3A_627] : memref<10016x16xf32, #tpu.memory_space<vmem_shared>> -> memref<10016x16xf32, #tpu.memory_space<vmem_shared>>
        tpu.enqueue_indirect_dma source(%arg13 : memref<128x16xf32, #tpu.memory_space<vmem>>) target(%dma_start3A_628 : memref<10016x16xf32, #tpu.memory_space<vmem_shared>>) offsets(%dma_start3A_625 : memref<128xi32, #tpu.memory_space<vmem>>) semaphore(%arg20 : memref<!tpu.dma_semaphore, #tpu.memory_space<semaphore_mem>>) {add = true}
      } else {
      }
      %convert_element_type3A_618 = arith.extui %or3A : i1 to i32
      %cond3A_619 = arith.constant 0 : i32
      %cond3A_620 = arith.cmpi ne, %convert_element_type3A_618, %cond3A_619 : i32
      scf.if %cond3A_620 {
        %dma_wait3A_622 = arith.constant 0 : i32
        %dma_wait3A_623 = arith.constant 0 : i32
        %dma_wait3A_624 = tpu.memref_slice %arg11[%rem3A_222, %dma_wait3A_622, %dma_wait3A_623] : memref<2x8x128xi32, #tpu.memory_space<vmem>> -> memref<1x1x128xi32, #tpu.memory_space<vmem>>
        %dma_wait3A_625 = tpu.memref_squeeze %dma_wait3A_624 : memref<1x1x128xi32, #tpu.memory_space<vmem>> -> memref<128xi32, #tpu.memory_space<vmem>>
        %dma_wait3A_626 = arith.constant 0 : i32
        %dma_wait3A_627 = arith.constant 0 : i32
        %dma_wait3A_628 = tpu.memref_slice %arg15[%dma_wait3A_626, %dma_wait3A_627] : memref<10016x16xf32, #tpu.memory_space<vmem_shared>> -> memref<10016x16xf32, #tpu.memory_space<vmem_shared>>
        tpu.wait_indirect_dma semaphore(%arg20 : memref<!tpu.dma_semaphore, #tpu.memory_space<semaphore_mem>>) src(%arg13 : memref<128x16xf32, #tpu.memory_space<vmem>>) dst(%dma_wait3A_628 : memref<10016x16xf32, #tpu.memory_space<vmem_shared>>)
        %dma_wait3A_629 = arith.constant 1 : i32
        %dma_wait3A_630 = arith.constant 0 : i32
        %dma_wait3A_631 = tpu.memref_slice %arg11[%rem3A_222, %dma_wait3A_629, %dma_wait3A_630] : memref<2x8x128xi32, #tpu.memory_space<vmem>> -> memref<1x1x128xi32, #tpu.memory_space<vmem>>
        %dma_wait3A_632 = tpu.memref_squeeze %dma_wait3A_631 : memref<1x1x128xi32, #tpu.memory_space<vmem>> -> memref<128xi32, #tpu.memory_space<vmem>>
        %dma_wait3A_633 = arith.constant 0 : i32
        %dma_wait3A_634 = arith.constant 0 : i32
        %dma_wait3A_635 = tpu.memref_slice %arg15[%dma_wait3A_633, %dma_wait3A_634] : memref<10016x16xf32, #tpu.memory_space<vmem_shared>> -> memref<10016x16xf32, #tpu.memory_space<vmem_shared>>
        tpu.wait_indirect_dma semaphore(%arg20 : memref<!tpu.dma_semaphore, #tpu.memory_space<semaphore_mem>>) src(%arg13 : memref<128x16xf32, #tpu.memory_space<vmem>>) dst(%dma_wait3A_635 : memref<10016x16xf32, #tpu.memory_space<vmem_shared>>)
        %dma_wait3A_636 = arith.constant 2 : i32
        %dma_wait3A_637 = arith.constant 0 : i32
        %dma_wait3A_638 = tpu.memref_slice %arg11[%rem3A_222, %dma_wait3A_636, %dma_wait3A_637] : memref<2x8x128xi32, #tpu.memory_space<vmem>> -> memref<1x1x128xi32, #tpu.memory_space<vmem>>
        %dma_wait3A_639 = tpu.memref_squeeze %dma_wait3A_638 : memref<1x1x128xi32, #tpu.memory_space<vmem>> -> memref<128xi32, #tpu.memory_space<vmem>>
        %dma_wait3A_640 = arith.constant 0 : i32
        %dma_wait3A_641 = arith.constant 0 : i32
        %dma_wait3A_642 = tpu.memref_slice %arg15[%dma_wait3A_640, %dma_wait3A_641] : memref<10016x16xf32, #tpu.memory_space<vmem_shared>> -> memref<10016x16xf32, #tpu.memory_space<vmem_shared>>
        tpu.wait_indirect_dma semaphore(%arg20 : memref<!tpu.dma_semaphore, #tpu.memory_space<semaphore_mem>>) src(%arg13 : memref<128x16xf32, #tpu.memory_space<vmem>>) dst(%dma_wait3A_642 : memref<10016x16xf32, #tpu.memory_space<vmem_shared>>)
        %dma_wait3A_643 = arith.constant 3 : i32
        %dma_wait3A_644 = arith.constant 0 : i32
        %dma_wait3A_645 = tpu.memref_slice %arg11[%rem3A_222, %dma_wait3A_643, %dma_wait3A_644] : memref<2x8x128xi32, #tpu.memory_space<vmem>> -> memref<1x1x128xi32, #tpu.memory_space<vmem>>
        %dma_wait3A_646 = tpu.memref_squeeze %dma_wait3A_645 : memref<1x1x128xi32, #tpu.memory_space<vmem>> -> memref<128xi32, #tpu.memory_space<vmem>>
        %dma_wait3A_647 = arith.constant 0 : i32
        %dma_wait3A_648 = arith.constant 0 : i32
        %dma_wait3A_649 = tpu.memref_slice %arg15[%dma_wait3A_647, %dma_wait3A_648] : memref<10016x16xf32, #tpu.memory_space<vmem_shared>> -> memref<10016x16xf32, #tpu.memory_space<vmem_shared>>
        tpu.wait_indirect_dma semaphore(%arg20 : memref<!tpu.dma_semaphore, #tpu.memory_space<semaphore_mem>>) src(%arg13 : memref<128x16xf32, #tpu.memory_space<vmem>>) dst(%dma_wait3A_649 : memref<10016x16xf32, #tpu.memory_space<vmem_shared>>)
        %dma_wait3A_650 = arith.constant 4 : i32
        %dma_wait3A_651 = arith.constant 0 : i32
        %dma_wait3A_652 = tpu.memref_slice %arg11[%rem3A_222, %dma_wait3A_650, %dma_wait3A_651] : memref<2x8x128xi32, #tpu.memory_space<vmem>> -> memref<1x1x128xi32, #tpu.memory_space<vmem>>
        %dma_wait3A_653 = tpu.memref_squeeze %dma_wait3A_652 : memref<1x1x128xi32, #tpu.memory_space<vmem>> -> memref<128xi32, #tpu.memory_space<vmem>>
        %dma_wait3A_654 = arith.constant 0 : i32
        %dma_wait3A_655 = arith.constant 0 : i32
        %dma_wait3A_656 = tpu.memref_slice %arg15[%dma_wait3A_654, %dma_wait3A_655] : memref<10016x16xf32, #tpu.memory_space<vmem_shared>> -> memref<10016x16xf32, #tpu.memory_space<vmem_shared>>
        tpu.wait_indirect_dma semaphore(%arg20 : memref<!tpu.dma_semaphore, #tpu.memory_space<semaphore_mem>>) src(%arg13 : memref<128x16xf32, #tpu.memory_space<vmem>>) dst(%dma_wait3A_656 : memref<10016x16xf32, #tpu.memory_space<vmem_shared>>)
        %dma_wait3A_657 = arith.constant 5 : i32
        %dma_wait3A_658 = arith.constant 0 : i32
        %dma_wait3A_659 = tpu.memref_slice %arg11[%rem3A_222, %dma_wait3A_657, %dma_wait3A_658] : memref<2x8x128xi32, #tpu.memory_space<vmem>> -> memref<1x1x128xi32, #tpu.memory_space<vmem>>
        %dma_wait3A_660 = tpu.memref_squeeze %dma_wait3A_659 : memref<1x1x128xi32, #tpu.memory_space<vmem>> -> memref<128xi32, #tpu.memory_space<vmem>>
        %dma_wait3A_661 = arith.constant 0 : i32
        %dma_wait3A_662 = arith.constant 0 : i32
        %dma_wait3A_663 = tpu.memref_slice %arg15[%dma_wait3A_661, %dma_wait3A_662] : memref<10016x16xf32, #tpu.memory_space<vmem_shared>> -> memref<10016x16xf32, #tpu.memory_space<vmem_shared>>
        tpu.wait_indirect_dma semaphore(%arg20 : memref<!tpu.dma_semaphore, #tpu.memory_space<semaphore_mem>>) src(%arg13 : memref<128x16xf32, #tpu.memory_space<vmem>>) dst(%dma_wait3A_663 : memref<10016x16xf32, #tpu.memory_space<vmem_shared>>)
        %dma_wait3A_664 = arith.constant 6 : i32
        %dma_wait3A_665 = arith.constant 0 : i32
        %dma_wait3A_666 = tpu.memref_slice %arg11[%rem3A_222, %dma_wait3A_664, %dma_wait3A_665] : memref<2x8x128xi32, #tpu.memory_space<vmem>> -> memref<1x1x128xi32, #tpu.memory_space<vmem>>
        %dma_wait3A_667 = tpu.memref_squeeze %dma_wait3A_666 : memref<1x1x128xi32, #tpu.memory_space<vmem>> -> memref<128xi32, #tpu.memory_space<vmem>>
        %dma_wait3A_668 = arith.constant 0 : i32
        %dma_wait3A_669 = arith.constant 0 : i32
        %dma_wait3A_670 = tpu.memref_slice %arg15[%dma_wait3A_668, %dma_wait3A_669] : memref<10016x16xf32, #tpu.memory_space<vmem_shared>> -> memref<10016x16xf32, #tpu.memory_space<vmem_shared>>
        tpu.wait_indirect_dma semaphore(%arg20 : memref<!tpu.dma_semaphore, #tpu.memory_space<semaphore_mem>>) src(%arg13 : memref<128x16xf32, #tpu.memory_space<vmem>>) dst(%dma_wait3A_670 : memref<10016x16xf32, #tpu.memory_space<vmem_shared>>)
        %dma_wait3A_671 = arith.constant 7 : i32
        %dma_wait3A_672 = arith.constant 0 : i32
        %dma_wait3A_673 = tpu.memref_slice %arg11[%rem3A_222, %dma_wait3A_671, %dma_wait3A_672] : memref<2x8x128xi32, #tpu.memory_space<vmem>> -> memref<1x1x128xi32, #tpu.memory_space<vmem>>
        %dma_wait3A_674 = tpu.memref_squeeze %dma_wait3A_673 : memref<1x1x128xi32, #tpu.memory_space<vmem>> -> memref<128xi32, #tpu.memory_space<vmem>>
        %dma_wait3A_675 = arith.constant 0 : i32
        %dma_wait3A_676 = arith.constant 0 : i32
        %dma_wait3A_677 = tpu.memref_slice %arg15[%dma_wait3A_675, %dma_wait3A_676] : memref<10016x16xf32, #tpu.memory_space<vmem_shared>> -> memref<10016x16xf32, #tpu.memory_space<vmem_shared>>
        tpu.wait_indirect_dma semaphore(%arg20 : memref<!tpu.dma_semaphore, #tpu.memory_space<semaphore_mem>>) src(%arg13 : memref<128x16xf32, #tpu.memory_space<vmem>>) dst(%dma_wait3A_677 : memref<10016x16xf32, #tpu.memory_space<vmem_shared>>)
      } else {
      }
      %scan3A_621 = arith.constant 0 : i32
      scf.yield %scan3A_621 : i32
    }
    %scan3A_84 = arith.constant 10 : i32
    %dma_wait3A = arith.constant 0 : i32
    %dma_wait3A_85 = arith.constant 0 : i32
    %dma_wait3A_86 = arith.constant 0 : i32
    %dma_wait3A_87 = arith.constant 0 : i32
    %dma_wait3A_88 = arith.constant 0 : i32
    %dma_wait3A_89 = arith.constant 0 : i32
    %dma_wait3A_90 = tpu.memref_slice %arg12[%dma_wait3A, %dma_wait3A_88, %dma_wait3A_89] : memref<8x128x128xbf16, #tpu.memory_space<vmem>> -> memref<1x128x128xbf16, #tpu.memory_space<vmem>>
    %dma_wait3A_91 = tpu.memref_squeeze %dma_wait3A_90 : memref<1x128x128xbf16, #tpu.memory_space<vmem>> -> memref<128x128xbf16, #tpu.memory_space<vmem>>
    %dma_wait3A_92 = arith.constant 0 : i32
    %dma_wait3A_93 = tpu.memref_slice %arg11[%dma_wait3A_85, %dma_wait3A_86, %dma_wait3A_92] : memref<2x8x128xi32, #tpu.memory_space<vmem>> -> memref<1x1x128xi32, #tpu.memory_space<vmem>>
    %dma_wait3A_94 = tpu.memref_squeeze %dma_wait3A_93 : memref<1x1x128xi32, #tpu.memory_space<vmem>> -> memref<128xi32, #tpu.memory_space<vmem>>
    %dma_wait3A_95 = arith.constant 0 : i32
    %dma_wait3A_96 = arith.constant 0 : i32
    %dma_wait3A_97 = tpu.memref_slice %arg14[%dma_wait3A_95, %dma_wait3A_96] : memref<10016x128xbf16, #tpu.memory_space<vmem_shared>> -> memref<10016x128xbf16, #tpu.memory_space<vmem_shared>>
    %dma_wait3A_98 = tpu.memref_slice %arg19[%dma_wait3A_87] : memref<8x!tpu.dma_semaphore, #tpu.memory_space<semaphore_mem>> -> memref<1x!tpu.dma_semaphore, #tpu.memory_space<semaphore_mem>>
    %dma_wait3A_99 = tpu.memref_squeeze %dma_wait3A_98 : memref<1x!tpu.dma_semaphore, #tpu.memory_space<semaphore_mem>> -> memref<!tpu.dma_semaphore, #tpu.memory_space<semaphore_mem>>
    tpu.wait_indirect_dma semaphore(%dma_wait3A_99 : memref<!tpu.dma_semaphore, #tpu.memory_space<semaphore_mem>>) src(%dma_wait3A_91 : memref<128x128xbf16, #tpu.memory_space<vmem>>) dst(%dma_wait3A_97 : memref<10016x128xbf16, #tpu.memory_space<vmem_shared>>)
    %dma_wait3A_100 = arith.constant 1 : i32
    %dma_wait3A_101 = arith.constant 0 : i32
    %dma_wait3A_102 = arith.constant 0 : i32
    %dma_wait3A_103 = arith.constant 1 : i32
    %dma_wait3A_104 = arith.constant 0 : i32
    %dma_wait3A_105 = arith.constant 0 : i32
    %dma_wait3A_106 = tpu.memref_slice %arg12[%dma_wait3A_100, %dma_wait3A_104, %dma_wait3A_105] : memref<8x128x128xbf16, #tpu.memory_space<vmem>> -> memref<1x128x128xbf16, #tpu.memory_space<vmem>>
    %dma_wait3A_107 = tpu.memref_squeeze %dma_wait3A_106 : memref<1x128x128xbf16, #tpu.memory_space<vmem>> -> memref<128x128xbf16, #tpu.memory_space<vmem>>
    %dma_wait3A_108 = arith.constant 0 : i32
    %dma_wait3A_109 = tpu.memref_slice %arg11[%dma_wait3A_101, %dma_wait3A_102, %dma_wait3A_108] : memref<2x8x128xi32, #tpu.memory_space<vmem>> -> memref<1x1x128xi32, #tpu.memory_space<vmem>>
    %dma_wait3A_110 = tpu.memref_squeeze %dma_wait3A_109 : memref<1x1x128xi32, #tpu.memory_space<vmem>> -> memref<128xi32, #tpu.memory_space<vmem>>
    %dma_wait3A_111 = arith.constant 0 : i32
    %dma_wait3A_112 = arith.constant 0 : i32
    %dma_wait3A_113 = tpu.memref_slice %arg14[%dma_wait3A_111, %dma_wait3A_112] : memref<10016x128xbf16, #tpu.memory_space<vmem_shared>> -> memref<10016x128xbf16, #tpu.memory_space<vmem_shared>>
    %dma_wait3A_114 = tpu.memref_slice %arg19[%dma_wait3A_103] : memref<8x!tpu.dma_semaphore, #tpu.memory_space<semaphore_mem>> -> memref<1x!tpu.dma_semaphore, #tpu.memory_space<semaphore_mem>>
    %dma_wait3A_115 = tpu.memref_squeeze %dma_wait3A_114 : memref<1x!tpu.dma_semaphore, #tpu.memory_space<semaphore_mem>> -> memref<!tpu.dma_semaphore, #tpu.memory_space<semaphore_mem>>
    tpu.wait_indirect_dma semaphore(%dma_wait3A_115 : memref<!tpu.dma_semaphore, #tpu.memory_space<semaphore_mem>>) src(%dma_wait3A_107 : memref<128x128xbf16, #tpu.memory_space<vmem>>) dst(%dma_wait3A_113 : memref<10016x128xbf16, #tpu.memory_space<vmem_shared>>)
    %dma_wait3A_116 = arith.constant 2 : i32
    %dma_wait3A_117 = arith.constant 0 : i32
    %dma_wait3A_118 = arith.constant 0 : i32
    %dma_wait3A_119 = arith.constant 2 : i32
    %dma_wait3A_120 = arith.constant 0 : i32
    %dma_wait3A_121 = arith.constant 0 : i32
    %dma_wait3A_122 = tpu.memref_slice %arg12[%dma_wait3A_116, %dma_wait3A_120, %dma_wait3A_121] : memref<8x128x128xbf16, #tpu.memory_space<vmem>> -> memref<1x128x128xbf16, #tpu.memory_space<vmem>>
    %dma_wait3A_123 = tpu.memref_squeeze %dma_wait3A_122 : memref<1x128x128xbf16, #tpu.memory_space<vmem>> -> memref<128x128xbf16, #tpu.memory_space<vmem>>
    %dma_wait3A_124 = arith.constant 0 : i32
    %dma_wait3A_125 = tpu.memref_slice %arg11[%dma_wait3A_117, %dma_wait3A_118, %dma_wait3A_124] : memref<2x8x128xi32, #tpu.memory_space<vmem>> -> memref<1x1x128xi32, #tpu.memory_space<vmem>>
    %dma_wait3A_126 = tpu.memref_squeeze %dma_wait3A_125 : memref<1x1x128xi32, #tpu.memory_space<vmem>> -> memref<128xi32, #tpu.memory_space<vmem>>
    %dma_wait3A_127 = arith.constant 0 : i32
    %dma_wait3A_128 = arith.constant 0 : i32
    %dma_wait3A_129 = tpu.memref_slice %arg14[%dma_wait3A_127, %dma_wait3A_128] : memref<10016x128xbf16, #tpu.memory_space<vmem_shared>> -> memref<10016x128xbf16, #tpu.memory_space<vmem_shared>>
    %dma_wait3A_130 = tpu.memref_slice %arg19[%dma_wait3A_119] : memref<8x!tpu.dma_semaphore, #tpu.memory_space<semaphore_mem>> -> memref<1x!tpu.dma_semaphore, #tpu.memory_space<semaphore_mem>>
    %dma_wait3A_131 = tpu.memref_squeeze %dma_wait3A_130 : memref<1x!tpu.dma_semaphore, #tpu.memory_space<semaphore_mem>> -> memref<!tpu.dma_semaphore, #tpu.memory_space<semaphore_mem>>
    tpu.wait_indirect_dma semaphore(%dma_wait3A_131 : memref<!tpu.dma_semaphore, #tpu.memory_space<semaphore_mem>>) src(%dma_wait3A_123 : memref<128x128xbf16, #tpu.memory_space<vmem>>) dst(%dma_wait3A_129 : memref<10016x128xbf16, #tpu.memory_space<vmem_shared>>)
    %dma_wait3A_132 = arith.constant 3 : i32
    %dma_wait3A_133 = arith.constant 0 : i32
    %dma_wait3A_134 = arith.constant 0 : i32
    %dma_wait3A_135 = arith.constant 3 : i32
    %dma_wait3A_136 = arith.constant 0 : i32
    %dma_wait3A_137 = arith.constant 0 : i32
    %dma_wait3A_138 = tpu.memref_slice %arg12[%dma_wait3A_132, %dma_wait3A_136, %dma_wait3A_137] : memref<8x128x128xbf16, #tpu.memory_space<vmem>> -> memref<1x128x128xbf16, #tpu.memory_space<vmem>>
    %dma_wait3A_139 = tpu.memref_squeeze %dma_wait3A_138 : memref<1x128x128xbf16, #tpu.memory_space<vmem>> -> memref<128x128xbf16, #tpu.memory_space<vmem>>
    %dma_wait3A_140 = arith.constant 0 : i32
    %dma_wait3A_141 = tpu.memref_slice %arg11[%dma_wait3A_133, %dma_wait3A_134, %dma_wait3A_140] : memref<2x8x128xi32, #tpu.memory_space<vmem>> -> memref<1x1x128xi32, #tpu.memory_space<vmem>>
    %dma_wait3A_142 = tpu.memref_squeeze %dma_wait3A_141 : memref<1x1x128xi32, #tpu.memory_space<vmem>> -> memref<128xi32, #tpu.memory_space<vmem>>
    %dma_wait3A_143 = arith.constant 0 : i32
    %dma_wait3A_144 = arith.constant 0 : i32
    %dma_wait3A_145 = tpu.memref_slice %arg14[%dma_wait3A_143, %dma_wait3A_144] : memref<10016x128xbf16, #tpu.memory_space<vmem_shared>> -> memref<10016x128xbf16, #tpu.memory_space<vmem_shared>>
    %dma_wait3A_146 = tpu.memref_slice %arg19[%dma_wait3A_135] : memref<8x!tpu.dma_semaphore, #tpu.memory_space<semaphore_mem>> -> memref<1x!tpu.dma_semaphore, #tpu.memory_space<semaphore_mem>>
    %dma_wait3A_147 = tpu.memref_squeeze %dma_wait3A_146 : memref<1x!tpu.dma_semaphore, #tpu.memory_space<semaphore_mem>> -> memref<!tpu.dma_semaphore, #tpu.memory_space<semaphore_mem>>
    tpu.wait_indirect_dma semaphore(%dma_wait3A_147 : memref<!tpu.dma_semaphore, #tpu.memory_space<semaphore_mem>>) src(%dma_wait3A_139 : memref<128x128xbf16, #tpu.memory_space<vmem>>) dst(%dma_wait3A_145 : memref<10016x128xbf16, #tpu.memory_space<vmem_shared>>)
    %dma_wait3A_148 = arith.constant 4 : i32
    %dma_wait3A_149 = arith.constant 0 : i32
    %dma_wait3A_150 = arith.constant 0 : i32
    %dma_wait3A_151 = arith.constant 4 : i32
    %dma_wait3A_152 = arith.constant 0 : i32
    %dma_wait3A_153 = arith.constant 0 : i32
    %dma_wait3A_154 = tpu.memref_slice %arg12[%dma_wait3A_148, %dma_wait3A_152, %dma_wait3A_153] : memref<8x128x128xbf16, #tpu.memory_space<vmem>> -> memref<1x128x128xbf16, #tpu.memory_space<vmem>>
    %dma_wait3A_155 = tpu.memref_squeeze %dma_wait3A_154 : memref<1x128x128xbf16, #tpu.memory_space<vmem>> -> memref<128x128xbf16, #tpu.memory_space<vmem>>
    %dma_wait3A_156 = arith.constant 0 : i32
    %dma_wait3A_157 = tpu.memref_slice %arg11[%dma_wait3A_149, %dma_wait3A_150, %dma_wait3A_156] : memref<2x8x128xi32, #tpu.memory_space<vmem>> -> memref<1x1x128xi32, #tpu.memory_space<vmem>>
    %dma_wait3A_158 = tpu.memref_squeeze %dma_wait3A_157 : memref<1x1x128xi32, #tpu.memory_space<vmem>> -> memref<128xi32, #tpu.memory_space<vmem>>
    %dma_wait3A_159 = arith.constant 0 : i32
    %dma_wait3A_160 = arith.constant 0 : i32
    %dma_wait3A_161 = tpu.memref_slice %arg14[%dma_wait3A_159, %dma_wait3A_160] : memref<10016x128xbf16, #tpu.memory_space<vmem_shared>> -> memref<10016x128xbf16, #tpu.memory_space<vmem_shared>>
    %dma_wait3A_162 = tpu.memref_slice %arg19[%dma_wait3A_151] : memref<8x!tpu.dma_semaphore, #tpu.memory_space<semaphore_mem>> -> memref<1x!tpu.dma_semaphore, #tpu.memory_space<semaphore_mem>>
    %dma_wait3A_163 = tpu.memref_squeeze %dma_wait3A_162 : memref<1x!tpu.dma_semaphore, #tpu.memory_space<semaphore_mem>> -> memref<!tpu.dma_semaphore, #tpu.memory_space<semaphore_mem>>
    tpu.wait_indirect_dma semaphore(%dma_wait3A_163 : memref<!tpu.dma_semaphore, #tpu.memory_space<semaphore_mem>>) src(%dma_wait3A_155 : memref<128x128xbf16, #tpu.memory_space<vmem>>) dst(%dma_wait3A_161 : memref<10016x128xbf16, #tpu.memory_space<vmem_shared>>)
    %dma_wait3A_164 = arith.constant 5 : i32
    %dma_wait3A_165 = arith.constant 0 : i32
    %dma_wait3A_166 = arith.constant 0 : i32
    %dma_wait3A_167 = arith.constant 5 : i32
    %dma_wait3A_168 = arith.constant 0 : i32
    %dma_wait3A_169 = arith.constant 0 : i32
    %dma_wait3A_170 = tpu.memref_slice %arg12[%dma_wait3A_164, %dma_wait3A_168, %dma_wait3A_169] : memref<8x128x128xbf16, #tpu.memory_space<vmem>> -> memref<1x128x128xbf16, #tpu.memory_space<vmem>>
    %dma_wait3A_171 = tpu.memref_squeeze %dma_wait3A_170 : memref<1x128x128xbf16, #tpu.memory_space<vmem>> -> memref<128x128xbf16, #tpu.memory_space<vmem>>
    %dma_wait3A_172 = arith.constant 0 : i32
    %dma_wait3A_173 = tpu.memref_slice %arg11[%dma_wait3A_165, %dma_wait3A_166, %dma_wait3A_172] : memref<2x8x128xi32, #tpu.memory_space<vmem>> -> memref<1x1x128xi32, #tpu.memory_space<vmem>>
    %dma_wait3A_174 = tpu.memref_squeeze %dma_wait3A_173 : memref<1x1x128xi32, #tpu.memory_space<vmem>> -> memref<128xi32, #tpu.memory_space<vmem>>
    %dma_wait3A_175 = arith.constant 0 : i32
    %dma_wait3A_176 = arith.constant 0 : i32
    %dma_wait3A_177 = tpu.memref_slice %arg14[%dma_wait3A_175, %dma_wait3A_176] : memref<10016x128xbf16, #tpu.memory_space<vmem_shared>> -> memref<10016x128xbf16, #tpu.memory_space<vmem_shared>>
    %dma_wait3A_178 = tpu.memref_slice %arg19[%dma_wait3A_167] : memref<8x!tpu.dma_semaphore, #tpu.memory_space<semaphore_mem>> -> memref<1x!tpu.dma_semaphore, #tpu.memory_space<semaphore_mem>>
    %dma_wait3A_179 = tpu.memref_squeeze %dma_wait3A_178 : memref<1x!tpu.dma_semaphore, #tpu.memory_space<semaphore_mem>> -> memref<!tpu.dma_semaphore, #tpu.memory_space<semaphore_mem>>
    tpu.wait_indirect_dma semaphore(%dma_wait3A_179 : memref<!tpu.dma_semaphore, #tpu.memory_space<semaphore_mem>>) src(%dma_wait3A_171 : memref<128x128xbf16, #tpu.memory_space<vmem>>) dst(%dma_wait3A_177 : memref<10016x128xbf16, #tpu.memory_space<vmem_shared>>)
    %dma_wait3A_180 = arith.constant 6 : i32
    %dma_wait3A_181 = arith.constant 0 : i32
    %dma_wait3A_182 = arith.constant 0 : i32
    %dma_wait3A_183 = arith.constant 6 : i32
    %dma_wait3A_184 = arith.constant 0 : i32
    %dma_wait3A_185 = arith.constant 0 : i32
    %dma_wait3A_186 = tpu.memref_slice %arg12[%dma_wait3A_180, %dma_wait3A_184, %dma_wait3A_185] : memref<8x128x128xbf16, #tpu.memory_space<vmem>> -> memref<1x128x128xbf16, #tpu.memory_space<vmem>>
    %dma_wait3A_187 = tpu.memref_squeeze %dma_wait3A_186 : memref<1x128x128xbf16, #tpu.memory_space<vmem>> -> memref<128x128xbf16, #tpu.memory_space<vmem>>
    %dma_wait3A_188 = arith.constant 0 : i32
    %dma_wait3A_189 = tpu.memref_slice %arg11[%dma_wait3A_181, %dma_wait3A_182, %dma_wait3A_188] : memref<2x8x128xi32, #tpu.memory_space<vmem>> -> memref<1x1x128xi32, #tpu.memory_space<vmem>>
    %dma_wait3A_190 = tpu.memref_squeeze %dma_wait3A_189 : memref<1x1x128xi32, #tpu.memory_space<vmem>> -> memref<128xi32, #tpu.memory_space<vmem>>
    %dma_wait3A_191 = arith.constant 0 : i32
    %dma_wait3A_192 = arith.constant 0 : i32
    %dma_wait3A_193 = tpu.memref_slice %arg14[%dma_wait3A_191, %dma_wait3A_192] : memref<10016x128xbf16, #tpu.memory_space<vmem_shared>> -> memref<10016x128xbf16, #tpu.memory_space<vmem_shared>>
    %dma_wait3A_194 = tpu.memref_slice %arg19[%dma_wait3A_183] : memref<8x!tpu.dma_semaphore, #tpu.memory_space<semaphore_mem>> -> memref<1x!tpu.dma_semaphore, #tpu.memory_space<semaphore_mem>>
    %dma_wait3A_195 = tpu.memref_squeeze %dma_wait3A_194 : memref<1x!tpu.dma_semaphore, #tpu.memory_space<semaphore_mem>> -> memref<!tpu.dma_semaphore, #tpu.memory_space<semaphore_mem>>
    tpu.wait_indirect_dma semaphore(%dma_wait3A_195 : memref<!tpu.dma_semaphore, #tpu.memory_space<semaphore_mem>>) src(%dma_wait3A_187 : memref<128x128xbf16, #tpu.memory_space<vmem>>) dst(%dma_wait3A_193 : memref<10016x128xbf16, #tpu.memory_space<vmem_shared>>)
    %dma_wait3A_196 = arith.constant 7 : i32
    %dma_wait3A_197 = arith.constant 0 : i32
    %dma_wait3A_198 = arith.constant 0 : i32
    %dma_wait3A_199 = arith.constant 7 : i32
    %dma_wait3A_200 = arith.constant 0 : i32
    %dma_wait3A_201 = arith.constant 0 : i32
    %dma_wait3A_202 = tpu.memref_slice %arg12[%dma_wait3A_196, %dma_wait3A_200, %dma_wait3A_201] : memref<8x128x128xbf16, #tpu.memory_space<vmem>> -> memref<1x128x128xbf16, #tpu.memory_space<vmem>>
    %dma_wait3A_203 = tpu.memref_squeeze %dma_wait3A_202 : memref<1x128x128xbf16, #tpu.memory_space<vmem>> -> memref<128x128xbf16, #tpu.memory_space<vmem>>
    %dma_wait3A_204 = arith.constant 0 : i32
    %dma_wait3A_205 = tpu.memref_slice %arg11[%dma_wait3A_197, %dma_wait3A_198, %dma_wait3A_204] : memref<2x8x128xi32, #tpu.memory_space<vmem>> -> memref<1x1x128xi32, #tpu.memory_space<vmem>>
    %dma_wait3A_206 = tpu.memref_squeeze %dma_wait3A_205 : memref<1x1x128xi32, #tpu.memory_space<vmem>> -> memref<128xi32, #tpu.memory_space<vmem>>
    %dma_wait3A_207 = arith.constant 0 : i32
    %dma_wait3A_208 = arith.constant 0 : i32
    %dma_wait3A_209 = tpu.memref_slice %arg14[%dma_wait3A_207, %dma_wait3A_208] : memref<10016x128xbf16, #tpu.memory_space<vmem_shared>> -> memref<10016x128xbf16, #tpu.memory_space<vmem_shared>>
    %dma_wait3A_210 = tpu.memref_slice %arg19[%dma_wait3A_199] : memref<8x!tpu.dma_semaphore, #tpu.memory_space<semaphore_mem>> -> memref<1x!tpu.dma_semaphore, #tpu.memory_space<semaphore_mem>>
    %dma_wait3A_211 = tpu.memref_squeeze %dma_wait3A_210 : memref<1x!tpu.dma_semaphore, #tpu.memory_space<semaphore_mem>> -> memref<!tpu.dma_semaphore, #tpu.memory_space<semaphore_mem>>
    tpu.wait_indirect_dma semaphore(%dma_wait3A_211 : memref<!tpu.dma_semaphore, #tpu.memory_space<semaphore_mem>>) src(%dma_wait3A_203 : memref<128x128xbf16, #tpu.memory_space<vmem>>) dst(%dma_wait3A_209 : memref<10016x128xbf16, #tpu.memory_space<vmem_shared>>)
    %barrier3A_212 = arith.constant 0 : index
    tpu.barrier barrier_id(%barrier3A_212)
    %eq3A = arith.constant 0 : i32
    %eq3A_213 = arith.cmpi eq, %arg0, %eq3A : i32
    %convert_element_type3A = arith.extui %eq3A_213 : i1 to i32
    %cond3A = arith.constant 0 : i32
    %cond3A_214 = arith.cmpi ne, %convert_element_type3A, %cond3A : i32
    scf.if %cond3A_214 {
      "tpu.region"() ({
        %run_scoped3A_220 = tpu.sem_alloc : memref<!tpu.dma_semaphore, #tpu.memory_space<semaphore_mem>>
        %dma_start3A_221 = arith.constant 0 : i32
        %dma_start3A_222 = tpu.memref_slice %arg6[%mul3A_0, %dma_start3A_221] : memref<10016x128xbf16, #tpu.memory_space<hbm>> -> memref<626x128xbf16, #tpu.memory_space<hbm>>
        %dma_start3A_223 = arith.constant 0 : i32
        %dma_start3A_224 = tpu.memref_slice %arg14[%mul3A_0, %dma_start3A_223] : memref<10016x128xbf16, #tpu.memory_space<vmem_shared>> -> memref<626x128xbf16, #tpu.memory_space<vmem_shared>>
        tpu.enqueue_dma source(%dma_start3A_224 : memref<626x128xbf16, #tpu.memory_space<vmem_shared>>) target(%dma_start3A_222 : memref<626x128xbf16, #tpu.memory_space<hbm>>) target_semaphore(%run_scoped3A_220 : memref<!tpu.dma_semaphore, #tpu.memory_space<semaphore_mem>>)
        %dma_wait3A_225 = arith.constant 0 : i32
        %dma_wait3A_226 = tpu.memref_slice %arg6[%mul3A_0, %dma_wait3A_225] : memref<10016x128xbf16, #tpu.memory_space<hbm>> -> memref<626x128xbf16, #tpu.memory_space<hbm>>
        %dma_wait3A_227 = arith.constant 0 : i32
        %dma_wait3A_228 = tpu.memref_slice %arg14[%mul3A_0, %dma_wait3A_227] : memref<10016x128xbf16, #tpu.memory_space<vmem_shared>> -> memref<626x128xbf16, #tpu.memory_space<vmem_shared>>
        tpu.wait_dma2 semaphore(%run_scoped3A_220 : memref<!tpu.dma_semaphore, #tpu.memory_space<semaphore_mem>>) src(%dma_wait3A_228 : memref<626x128xbf16, #tpu.memory_space<vmem_shared>>) dst(%dma_wait3A_226 : memref<626x128xbf16, #tpu.memory_space<hbm>>)
        tpu.yield
      }) : () -> ()
      "tpu.region"() ({
        %run_scoped3A_220 = tpu.sem_alloc : memref<!tpu.dma_semaphore, #tpu.memory_space<semaphore_mem>>
        %dma_start3A_221 = arith.constant 0 : i32
        %dma_start3A_222 = tpu.memref_slice %arg8[%mul3A_0, %dma_start3A_221] : memref<10016x16xf32, #tpu.memory_space<hbm>> -> memref<626x16xf32, #tpu.memory_space<hbm>>
        %dma_start3A_223 = arith.constant 0 : i32
        %dma_start3A_224 = tpu.memref_slice %arg15[%mul3A_0, %dma_start3A_223] : memref<10016x16xf32, #tpu.memory_space<vmem_shared>> -> memref<626x16xf32, #tpu.memory_space<vmem_shared>>
        tpu.enqueue_dma source(%dma_start3A_224 : memref<626x16xf32, #tpu.memory_space<vmem_shared>>) target(%dma_start3A_222 : memref<626x16xf32, #tpu.memory_space<hbm>>) target_semaphore(%run_scoped3A_220 : memref<!tpu.dma_semaphore, #tpu.memory_space<semaphore_mem>>)
        %dma_wait3A_225 = arith.constant 0 : i32
        %dma_wait3A_226 = tpu.memref_slice %arg8[%mul3A_0, %dma_wait3A_225] : memref<10016x16xf32, #tpu.memory_space<hbm>> -> memref<626x16xf32, #tpu.memory_space<hbm>>
        %dma_wait3A_227 = arith.constant 0 : i32
        %dma_wait3A_228 = tpu.memref_slice %arg15[%mul3A_0, %dma_wait3A_227] : memref<10016x16xf32, #tpu.memory_space<vmem_shared>> -> memref<626x16xf32, #tpu.memory_space<vmem_shared>>
        tpu.wait_dma2 semaphore(%run_scoped3A_220 : memref<!tpu.dma_semaphore, #tpu.memory_space<semaphore_mem>>) src(%dma_wait3A_228 : memref<626x16xf32, #tpu.memory_space<vmem_shared>>) dst(%dma_wait3A_226 : memref<626x16xf32, #tpu.memory_space<hbm>>)
        tpu.yield
      }) : () -> ()
    } else {
    }
    %eq3A_215 = arith.constant 1 : i32
    %eq3A_216 = arith.cmpi eq, %arg0, %eq3A_215 : i32
    %convert_element_type3A_217 = arith.extui %eq3A_216 : i1 to i32
    %cond3A_218 = arith.constant 0 : i32
    %cond3A_219 = arith.cmpi ne, %convert_element_type3A_217, %cond3A_218 : i32
    scf.if %cond3A_219 {
      "tpu.region"() ({
        %run_scoped3A_220 = tpu.sem_alloc : memref<!tpu.dma_semaphore, #tpu.memory_space<semaphore_mem>>
        %dma_start3A_221 = arith.constant 0 : i32
        %dma_start3A_222 = tpu.memref_slice %arg7[%mul3A_0, %dma_start3A_221] : memref<10016x128xbf16, #tpu.memory_space<hbm>> -> memref<626x128xbf16, #tpu.memory_space<hbm>>
        %dma_start3A_223 = arith.constant 0 : i32
        %dma_start3A_224 = tpu.memref_slice %arg14[%mul3A_0, %dma_start3A_223] : memref<10016x128xbf16, #tpu.memory_space<vmem_shared>> -> memref<626x128xbf16, #tpu.memory_space<vmem_shared>>
        tpu.enqueue_dma source(%dma_start3A_224 : memref<626x128xbf16, #tpu.memory_space<vmem_shared>>) target(%dma_start3A_222 : memref<626x128xbf16, #tpu.memory_space<hbm>>) target_semaphore(%run_scoped3A_220 : memref<!tpu.dma_semaphore, #tpu.memory_space<semaphore_mem>>)
        %dma_wait3A_225 = arith.constant 0 : i32
        %dma_wait3A_226 = tpu.memref_slice %arg7[%mul3A_0, %dma_wait3A_225] : memref<10016x128xbf16, #tpu.memory_space<hbm>> -> memref<626x128xbf16, #tpu.memory_space<hbm>>
        %dma_wait3A_227 = arith.constant 0 : i32
        %dma_wait3A_228 = tpu.memref_slice %arg14[%mul3A_0, %dma_wait3A_227] : memref<10016x128xbf16, #tpu.memory_space<vmem_shared>> -> memref<626x128xbf16, #tpu.memory_space<vmem_shared>>
        tpu.wait_dma2 semaphore(%run_scoped3A_220 : memref<!tpu.dma_semaphore, #tpu.memory_space<semaphore_mem>>) src(%dma_wait3A_228 : memref<626x128xbf16, #tpu.memory_space<vmem_shared>>) dst(%dma_wait3A_226 : memref<626x128xbf16, #tpu.memory_space<hbm>>)
        tpu.yield
      }) : () -> ()
      "tpu.region"() ({
        %run_scoped3A_220 = tpu.sem_alloc : memref<!tpu.dma_semaphore, #tpu.memory_space<semaphore_mem>>
        %dma_start3A_221 = arith.constant 0 : i32
        %dma_start3A_222 = tpu.memref_slice %arg9[%mul3A_0, %dma_start3A_221] : memref<10016x16xf32, #tpu.memory_space<hbm>> -> memref<626x16xf32, #tpu.memory_space<hbm>>
        %dma_start3A_223 = arith.constant 0 : i32
        %dma_start3A_224 = tpu.memref_slice %arg15[%mul3A_0, %dma_start3A_223] : memref<10016x16xf32, #tpu.memory_space<vmem_shared>> -> memref<626x16xf32, #tpu.memory_space<vmem_shared>>
        tpu.enqueue_dma source(%dma_start3A_224 : memref<626x16xf32, #tpu.memory_space<vmem_shared>>) target(%dma_start3A_222 : memref<626x16xf32, #tpu.memory_space<hbm>>) target_semaphore(%run_scoped3A_220 : memref<!tpu.dma_semaphore, #tpu.memory_space<semaphore_mem>>)
        %dma_wait3A_225 = arith.constant 0 : i32
        %dma_wait3A_226 = tpu.memref_slice %arg9[%mul3A_0, %dma_wait3A_225] : memref<10016x16xf32, #tpu.memory_space<hbm>> -> memref<626x16xf32, #tpu.memory_space<hbm>>
        %dma_wait3A_227 = arith.constant 0 : i32
        %dma_wait3A_228 = tpu.memref_slice %arg15[%mul3A_0, %dma_wait3A_227] : memref<10016x16xf32, #tpu.memory_space<vmem_shared>> -> memref<626x16xf32, #tpu.memory_space<vmem_shared>>
        tpu.wait_dma2 semaphore(%run_scoped3A_220 : memref<!tpu.dma_semaphore, #tpu.memory_space<semaphore_mem>>) src(%dma_wait3A_228 : memref<626x16xf32, #tpu.memory_space<vmem_shared>>) dst(%dma_wait3A_226 : memref<626x16xf32, #tpu.memory_space<hbm>>)
        tpu.yield
      }) : () -> ()
    } else {
    }
    return
  }
}

#map = affine_map<(d0, d1) -> (0, 0)>
module attributes {stable_mosaic.version = 14 : i64} {
  func.func @_sc_agg2(%arg0: i32, %arg1: i32, %arg2: memref<10000x64xbf16, #tpu.memory_space<hbm>>, %arg3: memref<1280x128xi32, #tpu.memory_space<hbm>>, %arg4: memref<1280x128xi32, #tpu.memory_space<hbm>>, %arg5: memref<10240x64xbf16, #tpu.memory_space<hbm>>, %arg6: memref<10240x64xbf16, #tpu.memory_space<hbm>>, %arg7: memref<40x128xi32, #tpu.memory_space<vmem>>, %arg8: memref<40x128xi32, #tpu.memory_space<vmem>>, %arg9: memref<8x128x64xbf16, #tpu.memory_space<vmem>>, %arg10: memref<128x64xbf16, #tpu.memory_space<vmem>>, %arg11: memref<10240x64xbf16, #tpu.memory_space<vmem_shared>>, %arg12: memref<8x!tpu.dma_semaphore, #tpu.memory_space<semaphore_mem>>, %arg13: memref<8x!tpu.dma_semaphore, #tpu.memory_space<semaphore_mem>>) attributes {dimension_semantics = [#tpu.dimension_semantics<core_parallel>, #tpu.dimension_semantics<subcore_parallel>], iteration_bounds = array<i64: 2, 16>, scalar_prefetch = 0 : i64, scratch_operands = 7 : i64, tpu.core_type = #tpu.core_type<sc_vector_subcore>, window_params = [{transform_indices = #map}, {transform_indices = #map}, {transform_indices = #map}, {transform_indices = #map}, {transform_indices = #map}]} {
    %scan3A = arith.constant 0 : i32
    %scan3A_0 = arith.constant 0 : i32
    %scan3A_1 = arith.constant 256 : i32
    %scan3A_2 = arith.addi %scan3A_0, %scan3A_1 : i32
    %scan3A_3 = arith.constant 1 : i32
    %scan3A_4 = scf.for %scan3A_155 = %scan3A_0 to %scan3A_2 step %scan3A_3 iter_args(%scan3A_156 = %scan3A) -> (i32)  : i32 {
      %jit3A = arith.constant 2 : i32
      %div3A = arith.divsi %scan3A_155, %jit3A : i32
      %sign3A = arith.constant 0 : i32
      %sign3A_157 = arith.cmpi sgt, %scan3A_155, %sign3A : i32
      %sign3A_158 = arith.extui %sign3A_157 : i1 to i32
      %sign3A_159 = arith.constant 0 : i32
      %sign3A_160 = arith.cmpi slt, %scan3A_155, %sign3A_159 : i32
      %sign3A_161 = arith.extui %sign3A_160 : i1 to i32
      %sign3A_162 = arith.subi %sign3A_158, %sign3A_161 : i32
      %sign3A_163 = arith.constant 0 : i32
      %sign3A_164 = arith.cmpi sgt, %jit3A, %sign3A_163 : i32
      %sign3A_165 = arith.extui %sign3A_164 : i1 to i32
      %sign3A_166 = arith.constant 0 : i32
      %sign3A_167 = arith.cmpi slt, %jit3A, %sign3A_166 : i32
      %sign3A_168 = arith.extui %sign3A_167 : i1 to i32
      %sign3A_169 = arith.subi %sign3A_165, %sign3A_168 : i32
      %ne3A = arith.cmpi ne, %sign3A_162, %sign3A_169 : i32
      %rem3A = arith.remsi %scan3A_155, %jit3A : i32
      %ne3A_170 = arith.constant 0 : i32
      %ne3A_171 = arith.cmpi ne, %rem3A, %ne3A_170 : i32
      %and3A = arith.andi %ne3A, %ne3A_171 : i1
      %sub3A = arith.constant 1 : i32
      %sub3A_172 = arith.subi %div3A, %sub3A : i32
      %select_n3A = arith.select %and3A, %sub3A_172, %div3A : i32
      %jit3A_173 = arith.constant 2 : i32
      %eq3A_174 = arith.constant 0 : i32
      %eq3A_175 = arith.cmpi eq, %jit3A_173, %eq3A_174 : i32
      %jit3A_176 = arith.constant 1 : i32
      %select_n3A_177 = arith.select %eq3A_175, %jit3A_176, %jit3A_173 : i32
      %rem3A_178 = arith.remsi %scan3A_155, %select_n3A_177 : i32
      %ne3A_179 = arith.constant 0 : i32
      %ne3A_180 = arith.cmpi ne, %rem3A_178, %ne3A_179 : i32
      %lt3A = arith.constant 0 : i32
      %lt3A_181 = arith.cmpi slt, %rem3A_178, %lt3A : i32
      %lt3A_182 = arith.constant 0 : i32
      %lt3A_183 = arith.cmpi slt, %select_n3A_177, %lt3A_182 : i32
      %ne3A_184 = arith.xori %lt3A_181, %lt3A_183 : i1
      %and3A_185 = arith.andi %ne3A_184, %ne3A_180 : i1
      %add3A_186 = arith.addi %rem3A_178, %select_n3A_177 : i32
      %select_n3A_187 = arith.select %and3A_185, %add3A_186, %rem3A_178 : i32
      %broadcast_in_dim3A = arith.constant 0.000000e+00 : bf16
      %broadcast_in_dim3A_188 = vector.broadcast %broadcast_in_dim3A : bf16 to vector<32xbf16>
      %mul3A_189 = arith.constant 32 : i32
      %mul3A_190 = arith.muli %select_n3A_187, %mul3A_189 : i32
      %swap3A = arith.index_cast %select_n3A : i32 to index
      %swap3A_191 = arith.index_cast %mul3A_190 : i32 to index
      %swap3A_192 = tpu.vector_load %arg10[%swap3A, %swap3A_191] {strides = array<i32>} : memref<128x64xbf16, #tpu.memory_space<vmem>>, vector<1x32xbf16>,
      %swap3A_193 = vector.shape_cast %swap3A_192 : vector<1x32xbf16> to vector<32xbf16>
      %swap3A_194 = vector.shape_cast %broadcast_in_dim3A_188 : vector<32xbf16> to vector<1x32xbf16>
      tpu.vector_store %arg10[%swap3A, %swap3A_191], %swap3A_194 {strides = array<i32>} : memref<128x64xbf16, #tpu.memory_space<vmem>>, vector<1x32xbf16>,
      %scan3A_195 = arith.constant 0 : i32
      scf.yield %scan3A_195 : i32
    }
    %scan3A_5 = arith.constant 256 : i32
    %mul3A = arith.constant 16 : i32
    %mul3A_6 = arith.muli %arg0, %mul3A : i32
    %add3A = arith.addi %mul3A_6, %arg1 : i32
    %mul3A_7 = arith.constant 40 : i32
    %mul3A_8 = arith.muli %add3A, %mul3A_7 : i32
    "tpu.region"() ({
      %run_scoped3A = tpu.sem_alloc : memref<!tpu.dma_semaphore, #tpu.memory_space<semaphore_mem>>
      %dma_start3A = arith.constant 0 : i32
      %dma_start3A_155 = tpu.memref_slice %arg3[%mul3A_8, %dma_start3A] : memref<1280x128xi32, #tpu.memory_space<hbm>> -> memref<40x128xi32, #tpu.memory_space<hbm>>
      %dma_start3A_156 = arith.constant 0 : i32
      %dma_start3A_157 = tpu.memref_slice %arg3[%mul3A_8, %dma_start3A_156] : memref<1280x128xi32, #tpu.memory_space<hbm>> -> memref<40x128xi32, #tpu.memory_space<hbm>>
      tpu.enqueue_dma source(%dma_start3A_157 : memref<40x128xi32, #tpu.memory_space<hbm>>) target(%arg7 : memref<40x128xi32, #tpu.memory_space<vmem>>) target_semaphore(%run_scoped3A : memref<!tpu.dma_semaphore, #tpu.memory_space<semaphore_mem>>)
      %dma_wait3A_158 = arith.constant 0 : i32
      %dma_wait3A_159 = tpu.memref_slice %arg3[%mul3A_8, %dma_wait3A_158] : memref<1280x128xi32, #tpu.memory_space<hbm>> -> memref<40x128xi32, #tpu.memory_space<hbm>>
      %dma_wait3A_160 = arith.constant 0 : i32
      %dma_wait3A_161 = tpu.memref_slice %arg3[%mul3A_8, %dma_wait3A_160] : memref<1280x128xi32, #tpu.memory_space<hbm>> -> memref<40x128xi32, #tpu.memory_space<hbm>>
      tpu.wait_dma2 semaphore(%run_scoped3A : memref<!tpu.dma_semaphore, #tpu.memory_space<semaphore_mem>>) src(%dma_wait3A_161 : memref<40x128xi32, #tpu.memory_space<hbm>>) dst(%arg7 : memref<40x128xi32, #tpu.memory_space<vmem>>)
      tpu.yield
    }) : () -> ()
    "tpu.region"() ({
      %run_scoped3A = tpu.sem_alloc : memref<!tpu.dma_semaphore, #tpu.memory_space<semaphore_mem>>
      %dma_start3A = arith.constant 0 : i32
      %dma_start3A_155 = tpu.memref_slice %arg4[%mul3A_8, %dma_start3A] : memref<1280x128xi32, #tpu.memory_space<hbm>> -> memref<40x128xi32, #tpu.memory_space<hbm>>
      %dma_start3A_156 = arith.constant 0 : i32
      %dma_start3A_157 = tpu.memref_slice %arg4[%mul3A_8, %dma_start3A_156] : memref<1280x128xi32, #tpu.memory_space<hbm>> -> memref<40x128xi32, #tpu.memory_space<hbm>>
      tpu.enqueue_dma source(%dma_start3A_157 : memref<40x128xi32, #tpu.memory_space<hbm>>) target(%arg8 : memref<40x128xi32, #tpu.memory_space<vmem>>) target_semaphore(%run_scoped3A : memref<!tpu.dma_semaphore, #tpu.memory_space<semaphore_mem>>)
      %dma_wait3A_158 = arith.constant 0 : i32
      %dma_wait3A_159 = tpu.memref_slice %arg4[%mul3A_8, %dma_wait3A_158] : memref<1280x128xi32, #tpu.memory_space<hbm>> -> memref<40x128xi32, #tpu.memory_space<hbm>>
      %dma_wait3A_160 = arith.constant 0 : i32
      %dma_wait3A_161 = tpu.memref_slice %arg4[%mul3A_8, %dma_wait3A_160] : memref<1280x128xi32, #tpu.memory_space<hbm>> -> memref<40x128xi32, #tpu.memory_space<hbm>>
      tpu.wait_dma2 semaphore(%run_scoped3A : memref<!tpu.dma_semaphore, #tpu.memory_space<semaphore_mem>>) src(%dma_wait3A_161 : memref<40x128xi32, #tpu.memory_space<hbm>>) dst(%arg8 : memref<40x128xi32, #tpu.memory_space<vmem>>)
      tpu.yield
    }) : () -> ()
    %mul3A_9 = arith.constant 640 : i32
    %mul3A_10 = arith.muli %arg1, %mul3A_9 : i32
    %add3A_11 = arith.constant 0 : i32
    %add3A_12 = arith.addi %mul3A_10, %add3A_11 : i32
    "tpu.region"() ({
      %run_scoped3A = tpu.sem_alloc : memref<!tpu.dma_semaphore, #tpu.memory_space<semaphore_mem>>
      %dma_start3A = arith.constant 0 : i32
      %dma_start3A_155 = tpu.memref_slice %arg11[%add3A_12, %dma_start3A] : memref<10240x64xbf16, #tpu.memory_space<vmem_shared>> -> memref<128x64xbf16, #tpu.memory_space<vmem_shared>>
      %dma_start3A_156 = arith.constant 0 : i32
      %dma_start3A_157 = tpu.memref_slice %arg11[%add3A_12, %dma_start3A_156] : memref<10240x64xbf16, #tpu.memory_space<vmem_shared>> -> memref<128x64xbf16, #tpu.memory_space<vmem_shared>>
      tpu.enqueue_dma source(%arg10 : memref<128x64xbf16, #tpu.memory_space<vmem>>) target(%dma_start3A_157 : memref<128x64xbf16, #tpu.memory_space<vmem_shared>>) target_semaphore(%run_scoped3A : memref<!tpu.dma_semaphore, #tpu.memory_space<semaphore_mem>>)
      %dma_wait3A_158 = arith.constant 0 : i32
      %dma_wait3A_159 = tpu.memref_slice %arg11[%add3A_12, %dma_wait3A_158] : memref<10240x64xbf16, #tpu.memory_space<vmem_shared>> -> memref<128x64xbf16, #tpu.memory_space<vmem_shared>>
      %dma_wait3A_160 = arith.constant 0 : i32
      %dma_wait3A_161 = tpu.memref_slice %arg11[%add3A_12, %dma_wait3A_160] : memref<10240x64xbf16, #tpu.memory_space<vmem_shared>> -> memref<128x64xbf16, #tpu.memory_space<vmem_shared>>
      tpu.wait_dma2 semaphore(%run_scoped3A : memref<!tpu.dma_semaphore, #tpu.memory_space<semaphore_mem>>) src(%arg10 : memref<128x64xbf16, #tpu.memory_space<vmem>>) dst(%dma_wait3A_161 : memref<128x64xbf16, #tpu.memory_space<vmem_shared>>)
      tpu.yield
    }) : () -> ()
    %add3A_13 = arith.constant 128 : i32
    %add3A_14 = arith.addi %mul3A_10, %add3A_13 : i32
    "tpu.region"() ({
      %run_scoped3A = tpu.sem_alloc : memref<!tpu.dma_semaphore, #tpu.memory_space<semaphore_mem>>
      %dma_start3A = arith.constant 0 : i32
      %dma_start3A_155 = tpu.memref_slice %arg11[%add3A_14, %dma_start3A] : memref<10240x64xbf16, #tpu.memory_space<vmem_shared>> -> memref<128x64xbf16, #tpu.memory_space<vmem_shared>>
      %dma_start3A_156 = arith.constant 0 : i32
      %dma_start3A_157 = tpu.memref_slice %arg11[%add3A_14, %dma_start3A_156] : memref<10240x64xbf16, #tpu.memory_space<vmem_shared>> -> memref<128x64xbf16, #tpu.memory_space<vmem_shared>>
      tpu.enqueue_dma source(%arg10 : memref<128x64xbf16, #tpu.memory_space<vmem>>) target(%dma_start3A_157 : memref<128x64xbf16, #tpu.memory_space<vmem_shared>>) target_semaphore(%run_scoped3A : memref<!tpu.dma_semaphore, #tpu.memory_space<semaphore_mem>>)
      %dma_wait3A_158 = arith.constant 0 : i32
      %dma_wait3A_159 = tpu.memref_slice %arg11[%add3A_14, %dma_wait3A_158] : memref<10240x64xbf16, #tpu.memory_space<vmem_shared>> -> memref<128x64xbf16, #tpu.memory_space<vmem_shared>>
      %dma_wait3A_160 = arith.constant 0 : i32
      %dma_wait3A_161 = tpu.memref_slice %arg11[%add3A_14, %dma_wait3A_160] : memref<10240x64xbf16, #tpu.memory_space<vmem_shared>> -> memref<128x64xbf16, #tpu.memory_space<vmem_shared>>
      tpu.wait_dma2 semaphore(%run_scoped3A : memref<!tpu.dma_semaphore, #tpu.memory_space<semaphore_mem>>) src(%arg10 : memref<128x64xbf16, #tpu.memory_space<vmem>>) dst(%dma_wait3A_161 : memref<128x64xbf16, #tpu.memory_space<vmem_shared>>)
      tpu.yield
    }) : () -> ()
    %add3A_15 = arith.constant 256 : i32
    %add3A_16 = arith.addi %mul3A_10, %add3A_15 : i32
    "tpu.region"() ({
      %run_scoped3A = tpu.sem_alloc : memref<!tpu.dma_semaphore, #tpu.memory_space<semaphore_mem>>
      %dma_start3A = arith.constant 0 : i32
      %dma_start3A_155 = tpu.memref_slice %arg11[%add3A_16, %dma_start3A] : memref<10240x64xbf16, #tpu.memory_space<vmem_shared>> -> memref<128x64xbf16, #tpu.memory_space<vmem_shared>>
      %dma_start3A_156 = arith.constant 0 : i32
      %dma_start3A_157 = tpu.memref_slice %arg11[%add3A_16, %dma_start3A_156] : memref<10240x64xbf16, #tpu.memory_space<vmem_shared>> -> memref<128x64xbf16, #tpu.memory_space<vmem_shared>>
      tpu.enqueue_dma source(%arg10 : memref<128x64xbf16, #tpu.memory_space<vmem>>) target(%dma_start3A_157 : memref<128x64xbf16, #tpu.memory_space<vmem_shared>>) target_semaphore(%run_scoped3A : memref<!tpu.dma_semaphore, #tpu.memory_space<semaphore_mem>>)
      %dma_wait3A_158 = arith.constant 0 : i32
      %dma_wait3A_159 = tpu.memref_slice %arg11[%add3A_16, %dma_wait3A_158] : memref<10240x64xbf16, #tpu.memory_space<vmem_shared>> -> memref<128x64xbf16, #tpu.memory_space<vmem_shared>>
      %dma_wait3A_160 = arith.constant 0 : i32
      %dma_wait3A_161 = tpu.memref_slice %arg11[%add3A_16, %dma_wait3A_160] : memref<10240x64xbf16, #tpu.memory_space<vmem_shared>> -> memref<128x64xbf16, #tpu.memory_space<vmem_shared>>
      tpu.wait_dma2 semaphore(%run_scoped3A : memref<!tpu.dma_semaphore, #tpu.memory_space<semaphore_mem>>) src(%arg10 : memref<128x64xbf16, #tpu.memory_space<vmem>>) dst(%dma_wait3A_161 : memref<128x64xbf16, #tpu.memory_space<vmem_shared>>)
      tpu.yield
    }) : () -> ()
    %add3A_17 = arith.constant 384 : i32
    %add3A_18 = arith.addi %mul3A_10, %add3A_17 : i32
    "tpu.region"() ({
      %run_scoped3A = tpu.sem_alloc : memref<!tpu.dma_semaphore, #tpu.memory_space<semaphore_mem>>
      %dma_start3A = arith.constant 0 : i32
      %dma_start3A_155 = tpu.memref_slice %arg11[%add3A_18, %dma_start3A] : memref<10240x64xbf16, #tpu.memory_space<vmem_shared>> -> memref<128x64xbf16, #tpu.memory_space<vmem_shared>>
      %dma_start3A_156 = arith.constant 0 : i32
      %dma_start3A_157 = tpu.memref_slice %arg11[%add3A_18, %dma_start3A_156] : memref<10240x64xbf16, #tpu.memory_space<vmem_shared>> -> memref<128x64xbf16, #tpu.memory_space<vmem_shared>>
      tpu.enqueue_dma source(%arg10 : memref<128x64xbf16, #tpu.memory_space<vmem>>) target(%dma_start3A_157 : memref<128x64xbf16, #tpu.memory_space<vmem_shared>>) target_semaphore(%run_scoped3A : memref<!tpu.dma_semaphore, #tpu.memory_space<semaphore_mem>>)
      %dma_wait3A_158 = arith.constant 0 : i32
      %dma_wait3A_159 = tpu.memref_slice %arg11[%add3A_18, %dma_wait3A_158] : memref<10240x64xbf16, #tpu.memory_space<vmem_shared>> -> memref<128x64xbf16, #tpu.memory_space<vmem_shared>>
      %dma_wait3A_160 = arith.constant 0 : i32
      %dma_wait3A_161 = tpu.memref_slice %arg11[%add3A_18, %dma_wait3A_160] : memref<10240x64xbf16, #tpu.memory_space<vmem_shared>> -> memref<128x64xbf16, #tpu.memory_space<vmem_shared>>
      tpu.wait_dma2 semaphore(%run_scoped3A : memref<!tpu.dma_semaphore, #tpu.memory_space<semaphore_mem>>) src(%arg10 : memref<128x64xbf16, #tpu.memory_space<vmem>>) dst(%dma_wait3A_161 : memref<128x64xbf16, #tpu.memory_space<vmem_shared>>)
      tpu.yield
    }) : () -> ()
    %add3A_19 = arith.constant 512 : i32
    %add3A_20 = arith.addi %mul3A_10, %add3A_19 : i32
    "tpu.region"() ({
      %run_scoped3A = tpu.sem_alloc : memref<!tpu.dma_semaphore, #tpu.memory_space<semaphore_mem>>
      %dma_start3A = arith.constant 0 : i32
      %dma_start3A_155 = tpu.memref_slice %arg11[%add3A_20, %dma_start3A] : memref<10240x64xbf16, #tpu.memory_space<vmem_shared>> -> memref<128x64xbf16, #tpu.memory_space<vmem_shared>>
      %dma_start3A_156 = arith.constant 0 : i32
      %dma_start3A_157 = tpu.memref_slice %arg11[%add3A_20, %dma_start3A_156] : memref<10240x64xbf16, #tpu.memory_space<vmem_shared>> -> memref<128x64xbf16, #tpu.memory_space<vmem_shared>>
      tpu.enqueue_dma source(%arg10 : memref<128x64xbf16, #tpu.memory_space<vmem>>) target(%dma_start3A_157 : memref<128x64xbf16, #tpu.memory_space<vmem_shared>>) target_semaphore(%run_scoped3A : memref<!tpu.dma_semaphore, #tpu.memory_space<semaphore_mem>>)
      %dma_wait3A_158 = arith.constant 0 : i32
      %dma_wait3A_159 = tpu.memref_slice %arg11[%add3A_20, %dma_wait3A_158] : memref<10240x64xbf16, #tpu.memory_space<vmem_shared>> -> memref<128x64xbf16, #tpu.memory_space<vmem_shared>>
      %dma_wait3A_160 = arith.constant 0 : i32
      %dma_wait3A_161 = tpu.memref_slice %arg11[%add3A_20, %dma_wait3A_160] : memref<10240x64xbf16, #tpu.memory_space<vmem_shared>> -> memref<128x64xbf16, #tpu.memory_space<vmem_shared>>
      tpu.wait_dma2 semaphore(%run_scoped3A : memref<!tpu.dma_semaphore, #tpu.memory_space<semaphore_mem>>) src(%arg10 : memref<128x64xbf16, #tpu.memory_space<vmem>>) dst(%dma_wait3A_161 : memref<128x64xbf16, #tpu.memory_space<vmem_shared>>)
      tpu.yield
    }) : () -> ()
    %barrier3A = arith.constant 0 : index
    tpu.barrier barrier_id(%barrier3A)
    %scan3A_21 = arith.constant 0 : i32
    %scan3A_22 = arith.constant 0 : i32
    %scan3A_23 = arith.constant 5 : i32
    %scan3A_24 = arith.addi %scan3A_22, %scan3A_23 : i32
    %scan3A_25 = arith.constant 1 : i32
    %scan3A_26 = scf.for %scan3A_155 = %scan3A_22 to %scan3A_24 step %scan3A_25 iter_args(%scan3A_156 = %scan3A_21) -> (i32)  : i32 {
      %mul3A_157 = arith.constant 8 : i32
      %mul3A_158 = arith.muli %scan3A_155, %mul3A_157 : i32
      %add3A_159 = arith.constant 0 : i32
      %add3A_160 = arith.addi %mul3A_158, %add3A_159 : i32
      %gt3A = arith.constant 0 : i32
      %gt3A_161 = arith.cmpi sgt, %scan3A_155, %gt3A : i32
      %convert_element_type3A_162 = arith.extui %gt3A_161 : i1 to i32
      %cond3A_163 = arith.constant 0 : i32
      %cond3A_164 = arith.cmpi ne, %convert_element_type3A_162, %cond3A_163 : i32
      scf.if %cond3A_164 {
        %dma_wait3A_596 = arith.constant 0 : i32
        %dma_wait3A_597 = arith.constant 0 : i32
        %dma_wait3A_598 = arith.constant 0 : i32
        %dma_wait3A_599 = arith.constant 0 : i32
        %dma_wait3A_600 = arith.constant 0 : i32
        %dma_wait3A_601 = tpu.memref_slice %arg9[%dma_wait3A_596, %dma_wait3A_599, %dma_wait3A_600] : memref<8x128x64xbf16, #tpu.memory_space<vmem>> -> memref<1x128x64xbf16, #tpu.memory_space<vmem>>
        %dma_wait3A_602 = tpu.memref_squeeze %dma_wait3A_601 : memref<1x128x64xbf16, #tpu.memory_space<vmem>> -> memref<128x64xbf16, #tpu.memory_space<vmem>>
        %dma_wait3A_603 = arith.constant 0 : i32
        %dma_wait3A_604 = tpu.memref_slice %arg8[%dma_wait3A_597, %dma_wait3A_603] : memref<40x128xi32, #tpu.memory_space<vmem>> -> memref<1x128xi32, #tpu.memory_space<vmem>>
        %dma_wait3A_605 = tpu.memref_squeeze %dma_wait3A_604 : memref<1x128xi32, #tpu.memory_space<vmem>> -> memref<128xi32, #tpu.memory_space<vmem>>
        %dma_wait3A_606 = arith.constant 0 : i32
        %dma_wait3A_607 = arith.constant 0 : i32
        %dma_wait3A_608 = tpu.memref_slice %arg11[%dma_wait3A_606, %dma_wait3A_607] : memref<10240x64xbf16, #tpu.memory_space<vmem_shared>> -> memref<10240x64xbf16, #tpu.memory_space<vmem_shared>>
        %dma_wait3A_609 = tpu.memref_slice %arg13[%dma_wait3A_598] : memref<8x!tpu.dma_semaphore, #tpu.memory_space<semaphore_mem>> -> memref<1x!tpu.dma_semaphore, #tpu.memory_space<semaphore_mem>>
        %dma_wait3A_610 = tpu.memref_squeeze %dma_wait3A_609 : memref<1x!tpu.dma_semaphore, #tpu.memory_space<semaphore_mem>> -> memref<!tpu.dma_semaphore, #tpu.memory_space<semaphore_mem>>
        tpu.wait_indirect_dma semaphore(%dma_wait3A_610 : memref<!tpu.dma_semaphore, #tpu.memory_space<semaphore_mem>>) src(%dma_wait3A_602 : memref<128x64xbf16, #tpu.memory_space<vmem>>) dst(%dma_wait3A_608 : memref<10240x64xbf16, #tpu.memory_space<vmem_shared>>)
      } else {
      }
      %dma_start3A = arith.constant 0 : i32
      %dma_start3A_165 = arith.constant 0 : i32
      %dma_start3A_166 = arith.constant 0 : i32
      %dma_start3A_167 = arith.constant 0 : i32
      %dma_start3A_168 = tpu.memref_slice %arg9[%dma_start3A, %dma_start3A_166, %dma_start3A_167] : memref<8x128x64xbf16, #tpu.memory_space<vmem>> -> memref<1x128x64xbf16, #tpu.memory_space<vmem>>
      %dma_start3A_169 = tpu.memref_squeeze %dma_start3A_168 : memref<1x128x64xbf16, #tpu.memory_space<vmem>> -> memref<128x64xbf16, #tpu.memory_space<vmem>>
      %dma_start3A_170 = arith.constant 0 : i32
      %dma_start3A_171 = tpu.memref_slice %arg7[%add3A_160, %dma_start3A_170] : memref<40x128xi32, #tpu.memory_space<vmem>> -> memref<1x128xi32, #tpu.memory_space<vmem>>
      %dma_start3A_172 = tpu.memref_squeeze %dma_start3A_171 : memref<1x128xi32, #tpu.memory_space<vmem>> -> memref<128xi32, #tpu.memory_space<vmem>>
      %dma_start3A_173 = arith.constant 0 : i32
      %dma_start3A_174 = arith.constant 0 : i32
      %dma_start3A_175 = tpu.memref_slice %arg2[%dma_start3A_173, %dma_start3A_174] : memref<10000x64xbf16, #tpu.memory_space<hbm>> -> memref<10000x64xbf16, #tpu.memory_space<hbm>>
      %dma_start3A_176 = tpu.memref_slice %arg12[%dma_start3A_165] : memref<8x!tpu.dma_semaphore, #tpu.memory_space<semaphore_mem>> -> memref<1x!tpu.dma_semaphore, #tpu.memory_space<semaphore_mem>>
      %dma_start3A_177 = tpu.memref_squeeze %dma_start3A_176 : memref<1x!tpu.dma_semaphore, #tpu.memory_space<semaphore_mem>> -> memref<!tpu.dma_semaphore, #tpu.memory_space<semaphore_mem>>
      tpu.enqueue_indirect_dma source(%dma_start3A_175 : memref<10000x64xbf16, #tpu.memory_space<hbm>>) target(%dma_start3A_169 : memref<128x64xbf16, #tpu.memory_space<vmem>>) offsets(%dma_start3A_172 : memref<128xi32, #tpu.memory_space<vmem>>) semaphore(%dma_start3A_177 : memref<!tpu.dma_semaphore, #tpu.memory_space<semaphore_mem>>)
      %mul3A_178 = arith.constant 8 : i32
      %mul3A_179 = arith.muli %scan3A_155, %mul3A_178 : i32
      %add3A_180 = arith.constant 1 : i32
      %add3A_181 = arith.addi %mul3A_179, %add3A_180 : i32
      %gt3A_182 = arith.constant 0 : i32
      %gt3A_183 = arith.cmpi sgt, %scan3A_155, %gt3A_182 : i32
      %convert_element_type3A_184 = arith.extui %gt3A_183 : i1 to i32
      %cond3A_185 = arith.constant 0 : i32
      %cond3A_186 = arith.cmpi ne, %convert_element_type3A_184, %cond3A_185 : i32
      scf.if %cond3A_186 {
        %dma_wait3A_596 = arith.constant 1 : i32
        %dma_wait3A_597 = arith.constant 0 : i32
        %dma_wait3A_598 = arith.constant 1 : i32
        %dma_wait3A_599 = arith.constant 0 : i32
        %dma_wait3A_600 = arith.constant 0 : i32
        %dma_wait3A_601 = tpu.memref_slice %arg9[%dma_wait3A_596, %dma_wait3A_599, %dma_wait3A_600] : memref<8x128x64xbf16, #tpu.memory_space<vmem>> -> memref<1x128x64xbf16, #tpu.memory_space<vmem>>
        %dma_wait3A_602 = tpu.memref_squeeze %dma_wait3A_601 : memref<1x128x64xbf16, #tpu.memory_space<vmem>> -> memref<128x64xbf16, #tpu.memory_space<vmem>>
        %dma_wait3A_603 = arith.constant 0 : i32
        %dma_wait3A_604 = tpu.memref_slice %arg8[%dma_wait3A_597, %dma_wait3A_603] : memref<40x128xi32, #tpu.memory_space<vmem>> -> memref<1x128xi32, #tpu.memory_space<vmem>>
        %dma_wait3A_605 = tpu.memref_squeeze %dma_wait3A_604 : memref<1x128xi32, #tpu.memory_space<vmem>> -> memref<128xi32, #tpu.memory_space<vmem>>
        %dma_wait3A_606 = arith.constant 0 : i32
        %dma_wait3A_607 = arith.constant 0 : i32
        %dma_wait3A_608 = tpu.memref_slice %arg11[%dma_wait3A_606, %dma_wait3A_607] : memref<10240x64xbf16, #tpu.memory_space<vmem_shared>> -> memref<10240x64xbf16, #tpu.memory_space<vmem_shared>>
        %dma_wait3A_609 = tpu.memref_slice %arg13[%dma_wait3A_598] : memref<8x!tpu.dma_semaphore, #tpu.memory_space<semaphore_mem>> -> memref<1x!tpu.dma_semaphore, #tpu.memory_space<semaphore_mem>>
        %dma_wait3A_610 = tpu.memref_squeeze %dma_wait3A_609 : memref<1x!tpu.dma_semaphore, #tpu.memory_space<semaphore_mem>> -> memref<!tpu.dma_semaphore, #tpu.memory_space<semaphore_mem>>
        tpu.wait_indirect_dma semaphore(%dma_wait3A_610 : memref<!tpu.dma_semaphore, #tpu.memory_space<semaphore_mem>>) src(%dma_wait3A_602 : memref<128x64xbf16, #tpu.memory_space<vmem>>) dst(%dma_wait3A_608 : memref<10240x64xbf16, #tpu.memory_space<vmem_shared>>)
      } else {
      }
      %dma_start3A_187 = arith.constant 1 : i32
      %dma_start3A_188 = arith.constant 1 : i32
      %dma_start3A_189 = arith.constant 0 : i32
      %dma_start3A_190 = arith.constant 0 : i32
      %dma_start3A_191 = tpu.memref_slice %arg9[%dma_start3A_187, %dma_start3A_189, %dma_start3A_190] : memref<8x128x64xbf16, #tpu.memory_space<vmem>> -> memref<1x128x64xbf16, #tpu.memory_space<vmem>>
      %dma_start3A_192 = tpu.memref_squeeze %dma_start3A_191 : memref<1x128x64xbf16, #tpu.memory_space<vmem>> -> memref<128x64xbf16, #tpu.memory_space<vmem>>
      %dma_start3A_193 = arith.constant 0 : i32
      %dma_start3A_194 = tpu.memref_slice %arg7[%add3A_181, %dma_start3A_193] : memref<40x128xi32, #tpu.memory_space<vmem>> -> memref<1x128xi32, #tpu.memory_space<vmem>>
      %dma_start3A_195 = tpu.memref_squeeze %dma_start3A_194 : memref<1x128xi32, #tpu.memory_space<vmem>> -> memref<128xi32, #tpu.memory_space<vmem>>
      %dma_start3A_196 = arith.constant 0 : i32
      %dma_start3A_197 = arith.constant 0 : i32
      %dma_start3A_198 = tpu.memref_slice %arg2[%dma_start3A_196, %dma_start3A_197] : memref<10000x64xbf16, #tpu.memory_space<hbm>> -> memref<10000x64xbf16, #tpu.memory_space<hbm>>
      %dma_start3A_199 = tpu.memref_slice %arg12[%dma_start3A_188] : memref<8x!tpu.dma_semaphore, #tpu.memory_space<semaphore_mem>> -> memref<1x!tpu.dma_semaphore, #tpu.memory_space<semaphore_mem>>
      %dma_start3A_200 = tpu.memref_squeeze %dma_start3A_199 : memref<1x!tpu.dma_semaphore, #tpu.memory_space<semaphore_mem>> -> memref<!tpu.dma_semaphore, #tpu.memory_space<semaphore_mem>>
      tpu.enqueue_indirect_dma source(%dma_start3A_198 : memref<10000x64xbf16, #tpu.memory_space<hbm>>) target(%dma_start3A_192 : memref<128x64xbf16, #tpu.memory_space<vmem>>) offsets(%dma_start3A_195 : memref<128xi32, #tpu.memory_space<vmem>>) semaphore(%dma_start3A_200 : memref<!tpu.dma_semaphore, #tpu.memory_space<semaphore_mem>>)
      %mul3A_201 = arith.constant 8 : i32
      %mul3A_202 = arith.muli %scan3A_155, %mul3A_201 : i32
      %add3A_203 = arith.constant 2 : i32
      %add3A_204 = arith.addi %mul3A_202, %add3A_203 : i32
      %gt3A_205 = arith.constant 0 : i32
      %gt3A_206 = arith.cmpi sgt, %scan3A_155, %gt3A_205 : i32
      %convert_element_type3A_207 = arith.extui %gt3A_206 : i1 to i32
      %cond3A_208 = arith.constant 0 : i32
      %cond3A_209 = arith.cmpi ne, %convert_element_type3A_207, %cond3A_208 : i32
      scf.if %cond3A_209 {
        %dma_wait3A_596 = arith.constant 2 : i32
        %dma_wait3A_597 = arith.constant 0 : i32
        %dma_wait3A_598 = arith.constant 2 : i32
        %dma_wait3A_599 = arith.constant 0 : i32
        %dma_wait3A_600 = arith.constant 0 : i32
        %dma_wait3A_601 = tpu.memref_slice %arg9[%dma_wait3A_596, %dma_wait3A_599, %dma_wait3A_600] : memref<8x128x64xbf16, #tpu.memory_space<vmem>> -> memref<1x128x64xbf16, #tpu.memory_space<vmem>>
        %dma_wait3A_602 = tpu.memref_squeeze %dma_wait3A_601 : memref<1x128x64xbf16, #tpu.memory_space<vmem>> -> memref<128x64xbf16, #tpu.memory_space<vmem>>
        %dma_wait3A_603 = arith.constant 0 : i32
        %dma_wait3A_604 = tpu.memref_slice %arg8[%dma_wait3A_597, %dma_wait3A_603] : memref<40x128xi32, #tpu.memory_space<vmem>> -> memref<1x128xi32, #tpu.memory_space<vmem>>
        %dma_wait3A_605 = tpu.memref_squeeze %dma_wait3A_604 : memref<1x128xi32, #tpu.memory_space<vmem>> -> memref<128xi32, #tpu.memory_space<vmem>>
        %dma_wait3A_606 = arith.constant 0 : i32
        %dma_wait3A_607 = arith.constant 0 : i32
        %dma_wait3A_608 = tpu.memref_slice %arg11[%dma_wait3A_606, %dma_wait3A_607] : memref<10240x64xbf16, #tpu.memory_space<vmem_shared>> -> memref<10240x64xbf16, #tpu.memory_space<vmem_shared>>
        %dma_wait3A_609 = tpu.memref_slice %arg13[%dma_wait3A_598] : memref<8x!tpu.dma_semaphore, #tpu.memory_space<semaphore_mem>> -> memref<1x!tpu.dma_semaphore, #tpu.memory_space<semaphore_mem>>
        %dma_wait3A_610 = tpu.memref_squeeze %dma_wait3A_609 : memref<1x!tpu.dma_semaphore, #tpu.memory_space<semaphore_mem>> -> memref<!tpu.dma_semaphore, #tpu.memory_space<semaphore_mem>>
        tpu.wait_indirect_dma semaphore(%dma_wait3A_610 : memref<!tpu.dma_semaphore, #tpu.memory_space<semaphore_mem>>) src(%dma_wait3A_602 : memref<128x64xbf16, #tpu.memory_space<vmem>>) dst(%dma_wait3A_608 : memref<10240x64xbf16, #tpu.memory_space<vmem_shared>>)
      } else {
      }
      %dma_start3A_210 = arith.constant 2 : i32
      %dma_start3A_211 = arith.constant 2 : i32
      %dma_start3A_212 = arith.constant 0 : i32
      %dma_start3A_213 = arith.constant 0 : i32
      %dma_start3A_214 = tpu.memref_slice %arg9[%dma_start3A_210, %dma_start3A_212, %dma_start3A_213] : memref<8x128x64xbf16, #tpu.memory_space<vmem>> -> memref<1x128x64xbf16, #tpu.memory_space<vmem>>
      %dma_start3A_215 = tpu.memref_squeeze %dma_start3A_214 : memref<1x128x64xbf16, #tpu.memory_space<vmem>> -> memref<128x64xbf16, #tpu.memory_space<vmem>>
      %dma_start3A_216 = arith.constant 0 : i32
      %dma_start3A_217 = tpu.memref_slice %arg7[%add3A_204, %dma_start3A_216] : memref<40x128xi32, #tpu.memory_space<vmem>> -> memref<1x128xi32, #tpu.memory_space<vmem>>
      %dma_start3A_218 = tpu.memref_squeeze %dma_start3A_217 : memref<1x128xi32, #tpu.memory_space<vmem>> -> memref<128xi32, #tpu.memory_space<vmem>>
      %dma_start3A_219 = arith.constant 0 : i32
      %dma_start3A_220 = arith.constant 0 : i32
      %dma_start3A_221 = tpu.memref_slice %arg2[%dma_start3A_219, %dma_start3A_220] : memref<10000x64xbf16, #tpu.memory_space<hbm>> -> memref<10000x64xbf16, #tpu.memory_space<hbm>>
      %dma_start3A_222 = tpu.memref_slice %arg12[%dma_start3A_211] : memref<8x!tpu.dma_semaphore, #tpu.memory_space<semaphore_mem>> -> memref<1x!tpu.dma_semaphore, #tpu.memory_space<semaphore_mem>>
      %dma_start3A_223 = tpu.memref_squeeze %dma_start3A_222 : memref<1x!tpu.dma_semaphore, #tpu.memory_space<semaphore_mem>> -> memref<!tpu.dma_semaphore, #tpu.memory_space<semaphore_mem>>
      tpu.enqueue_indirect_dma source(%dma_start3A_221 : memref<10000x64xbf16, #tpu.memory_space<hbm>>) target(%dma_start3A_215 : memref<128x64xbf16, #tpu.memory_space<vmem>>) offsets(%dma_start3A_218 : memref<128xi32, #tpu.memory_space<vmem>>) semaphore(%dma_start3A_223 : memref<!tpu.dma_semaphore, #tpu.memory_space<semaphore_mem>>)
      %mul3A_224 = arith.constant 8 : i32
      %mul3A_225 = arith.muli %scan3A_155, %mul3A_224 : i32
      %add3A_226 = arith.constant 3 : i32
      %add3A_227 = arith.addi %mul3A_225, %add3A_226 : i32
      %gt3A_228 = arith.constant 0 : i32
      %gt3A_229 = arith.cmpi sgt, %scan3A_155, %gt3A_228 : i32
      %convert_element_type3A_230 = arith.extui %gt3A_229 : i1 to i32
      %cond3A_231 = arith.constant 0 : i32
      %cond3A_232 = arith.cmpi ne, %convert_element_type3A_230, %cond3A_231 : i32
      scf.if %cond3A_232 {
        %dma_wait3A_596 = arith.constant 3 : i32
        %dma_wait3A_597 = arith.constant 0 : i32
        %dma_wait3A_598 = arith.constant 3 : i32
        %dma_wait3A_599 = arith.constant 0 : i32
        %dma_wait3A_600 = arith.constant 0 : i32
        %dma_wait3A_601 = tpu.memref_slice %arg9[%dma_wait3A_596, %dma_wait3A_599, %dma_wait3A_600] : memref<8x128x64xbf16, #tpu.memory_space<vmem>> -> memref<1x128x64xbf16, #tpu.memory_space<vmem>>
        %dma_wait3A_602 = tpu.memref_squeeze %dma_wait3A_601 : memref<1x128x64xbf16, #tpu.memory_space<vmem>> -> memref<128x64xbf16, #tpu.memory_space<vmem>>
        %dma_wait3A_603 = arith.constant 0 : i32
        %dma_wait3A_604 = tpu.memref_slice %arg8[%dma_wait3A_597, %dma_wait3A_603] : memref<40x128xi32, #tpu.memory_space<vmem>> -> memref<1x128xi32, #tpu.memory_space<vmem>>
        %dma_wait3A_605 = tpu.memref_squeeze %dma_wait3A_604 : memref<1x128xi32, #tpu.memory_space<vmem>> -> memref<128xi32, #tpu.memory_space<vmem>>
        %dma_wait3A_606 = arith.constant 0 : i32
        %dma_wait3A_607 = arith.constant 0 : i32
        %dma_wait3A_608 = tpu.memref_slice %arg11[%dma_wait3A_606, %dma_wait3A_607] : memref<10240x64xbf16, #tpu.memory_space<vmem_shared>> -> memref<10240x64xbf16, #tpu.memory_space<vmem_shared>>
        %dma_wait3A_609 = tpu.memref_slice %arg13[%dma_wait3A_598] : memref<8x!tpu.dma_semaphore, #tpu.memory_space<semaphore_mem>> -> memref<1x!tpu.dma_semaphore, #tpu.memory_space<semaphore_mem>>
        %dma_wait3A_610 = tpu.memref_squeeze %dma_wait3A_609 : memref<1x!tpu.dma_semaphore, #tpu.memory_space<semaphore_mem>> -> memref<!tpu.dma_semaphore, #tpu.memory_space<semaphore_mem>>
        tpu.wait_indirect_dma semaphore(%dma_wait3A_610 : memref<!tpu.dma_semaphore, #tpu.memory_space<semaphore_mem>>) src(%dma_wait3A_602 : memref<128x64xbf16, #tpu.memory_space<vmem>>) dst(%dma_wait3A_608 : memref<10240x64xbf16, #tpu.memory_space<vmem_shared>>)
      } else {
      }
      %dma_start3A_233 = arith.constant 3 : i32
      %dma_start3A_234 = arith.constant 3 : i32
      %dma_start3A_235 = arith.constant 0 : i32
      %dma_start3A_236 = arith.constant 0 : i32
      %dma_start3A_237 = tpu.memref_slice %arg9[%dma_start3A_233, %dma_start3A_235, %dma_start3A_236] : memref<8x128x64xbf16, #tpu.memory_space<vmem>> -> memref<1x128x64xbf16, #tpu.memory_space<vmem>>
      %dma_start3A_238 = tpu.memref_squeeze %dma_start3A_237 : memref<1x128x64xbf16, #tpu.memory_space<vmem>> -> memref<128x64xbf16, #tpu.memory_space<vmem>>
      %dma_start3A_239 = arith.constant 0 : i32
      %dma_start3A_240 = tpu.memref_slice %arg7[%add3A_227, %dma_start3A_239] : memref<40x128xi32, #tpu.memory_space<vmem>> -> memref<1x128xi32, #tpu.memory_space<vmem>>
      %dma_start3A_241 = tpu.memref_squeeze %dma_start3A_240 : memref<1x128xi32, #tpu.memory_space<vmem>> -> memref<128xi32, #tpu.memory_space<vmem>>
      %dma_start3A_242 = arith.constant 0 : i32
      %dma_start3A_243 = arith.constant 0 : i32
      %dma_start3A_244 = tpu.memref_slice %arg2[%dma_start3A_242, %dma_start3A_243] : memref<10000x64xbf16, #tpu.memory_space<hbm>> -> memref<10000x64xbf16, #tpu.memory_space<hbm>>
      %dma_start3A_245 = tpu.memref_slice %arg12[%dma_start3A_234] : memref<8x!tpu.dma_semaphore, #tpu.memory_space<semaphore_mem>> -> memref<1x!tpu.dma_semaphore, #tpu.memory_space<semaphore_mem>>
      %dma_start3A_246 = tpu.memref_squeeze %dma_start3A_245 : memref<1x!tpu.dma_semaphore, #tpu.memory_space<semaphore_mem>> -> memref<!tpu.dma_semaphore, #tpu.memory_space<semaphore_mem>>
      tpu.enqueue_indirect_dma source(%dma_start3A_244 : memref<10000x64xbf16, #tpu.memory_space<hbm>>) target(%dma_start3A_238 : memref<128x64xbf16, #tpu.memory_space<vmem>>) offsets(%dma_start3A_241 : memref<128xi32, #tpu.memory_space<vmem>>) semaphore(%dma_start3A_246 : memref<!tpu.dma_semaphore, #tpu.memory_space<semaphore_mem>>)
      %mul3A_247 = arith.constant 8 : i32
      %mul3A_248 = arith.muli %scan3A_155, %mul3A_247 : i32
      %add3A_249 = arith.constant 4 : i32
      %add3A_250 = arith.addi %mul3A_248, %add3A_249 : i32
      %gt3A_251 = arith.constant 0 : i32
      %gt3A_252 = arith.cmpi sgt, %scan3A_155, %gt3A_251 : i32
      %convert_element_type3A_253 = arith.extui %gt3A_252 : i1 to i32
      %cond3A_254 = arith.constant 0 : i32
      %cond3A_255 = arith.cmpi ne, %convert_element_type3A_253, %cond3A_254 : i32
      scf.if %cond3A_255 {
        %dma_wait3A_596 = arith.constant 4 : i32
        %dma_wait3A_597 = arith.constant 0 : i32
        %dma_wait3A_598 = arith.constant 4 : i32
        %dma_wait3A_599 = arith.constant 0 : i32
        %dma_wait3A_600 = arith.constant 0 : i32
        %dma_wait3A_601 = tpu.memref_slice %arg9[%dma_wait3A_596, %dma_wait3A_599, %dma_wait3A_600] : memref<8x128x64xbf16, #tpu.memory_space<vmem>> -> memref<1x128x64xbf16, #tpu.memory_space<vmem>>
        %dma_wait3A_602 = tpu.memref_squeeze %dma_wait3A_601 : memref<1x128x64xbf16, #tpu.memory_space<vmem>> -> memref<128x64xbf16, #tpu.memory_space<vmem>>
        %dma_wait3A_603 = arith.constant 0 : i32
        %dma_wait3A_604 = tpu.memref_slice %arg8[%dma_wait3A_597, %dma_wait3A_603] : memref<40x128xi32, #tpu.memory_space<vmem>> -> memref<1x128xi32, #tpu.memory_space<vmem>>
        %dma_wait3A_605 = tpu.memref_squeeze %dma_wait3A_604 : memref<1x128xi32, #tpu.memory_space<vmem>> -> memref<128xi32, #tpu.memory_space<vmem>>
        %dma_wait3A_606 = arith.constant 0 : i32
        %dma_wait3A_607 = arith.constant 0 : i32
        %dma_wait3A_608 = tpu.memref_slice %arg11[%dma_wait3A_606, %dma_wait3A_607] : memref<10240x64xbf16, #tpu.memory_space<vmem_shared>> -> memref<10240x64xbf16, #tpu.memory_space<vmem_shared>>
        %dma_wait3A_609 = tpu.memref_slice %arg13[%dma_wait3A_598] : memref<8x!tpu.dma_semaphore, #tpu.memory_space<semaphore_mem>> -> memref<1x!tpu.dma_semaphore, #tpu.memory_space<semaphore_mem>>
        %dma_wait3A_610 = tpu.memref_squeeze %dma_wait3A_609 : memref<1x!tpu.dma_semaphore, #tpu.memory_space<semaphore_mem>> -> memref<!tpu.dma_semaphore, #tpu.memory_space<semaphore_mem>>
        tpu.wait_indirect_dma semaphore(%dma_wait3A_610 : memref<!tpu.dma_semaphore, #tpu.memory_space<semaphore_mem>>) src(%dma_wait3A_602 : memref<128x64xbf16, #tpu.memory_space<vmem>>) dst(%dma_wait3A_608 : memref<10240x64xbf16, #tpu.memory_space<vmem_shared>>)
      } else {
      }
      %dma_start3A_256 = arith.constant 4 : i32
      %dma_start3A_257 = arith.constant 4 : i32
      %dma_start3A_258 = arith.constant 0 : i32
      %dma_start3A_259 = arith.constant 0 : i32
      %dma_start3A_260 = tpu.memref_slice %arg9[%dma_start3A_256, %dma_start3A_258, %dma_start3A_259] : memref<8x128x64xbf16, #tpu.memory_space<vmem>> -> memref<1x128x64xbf16, #tpu.memory_space<vmem>>
      %dma_start3A_261 = tpu.memref_squeeze %dma_start3A_260 : memref<1x128x64xbf16, #tpu.memory_space<vmem>> -> memref<128x64xbf16, #tpu.memory_space<vmem>>
      %dma_start3A_262 = arith.constant 0 : i32
      %dma_start3A_263 = tpu.memref_slice %arg7[%add3A_250, %dma_start3A_262] : memref<40x128xi32, #tpu.memory_space<vmem>> -> memref<1x128xi32, #tpu.memory_space<vmem>>
      %dma_start3A_264 = tpu.memref_squeeze %dma_start3A_263 : memref<1x128xi32, #tpu.memory_space<vmem>> -> memref<128xi32, #tpu.memory_space<vmem>>
      %dma_start3A_265 = arith.constant 0 : i32
      %dma_start3A_266 = arith.constant 0 : i32
      %dma_start3A_267 = tpu.memref_slice %arg2[%dma_start3A_265, %dma_start3A_266] : memref<10000x64xbf16, #tpu.memory_space<hbm>> -> memref<10000x64xbf16, #tpu.memory_space<hbm>>
      %dma_start3A_268 = tpu.memref_slice %arg12[%dma_start3A_257] : memref<8x!tpu.dma_semaphore, #tpu.memory_space<semaphore_mem>> -> memref<1x!tpu.dma_semaphore, #tpu.memory_space<semaphore_mem>>
      %dma_start3A_269 = tpu.memref_squeeze %dma_start3A_268 : memref<1x!tpu.dma_semaphore, #tpu.memory_space<semaphore_mem>> -> memref<!tpu.dma_semaphore, #tpu.memory_space<semaphore_mem>>
      tpu.enqueue_indirect_dma source(%dma_start3A_267 : memref<10000x64xbf16, #tpu.memory_space<hbm>>) target(%dma_start3A_261 : memref<128x64xbf16, #tpu.memory_space<vmem>>) offsets(%dma_start3A_264 : memref<128xi32, #tpu.memory_space<vmem>>) semaphore(%dma_start3A_269 : memref<!tpu.dma_semaphore, #tpu.memory_space<semaphore_mem>>)
      %mul3A_270 = arith.constant 8 : i32
      %mul3A_271 = arith.muli %scan3A_155, %mul3A_270 : i32
      %add3A_272 = arith.constant 5 : i32
      %add3A_273 = arith.addi %mul3A_271, %add3A_272 : i32
      %gt3A_274 = arith.constant 0 : i32
      %gt3A_275 = arith.cmpi sgt, %scan3A_155, %gt3A_274 : i32
      %convert_element_type3A_276 = arith.extui %gt3A_275 : i1 to i32
      %cond3A_277 = arith.constant 0 : i32
      %cond3A_278 = arith.cmpi ne, %convert_element_type3A_276, %cond3A_277 : i32
      scf.if %cond3A_278 {
        %dma_wait3A_596 = arith.constant 5 : i32
        %dma_wait3A_597 = arith.constant 0 : i32
        %dma_wait3A_598 = arith.constant 5 : i32
        %dma_wait3A_599 = arith.constant 0 : i32
        %dma_wait3A_600 = arith.constant 0 : i32
        %dma_wait3A_601 = tpu.memref_slice %arg9[%dma_wait3A_596, %dma_wait3A_599, %dma_wait3A_600] : memref<8x128x64xbf16, #tpu.memory_space<vmem>> -> memref<1x128x64xbf16, #tpu.memory_space<vmem>>
        %dma_wait3A_602 = tpu.memref_squeeze %dma_wait3A_601 : memref<1x128x64xbf16, #tpu.memory_space<vmem>> -> memref<128x64xbf16, #tpu.memory_space<vmem>>
        %dma_wait3A_603 = arith.constant 0 : i32
        %dma_wait3A_604 = tpu.memref_slice %arg8[%dma_wait3A_597, %dma_wait3A_603] : memref<40x128xi32, #tpu.memory_space<vmem>> -> memref<1x128xi32, #tpu.memory_space<vmem>>
        %dma_wait3A_605 = tpu.memref_squeeze %dma_wait3A_604 : memref<1x128xi32, #tpu.memory_space<vmem>> -> memref<128xi32, #tpu.memory_space<vmem>>
        %dma_wait3A_606 = arith.constant 0 : i32
        %dma_wait3A_607 = arith.constant 0 : i32
        %dma_wait3A_608 = tpu.memref_slice %arg11[%dma_wait3A_606, %dma_wait3A_607] : memref<10240x64xbf16, #tpu.memory_space<vmem_shared>> -> memref<10240x64xbf16, #tpu.memory_space<vmem_shared>>
        %dma_wait3A_609 = tpu.memref_slice %arg13[%dma_wait3A_598] : memref<8x!tpu.dma_semaphore, #tpu.memory_space<semaphore_mem>> -> memref<1x!tpu.dma_semaphore, #tpu.memory_space<semaphore_mem>>
        %dma_wait3A_610 = tpu.memref_squeeze %dma_wait3A_609 : memref<1x!tpu.dma_semaphore, #tpu.memory_space<semaphore_mem>> -> memref<!tpu.dma_semaphore, #tpu.memory_space<semaphore_mem>>
        tpu.wait_indirect_dma semaphore(%dma_wait3A_610 : memref<!tpu.dma_semaphore, #tpu.memory_space<semaphore_mem>>) src(%dma_wait3A_602 : memref<128x64xbf16, #tpu.memory_space<vmem>>) dst(%dma_wait3A_608 : memref<10240x64xbf16, #tpu.memory_space<vmem_shared>>)
      } else {
      }
      %dma_start3A_279 = arith.constant 5 : i32
      %dma_start3A_280 = arith.constant 5 : i32
      %dma_start3A_281 = arith.constant 0 : i32
      %dma_start3A_282 = arith.constant 0 : i32
      %dma_start3A_283 = tpu.memref_slice %arg9[%dma_start3A_279, %dma_start3A_281, %dma_start3A_282] : memref<8x128x64xbf16, #tpu.memory_space<vmem>> -> memref<1x128x64xbf16, #tpu.memory_space<vmem>>
      %dma_start3A_284 = tpu.memref_squeeze %dma_start3A_283 : memref<1x128x64xbf16, #tpu.memory_space<vmem>> -> memref<128x64xbf16, #tpu.memory_space<vmem>>
      %dma_start3A_285 = arith.constant 0 : i32
      %dma_start3A_286 = tpu.memref_slice %arg7[%add3A_273, %dma_start3A_285] : memref<40x128xi32, #tpu.memory_space<vmem>> -> memref<1x128xi32, #tpu.memory_space<vmem>>
      %dma_start3A_287 = tpu.memref_squeeze %dma_start3A_286 : memref<1x128xi32, #tpu.memory_space<vmem>> -> memref<128xi32, #tpu.memory_space<vmem>>
      %dma_start3A_288 = arith.constant 0 : i32
      %dma_start3A_289 = arith.constant 0 : i32
      %dma_start3A_290 = tpu.memref_slice %arg2[%dma_start3A_288, %dma_start3A_289] : memref<10000x64xbf16, #tpu.memory_space<hbm>> -> memref<10000x64xbf16, #tpu.memory_space<hbm>>
      %dma_start3A_291 = tpu.memref_slice %arg12[%dma_start3A_280] : memref<8x!tpu.dma_semaphore, #tpu.memory_space<semaphore_mem>> -> memref<1x!tpu.dma_semaphore, #tpu.memory_space<semaphore_mem>>
      %dma_start3A_292 = tpu.memref_squeeze %dma_start3A_291 : memref<1x!tpu.dma_semaphore, #tpu.memory_space<semaphore_mem>> -> memref<!tpu.dma_semaphore, #tpu.memory_space<semaphore_mem>>
      tpu.enqueue_indirect_dma source(%dma_start3A_290 : memref<10000x64xbf16, #tpu.memory_space<hbm>>) target(%dma_start3A_284 : memref<128x64xbf16, #tpu.memory_space<vmem>>) offsets(%dma_start3A_287 : memref<128xi32, #tpu.memory_space<vmem>>) semaphore(%dma_start3A_292 : memref<!tpu.dma_semaphore, #tpu.memory_space<semaphore_mem>>)
      %mul3A_293 = arith.constant 8 : i32
      %mul3A_294 = arith.muli %scan3A_155, %mul3A_293 : i32
      %add3A_295 = arith.constant 6 : i32
      %add3A_296 = arith.addi %mul3A_294, %add3A_295 : i32
      %gt3A_297 = arith.constant 0 : i32
      %gt3A_298 = arith.cmpi sgt, %scan3A_155, %gt3A_297 : i32
      %convert_element_type3A_299 = arith.extui %gt3A_298 : i1 to i32
      %cond3A_300 = arith.constant 0 : i32
      %cond3A_301 = arith.cmpi ne, %convert_element_type3A_299, %cond3A_300 : i32
      scf.if %cond3A_301 {
        %dma_wait3A_596 = arith.constant 6 : i32
        %dma_wait3A_597 = arith.constant 0 : i32
        %dma_wait3A_598 = arith.constant 6 : i32
        %dma_wait3A_599 = arith.constant 0 : i32
        %dma_wait3A_600 = arith.constant 0 : i32
        %dma_wait3A_601 = tpu.memref_slice %arg9[%dma_wait3A_596, %dma_wait3A_599, %dma_wait3A_600] : memref<8x128x64xbf16, #tpu.memory_space<vmem>> -> memref<1x128x64xbf16, #tpu.memory_space<vmem>>
        %dma_wait3A_602 = tpu.memref_squeeze %dma_wait3A_601 : memref<1x128x64xbf16, #tpu.memory_space<vmem>> -> memref<128x64xbf16, #tpu.memory_space<vmem>>
        %dma_wait3A_603 = arith.constant 0 : i32
        %dma_wait3A_604 = tpu.memref_slice %arg8[%dma_wait3A_597, %dma_wait3A_603] : memref<40x128xi32, #tpu.memory_space<vmem>> -> memref<1x128xi32, #tpu.memory_space<vmem>>
        %dma_wait3A_605 = tpu.memref_squeeze %dma_wait3A_604 : memref<1x128xi32, #tpu.memory_space<vmem>> -> memref<128xi32, #tpu.memory_space<vmem>>
        %dma_wait3A_606 = arith.constant 0 : i32
        %dma_wait3A_607 = arith.constant 0 : i32
        %dma_wait3A_608 = tpu.memref_slice %arg11[%dma_wait3A_606, %dma_wait3A_607] : memref<10240x64xbf16, #tpu.memory_space<vmem_shared>> -> memref<10240x64xbf16, #tpu.memory_space<vmem_shared>>
        %dma_wait3A_609 = tpu.memref_slice %arg13[%dma_wait3A_598] : memref<8x!tpu.dma_semaphore, #tpu.memory_space<semaphore_mem>> -> memref<1x!tpu.dma_semaphore, #tpu.memory_space<semaphore_mem>>
        %dma_wait3A_610 = tpu.memref_squeeze %dma_wait3A_609 : memref<1x!tpu.dma_semaphore, #tpu.memory_space<semaphore_mem>> -> memref<!tpu.dma_semaphore, #tpu.memory_space<semaphore_mem>>
        tpu.wait_indirect_dma semaphore(%dma_wait3A_610 : memref<!tpu.dma_semaphore, #tpu.memory_space<semaphore_mem>>) src(%dma_wait3A_602 : memref<128x64xbf16, #tpu.memory_space<vmem>>) dst(%dma_wait3A_608 : memref<10240x64xbf16, #tpu.memory_space<vmem_shared>>)
      } else {
      }
      %dma_start3A_302 = arith.constant 6 : i32
      %dma_start3A_303 = arith.constant 6 : i32
      %dma_start3A_304 = arith.constant 0 : i32
      %dma_start3A_305 = arith.constant 0 : i32
      %dma_start3A_306 = tpu.memref_slice %arg9[%dma_start3A_302, %dma_start3A_304, %dma_start3A_305] : memref<8x128x64xbf16, #tpu.memory_space<vmem>> -> memref<1x128x64xbf16, #tpu.memory_space<vmem>>
      %dma_start3A_307 = tpu.memref_squeeze %dma_start3A_306 : memref<1x128x64xbf16, #tpu.memory_space<vmem>> -> memref<128x64xbf16, #tpu.memory_space<vmem>>
      %dma_start3A_308 = arith.constant 0 : i32
      %dma_start3A_309 = tpu.memref_slice %arg7[%add3A_296, %dma_start3A_308] : memref<40x128xi32, #tpu.memory_space<vmem>> -> memref<1x128xi32, #tpu.memory_space<vmem>>
      %dma_start3A_310 = tpu.memref_squeeze %dma_start3A_309 : memref<1x128xi32, #tpu.memory_space<vmem>> -> memref<128xi32, #tpu.memory_space<vmem>>
      %dma_start3A_311 = arith.constant 0 : i32
      %dma_start3A_312 = arith.constant 0 : i32
      %dma_start3A_313 = tpu.memref_slice %arg2[%dma_start3A_311, %dma_start3A_312] : memref<10000x64xbf16, #tpu.memory_space<hbm>> -> memref<10000x64xbf16, #tpu.memory_space<hbm>>
      %dma_start3A_314 = tpu.memref_slice %arg12[%dma_start3A_303] : memref<8x!tpu.dma_semaphore, #tpu.memory_space<semaphore_mem>> -> memref<1x!tpu.dma_semaphore, #tpu.memory_space<semaphore_mem>>
      %dma_start3A_315 = tpu.memref_squeeze %dma_start3A_314 : memref<1x!tpu.dma_semaphore, #tpu.memory_space<semaphore_mem>> -> memref<!tpu.dma_semaphore, #tpu.memory_space<semaphore_mem>>
      tpu.enqueue_indirect_dma source(%dma_start3A_313 : memref<10000x64xbf16, #tpu.memory_space<hbm>>) target(%dma_start3A_307 : memref<128x64xbf16, #tpu.memory_space<vmem>>) offsets(%dma_start3A_310 : memref<128xi32, #tpu.memory_space<vmem>>) semaphore(%dma_start3A_315 : memref<!tpu.dma_semaphore, #tpu.memory_space<semaphore_mem>>)
      %mul3A_316 = arith.constant 8 : i32
      %mul3A_317 = arith.muli %scan3A_155, %mul3A_316 : i32
      %add3A_318 = arith.constant 7 : i32
      %add3A_319 = arith.addi %mul3A_317, %add3A_318 : i32
      %gt3A_320 = arith.constant 0 : i32
      %gt3A_321 = arith.cmpi sgt, %scan3A_155, %gt3A_320 : i32
      %convert_element_type3A_322 = arith.extui %gt3A_321 : i1 to i32
      %cond3A_323 = arith.constant 0 : i32
      %cond3A_324 = arith.cmpi ne, %convert_element_type3A_322, %cond3A_323 : i32
      scf.if %cond3A_324 {
        %dma_wait3A_596 = arith.constant 7 : i32
        %dma_wait3A_597 = arith.constant 0 : i32
        %dma_wait3A_598 = arith.constant 7 : i32
        %dma_wait3A_599 = arith.constant 0 : i32
        %dma_wait3A_600 = arith.constant 0 : i32
        %dma_wait3A_601 = tpu.memref_slice %arg9[%dma_wait3A_596, %dma_wait3A_599, %dma_wait3A_600] : memref<8x128x64xbf16, #tpu.memory_space<vmem>> -> memref<1x128x64xbf16, #tpu.memory_space<vmem>>
        %dma_wait3A_602 = tpu.memref_squeeze %dma_wait3A_601 : memref<1x128x64xbf16, #tpu.memory_space<vmem>> -> memref<128x64xbf16, #tpu.memory_space<vmem>>
        %dma_wait3A_603 = arith.constant 0 : i32
        %dma_wait3A_604 = tpu.memref_slice %arg8[%dma_wait3A_597, %dma_wait3A_603] : memref<40x128xi32, #tpu.memory_space<vmem>> -> memref<1x128xi32, #tpu.memory_space<vmem>>
        %dma_wait3A_605 = tpu.memref_squeeze %dma_wait3A_604 : memref<1x128xi32, #tpu.memory_space<vmem>> -> memref<128xi32, #tpu.memory_space<vmem>>
        %dma_wait3A_606 = arith.constant 0 : i32
        %dma_wait3A_607 = arith.constant 0 : i32
        %dma_wait3A_608 = tpu.memref_slice %arg11[%dma_wait3A_606, %dma_wait3A_607] : memref<10240x64xbf16, #tpu.memory_space<vmem_shared>> -> memref<10240x64xbf16, #tpu.memory_space<vmem_shared>>
        %dma_wait3A_609 = tpu.memref_slice %arg13[%dma_wait3A_598] : memref<8x!tpu.dma_semaphore, #tpu.memory_space<semaphore_mem>> -> memref<1x!tpu.dma_semaphore, #tpu.memory_space<semaphore_mem>>
        %dma_wait3A_610 = tpu.memref_squeeze %dma_wait3A_609 : memref<1x!tpu.dma_semaphore, #tpu.memory_space<semaphore_mem>> -> memref<!tpu.dma_semaphore, #tpu.memory_space<semaphore_mem>>
        tpu.wait_indirect_dma semaphore(%dma_wait3A_610 : memref<!tpu.dma_semaphore, #tpu.memory_space<semaphore_mem>>) src(%dma_wait3A_602 : memref<128x64xbf16, #tpu.memory_space<vmem>>) dst(%dma_wait3A_608 : memref<10240x64xbf16, #tpu.memory_space<vmem_shared>>)
      } else {
      }
      %dma_start3A_325 = arith.constant 7 : i32
      %dma_start3A_326 = arith.constant 7 : i32
      %dma_start3A_327 = arith.constant 0 : i32
      %dma_start3A_328 = arith.constant 0 : i32
      %dma_start3A_329 = tpu.memref_slice %arg9[%dma_start3A_325, %dma_start3A_327, %dma_start3A_328] : memref<8x128x64xbf16, #tpu.memory_space<vmem>> -> memref<1x128x64xbf16, #tpu.memory_space<vmem>>
      %dma_start3A_330 = tpu.memref_squeeze %dma_start3A_329 : memref<1x128x64xbf16, #tpu.memory_space<vmem>> -> memref<128x64xbf16, #tpu.memory_space<vmem>>
      %dma_start3A_331 = arith.constant 0 : i32
      %dma_start3A_332 = tpu.memref_slice %arg7[%add3A_319, %dma_start3A_331] : memref<40x128xi32, #tpu.memory_space<vmem>> -> memref<1x128xi32, #tpu.memory_space<vmem>>
      %dma_start3A_333 = tpu.memref_squeeze %dma_start3A_332 : memref<1x128xi32, #tpu.memory_space<vmem>> -> memref<128xi32, #tpu.memory_space<vmem>>
      %dma_start3A_334 = arith.constant 0 : i32
      %dma_start3A_335 = arith.constant 0 : i32
      %dma_start3A_336 = tpu.memref_slice %arg2[%dma_start3A_334, %dma_start3A_335] : memref<10000x64xbf16, #tpu.memory_space<hbm>> -> memref<10000x64xbf16, #tpu.memory_space<hbm>>
      %dma_start3A_337 = tpu.memref_slice %arg12[%dma_start3A_326] : memref<8x!tpu.dma_semaphore, #tpu.memory_space<semaphore_mem>> -> memref<1x!tpu.dma_semaphore, #tpu.memory_space<semaphore_mem>>
      %dma_start3A_338 = tpu.memref_squeeze %dma_start3A_337 : memref<1x!tpu.dma_semaphore, #tpu.memory_space<semaphore_mem>> -> memref<!tpu.dma_semaphore, #tpu.memory_space<semaphore_mem>>
      tpu.enqueue_indirect_dma source(%dma_start3A_336 : memref<10000x64xbf16, #tpu.memory_space<hbm>>) target(%dma_start3A_330 : memref<128x64xbf16, #tpu.memory_space<vmem>>) offsets(%dma_start3A_333 : memref<128xi32, #tpu.memory_space<vmem>>) semaphore(%dma_start3A_338 : memref<!tpu.dma_semaphore, #tpu.memory_space<semaphore_mem>>)
      %mul3A_339 = arith.constant 8 : i32
      %mul3A_340 = arith.muli %scan3A_155, %mul3A_339 : i32
      %add3A_341 = arith.constant 0 : i32
      %add3A_342 = arith.addi %mul3A_340, %add3A_341 : i32
      %dma_wait3A_343 = arith.constant 0 : i32
      %dma_wait3A_344 = arith.constant 0 : i32
      %dma_wait3A_345 = arith.constant 0 : i32
      %dma_wait3A_346 = arith.constant 0 : i32
      %dma_wait3A_347 = tpu.memref_slice %arg9[%dma_wait3A_343, %dma_wait3A_345, %dma_wait3A_346] : memref<8x128x64xbf16, #tpu.memory_space<vmem>> -> memref<1x128x64xbf16, #tpu.memory_space<vmem>>
      %dma_wait3A_348 = tpu.memref_squeeze %dma_wait3A_347 : memref<1x128x64xbf16, #tpu.memory_space<vmem>> -> memref<128x64xbf16, #tpu.memory_space<vmem>>
      %dma_wait3A_349 = arith.constant 0 : i32
      %dma_wait3A_350 = tpu.memref_slice %arg7[%add3A_342, %dma_wait3A_349] : memref<40x128xi32, #tpu.memory_space<vmem>> -> memref<1x128xi32, #tpu.memory_space<vmem>>
      %dma_wait3A_351 = tpu.memref_squeeze %dma_wait3A_350 : memref<1x128xi32, #tpu.memory_space<vmem>> -> memref<128xi32, #tpu.memory_space<vmem>>
      %dma_wait3A_352 = arith.constant 0 : i32
      %dma_wait3A_353 = arith.constant 0 : i32
      %dma_wait3A_354 = tpu.memref_slice %arg2[%dma_wait3A_352, %dma_wait3A_353] : memref<10000x64xbf16, #tpu.memory_space<hbm>> -> memref<10000x64xbf16, #tpu.memory_space<hbm>>
      %dma_wait3A_355 = tpu.memref_slice %arg12[%dma_wait3A_344] : memref<8x!tpu.dma_semaphore, #tpu.memory_space<semaphore_mem>> -> memref<1x!tpu.dma_semaphore, #tpu.memory_space<semaphore_mem>>
      %dma_wait3A_356 = tpu.memref_squeeze %dma_wait3A_355 : memref<1x!tpu.dma_semaphore, #tpu.memory_space<semaphore_mem>> -> memref<!tpu.dma_semaphore, #tpu.memory_space<semaphore_mem>>
      tpu.wait_indirect_dma semaphore(%dma_wait3A_356 : memref<!tpu.dma_semaphore, #tpu.memory_space<semaphore_mem>>) src(%dma_wait3A_354 : memref<10000x64xbf16, #tpu.memory_space<hbm>>) dst(%dma_wait3A_348 : memref<128x64xbf16, #tpu.memory_space<vmem>>)
      %dma_start3A_357 = arith.constant 0 : i32
      %dma_start3A_358 = arith.constant 0 : i32
      %dma_start3A_359 = arith.constant 0 : i32
      %dma_start3A_360 = arith.constant 0 : i32
      %dma_start3A_361 = tpu.memref_slice %arg9[%dma_start3A_357, %dma_start3A_359, %dma_start3A_360] : memref<8x128x64xbf16, #tpu.memory_space<vmem>> -> memref<1x128x64xbf16, #tpu.memory_space<vmem>>
      %dma_start3A_362 = tpu.memref_squeeze %dma_start3A_361 : memref<1x128x64xbf16, #tpu.memory_space<vmem>> -> memref<128x64xbf16, #tpu.memory_space<vmem>>
      %dma_start3A_363 = arith.constant 0 : i32
      %dma_start3A_364 = tpu.memref_slice %arg8[%add3A_342, %dma_start3A_363] : memref<40x128xi32, #tpu.memory_space<vmem>> -> memref<1x128xi32, #tpu.memory_space<vmem>>
      %dma_start3A_365 = tpu.memref_squeeze %dma_start3A_364 : memref<1x128xi32, #tpu.memory_space<vmem>> -> memref<128xi32, #tpu.memory_space<vmem>>
      %dma_start3A_366 = arith.constant 0 : i32
      %dma_start3A_367 = arith.constant 0 : i32
      %dma_start3A_368 = tpu.memref_slice %arg11[%dma_start3A_366, %dma_start3A_367] : memref<10240x64xbf16, #tpu.memory_space<vmem_shared>> -> memref<10240x64xbf16, #tpu.memory_space<vmem_shared>>
      %dma_start3A_369 = tpu.memref_slice %arg13[%dma_start3A_358] : memref<8x!tpu.dma_semaphore, #tpu.memory_space<semaphore_mem>> -> memref<1x!tpu.dma_semaphore, #tpu.memory_space<semaphore_mem>>
      %dma_start3A_370 = tpu.memref_squeeze %dma_start3A_369 : memref<1x!tpu.dma_semaphore, #tpu.memory_space<semaphore_mem>> -> memref<!tpu.dma_semaphore, #tpu.memory_space<semaphore_mem>>
      tpu.enqueue_indirect_dma source(%dma_start3A_362 : memref<128x64xbf16, #tpu.memory_space<vmem>>) target(%dma_start3A_368 : memref<10240x64xbf16, #tpu.memory_space<vmem_shared>>) offsets(%dma_start3A_365 : memref<128xi32, #tpu.memory_space<vmem>>) semaphore(%dma_start3A_370 : memref<!tpu.dma_semaphore, #tpu.memory_space<semaphore_mem>>) {add = true}
      %mul3A_371 = arith.constant 8 : i32
      %mul3A_372 = arith.muli %scan3A_155, %mul3A_371 : i32
      %add3A_373 = arith.constant 1 : i32
      %add3A_374 = arith.addi %mul3A_372, %add3A_373 : i32
      %dma_wait3A_375 = arith.constant 1 : i32
      %dma_wait3A_376 = arith.constant 1 : i32
      %dma_wait3A_377 = arith.constant 0 : i32
      %dma_wait3A_378 = arith.constant 0 : i32
      %dma_wait3A_379 = tpu.memref_slice %arg9[%dma_wait3A_375, %dma_wait3A_377, %dma_wait3A_378] : memref<8x128x64xbf16, #tpu.memory_space<vmem>> -> memref<1x128x64xbf16, #tpu.memory_space<vmem>>
      %dma_wait3A_380 = tpu.memref_squeeze %dma_wait3A_379 : memref<1x128x64xbf16, #tpu.memory_space<vmem>> -> memref<128x64xbf16, #tpu.memory_space<vmem>>
      %dma_wait3A_381 = arith.constant 0 : i32
      %dma_wait3A_382 = tpu.memref_slice %arg7[%add3A_374, %dma_wait3A_381] : memref<40x128xi32, #tpu.memory_space<vmem>> -> memref<1x128xi32, #tpu.memory_space<vmem>>
      %dma_wait3A_383 = tpu.memref_squeeze %dma_wait3A_382 : memref<1x128xi32, #tpu.memory_space<vmem>> -> memref<128xi32, #tpu.memory_space<vmem>>
      %dma_wait3A_384 = arith.constant 0 : i32
      %dma_wait3A_385 = arith.constant 0 : i32
      %dma_wait3A_386 = tpu.memref_slice %arg2[%dma_wait3A_384, %dma_wait3A_385] : memref<10000x64xbf16, #tpu.memory_space<hbm>> -> memref<10000x64xbf16, #tpu.memory_space<hbm>>
      %dma_wait3A_387 = tpu.memref_slice %arg12[%dma_wait3A_376] : memref<8x!tpu.dma_semaphore, #tpu.memory_space<semaphore_mem>> -> memref<1x!tpu.dma_semaphore, #tpu.memory_space<semaphore_mem>>
      %dma_wait3A_388 = tpu.memref_squeeze %dma_wait3A_387 : memref<1x!tpu.dma_semaphore, #tpu.memory_space<semaphore_mem>> -> memref<!tpu.dma_semaphore, #tpu.memory_space<semaphore_mem>>
      tpu.wait_indirect_dma semaphore(%dma_wait3A_388 : memref<!tpu.dma_semaphore, #tpu.memory_space<semaphore_mem>>) src(%dma_wait3A_386 : memref<10000x64xbf16, #tpu.memory_space<hbm>>) dst(%dma_wait3A_380 : memref<128x64xbf16, #tpu.memory_space<vmem>>)
      %dma_start3A_389 = arith.constant 1 : i32
      %dma_start3A_390 = arith.constant 1 : i32
      %dma_start3A_391 = arith.constant 0 : i32
      %dma_start3A_392 = arith.constant 0 : i32
      %dma_start3A_393 = tpu.memref_slice %arg9[%dma_start3A_389, %dma_start3A_391, %dma_start3A_392] : memref<8x128x64xbf16, #tpu.memory_space<vmem>> -> memref<1x128x64xbf16, #tpu.memory_space<vmem>>
      %dma_start3A_394 = tpu.memref_squeeze %dma_start3A_393 : memref<1x128x64xbf16, #tpu.memory_space<vmem>> -> memref<128x64xbf16, #tpu.memory_space<vmem>>
      %dma_start3A_395 = arith.constant 0 : i32
      %dma_start3A_396 = tpu.memref_slice %arg8[%add3A_374, %dma_start3A_395] : memref<40x128xi32, #tpu.memory_space<vmem>> -> memref<1x128xi32, #tpu.memory_space<vmem>>
      %dma_start3A_397 = tpu.memref_squeeze %dma_start3A_396 : memref<1x128xi32, #tpu.memory_space<vmem>> -> memref<128xi32, #tpu.memory_space<vmem>>
      %dma_start3A_398 = arith.constant 0 : i32
      %dma_start3A_399 = arith.constant 0 : i32
      %dma_start3A_400 = tpu.memref_slice %arg11[%dma_start3A_398, %dma_start3A_399] : memref<10240x64xbf16, #tpu.memory_space<vmem_shared>> -> memref<10240x64xbf16, #tpu.memory_space<vmem_shared>>
      %dma_start3A_401 = tpu.memref_slice %arg13[%dma_start3A_390] : memref<8x!tpu.dma_semaphore, #tpu.memory_space<semaphore_mem>> -> memref<1x!tpu.dma_semaphore, #tpu.memory_space<semaphore_mem>>
      %dma_start3A_402 = tpu.memref_squeeze %dma_start3A_401 : memref<1x!tpu.dma_semaphore, #tpu.memory_space<semaphore_mem>> -> memref<!tpu.dma_semaphore, #tpu.memory_space<semaphore_mem>>
      tpu.enqueue_indirect_dma source(%dma_start3A_394 : memref<128x64xbf16, #tpu.memory_space<vmem>>) target(%dma_start3A_400 : memref<10240x64xbf16, #tpu.memory_space<vmem_shared>>) offsets(%dma_start3A_397 : memref<128xi32, #tpu.memory_space<vmem>>) semaphore(%dma_start3A_402 : memref<!tpu.dma_semaphore, #tpu.memory_space<semaphore_mem>>) {add = true}
      %mul3A_403 = arith.constant 8 : i32
      %mul3A_404 = arith.muli %scan3A_155, %mul3A_403 : i32
      %add3A_405 = arith.constant 2 : i32
      %add3A_406 = arith.addi %mul3A_404, %add3A_405 : i32
      %dma_wait3A_407 = arith.constant 2 : i32
      %dma_wait3A_408 = arith.constant 2 : i32
      %dma_wait3A_409 = arith.constant 0 : i32
      %dma_wait3A_410 = arith.constant 0 : i32
      %dma_wait3A_411 = tpu.memref_slice %arg9[%dma_wait3A_407, %dma_wait3A_409, %dma_wait3A_410] : memref<8x128x64xbf16, #tpu.memory_space<vmem>> -> memref<1x128x64xbf16, #tpu.memory_space<vmem>>
      %dma_wait3A_412 = tpu.memref_squeeze %dma_wait3A_411 : memref<1x128x64xbf16, #tpu.memory_space<vmem>> -> memref<128x64xbf16, #tpu.memory_space<vmem>>
      %dma_wait3A_413 = arith.constant 0 : i32
      %dma_wait3A_414 = tpu.memref_slice %arg7[%add3A_406, %dma_wait3A_413] : memref<40x128xi32, #tpu.memory_space<vmem>> -> memref<1x128xi32, #tpu.memory_space<vmem>>
      %dma_wait3A_415 = tpu.memref_squeeze %dma_wait3A_414 : memref<1x128xi32, #tpu.memory_space<vmem>> -> memref<128xi32, #tpu.memory_space<vmem>>
      %dma_wait3A_416 = arith.constant 0 : i32
      %dma_wait3A_417 = arith.constant 0 : i32
      %dma_wait3A_418 = tpu.memref_slice %arg2[%dma_wait3A_416, %dma_wait3A_417] : memref<10000x64xbf16, #tpu.memory_space<hbm>> -> memref<10000x64xbf16, #tpu.memory_space<hbm>>
      %dma_wait3A_419 = tpu.memref_slice %arg12[%dma_wait3A_408] : memref<8x!tpu.dma_semaphore, #tpu.memory_space<semaphore_mem>> -> memref<1x!tpu.dma_semaphore, #tpu.memory_space<semaphore_mem>>
      %dma_wait3A_420 = tpu.memref_squeeze %dma_wait3A_419 : memref<1x!tpu.dma_semaphore, #tpu.memory_space<semaphore_mem>> -> memref<!tpu.dma_semaphore, #tpu.memory_space<semaphore_mem>>
      tpu.wait_indirect_dma semaphore(%dma_wait3A_420 : memref<!tpu.dma_semaphore, #tpu.memory_space<semaphore_mem>>) src(%dma_wait3A_418 : memref<10000x64xbf16, #tpu.memory_space<hbm>>) dst(%dma_wait3A_412 : memref<128x64xbf16, #tpu.memory_space<vmem>>)
      %dma_start3A_421 = arith.constant 2 : i32
      %dma_start3A_422 = arith.constant 2 : i32
      %dma_start3A_423 = arith.constant 0 : i32
      %dma_start3A_424 = arith.constant 0 : i32
      %dma_start3A_425 = tpu.memref_slice %arg9[%dma_start3A_421, %dma_start3A_423, %dma_start3A_424] : memref<8x128x64xbf16, #tpu.memory_space<vmem>> -> memref<1x128x64xbf16, #tpu.memory_space<vmem>>
      %dma_start3A_426 = tpu.memref_squeeze %dma_start3A_425 : memref<1x128x64xbf16, #tpu.memory_space<vmem>> -> memref<128x64xbf16, #tpu.memory_space<vmem>>
      %dma_start3A_427 = arith.constant 0 : i32
      %dma_start3A_428 = tpu.memref_slice %arg8[%add3A_406, %dma_start3A_427] : memref<40x128xi32, #tpu.memory_space<vmem>> -> memref<1x128xi32, #tpu.memory_space<vmem>>
      %dma_start3A_429 = tpu.memref_squeeze %dma_start3A_428 : memref<1x128xi32, #tpu.memory_space<vmem>> -> memref<128xi32, #tpu.memory_space<vmem>>
      %dma_start3A_430 = arith.constant 0 : i32
      %dma_start3A_431 = arith.constant 0 : i32
      %dma_start3A_432 = tpu.memref_slice %arg11[%dma_start3A_430, %dma_start3A_431] : memref<10240x64xbf16, #tpu.memory_space<vmem_shared>> -> memref<10240x64xbf16, #tpu.memory_space<vmem_shared>>
      %dma_start3A_433 = tpu.memref_slice %arg13[%dma_start3A_422] : memref<8x!tpu.dma_semaphore, #tpu.memory_space<semaphore_mem>> -> memref<1x!tpu.dma_semaphore, #tpu.memory_space<semaphore_mem>>
      %dma_start3A_434 = tpu.memref_squeeze %dma_start3A_433 : memref<1x!tpu.dma_semaphore, #tpu.memory_space<semaphore_mem>> -> memref<!tpu.dma_semaphore, #tpu.memory_space<semaphore_mem>>
      tpu.enqueue_indirect_dma source(%dma_start3A_426 : memref<128x64xbf16, #tpu.memory_space<vmem>>) target(%dma_start3A_432 : memref<10240x64xbf16, #tpu.memory_space<vmem_shared>>) offsets(%dma_start3A_429 : memref<128xi32, #tpu.memory_space<vmem>>) semaphore(%dma_start3A_434 : memref<!tpu.dma_semaphore, #tpu.memory_space<semaphore_mem>>) {add = true}
      %mul3A_435 = arith.constant 8 : i32
      %mul3A_436 = arith.muli %scan3A_155, %mul3A_435 : i32
      %add3A_437 = arith.constant 3 : i32
      %add3A_438 = arith.addi %mul3A_436, %add3A_437 : i32
      %dma_wait3A_439 = arith.constant 3 : i32
      %dma_wait3A_440 = arith.constant 3 : i32
      %dma_wait3A_441 = arith.constant 0 : i32
      %dma_wait3A_442 = arith.constant 0 : i32
      %dma_wait3A_443 = tpu.memref_slice %arg9[%dma_wait3A_439, %dma_wait3A_441, %dma_wait3A_442] : memref<8x128x64xbf16, #tpu.memory_space<vmem>> -> memref<1x128x64xbf16, #tpu.memory_space<vmem>>
      %dma_wait3A_444 = tpu.memref_squeeze %dma_wait3A_443 : memref<1x128x64xbf16, #tpu.memory_space<vmem>> -> memref<128x64xbf16, #tpu.memory_space<vmem>>
      %dma_wait3A_445 = arith.constant 0 : i32
      %dma_wait3A_446 = tpu.memref_slice %arg7[%add3A_438, %dma_wait3A_445] : memref<40x128xi32, #tpu.memory_space<vmem>> -> memref<1x128xi32, #tpu.memory_space<vmem>>
      %dma_wait3A_447 = tpu.memref_squeeze %dma_wait3A_446 : memref<1x128xi32, #tpu.memory_space<vmem>> -> memref<128xi32, #tpu.memory_space<vmem>>
      %dma_wait3A_448 = arith.constant 0 : i32
      %dma_wait3A_449 = arith.constant 0 : i32
      %dma_wait3A_450 = tpu.memref_slice %arg2[%dma_wait3A_448, %dma_wait3A_449] : memref<10000x64xbf16, #tpu.memory_space<hbm>> -> memref<10000x64xbf16, #tpu.memory_space<hbm>>
      %dma_wait3A_451 = tpu.memref_slice %arg12[%dma_wait3A_440] : memref<8x!tpu.dma_semaphore, #tpu.memory_space<semaphore_mem>> -> memref<1x!tpu.dma_semaphore, #tpu.memory_space<semaphore_mem>>
      %dma_wait3A_452 = tpu.memref_squeeze %dma_wait3A_451 : memref<1x!tpu.dma_semaphore, #tpu.memory_space<semaphore_mem>> -> memref<!tpu.dma_semaphore, #tpu.memory_space<semaphore_mem>>
      tpu.wait_indirect_dma semaphore(%dma_wait3A_452 : memref<!tpu.dma_semaphore, #tpu.memory_space<semaphore_mem>>) src(%dma_wait3A_450 : memref<10000x64xbf16, #tpu.memory_space<hbm>>) dst(%dma_wait3A_444 : memref<128x64xbf16, #tpu.memory_space<vmem>>)
      %dma_start3A_453 = arith.constant 3 : i32
      %dma_start3A_454 = arith.constant 3 : i32
      %dma_start3A_455 = arith.constant 0 : i32
      %dma_start3A_456 = arith.constant 0 : i32
      %dma_start3A_457 = tpu.memref_slice %arg9[%dma_start3A_453, %dma_start3A_455, %dma_start3A_456] : memref<8x128x64xbf16, #tpu.memory_space<vmem>> -> memref<1x128x64xbf16, #tpu.memory_space<vmem>>
      %dma_start3A_458 = tpu.memref_squeeze %dma_start3A_457 : memref<1x128x64xbf16, #tpu.memory_space<vmem>> -> memref<128x64xbf16, #tpu.memory_space<vmem>>
      %dma_start3A_459 = arith.constant 0 : i32
      %dma_start3A_460 = tpu.memref_slice %arg8[%add3A_438, %dma_start3A_459] : memref<40x128xi32, #tpu.memory_space<vmem>> -> memref<1x128xi32, #tpu.memory_space<vmem>>
      %dma_start3A_461 = tpu.memref_squeeze %dma_start3A_460 : memref<1x128xi32, #tpu.memory_space<vmem>> -> memref<128xi32, #tpu.memory_space<vmem>>
      %dma_start3A_462 = arith.constant 0 : i32
      %dma_start3A_463 = arith.constant 0 : i32
      %dma_start3A_464 = tpu.memref_slice %arg11[%dma_start3A_462, %dma_start3A_463] : memref<10240x64xbf16, #tpu.memory_space<vmem_shared>> -> memref<10240x64xbf16, #tpu.memory_space<vmem_shared>>
      %dma_start3A_465 = tpu.memref_slice %arg13[%dma_start3A_454] : memref<8x!tpu.dma_semaphore, #tpu.memory_space<semaphore_mem>> -> memref<1x!tpu.dma_semaphore, #tpu.memory_space<semaphore_mem>>
      %dma_start3A_466 = tpu.memref_squeeze %dma_start3A_465 : memref<1x!tpu.dma_semaphore, #tpu.memory_space<semaphore_mem>> -> memref<!tpu.dma_semaphore, #tpu.memory_space<semaphore_mem>>
      tpu.enqueue_indirect_dma source(%dma_start3A_458 : memref<128x64xbf16, #tpu.memory_space<vmem>>) target(%dma_start3A_464 : memref<10240x64xbf16, #tpu.memory_space<vmem_shared>>) offsets(%dma_start3A_461 : memref<128xi32, #tpu.memory_space<vmem>>) semaphore(%dma_start3A_466 : memref<!tpu.dma_semaphore, #tpu.memory_space<semaphore_mem>>) {add = true}
      %mul3A_467 = arith.constant 8 : i32
      %mul3A_468 = arith.muli %scan3A_155, %mul3A_467 : i32
      %add3A_469 = arith.constant 4 : i32
      %add3A_470 = arith.addi %mul3A_468, %add3A_469 : i32
      %dma_wait3A_471 = arith.constant 4 : i32
      %dma_wait3A_472 = arith.constant 4 : i32
      %dma_wait3A_473 = arith.constant 0 : i32
      %dma_wait3A_474 = arith.constant 0 : i32
      %dma_wait3A_475 = tpu.memref_slice %arg9[%dma_wait3A_471, %dma_wait3A_473, %dma_wait3A_474] : memref<8x128x64xbf16, #tpu.memory_space<vmem>> -> memref<1x128x64xbf16, #tpu.memory_space<vmem>>
      %dma_wait3A_476 = tpu.memref_squeeze %dma_wait3A_475 : memref<1x128x64xbf16, #tpu.memory_space<vmem>> -> memref<128x64xbf16, #tpu.memory_space<vmem>>
      %dma_wait3A_477 = arith.constant 0 : i32
      %dma_wait3A_478 = tpu.memref_slice %arg7[%add3A_470, %dma_wait3A_477] : memref<40x128xi32, #tpu.memory_space<vmem>> -> memref<1x128xi32, #tpu.memory_space<vmem>>
      %dma_wait3A_479 = tpu.memref_squeeze %dma_wait3A_478 : memref<1x128xi32, #tpu.memory_space<vmem>> -> memref<128xi32, #tpu.memory_space<vmem>>
      %dma_wait3A_480 = arith.constant 0 : i32
      %dma_wait3A_481 = arith.constant 0 : i32
      %dma_wait3A_482 = tpu.memref_slice %arg2[%dma_wait3A_480, %dma_wait3A_481] : memref<10000x64xbf16, #tpu.memory_space<hbm>> -> memref<10000x64xbf16, #tpu.memory_space<hbm>>
      %dma_wait3A_483 = tpu.memref_slice %arg12[%dma_wait3A_472] : memref<8x!tpu.dma_semaphore, #tpu.memory_space<semaphore_mem>> -> memref<1x!tpu.dma_semaphore, #tpu.memory_space<semaphore_mem>>
      %dma_wait3A_484 = tpu.memref_squeeze %dma_wait3A_483 : memref<1x!tpu.dma_semaphore, #tpu.memory_space<semaphore_mem>> -> memref<!tpu.dma_semaphore, #tpu.memory_space<semaphore_mem>>
      tpu.wait_indirect_dma semaphore(%dma_wait3A_484 : memref<!tpu.dma_semaphore, #tpu.memory_space<semaphore_mem>>) src(%dma_wait3A_482 : memref<10000x64xbf16, #tpu.memory_space<hbm>>) dst(%dma_wait3A_476 : memref<128x64xbf16, #tpu.memory_space<vmem>>)
      %dma_start3A_485 = arith.constant 4 : i32
      %dma_start3A_486 = arith.constant 4 : i32
      %dma_start3A_487 = arith.constant 0 : i32
      %dma_start3A_488 = arith.constant 0 : i32
      %dma_start3A_489 = tpu.memref_slice %arg9[%dma_start3A_485, %dma_start3A_487, %dma_start3A_488] : memref<8x128x64xbf16, #tpu.memory_space<vmem>> -> memref<1x128x64xbf16, #tpu.memory_space<vmem>>
      %dma_start3A_490 = tpu.memref_squeeze %dma_start3A_489 : memref<1x128x64xbf16, #tpu.memory_space<vmem>> -> memref<128x64xbf16, #tpu.memory_space<vmem>>
      %dma_start3A_491 = arith.constant 0 : i32
      %dma_start3A_492 = tpu.memref_slice %arg8[%add3A_470, %dma_start3A_491] : memref<40x128xi32, #tpu.memory_space<vmem>> -> memref<1x128xi32, #tpu.memory_space<vmem>>
      %dma_start3A_493 = tpu.memref_squeeze %dma_start3A_492 : memref<1x128xi32, #tpu.memory_space<vmem>> -> memref<128xi32, #tpu.memory_space<vmem>>
      %dma_start3A_494 = arith.constant 0 : i32
      %dma_start3A_495 = arith.constant 0 : i32
      %dma_start3A_496 = tpu.memref_slice %arg11[%dma_start3A_494, %dma_start3A_495] : memref<10240x64xbf16, #tpu.memory_space<vmem_shared>> -> memref<10240x64xbf16, #tpu.memory_space<vmem_shared>>
      %dma_start3A_497 = tpu.memref_slice %arg13[%dma_start3A_486] : memref<8x!tpu.dma_semaphore, #tpu.memory_space<semaphore_mem>> -> memref<1x!tpu.dma_semaphore, #tpu.memory_space<semaphore_mem>>
      %dma_start3A_498 = tpu.memref_squeeze %dma_start3A_497 : memref<1x!tpu.dma_semaphore, #tpu.memory_space<semaphore_mem>> -> memref<!tpu.dma_semaphore, #tpu.memory_space<semaphore_mem>>
      tpu.enqueue_indirect_dma source(%dma_start3A_490 : memref<128x64xbf16, #tpu.memory_space<vmem>>) target(%dma_start3A_496 : memref<10240x64xbf16, #tpu.memory_space<vmem_shared>>) offsets(%dma_start3A_493 : memref<128xi32, #tpu.memory_space<vmem>>) semaphore(%dma_start3A_498 : memref<!tpu.dma_semaphore, #tpu.memory_space<semaphore_mem>>) {add = true}
      %mul3A_499 = arith.constant 8 : i32
      %mul3A_500 = arith.muli %scan3A_155, %mul3A_499 : i32
      %add3A_501 = arith.constant 5 : i32
      %add3A_502 = arith.addi %mul3A_500, %add3A_501 : i32
      %dma_wait3A_503 = arith.constant 5 : i32
      %dma_wait3A_504 = arith.constant 5 : i32
      %dma_wait3A_505 = arith.constant 0 : i32
      %dma_wait3A_506 = arith.constant 0 : i32
      %dma_wait3A_507 = tpu.memref_slice %arg9[%dma_wait3A_503, %dma_wait3A_505, %dma_wait3A_506] : memref<8x128x64xbf16, #tpu.memory_space<vmem>> -> memref<1x128x64xbf16, #tpu.memory_space<vmem>>
      %dma_wait3A_508 = tpu.memref_squeeze %dma_wait3A_507 : memref<1x128x64xbf16, #tpu.memory_space<vmem>> -> memref<128x64xbf16, #tpu.memory_space<vmem>>
      %dma_wait3A_509 = arith.constant 0 : i32
      %dma_wait3A_510 = tpu.memref_slice %arg7[%add3A_502, %dma_wait3A_509] : memref<40x128xi32, #tpu.memory_space<vmem>> -> memref<1x128xi32, #tpu.memory_space<vmem>>
      %dma_wait3A_511 = tpu.memref_squeeze %dma_wait3A_510 : memref<1x128xi32, #tpu.memory_space<vmem>> -> memref<128xi32, #tpu.memory_space<vmem>>
      %dma_wait3A_512 = arith.constant 0 : i32
      %dma_wait3A_513 = arith.constant 0 : i32
      %dma_wait3A_514 = tpu.memref_slice %arg2[%dma_wait3A_512, %dma_wait3A_513] : memref<10000x64xbf16, #tpu.memory_space<hbm>> -> memref<10000x64xbf16, #tpu.memory_space<hbm>>
      %dma_wait3A_515 = tpu.memref_slice %arg12[%dma_wait3A_504] : memref<8x!tpu.dma_semaphore, #tpu.memory_space<semaphore_mem>> -> memref<1x!tpu.dma_semaphore, #tpu.memory_space<semaphore_mem>>
      %dma_wait3A_516 = tpu.memref_squeeze %dma_wait3A_515 : memref<1x!tpu.dma_semaphore, #tpu.memory_space<semaphore_mem>> -> memref<!tpu.dma_semaphore, #tpu.memory_space<semaphore_mem>>
      tpu.wait_indirect_dma semaphore(%dma_wait3A_516 : memref<!tpu.dma_semaphore, #tpu.memory_space<semaphore_mem>>) src(%dma_wait3A_514 : memref<10000x64xbf16, #tpu.memory_space<hbm>>) dst(%dma_wait3A_508 : memref<128x64xbf16, #tpu.memory_space<vmem>>)
      %dma_start3A_517 = arith.constant 5 : i32
      %dma_start3A_518 = arith.constant 5 : i32
      %dma_start3A_519 = arith.constant 0 : i32
      %dma_start3A_520 = arith.constant 0 : i32
      %dma_start3A_521 = tpu.memref_slice %arg9[%dma_start3A_517, %dma_start3A_519, %dma_start3A_520] : memref<8x128x64xbf16, #tpu.memory_space<vmem>> -> memref<1x128x64xbf16, #tpu.memory_space<vmem>>
      %dma_start3A_522 = tpu.memref_squeeze %dma_start3A_521 : memref<1x128x64xbf16, #tpu.memory_space<vmem>> -> memref<128x64xbf16, #tpu.memory_space<vmem>>
      %dma_start3A_523 = arith.constant 0 : i32
      %dma_start3A_524 = tpu.memref_slice %arg8[%add3A_502, %dma_start3A_523] : memref<40x128xi32, #tpu.memory_space<vmem>> -> memref<1x128xi32, #tpu.memory_space<vmem>>
      %dma_start3A_525 = tpu.memref_squeeze %dma_start3A_524 : memref<1x128xi32, #tpu.memory_space<vmem>> -> memref<128xi32, #tpu.memory_space<vmem>>
      %dma_start3A_526 = arith.constant 0 : i32
      %dma_start3A_527 = arith.constant 0 : i32
      %dma_start3A_528 = tpu.memref_slice %arg11[%dma_start3A_526, %dma_start3A_527] : memref<10240x64xbf16, #tpu.memory_space<vmem_shared>> -> memref<10240x64xbf16, #tpu.memory_space<vmem_shared>>
      %dma_start3A_529 = tpu.memref_slice %arg13[%dma_start3A_518] : memref<8x!tpu.dma_semaphore, #tpu.memory_space<semaphore_mem>> -> memref<1x!tpu.dma_semaphore, #tpu.memory_space<semaphore_mem>>
      %dma_start3A_530 = tpu.memref_squeeze %dma_start3A_529 : memref<1x!tpu.dma_semaphore, #tpu.memory_space<semaphore_mem>> -> memref<!tpu.dma_semaphore, #tpu.memory_space<semaphore_mem>>
      tpu.enqueue_indirect_dma source(%dma_start3A_522 : memref<128x64xbf16, #tpu.memory_space<vmem>>) target(%dma_start3A_528 : memref<10240x64xbf16, #tpu.memory_space<vmem_shared>>) offsets(%dma_start3A_525 : memref<128xi32, #tpu.memory_space<vmem>>) semaphore(%dma_start3A_530 : memref<!tpu.dma_semaphore, #tpu.memory_space<semaphore_mem>>) {add = true}
      %mul3A_531 = arith.constant 8 : i32
      %mul3A_532 = arith.muli %scan3A_155, %mul3A_531 : i32
      %add3A_533 = arith.constant 6 : i32
      %add3A_534 = arith.addi %mul3A_532, %add3A_533 : i32
      %dma_wait3A_535 = arith.constant 6 : i32
      %dma_wait3A_536 = arith.constant 6 : i32
      %dma_wait3A_537 = arith.constant 0 : i32
      %dma_wait3A_538 = arith.constant 0 : i32
      %dma_wait3A_539 = tpu.memref_slice %arg9[%dma_wait3A_535, %dma_wait3A_537, %dma_wait3A_538] : memref<8x128x64xbf16, #tpu.memory_space<vmem>> -> memref<1x128x64xbf16, #tpu.memory_space<vmem>>
      %dma_wait3A_540 = tpu.memref_squeeze %dma_wait3A_539 : memref<1x128x64xbf16, #tpu.memory_space<vmem>> -> memref<128x64xbf16, #tpu.memory_space<vmem>>
      %dma_wait3A_541 = arith.constant 0 : i32
      %dma_wait3A_542 = tpu.memref_slice %arg7[%add3A_534, %dma_wait3A_541] : memref<40x128xi32, #tpu.memory_space<vmem>> -> memref<1x128xi32, #tpu.memory_space<vmem>>
      %dma_wait3A_543 = tpu.memref_squeeze %dma_wait3A_542 : memref<1x128xi32, #tpu.memory_space<vmem>> -> memref<128xi32, #tpu.memory_space<vmem>>
      %dma_wait3A_544 = arith.constant 0 : i32
      %dma_wait3A_545 = arith.constant 0 : i32
      %dma_wait3A_546 = tpu.memref_slice %arg2[%dma_wait3A_544, %dma_wait3A_545] : memref<10000x64xbf16, #tpu.memory_space<hbm>> -> memref<10000x64xbf16, #tpu.memory_space<hbm>>
      %dma_wait3A_547 = tpu.memref_slice %arg12[%dma_wait3A_536] : memref<8x!tpu.dma_semaphore, #tpu.memory_space<semaphore_mem>> -> memref<1x!tpu.dma_semaphore, #tpu.memory_space<semaphore_mem>>
      %dma_wait3A_548 = tpu.memref_squeeze %dma_wait3A_547 : memref<1x!tpu.dma_semaphore, #tpu.memory_space<semaphore_mem>> -> memref<!tpu.dma_semaphore, #tpu.memory_space<semaphore_mem>>
      tpu.wait_indirect_dma semaphore(%dma_wait3A_548 : memref<!tpu.dma_semaphore, #tpu.memory_space<semaphore_mem>>) src(%dma_wait3A_546 : memref<10000x64xbf16, #tpu.memory_space<hbm>>) dst(%dma_wait3A_540 : memref<128x64xbf16, #tpu.memory_space<vmem>>)
      %dma_start3A_549 = arith.constant 6 : i32
      %dma_start3A_550 = arith.constant 6 : i32
      %dma_start3A_551 = arith.constant 0 : i32
      %dma_start3A_552 = arith.constant 0 : i32
      %dma_start3A_553 = tpu.memref_slice %arg9[%dma_start3A_549, %dma_start3A_551, %dma_start3A_552] : memref<8x128x64xbf16, #tpu.memory_space<vmem>> -> memref<1x128x64xbf16, #tpu.memory_space<vmem>>
      %dma_start3A_554 = tpu.memref_squeeze %dma_start3A_553 : memref<1x128x64xbf16, #tpu.memory_space<vmem>> -> memref<128x64xbf16, #tpu.memory_space<vmem>>
      %dma_start3A_555 = arith.constant 0 : i32
      %dma_start3A_556 = tpu.memref_slice %arg8[%add3A_534, %dma_start3A_555] : memref<40x128xi32, #tpu.memory_space<vmem>> -> memref<1x128xi32, #tpu.memory_space<vmem>>
      %dma_start3A_557 = tpu.memref_squeeze %dma_start3A_556 : memref<1x128xi32, #tpu.memory_space<vmem>> -> memref<128xi32, #tpu.memory_space<vmem>>
      %dma_start3A_558 = arith.constant 0 : i32
      %dma_start3A_559 = arith.constant 0 : i32
      %dma_start3A_560 = tpu.memref_slice %arg11[%dma_start3A_558, %dma_start3A_559] : memref<10240x64xbf16, #tpu.memory_space<vmem_shared>> -> memref<10240x64xbf16, #tpu.memory_space<vmem_shared>>
      %dma_start3A_561 = tpu.memref_slice %arg13[%dma_start3A_550] : memref<8x!tpu.dma_semaphore, #tpu.memory_space<semaphore_mem>> -> memref<1x!tpu.dma_semaphore, #tpu.memory_space<semaphore_mem>>
      %dma_start3A_562 = tpu.memref_squeeze %dma_start3A_561 : memref<1x!tpu.dma_semaphore, #tpu.memory_space<semaphore_mem>> -> memref<!tpu.dma_semaphore, #tpu.memory_space<semaphore_mem>>
      tpu.enqueue_indirect_dma source(%dma_start3A_554 : memref<128x64xbf16, #tpu.memory_space<vmem>>) target(%dma_start3A_560 : memref<10240x64xbf16, #tpu.memory_space<vmem_shared>>) offsets(%dma_start3A_557 : memref<128xi32, #tpu.memory_space<vmem>>) semaphore(%dma_start3A_562 : memref<!tpu.dma_semaphore, #tpu.memory_space<semaphore_mem>>) {add = true}
      %mul3A_563 = arith.constant 8 : i32
      %mul3A_564 = arith.muli %scan3A_155, %mul3A_563 : i32
      %add3A_565 = arith.constant 7 : i32
      %add3A_566 = arith.addi %mul3A_564, %add3A_565 : i32
      %dma_wait3A_567 = arith.constant 7 : i32
      %dma_wait3A_568 = arith.constant 7 : i32
      %dma_wait3A_569 = arith.constant 0 : i32
      %dma_wait3A_570 = arith.constant 0 : i32
      %dma_wait3A_571 = tpu.memref_slice %arg9[%dma_wait3A_567, %dma_wait3A_569, %dma_wait3A_570] : memref<8x128x64xbf16, #tpu.memory_space<vmem>> -> memref<1x128x64xbf16, #tpu.memory_space<vmem>>
      %dma_wait3A_572 = tpu.memref_squeeze %dma_wait3A_571 : memref<1x128x64xbf16, #tpu.memory_space<vmem>> -> memref<128x64xbf16, #tpu.memory_space<vmem>>
      %dma_wait3A_573 = arith.constant 0 : i32
      %dma_wait3A_574 = tpu.memref_slice %arg7[%add3A_566, %dma_wait3A_573] : memref<40x128xi32, #tpu.memory_space<vmem>> -> memref<1x128xi32, #tpu.memory_space<vmem>>
      %dma_wait3A_575 = tpu.memref_squeeze %dma_wait3A_574 : memref<1x128xi32, #tpu.memory_space<vmem>> -> memref<128xi32, #tpu.memory_space<vmem>>
      %dma_wait3A_576 = arith.constant 0 : i32
      %dma_wait3A_577 = arith.constant 0 : i32
      %dma_wait3A_578 = tpu.memref_slice %arg2[%dma_wait3A_576, %dma_wait3A_577] : memref<10000x64xbf16, #tpu.memory_space<hbm>> -> memref<10000x64xbf16, #tpu.memory_space<hbm>>
      %dma_wait3A_579 = tpu.memref_slice %arg12[%dma_wait3A_568] : memref<8x!tpu.dma_semaphore, #tpu.memory_space<semaphore_mem>> -> memref<1x!tpu.dma_semaphore, #tpu.memory_space<semaphore_mem>>
      %dma_wait3A_580 = tpu.memref_squeeze %dma_wait3A_579 : memref<1x!tpu.dma_semaphore, #tpu.memory_space<semaphore_mem>> -> memref<!tpu.dma_semaphore, #tpu.memory_space<semaphore_mem>>
      tpu.wait_indirect_dma semaphore(%dma_wait3A_580 : memref<!tpu.dma_semaphore, #tpu.memory_space<semaphore_mem>>) src(%dma_wait3A_578 : memref<10000x64xbf16, #tpu.memory_space<hbm>>) dst(%dma_wait3A_572 : memref<128x64xbf16, #tpu.memory_space<vmem>>)
      %dma_start3A_581 = arith.constant 7 : i32
      %dma_start3A_582 = arith.constant 7 : i32
      %dma_start3A_583 = arith.constant 0 : i32
      %dma_start3A_584 = arith.constant 0 : i32
      %dma_start3A_585 = tpu.memref_slice %arg9[%dma_start3A_581, %dma_start3A_583, %dma_start3A_584] : memref<8x128x64xbf16, #tpu.memory_space<vmem>> -> memref<1x128x64xbf16, #tpu.memory_space<vmem>>
      %dma_start3A_586 = tpu.memref_squeeze %dma_start3A_585 : memref<1x128x64xbf16, #tpu.memory_space<vmem>> -> memref<128x64xbf16, #tpu.memory_space<vmem>>
      %dma_start3A_587 = arith.constant 0 : i32
      %dma_start3A_588 = tpu.memref_slice %arg8[%add3A_566, %dma_start3A_587] : memref<40x128xi32, #tpu.memory_space<vmem>> -> memref<1x128xi32, #tpu.memory_space<vmem>>
      %dma_start3A_589 = tpu.memref_squeeze %dma_start3A_588 : memref<1x128xi32, #tpu.memory_space<vmem>> -> memref<128xi32, #tpu.memory_space<vmem>>
      %dma_start3A_590 = arith.constant 0 : i32
      %dma_start3A_591 = arith.constant 0 : i32
      %dma_start3A_592 = tpu.memref_slice %arg11[%dma_start3A_590, %dma_start3A_591] : memref<10240x64xbf16, #tpu.memory_space<vmem_shared>> -> memref<10240x64xbf16, #tpu.memory_space<vmem_shared>>
      %dma_start3A_593 = tpu.memref_slice %arg13[%dma_start3A_582] : memref<8x!tpu.dma_semaphore, #tpu.memory_space<semaphore_mem>> -> memref<1x!tpu.dma_semaphore, #tpu.memory_space<semaphore_mem>>
      %dma_start3A_594 = tpu.memref_squeeze %dma_start3A_593 : memref<1x!tpu.dma_semaphore, #tpu.memory_space<semaphore_mem>> -> memref<!tpu.dma_semaphore, #tpu.memory_space<semaphore_mem>>
      tpu.enqueue_indirect_dma source(%dma_start3A_586 : memref<128x64xbf16, #tpu.memory_space<vmem>>) target(%dma_start3A_592 : memref<10240x64xbf16, #tpu.memory_space<vmem_shared>>) offsets(%dma_start3A_589 : memref<128xi32, #tpu.memory_space<vmem>>) semaphore(%dma_start3A_594 : memref<!tpu.dma_semaphore, #tpu.memory_space<semaphore_mem>>) {add = true}
      %scan3A_595 = arith.constant 0 : i32
      scf.yield %scan3A_595 : i32
    }
    %scan3A_27 = arith.constant 5 : i32
    %dma_wait3A = arith.constant 0 : i32
    %dma_wait3A_28 = arith.constant 0 : i32
    %dma_wait3A_29 = arith.constant 0 : i32
    %dma_wait3A_30 = arith.constant 0 : i32
    %dma_wait3A_31 = arith.constant 0 : i32
    %dma_wait3A_32 = tpu.memref_slice %arg9[%dma_wait3A, %dma_wait3A_30, %dma_wait3A_31] : memref<8x128x64xbf16, #tpu.memory_space<vmem>> -> memref<1x128x64xbf16, #tpu.memory_space<vmem>>
    %dma_wait3A_33 = tpu.memref_squeeze %dma_wait3A_32 : memref<1x128x64xbf16, #tpu.memory_space<vmem>> -> memref<128x64xbf16, #tpu.memory_space<vmem>>
    %dma_wait3A_34 = arith.constant 0 : i32
    %dma_wait3A_35 = tpu.memref_slice %arg8[%dma_wait3A_28, %dma_wait3A_34] : memref<40x128xi32, #tpu.memory_space<vmem>> -> memref<1x128xi32, #tpu.memory_space<vmem>>
    %dma_wait3A_36 = tpu.memref_squeeze %dma_wait3A_35 : memref<1x128xi32, #tpu.memory_space<vmem>> -> memref<128xi32, #tpu.memory_space<vmem>>
    %dma_wait3A_37 = arith.constant 0 : i32
    %dma_wait3A_38 = arith.constant 0 : i32
    %dma_wait3A_39 = tpu.memref_slice %arg11[%dma_wait3A_37, %dma_wait3A_38] : memref<10240x64xbf16, #tpu.memory_space<vmem_shared>> -> memref<10240x64xbf16, #tpu.memory_space<vmem_shared>>
    %dma_wait3A_40 = tpu.memref_slice %arg13[%dma_wait3A_29] : memref<8x!tpu.dma_semaphore, #tpu.memory_space<semaphore_mem>> -> memref<1x!tpu.dma_semaphore, #tpu.memory_space<semaphore_mem>>
    %dma_wait3A_41 = tpu.memref_squeeze %dma_wait3A_40 : memref<1x!tpu.dma_semaphore, #tpu.memory_space<semaphore_mem>> -> memref<!tpu.dma_semaphore, #tpu.memory_space<semaphore_mem>>
    tpu.wait_indirect_dma semaphore(%dma_wait3A_41 : memref<!tpu.dma_semaphore, #tpu.memory_space<semaphore_mem>>) src(%dma_wait3A_33 : memref<128x64xbf16, #tpu.memory_space<vmem>>) dst(%dma_wait3A_39 : memref<10240x64xbf16, #tpu.memory_space<vmem_shared>>)
    %dma_wait3A_42 = arith.constant 1 : i32
    %dma_wait3A_43 = arith.constant 0 : i32
    %dma_wait3A_44 = arith.constant 1 : i32
    %dma_wait3A_45 = arith.constant 0 : i32
    %dma_wait3A_46 = arith.constant 0 : i32
    %dma_wait3A_47 = tpu.memref_slice %arg9[%dma_wait3A_42, %dma_wait3A_45, %dma_wait3A_46] : memref<8x128x64xbf16, #tpu.memory_space<vmem>> -> memref<1x128x64xbf16, #tpu.memory_space<vmem>>
    %dma_wait3A_48 = tpu.memref_squeeze %dma_wait3A_47 : memref<1x128x64xbf16, #tpu.memory_space<vmem>> -> memref<128x64xbf16, #tpu.memory_space<vmem>>
    %dma_wait3A_49 = arith.constant 0 : i32
    %dma_wait3A_50 = tpu.memref_slice %arg8[%dma_wait3A_43, %dma_wait3A_49] : memref<40x128xi32, #tpu.memory_space<vmem>> -> memref<1x128xi32, #tpu.memory_space<vmem>>
    %dma_wait3A_51 = tpu.memref_squeeze %dma_wait3A_50 : memref<1x128xi32, #tpu.memory_space<vmem>> -> memref<128xi32, #tpu.memory_space<vmem>>
    %dma_wait3A_52 = arith.constant 0 : i32
    %dma_wait3A_53 = arith.constant 0 : i32
    %dma_wait3A_54 = tpu.memref_slice %arg11[%dma_wait3A_52, %dma_wait3A_53] : memref<10240x64xbf16, #tpu.memory_space<vmem_shared>> -> memref<10240x64xbf16, #tpu.memory_space<vmem_shared>>
    %dma_wait3A_55 = tpu.memref_slice %arg13[%dma_wait3A_44] : memref<8x!tpu.dma_semaphore, #tpu.memory_space<semaphore_mem>> -> memref<1x!tpu.dma_semaphore, #tpu.memory_space<semaphore_mem>>
    %dma_wait3A_56 = tpu.memref_squeeze %dma_wait3A_55 : memref<1x!tpu.dma_semaphore, #tpu.memory_space<semaphore_mem>> -> memref<!tpu.dma_semaphore, #tpu.memory_space<semaphore_mem>>
    tpu.wait_indirect_dma semaphore(%dma_wait3A_56 : memref<!tpu.dma_semaphore, #tpu.memory_space<semaphore_mem>>) src(%dma_wait3A_48 : memref<128x64xbf16, #tpu.memory_space<vmem>>) dst(%dma_wait3A_54 : memref<10240x64xbf16, #tpu.memory_space<vmem_shared>>)
    %dma_wait3A_57 = arith.constant 2 : i32
    %dma_wait3A_58 = arith.constant 0 : i32
    %dma_wait3A_59 = arith.constant 2 : i32
    %dma_wait3A_60 = arith.constant 0 : i32
    %dma_wait3A_61 = arith.constant 0 : i32
    %dma_wait3A_62 = tpu.memref_slice %arg9[%dma_wait3A_57, %dma_wait3A_60, %dma_wait3A_61] : memref<8x128x64xbf16, #tpu.memory_space<vmem>> -> memref<1x128x64xbf16, #tpu.memory_space<vmem>>
    %dma_wait3A_63 = tpu.memref_squeeze %dma_wait3A_62 : memref<1x128x64xbf16, #tpu.memory_space<vmem>> -> memref<128x64xbf16, #tpu.memory_space<vmem>>
    %dma_wait3A_64 = arith.constant 0 : i32
    %dma_wait3A_65 = tpu.memref_slice %arg8[%dma_wait3A_58, %dma_wait3A_64] : memref<40x128xi32, #tpu.memory_space<vmem>> -> memref<1x128xi32, #tpu.memory_space<vmem>>
    %dma_wait3A_66 = tpu.memref_squeeze %dma_wait3A_65 : memref<1x128xi32, #tpu.memory_space<vmem>> -> memref<128xi32, #tpu.memory_space<vmem>>
    %dma_wait3A_67 = arith.constant 0 : i32
    %dma_wait3A_68 = arith.constant 0 : i32
    %dma_wait3A_69 = tpu.memref_slice %arg11[%dma_wait3A_67, %dma_wait3A_68] : memref<10240x64xbf16, #tpu.memory_space<vmem_shared>> -> memref<10240x64xbf16, #tpu.memory_space<vmem_shared>>
    %dma_wait3A_70 = tpu.memref_slice %arg13[%dma_wait3A_59] : memref<8x!tpu.dma_semaphore, #tpu.memory_space<semaphore_mem>> -> memref<1x!tpu.dma_semaphore, #tpu.memory_space<semaphore_mem>>
    %dma_wait3A_71 = tpu.memref_squeeze %dma_wait3A_70 : memref<1x!tpu.dma_semaphore, #tpu.memory_space<semaphore_mem>> -> memref<!tpu.dma_semaphore, #tpu.memory_space<semaphore_mem>>
    tpu.wait_indirect_dma semaphore(%dma_wait3A_71 : memref<!tpu.dma_semaphore, #tpu.memory_space<semaphore_mem>>) src(%dma_wait3A_63 : memref<128x64xbf16, #tpu.memory_space<vmem>>) dst(%dma_wait3A_69 : memref<10240x64xbf16, #tpu.memory_space<vmem_shared>>)
    %dma_wait3A_72 = arith.constant 3 : i32
    %dma_wait3A_73 = arith.constant 0 : i32
    %dma_wait3A_74 = arith.constant 3 : i32
    %dma_wait3A_75 = arith.constant 0 : i32
    %dma_wait3A_76 = arith.constant 0 : i32
    %dma_wait3A_77 = tpu.memref_slice %arg9[%dma_wait3A_72, %dma_wait3A_75, %dma_wait3A_76] : memref<8x128x64xbf16, #tpu.memory_space<vmem>> -> memref<1x128x64xbf16, #tpu.memory_space<vmem>>
    %dma_wait3A_78 = tpu.memref_squeeze %dma_wait3A_77 : memref<1x128x64xbf16, #tpu.memory_space<vmem>> -> memref<128x64xbf16, #tpu.memory_space<vmem>>
    %dma_wait3A_79 = arith.constant 0 : i32
    %dma_wait3A_80 = tpu.memref_slice %arg8[%dma_wait3A_73, %dma_wait3A_79] : memref<40x128xi32, #tpu.memory_space<vmem>> -> memref<1x128xi32, #tpu.memory_space<vmem>>
    %dma_wait3A_81 = tpu.memref_squeeze %dma_wait3A_80 : memref<1x128xi32, #tpu.memory_space<vmem>> -> memref<128xi32, #tpu.memory_space<vmem>>
    %dma_wait3A_82 = arith.constant 0 : i32
    %dma_wait3A_83 = arith.constant 0 : i32
    %dma_wait3A_84 = tpu.memref_slice %arg11[%dma_wait3A_82, %dma_wait3A_83] : memref<10240x64xbf16, #tpu.memory_space<vmem_shared>> -> memref<10240x64xbf16, #tpu.memory_space<vmem_shared>>
    %dma_wait3A_85 = tpu.memref_slice %arg13[%dma_wait3A_74] : memref<8x!tpu.dma_semaphore, #tpu.memory_space<semaphore_mem>> -> memref<1x!tpu.dma_semaphore, #tpu.memory_space<semaphore_mem>>
    %dma_wait3A_86 = tpu.memref_squeeze %dma_wait3A_85 : memref<1x!tpu.dma_semaphore, #tpu.memory_space<semaphore_mem>> -> memref<!tpu.dma_semaphore, #tpu.memory_space<semaphore_mem>>
    tpu.wait_indirect_dma semaphore(%dma_wait3A_86 : memref<!tpu.dma_semaphore, #tpu.memory_space<semaphore_mem>>) src(%dma_wait3A_78 : memref<128x64xbf16, #tpu.memory_space<vmem>>) dst(%dma_wait3A_84 : memref<10240x64xbf16, #tpu.memory_space<vmem_shared>>)
    %dma_wait3A_87 = arith.constant 4 : i32
    %dma_wait3A_88 = arith.constant 0 : i32
    %dma_wait3A_89 = arith.constant 4 : i32
    %dma_wait3A_90 = arith.constant 0 : i32
    %dma_wait3A_91 = arith.constant 0 : i32
    %dma_wait3A_92 = tpu.memref_slice %arg9[%dma_wait3A_87, %dma_wait3A_90, %dma_wait3A_91] : memref<8x128x64xbf16, #tpu.memory_space<vmem>> -> memref<1x128x64xbf16, #tpu.memory_space<vmem>>
    %dma_wait3A_93 = tpu.memref_squeeze %dma_wait3A_92 : memref<1x128x64xbf16, #tpu.memory_space<vmem>> -> memref<128x64xbf16, #tpu.memory_space<vmem>>
    %dma_wait3A_94 = arith.constant 0 : i32
    %dma_wait3A_95 = tpu.memref_slice %arg8[%dma_wait3A_88, %dma_wait3A_94] : memref<40x128xi32, #tpu.memory_space<vmem>> -> memref<1x128xi32, #tpu.memory_space<vmem>>
    %dma_wait3A_96 = tpu.memref_squeeze %dma_wait3A_95 : memref<1x128xi32, #tpu.memory_space<vmem>> -> memref<128xi32, #tpu.memory_space<vmem>>
    %dma_wait3A_97 = arith.constant 0 : i32
    %dma_wait3A_98 = arith.constant 0 : i32
    %dma_wait3A_99 = tpu.memref_slice %arg11[%dma_wait3A_97, %dma_wait3A_98] : memref<10240x64xbf16, #tpu.memory_space<vmem_shared>> -> memref<10240x64xbf16, #tpu.memory_space<vmem_shared>>
    %dma_wait3A_100 = tpu.memref_slice %arg13[%dma_wait3A_89] : memref<8x!tpu.dma_semaphore, #tpu.memory_space<semaphore_mem>> -> memref<1x!tpu.dma_semaphore, #tpu.memory_space<semaphore_mem>>
    %dma_wait3A_101 = tpu.memref_squeeze %dma_wait3A_100 : memref<1x!tpu.dma_semaphore, #tpu.memory_space<semaphore_mem>> -> memref<!tpu.dma_semaphore, #tpu.memory_space<semaphore_mem>>
    tpu.wait_indirect_dma semaphore(%dma_wait3A_101 : memref<!tpu.dma_semaphore, #tpu.memory_space<semaphore_mem>>) src(%dma_wait3A_93 : memref<128x64xbf16, #tpu.memory_space<vmem>>) dst(%dma_wait3A_99 : memref<10240x64xbf16, #tpu.memory_space<vmem_shared>>)
    %dma_wait3A_102 = arith.constant 5 : i32
    %dma_wait3A_103 = arith.constant 0 : i32
    %dma_wait3A_104 = arith.constant 5 : i32
    %dma_wait3A_105 = arith.constant 0 : i32
    %dma_wait3A_106 = arith.constant 0 : i32
    %dma_wait3A_107 = tpu.memref_slice %arg9[%dma_wait3A_102, %dma_wait3A_105, %dma_wait3A_106] : memref<8x128x64xbf16, #tpu.memory_space<vmem>> -> memref<1x128x64xbf16, #tpu.memory_space<vmem>>
    %dma_wait3A_108 = tpu.memref_squeeze %dma_wait3A_107 : memref<1x128x64xbf16, #tpu.memory_space<vmem>> -> memref<128x64xbf16, #tpu.memory_space<vmem>>
    %dma_wait3A_109 = arith.constant 0 : i32
    %dma_wait3A_110 = tpu.memref_slice %arg8[%dma_wait3A_103, %dma_wait3A_109] : memref<40x128xi32, #tpu.memory_space<vmem>> -> memref<1x128xi32, #tpu.memory_space<vmem>>
    %dma_wait3A_111 = tpu.memref_squeeze %dma_wait3A_110 : memref<1x128xi32, #tpu.memory_space<vmem>> -> memref<128xi32, #tpu.memory_space<vmem>>
    %dma_wait3A_112 = arith.constant 0 : i32
    %dma_wait3A_113 = arith.constant 0 : i32
    %dma_wait3A_114 = tpu.memref_slice %arg11[%dma_wait3A_112, %dma_wait3A_113] : memref<10240x64xbf16, #tpu.memory_space<vmem_shared>> -> memref<10240x64xbf16, #tpu.memory_space<vmem_shared>>
    %dma_wait3A_115 = tpu.memref_slice %arg13[%dma_wait3A_104] : memref<8x!tpu.dma_semaphore, #tpu.memory_space<semaphore_mem>> -> memref<1x!tpu.dma_semaphore, #tpu.memory_space<semaphore_mem>>
    %dma_wait3A_116 = tpu.memref_squeeze %dma_wait3A_115 : memref<1x!tpu.dma_semaphore, #tpu.memory_space<semaphore_mem>> -> memref<!tpu.dma_semaphore, #tpu.memory_space<semaphore_mem>>
    tpu.wait_indirect_dma semaphore(%dma_wait3A_116 : memref<!tpu.dma_semaphore, #tpu.memory_space<semaphore_mem>>) src(%dma_wait3A_108 : memref<128x64xbf16, #tpu.memory_space<vmem>>) dst(%dma_wait3A_114 : memref<10240x64xbf16, #tpu.memory_space<vmem_shared>>)
    %dma_wait3A_117 = arith.constant 6 : i32
    %dma_wait3A_118 = arith.constant 0 : i32
    %dma_wait3A_119 = arith.constant 6 : i32
    %dma_wait3A_120 = arith.constant 0 : i32
    %dma_wait3A_121 = arith.constant 0 : i32
    %dma_wait3A_122 = tpu.memref_slice %arg9[%dma_wait3A_117, %dma_wait3A_120, %dma_wait3A_121] : memref<8x128x64xbf16, #tpu.memory_space<vmem>> -> memref<1x128x64xbf16, #tpu.memory_space<vmem>>
    %dma_wait3A_123 = tpu.memref_squeeze %dma_wait3A_122 : memref<1x128x64xbf16, #tpu.memory_space<vmem>> -> memref<128x64xbf16, #tpu.memory_space<vmem>>
    %dma_wait3A_124 = arith.constant 0 : i32
    %dma_wait3A_125 = tpu.memref_slice %arg8[%dma_wait3A_118, %dma_wait3A_124] : memref<40x128xi32, #tpu.memory_space<vmem>> -> memref<1x128xi32, #tpu.memory_space<vmem>>
    %dma_wait3A_126 = tpu.memref_squeeze %dma_wait3A_125 : memref<1x128xi32, #tpu.memory_space<vmem>> -> memref<128xi32, #tpu.memory_space<vmem>>
    %dma_wait3A_127 = arith.constant 0 : i32
    %dma_wait3A_128 = arith.constant 0 : i32
    %dma_wait3A_129 = tpu.memref_slice %arg11[%dma_wait3A_127, %dma_wait3A_128] : memref<10240x64xbf16, #tpu.memory_space<vmem_shared>> -> memref<10240x64xbf16, #tpu.memory_space<vmem_shared>>
    %dma_wait3A_130 = tpu.memref_slice %arg13[%dma_wait3A_119] : memref<8x!tpu.dma_semaphore, #tpu.memory_space<semaphore_mem>> -> memref<1x!tpu.dma_semaphore, #tpu.memory_space<semaphore_mem>>
    %dma_wait3A_131 = tpu.memref_squeeze %dma_wait3A_130 : memref<1x!tpu.dma_semaphore, #tpu.memory_space<semaphore_mem>> -> memref<!tpu.dma_semaphore, #tpu.memory_space<semaphore_mem>>
    tpu.wait_indirect_dma semaphore(%dma_wait3A_131 : memref<!tpu.dma_semaphore, #tpu.memory_space<semaphore_mem>>) src(%dma_wait3A_123 : memref<128x64xbf16, #tpu.memory_space<vmem>>) dst(%dma_wait3A_129 : memref<10240x64xbf16, #tpu.memory_space<vmem_shared>>)
    %dma_wait3A_132 = arith.constant 7 : i32
    %dma_wait3A_133 = arith.constant 0 : i32
    %dma_wait3A_134 = arith.constant 7 : i32
    %dma_wait3A_135 = arith.constant 0 : i32
    %dma_wait3A_136 = arith.constant 0 : i32
    %dma_wait3A_137 = tpu.memref_slice %arg9[%dma_wait3A_132, %dma_wait3A_135, %dma_wait3A_136] : memref<8x128x64xbf16, #tpu.memory_space<vmem>> -> memref<1x128x64xbf16, #tpu.memory_space<vmem>>
    %dma_wait3A_138 = tpu.memref_squeeze %dma_wait3A_137 : memref<1x128x64xbf16, #tpu.memory_space<vmem>> -> memref<128x64xbf16, #tpu.memory_space<vmem>>
    %dma_wait3A_139 = arith.constant 0 : i32
    %dma_wait3A_140 = tpu.memref_slice %arg8[%dma_wait3A_133, %dma_wait3A_139] : memref<40x128xi32, #tpu.memory_space<vmem>> -> memref<1x128xi32, #tpu.memory_space<vmem>>
    %dma_wait3A_141 = tpu.memref_squeeze %dma_wait3A_140 : memref<1x128xi32, #tpu.memory_space<vmem>> -> memref<128xi32, #tpu.memory_space<vmem>>
    %dma_wait3A_142 = arith.constant 0 : i32
    %dma_wait3A_143 = arith.constant 0 : i32
    %dma_wait3A_144 = tpu.memref_slice %arg11[%dma_wait3A_142, %dma_wait3A_143] : memref<10240x64xbf16, #tpu.memory_space<vmem_shared>> -> memref<10240x64xbf16, #tpu.memory_space<vmem_shared>>
    %dma_wait3A_145 = tpu.memref_slice %arg13[%dma_wait3A_134] : memref<8x!tpu.dma_semaphore, #tpu.memory_space<semaphore_mem>> -> memref<1x!tpu.dma_semaphore, #tpu.memory_space<semaphore_mem>>
    %dma_wait3A_146 = tpu.memref_squeeze %dma_wait3A_145 : memref<1x!tpu.dma_semaphore, #tpu.memory_space<semaphore_mem>> -> memref<!tpu.dma_semaphore, #tpu.memory_space<semaphore_mem>>
    tpu.wait_indirect_dma semaphore(%dma_wait3A_146 : memref<!tpu.dma_semaphore, #tpu.memory_space<semaphore_mem>>) src(%dma_wait3A_138 : memref<128x64xbf16, #tpu.memory_space<vmem>>) dst(%dma_wait3A_144 : memref<10240x64xbf16, #tpu.memory_space<vmem_shared>>)
    %barrier3A_147 = arith.constant 0 : index
    tpu.barrier barrier_id(%barrier3A_147)
    %eq3A = arith.constant 0 : i32
    %eq3A_148 = arith.cmpi eq, %arg0, %eq3A : i32
    %convert_element_type3A = arith.extui %eq3A_148 : i1 to i32
    %cond3A = arith.constant 0 : i32
    %cond3A_149 = arith.cmpi ne, %convert_element_type3A, %cond3A : i32
    scf.if %cond3A_149 {
      "tpu.region"() ({
        %run_scoped3A = tpu.sem_alloc : memref<!tpu.dma_semaphore, #tpu.memory_space<semaphore_mem>>
        %dma_start3A = arith.constant 0 : i32
        %dma_start3A_155 = tpu.memref_slice %arg5[%mul3A_10, %dma_start3A] : memref<10240x64xbf16, #tpu.memory_space<hbm>> -> memref<640x64xbf16, #tpu.memory_space<hbm>>
        %dma_start3A_156 = arith.constant 0 : i32
        %dma_start3A_157 = tpu.memref_slice %arg11[%mul3A_10, %dma_start3A_156] : memref<10240x64xbf16, #tpu.memory_space<vmem_shared>> -> memref<640x64xbf16, #tpu.memory_space<vmem_shared>>
        tpu.enqueue_dma source(%dma_start3A_157 : memref<640x64xbf16, #tpu.memory_space<vmem_shared>>) target(%dma_start3A_155 : memref<640x64xbf16, #tpu.memory_space<hbm>>) target_semaphore(%run_scoped3A : memref<!tpu.dma_semaphore, #tpu.memory_space<semaphore_mem>>)
        %dma_wait3A_158 = arith.constant 0 : i32
        %dma_wait3A_159 = tpu.memref_slice %arg5[%mul3A_10, %dma_wait3A_158] : memref<10240x64xbf16, #tpu.memory_space<hbm>> -> memref<640x64xbf16, #tpu.memory_space<hbm>>
        %dma_wait3A_160 = arith.constant 0 : i32
        %dma_wait3A_161 = tpu.memref_slice %arg11[%mul3A_10, %dma_wait3A_160] : memref<10240x64xbf16, #tpu.memory_space<vmem_shared>> -> memref<640x64xbf16, #tpu.memory_space<vmem_shared>>
        tpu.wait_dma2 semaphore(%run_scoped3A : memref<!tpu.dma_semaphore, #tpu.memory_space<semaphore_mem>>) src(%dma_wait3A_161 : memref<640x64xbf16, #tpu.memory_space<vmem_shared>>) dst(%dma_wait3A_159 : memref<640x64xbf16, #tpu.memory_space<hbm>>)
        tpu.yield
      }) : () -> ()
    } else {
    }
    %eq3A_150 = arith.constant 1 : i32
    %eq3A_151 = arith.cmpi eq, %arg0, %eq3A_150 : i32
    %convert_element_type3A_152 = arith.extui %eq3A_151 : i1 to i32
    %cond3A_153 = arith.constant 0 : i32
    %cond3A_154 = arith.cmpi ne, %convert_element_type3A_152, %cond3A_153 : i32
    scf.if %cond3A_154 {
      "tpu.region"() ({
        %run_scoped3A = tpu.sem_alloc : memref<!tpu.dma_semaphore, #tpu.memory_space<semaphore_mem>>
        %dma_start3A = arith.constant 0 : i32
        %dma_start3A_155 = tpu.memref_slice %arg6[%mul3A_10, %dma_start3A] : memref<10240x64xbf16, #tpu.memory_space<hbm>> -> memref<640x64xbf16, #tpu.memory_space<hbm>>
        %dma_start3A_156 = arith.constant 0 : i32
        %dma_start3A_157 = tpu.memref_slice %arg11[%mul3A_10, %dma_start3A_156] : memref<10240x64xbf16, #tpu.memory_space<vmem_shared>> -> memref<640x64xbf16, #tpu.memory_space<vmem_shared>>
        tpu.enqueue_dma source(%dma_start3A_157 : memref<640x64xbf16, #tpu.memory_space<vmem_shared>>) target(%dma_start3A_155 : memref<640x64xbf16, #tpu.memory_space<hbm>>) target_semaphore(%run_scoped3A : memref<!tpu.dma_semaphore, #tpu.memory_space<semaphore_mem>>)
        %dma_wait3A_158 = arith.constant 0 : i32
        %dma_wait3A_159 = tpu.memref_slice %arg6[%mul3A_10, %dma_wait3A_158] : memref<10240x64xbf16, #tpu.memory_space<hbm>> -> memref<640x64xbf16, #tpu.memory_space<hbm>>
        %dma_wait3A_160 = arith.constant 0 : i32
        %dma_wait3A_161 = tpu.memref_slice %arg11[%mul3A_10, %dma_wait3A_160] : memref<10240x64xbf16, #tpu.memory_space<vmem_shared>> -> memref<640x64xbf16, #tpu.memory_space<vmem_shared>>
        tpu.wait_dma2 semaphore(%run_scoped3A : memref<!tpu.dma_semaphore, #tpu.memory_space<semaphore_mem>>) src(%dma_wait3A_161 : memref<640x64xbf16, #tpu.memory_space<vmem_shared>>) dst(%dma_wait3A_159 : memref<640x64xbf16, #tpu.memory_space<hbm>>)
        tpu.yield
      }) : () -> ()
    } else {
    }
    return
  }
}

module attributes {stable_mosaic.version = 14 : i64} {
  func.func @_tc_mid_body(%arg0: i32, %arg1: memref<1000x128xbf16, #tpu.memory_space<vmem>>, %arg2: memref<1000x128xbf16, #tpu.memory_space<vmem>>, %arg3: memref<1000x16xf32, #tpu.memory_space<vmem>>, %arg4: memref<1000x16xf32, #tpu.memory_space<vmem>>, %arg5: memref<1000x256xbf16, #tpu.memory_space<vmem>>, %arg6: memref<256x256xf32, #tpu.memory_space<vmem>>, %arg7: memref<256x256xf32, #tpu.memory_space<vmem>>, %arg8: memref<1x256xf32, #tpu.memory_space<vmem>>, %arg9: memref<256x64xf32, #tpu.memory_space<vmem>>, %arg10: memref<256x64xf32, #tpu.memory_space<vmem>>, %arg11: memref<1x64xf32, #tpu.memory_space<vmem>>, %arg12: memref<1000x64xbf16, #tpu.memory_space<vmem>>, %arg13: memref<1000x64xf32, #tpu.memory_space<vmem>>) attributes {dimension_semantics = [#tpu.dimension_semantics<arbitrary>], iteration_bounds = array<i64: 10>, scalar_prefetch = 0 : i64, scratch_operands = 0 : i64, tpu.core_type = #tpu.core_type<tc>, window_params = [{transform_indices = @transform_0, window_bounds = array<i64: 1000, 128>}, {transform_indices = @transform_1, window_bounds = array<i64: 1000, 128>}, {transform_indices = @transform_2, window_bounds = array<i64: 1000, 16>}, {transform_indices = @transform_3, window_bounds = array<i64: 1000, 16>}, {transform_indices = @transform_4, window_bounds = array<i64: 1000, 256>}, {pipeline_mode = #tpu.pipeline_mode<synchronous>, transform_indices = @transform_5, window_bounds = array<i64: 256, 256>}, {pipeline_mode = #tpu.pipeline_mode<synchronous>, transform_indices = @transform_6, window_bounds = array<i64: 256, 256>}, {pipeline_mode = #tpu.pipeline_mode<synchronous>, transform_indices = @transform_7, window_bounds = array<i64: 1, 256>}, {pipeline_mode = #tpu.pipeline_mode<synchronous>, transform_indices = @transform_8, window_bounds = array<i64: 256, 64>}, {pipeline_mode = #tpu.pipeline_mode<synchronous>, transform_indices = @transform_9, window_bounds = array<i64: 256, 64>}, {pipeline_mode = #tpu.pipeline_mode<synchronous>, transform_indices = @transform_10, window_bounds = array<i64: 1, 64>}, {transform_indices = @transform_11, window_bounds = array<i64: 1000, 64>}, {transform_indices = @transform_12, window_bounds = array<i64: 1000, 64>}]} {
    %get3A = arith.constant 0 : index
    %get3A_0 = arith.constant 0 : index
    %get3A_1 = vector.load %arg3[%get3A, %get3A_0] : memref<1000x16xf32, #tpu.memory_space<vmem>>, vector<1000x1xf32>
    %get3A_2 = arith.constant 0 : index
    %get3A_3 = arith.constant 0 : index
    %get3A_4 = vector.load %arg4[%get3A_2, %get3A_3] : memref<1000x16xf32, #tpu.memory_space<vmem>>, vector<1000x1xf32>
    %add3A = arith.addf %get3A_1, %get3A_4 : vector<1000x1xf32>
    %max3A = arith.constant 1.000000e+00 : f32
    %max3A_5 = vector.broadcast %max3A : f32 to vector<1000x1xf32>
    %max3A_6 = arith.maximumf %add3A, %max3A_5 : vector<1000x1xf32>
    %get3A_7 = arith.constant 0 : index
    %get3A_8 = arith.constant 0 : index
    %get3A_9 = vector.load %arg1[%get3A_7, %get3A_8] : memref<1000x128xbf16, #tpu.memory_space<vmem>>, vector<1000x128xbf16>
    %convert_element_type3A = arith.extf %get3A_9 : vector<1000x128xbf16> to vector<1000x128xf32>
    %get3A_10 = arith.constant 0 : index
    %get3A_11 = arith.constant 0 : index
    %get3A_12 = vector.load %arg2[%get3A_10, %get3A_11] : memref<1000x128xbf16, #tpu.memory_space<vmem>>, vector<1000x128xbf16>
    %convert_element_type3A_13 = arith.extf %get3A_12 : vector<1000x128xbf16> to vector<1000x128xf32>
    %concatenate3A = tpu.concatenate %convert_element_type3A, %convert_element_type3A_13 in 1 : vector<1000x128xf32>, vector<1000x128xf32> -> vector<1000x256xf32>
    %div3A = vector.broadcast %max3A_6 : vector<1000x1xf32> to vector<1000x256xf32>
    %div3A_14 = arith.divf %concatenate3A, %div3A : vector<1000x256xf32>
    %get3A_15 = arith.constant 0 : index
    %get3A_16 = arith.constant 0 : index
    %get3A_17 = vector.load %arg6[%get3A_15, %get3A_16] : memref<256x256xf32, #tpu.memory_space<vmem>>, vector<256x256xf32>
    %dot_general3A = arith.constant dense<0.000000e+00> : vector<1000x256xf32>
    %dot_general3A_18 = tpu.matmul %div3A_14, %get3A_17, %dot_general3A {dimension_numbers = #tpu.dot_dimension_numbers<[1], [0], [0], [1], [0, 0, 1, 1], [], []>, transpose_lhs_hint = false} : vector<1000x256xf32>, vector<256x256xf32>, vector<1000x256xf32> -> vector<1000x256xf32>
    %get3A_19 = arith.constant 0 : index
    %get3A_20 = arith.constant 0 : index
    %get3A_21 = vector.load %arg5[%get3A_19, %get3A_20] : memref<1000x256xbf16, #tpu.memory_space<vmem>>, vector<1000x256xbf16>
    %get3A_22 = arith.constant 0 : index
    %get3A_23 = arith.constant 0 : index
    %get3A_24 = vector.load %arg7[%get3A_22, %get3A_23] : memref<256x256xf32, #tpu.memory_space<vmem>>, vector<256x256xf32>
    %dot_general3A_25 = arith.constant dense<0.000000e+00> : vector<1000x256xf32>
    %dot_general3A_26 = tpu.matmul %get3A_21, %get3A_24, %dot_general3A_25 {dimension_numbers = #tpu.dot_dimension_numbers<[1], [0], [0], [1], [0, 0, 1, 1], [], []>, transpose_lhs_hint = false} : vector<1000x256xbf16>, vector<256x256xf32>, vector<1000x256xf32> -> vector<1000x256xf32>
    %add3A_27 = arith.addf %dot_general3A_18, %dot_general3A_26 : vector<1000x256xf32>
    %get3A_28 = arith.constant 0 : index
    %get3A_29 = arith.constant 0 : index
    %get3A_30 = vector.load %arg8[%get3A_28, %get3A_29] : memref<1x256xf32, #tpu.memory_space<vmem>>, vector<1x256xf32>
    %add3A_31 = vector.broadcast %get3A_30 : vector<1x256xf32> to vector<1000x256xf32>
    %add3A_32 = arith.addf %add3A_27, %add3A_31 : vector<1000x256xf32>
    %max3A_33 = arith.constant 0.000000e+00 : f32
    %max3A_34 = vector.broadcast %max3A_33 : f32 to vector<1000x256xf32>
    %max3A_35 = arith.maximumf %add3A_32, %max3A_34 : vector<1000x256xf32>
    %get3A_36 = arith.constant 0 : index
    %get3A_37 = arith.constant 0 : index
    %get3A_38 = vector.load %arg9[%get3A_36, %get3A_37] : memref<256x64xf32, #tpu.memory_space<vmem>>, vector<256x64xf32>
    %dot_general3A_39 = arith.constant dense<0.000000e+00> : vector<1000x64xf32>
    %dot_general3A_40 = tpu.matmul %max3A_35, %get3A_38, %dot_general3A_39 {dimension_numbers = #tpu.dot_dimension_numbers<[1], [0], [0], [1], [0, 0, 1, 1], [], []>, transpose_lhs_hint = false} : vector<1000x256xf32>, vector<256x64xf32>, vector<1000x64xf32> -> vector<1000x64xf32>
    %convert_element_type3A_41 = arith.truncf %dot_general3A_40 : vector<1000x64xf32> to vector<1000x64xbf16>
    %swap3A = arith.constant 0 : index
    %swap3A_42 = arith.constant 0 : index
    %swap3A_43 = vector.load %arg12[%swap3A, %swap3A_42] : memref<1000x64xbf16, #tpu.memory_space<vmem>>, vector<1000x64xbf16>
    tpu.vector_store %arg12[%swap3A, %swap3A_42], %convert_element_type3A_41 {strides = array<i32>} : memref<1000x64xbf16, #tpu.memory_space<vmem>>, vector<1000x64xbf16>,
    %get3A_44 = arith.constant 0 : index
    %get3A_45 = arith.constant 0 : index
    %get3A_46 = vector.load %arg10[%get3A_44, %get3A_45] : memref<256x64xf32, #tpu.memory_space<vmem>>, vector<256x64xf32>
    %dot_general3A_47 = arith.constant dense<0.000000e+00> : vector<1000x64xf32>
    %dot_general3A_48 = tpu.matmul %max3A_35, %get3A_46, %dot_general3A_47 {dimension_numbers = #tpu.dot_dimension_numbers<[1], [0], [0], [1], [0, 0, 1, 1], [], []>, transpose_lhs_hint = false} : vector<1000x256xf32>, vector<256x64xf32>, vector<1000x64xf32> -> vector<1000x64xf32>
    %get3A_49 = arith.constant 0 : index
    %get3A_50 = arith.constant 0 : index
    %get3A_51 = vector.load %arg11[%get3A_49, %get3A_50] : memref<1x64xf32, #tpu.memory_space<vmem>>, vector<1x64xf32>
    %add3A_52 = vector.broadcast %get3A_51 : vector<1x64xf32> to vector<1000x64xf32>
    %add3A_53 = arith.addf %dot_general3A_48, %add3A_52 : vector<1000x64xf32>
    %swap3A_54 = arith.constant 0 : index
    %swap3A_55 = arith.constant 0 : index
    %swap3A_56 = vector.load %arg13[%swap3A_54, %swap3A_55] : memref<1000x64xf32, #tpu.memory_space<vmem>>, vector<1000x64xf32>
    tpu.vector_store %arg13[%swap3A_54, %swap3A_55], %add3A_53 {strides = array<i32>} : memref<1000x64xf32, #tpu.memory_space<vmem>>, vector<1000x64xf32>,
    return
  }
  func.func @transform_0(%arg0: i32) -> (i32, i32) {
    %c0_i32 = arith.constant 0 : i32
    %c0_i32_0 = arith.constant 0 : i32
    return %arg0, %c0_i32 : i32, i32
  }
  func.func @transform_1(%arg0: i32) -> (i32, i32) {
    %c0_i32 = arith.constant 0 : i32
    %c0_i32_0 = arith.constant 0 : i32
    return %arg0, %c0_i32 : i32, i32
  }
  func.func @transform_2(%arg0: i32) -> (i32, i32) {
    %c0_i32 = arith.constant 0 : i32
    %c0_i32_0 = arith.constant 0 : i32
    return %arg0, %c0_i32 : i32, i32
  }
  func.func @transform_3(%arg0: i32) -> (i32, i32) {
    %c0_i32 = arith.constant 0 : i32
    %c0_i32_0 = arith.constant 0 : i32
    return %arg0, %c0_i32 : i32, i32
  }
  func.func @transform_4(%arg0: i32) -> (i32, i32) {
    %c0_i32 = arith.constant 0 : i32
    %c0_i32_0 = arith.constant 0 : i32
    return %arg0, %c0_i32 : i32, i32
  }
  func.func @transform_5(%arg0: i32) -> (i32, i32) {
    %c0_i32 = arith.constant 0 : i32
    %c0_i32_0 = arith.constant 0 : i32
    %c0_i32_1 = arith.constant 0 : i32
    return %c0_i32, %c0_i32_0 : i32, i32
  }
  func.func @transform_6(%arg0: i32) -> (i32, i32) {
    %c0_i32 = arith.constant 0 : i32
    %c0_i32_0 = arith.constant 0 : i32
    %c0_i32_1 = arith.constant 0 : i32
    return %c0_i32, %c0_i32_0 : i32, i32
  }
  func.func @transform_7(%arg0: i32) -> (i32, i32) {
    %c0_i32 = arith.constant 0 : i32
    %c0_i32_0 = arith.constant 0 : i32
    %c0_i32_1 = arith.constant 0 : i32
    return %c0_i32, %c0_i32_0 : i32, i32
  }
  func.func @transform_8(%arg0: i32) -> (i32, i32) {
    %c0_i32 = arith.constant 0 : i32
    %c0_i32_0 = arith.constant 0 : i32
    %c0_i32_1 = arith.constant 0 : i32
    return %c0_i32, %c0_i32_0 : i32, i32
  }
  func.func @transform_9(%arg0: i32) -> (i32, i32) {
    %c0_i32 = arith.constant 0 : i32
    %c0_i32_0 = arith.constant 0 : i32
    %c0_i32_1 = arith.constant 0 : i32
    return %c0_i32, %c0_i32_0 : i32, i32
  }
  func.func @transform_10(%arg0: i32) -> (i32, i32) {
    %c0_i32 = arith.constant 0 : i32
    %c0_i32_0 = arith.constant 0 : i32
    %c0_i32_1 = arith.constant 0 : i32
    return %c0_i32, %c0_i32_0 : i32, i32
  }
  func.func @transform_11(%arg0: i32) -> (i32, i32) {
    %c0_i32 = arith.constant 0 : i32
    %c0_i32_0 = arith.constant 0 : i32
    return %arg0, %c0_i32 : i32, i32
  }
  func.func @transform_12(%arg0: i32) -> (i32, i32) {
    %c0_i32 = arith.constant 0 : i32
    %c0_i32_0 = arith.constant 0 : i32
    return %arg0, %c0_i32 : i32, i32
  }
}

module attributes {stable_mosaic.version = 14 : i64} {
  func.func @_tc_final_body(%arg0: i32, %arg1: memref<1000x64xbf16, #tpu.memory_space<vmem>>, %arg2: memref<1000x64xbf16, #tpu.memory_space<vmem>>, %arg3: memref<1000x16xf32, #tpu.memory_space<vmem>>, %arg4: memref<1000x16xf32, #tpu.memory_space<vmem>>, %arg5: memref<1000x64xf32, #tpu.memory_space<vmem>>, %arg6: memref<1000x64xf32, #tpu.memory_space<vmem>>) attributes {dimension_semantics = [#tpu.dimension_semantics<arbitrary>], iteration_bounds = array<i64: 10>, scalar_prefetch = 0 : i64, scratch_operands = 0 : i64, tpu.core_type = #tpu.core_type<tc>, window_params = [{transform_indices = @transform_0, window_bounds = array<i64: 1000, 64>}, {transform_indices = @transform_1, window_bounds = array<i64: 1000, 64>}, {transform_indices = @transform_2, window_bounds = array<i64: 1000, 16>}, {transform_indices = @transform_3, window_bounds = array<i64: 1000, 16>}, {transform_indices = @transform_4, window_bounds = array<i64: 1000, 64>}, {transform_indices = @transform_5, window_bounds = array<i64: 1000, 64>}]} {
    %get3A = arith.constant 0 : index
    %get3A_0 = arith.constant 0 : index
    %get3A_1 = vector.load %arg3[%get3A, %get3A_0] : memref<1000x16xf32, #tpu.memory_space<vmem>>, vector<1000x1xf32>
    %get3A_2 = arith.constant 0 : index
    %get3A_3 = arith.constant 0 : index
    %get3A_4 = vector.load %arg4[%get3A_2, %get3A_3] : memref<1000x16xf32, #tpu.memory_space<vmem>>, vector<1000x1xf32>
    %add3A = arith.addf %get3A_1, %get3A_4 : vector<1000x1xf32>
    %max3A = arith.constant 1.000000e+00 : f32
    %max3A_5 = vector.broadcast %max3A : f32 to vector<1000x1xf32>
    %max3A_6 = arith.maximumf %add3A, %max3A_5 : vector<1000x1xf32>
    %get3A_7 = arith.constant 0 : index
    %get3A_8 = arith.constant 0 : index
    %get3A_9 = vector.load %arg1[%get3A_7, %get3A_8] : memref<1000x64xbf16, #tpu.memory_space<vmem>>, vector<1000x64xbf16>
    %convert_element_type3A = arith.extf %get3A_9 : vector<1000x64xbf16> to vector<1000x64xf32>
    %get3A_10 = arith.constant 0 : index
    %get3A_11 = arith.constant 0 : index
    %get3A_12 = vector.load %arg2[%get3A_10, %get3A_11] : memref<1000x64xbf16, #tpu.memory_space<vmem>>, vector<1000x64xbf16>
    %convert_element_type3A_13 = arith.extf %get3A_12 : vector<1000x64xbf16> to vector<1000x64xf32>
    %add3A_14 = arith.addf %convert_element_type3A, %convert_element_type3A_13 : vector<1000x64xf32>
    %div3A = vector.broadcast %max3A_6 : vector<1000x1xf32> to vector<1000x64xf32>
    %div3A_15 = arith.divf %add3A_14, %div3A : vector<1000x64xf32>
    %get3A_16 = arith.constant 0 : index
    %get3A_17 = arith.constant 0 : index
    %get3A_18 = vector.load %arg5[%get3A_16, %get3A_17] : memref<1000x64xf32, #tpu.memory_space<vmem>>, vector<1000x64xf32>
    %add3A_19 = arith.addf %div3A_15, %get3A_18 : vector<1000x64xf32>
    %reduce_max3A = arith.constant dense<0xFF800000> : vector<1000xf32>
    %reduce_max3A_20 = vector.multi_reduction <maximumf>, %add3A_19, %reduce_max3A [1] : vector<1000x64xf32> to vector<1000xf32>
    %broadcast_in_dim3A = vector.shape_cast %reduce_max3A_20 : vector<1000xf32> to vector<1000x1xf32>
    %sub3A = vector.broadcast %broadcast_in_dim3A : vector<1000x1xf32> to vector<1000x64xf32>
    %sub3A_21 = arith.subf %add3A_19, %sub3A : vector<1000x64xf32>
    %exp3A = math.exp %sub3A_21 : vector<1000x64xf32>
    %reduce_sum3A = arith.constant dense<0.000000e+00> : vector<1000xf32>
    %reduce_sum3A_22 = vector.multi_reduction <add>, %exp3A, %reduce_sum3A [1] : vector<1000x64xf32> to vector<1000xf32>
    %broadcast_in_dim3A_23 = vector.shape_cast %reduce_sum3A_22 : vector<1000xf32> to vector<1000x1xf32>
    %log3A = math.log %broadcast_in_dim3A_23 : vector<1000x1xf32>
    %sub3A_24 = vector.broadcast %log3A : vector<1000x1xf32> to vector<1000x64xf32>
    %sub3A_25 = arith.subf %sub3A_21, %sub3A_24 : vector<1000x64xf32>
    %swap3A = arith.constant 0 : index
    %swap3A_26 = arith.constant 0 : index
    %swap3A_27 = vector.load %arg6[%swap3A, %swap3A_26] : memref<1000x64xf32, #tpu.memory_space<vmem>>, vector<1000x64xf32>
    tpu.vector_store %arg6[%swap3A, %swap3A_26], %sub3A_25 {strides = array<i32>} : memref<1000x64xf32, #tpu.memory_space<vmem>>, vector<1000x64xf32>,
    return
  }
  func.func @transform_0(%arg0: i32) -> (i32, i32) {
    %c0_i32 = arith.constant 0 : i32
    %c0_i32_0 = arith.constant 0 : i32
    return %arg0, %c0_i32 : i32, i32
  }
  func.func @transform_1(%arg0: i32) -> (i32, i32) {
    %c0_i32 = arith.constant 0 : i32
    %c0_i32_0 = arith.constant 0 : i32
    return %arg0, %c0_i32 : i32, i32
  }
  func.func @transform_2(%arg0: i32) -> (i32, i32) {
    %c0_i32 = arith.constant 0 : i32
    %c0_i32_0 = arith.constant 0 : i32
    return %arg0, %c0_i32 : i32, i32
  }
  func.func @transform_3(%arg0: i32) -> (i32, i32) {
    %c0_i32 = arith.constant 0 : i32
    %c0_i32_0 = arith.constant 0 : i32
    return %arg0, %c0_i32 : i32, i32
  }
  func.func @transform_4(%arg0: i32) -> (i32, i32) {
    %c0_i32 = arith.constant 0 : i32
    %c0_i32_0 = arith.constant 0 : i32
    return %arg0, %c0_i32 : i32, i32
  }
  func.func @transform_5(%arg0: i32) -> (i32, i32) {
    %c0_i32 = arith.constant 0 : i32
    %c0_i32_0 = arith.constant 0 : i32
    return %arg0, %c0_i32 : i32, i32
  }
}

</mosaic_0001>

<sc_bundles>
// kernel: kernel.6.cloned.1.call-start
scs
__scs_entry_jumppad:
0x0: {  	(pc) =	sbr.rel $0x88, $3  }
0x1: {  	(tag) =	ssettag $0x0;
	lr =	simm.s32 $0x1  }
0x2: {  	[smem:$0x3F99] =	sst lr;
	_ =	strace $0xD0000000  }
0x3: {  	_ = 	snop  }
0x4: {  	_ = 	snop  }
0x5: {  	_ = 	snop  }
0x6: {  	_ = 	snop  }
0x7: {  	_ = 	snop  }
__scs_overlays_trampoline_lowered:
0x8: {  	[smem:$0x3FA8] =	sst s0  }
0x9: {  	[smem:$0x3FA9] =	sst s1  }
0xa: {  	[smem:$0x3FAA] =	sst s2  }
0xb: {  	[smem:$0x3FAB] =	sst s3  }
0xc: {  	[smem:$0x3FAC] =	sst s4  }
0xd: {  	[smem:$0x3FAD] =	sst s5  }
0xe: {  	[smem:$0x3FAE] =	sst s6  }
0xf: {  	[smem:$0x3FAF] =	sst s7  }
0x10: {  	[smem:$0x3FB0] =	sst s8  }
0x11: {  	[smem:$0x3FB1] =	sst s9;
	s0 =	simm.s32 @!p0 $0x0  }
0x12: {  	s1 =	sld [smem:$0x3F97];
	s0 =	simm.s32 @p0 $0x1  }
0x13: {  	[smem:$0x3FB2] =	sst s0;
	s0 =	simm.s32 @!p1 $0x0  }
0x14: {  	s2 =	sld [smem:$0x3F96];
	s0 =	simm.s32 @p1 $0x1  }
0x15: {  	[smem:$0x3FB3] =	sst s0;
	s0 =	simm.s32 @!p2 $0x0  }
0x16: {  	s3 =	sld [smem:$0x3FDB];
	s0 =	simm.s32 @p2 $0x1  }
0x17: {  	s4 =	simm.s32 $0x1BF5;
	[smem:$0x3FB5] =	sst s0  }
0x18: {  	s0 =	sld [smem:$0x3F98];
	_ =	swait.ge [sflag:s4], $0x0  }
0x19: {  	s7 =	sld [smem:$0x3F99]  }
0x1a: {  	s8 =	sadd.s32 $0xFFFFE003, lr  }
0x1b: {  	s9 =	sadd.s32 $0xFFFFFEF7, lr;
	s5 =	simm.s32 $0xFFFFFFFF;
	p2 =	slt.u32 s8, $0xFFFFF086  }
0x1c: {  	p1 =	slt.u32 s9, $0xF7A;
	s5 =	simm.s32 @!p2 $0x0  }
0x1d: {  	s5 =	simm.s32 @p1 $0x1;
	p0 =	seq.s32 s7, s2  }
0x1e: {  	s7 =	smul.u32 @!p0 $0xF7A, s2;
	p2 =	seq.s32 @!p0 s5, $0x0  }
0x1f: {  	s9 =	smul.u32 $0xF7A, s1;
	s8 =	simm.s32 @!p0 $0x1BF5;
	p2 =	por !p2, p0  }
0x20: {  	[sflag:s8] =	ssyncset.s32 @!p0 $0xFFFFF086;
	s6 =	sadd.s32 @!p0 s3, s7;
	s7 =	simm.s32 @!p0 $0x108  }
0x21: {  	s3 =	sadd.s32 s3, s9;
	s6 =	sadd.s32 @!p0 $0x88, s6;
	s7 =	simm.s32 @p2 $0x1082  }
0x22: {  	[simem:s7], [sflag:s8] =	dma.local @!p0 [hbm:s6], $0xF7A  }
0x23: {  	s9 =	sor.u32 $0xD0000000, s2;
	s6 =	simm.s32 $0x108;
	_ =	swait.ge @!p0 [sflag:s8], $0x0  }
0x24: {  	s3 =	sadd.s32 $0x88, s3;
	s6 =	simm.s32 @!p1 $0x1082;
	[sflag:s4] =	ssyncset.s32 $0xFFFFF086  }
0x25: {  	[simem:s6], [sflag:s4] =	dma.local [hbm:s3], $0xF7A  }
0x26: {  	[smem:$0x3F99] =	sst s1;
	(tag) =	ssettag s2;
	_ =	strace s9  }
0x27: {  	s1 =	sld [smem:$0x3FA9]  }
0x28: {  	s2 =	sld [smem:$0x3FAA]  }
0x29: {  	s4 =	sld [smem:$0x3FAC]  }
0x2a: {  	p0 =	seq.s32 s5, $0x0;
	s5 =	sld [smem:$0x3FAD]  }
0x2b: {  	s6 =	sld [smem:$0x3FAE]  }
0x2c: {  	s7 =	sld [smem:$0x3FAF]  }
0x2d: {  	s3 =	simm.s32 $0x108;
	s8 =	sld [smem:$0x3FB0]  }
0x2e: {  	s3 =	simm.s32 @!p0 $0x1082;
	s9 =	sld [smem:$0x3FB1]  }
0x2f: {  	lr =	sadd.s32 s0, s3;
	s0 =	sld [smem:$0x3FA8]  }
0x30: {  	s3 =	sld [smem:$0x3FAB]  }
0x31: {  	[smem:$0x3FB4] =	sst s10  }
0x32: {  	s10 =	sld [smem:$0x3FB2];
	_ =	sdelay $0x3  }
0x33: {  	p0 =	seq.s32 s10, $0x1;
	s10 =	sld [smem:$0x3FB4];
	_ =	sdelay $0x3  }
0x34: {  	[smem:$0x3FB4] =	sst s10  }
0x35: {  	s10 =	sld [smem:$0x3FB3];
	_ =	sdelay $0x3  }
0x36: {  	p1 =	seq.s32 s10, $0x1;
	s10 =	sld [smem:$0x3FB4];
	_ =	sdelay $0x3  }
0x37: {  	[smem:$0x3FB4] =	sst s10  }
0x38: {  	s10 =	sld [smem:$0x3FB5]  }
0x39: {  	_ = 	snop;
	(pc) =	sbr.ind lr, $3  }
0x3a: {  	_ = 	snop  }
0x3b: {  	_ = 	snop  }
0x3c: {  	p2 =	seq.s32 s10, $0x1;
	s10 =	sld [smem:$0x3FB4]  }
0x3d: {  	_ =	shalt  }
0x3e: {  	_ =	shalt  }
0x3f: {  	_ =	shalt  }
0x40: {  	_ =	shalt  }
0x41: {  	_ =	shalt  }
0x42: {  	_ =	shalt  }
0x43: {  	_ =	shalt  }
0x44: {  	_ =	shalt  }
0x45: {  	_ =	shalt  }
0x46: {  	_ =	shalt  }
0x47: {  	_ =	shalt  }
0x48: {  	_ =	shalt  }
0x49: {  	_ =	shalt  }
0x4a: {  	_ =	shalt  }
0x4b: {  	_ =	shalt  }
0x4c: {  	_ =	shalt  }
0x4d: {  	_ =	shalt  }
0x4e: {  	_ =	shalt  }
0x4f: {  	_ =	shalt  }
0x50: {  	_ =	shalt  }
0x51: {  	_ =	shalt  }
0x52: {  	_ =	shalt  }
0x53: {  	_ =	shalt  }
0x54: {  	_ =	shalt  }
0x55: {  	_ =	shalt  }
0x56: {  	_ =	shalt  }
0x57: {  	_ =	shalt  }
0x58: {  	_ =	shalt  }
0x59: {  	_ =	shalt  }
0x5a: {  	_ =	shalt  }
0x5b: {  	_ =	shalt  }
0x5c: {  	_ =	shalt  }
0x5d: {  	_ =	shalt  }
0x5e: {  	_ =	shalt  }
0x5f: {  	_ =	shalt  }
0x60: {  	_ =	shalt  }
0x61: {  	_ =	shalt  }
0x62: {  	_ =	shalt  }
0x63: {  	_ =	shalt  }
0x64: {  	_ =	shalt  }
0x65: {  	_ =	shalt  }
0x66: {  	_ =	shalt  }
0x67: {  	_ =	shalt  }
0x68: {  	_ =	shalt  }
0x69: {  	_ =	shalt  }
0x6a: {  	_ =	shalt  }
0x6b: {  	_ =	shalt  }
0x6c: {  	_ =	shalt  }
0x6d: {  	_ =	shalt  }
0x6e: {  	_ =	shalt  }
0x6f: {  	_ =	shalt  }
0x70: {  	_ =	shalt  }
0x71: {  	_ =	shalt  }
0x72: {  	_ =	shalt  }
0x73: {  	_ =	shalt  }
0x74: {  	_ =	shalt  }
0x75: {  	_ =	shalt  }
0x76: {  	_ =	shalt  }
0x77: {  	_ =	shalt  }
0x78: {  	_ =	shalt  }
0x79: {  	_ =	shalt  }
0x7a: {  	_ =	shalt  }
0x7b: {  	_ =	shalt  }
0x7c: {  	_ =	shalt  }
0x7d: {  	_ =	shalt  }
0x7e: {  	_ =	shalt  }
0x7f: {  	_ =	shalt  }
0x80: {  	_ =	shalt  }
0x81: {  	_ =	shalt  }
0x82: {  	_ =	shalt  }
0x83: {  	_ =	shalt  }
0x84: {  	_ =	shalt  }
0x85: {  	_ =	shalt  }
0x86: {  	_ =	shalt  }
0x87: {  	_ =	shalt  }
.Lfunc_end0:
.L_simem_size_0:
called_computation_lowered:
.L_overlay_start_0:
0x88: {  	s2 =	sld [smem:$0x3FD9]  }
0x89: {  	s3 =	sld [smem:$0x3FFE];
	_ =	sdelay $0x1  }
0x8a: {  	s1 =	srdreg.scid  }
0x8b: {  	s0 =	sand.u32 $0x1, s1  }
0x8c: {  	s17 =	sshll.u32 s0, $0xA;
	s2 =	sadd.s32 s3, s2  }
0x8d: {  	s2 =	sadd.s32 s2, s17  }
0x8e: {  	[smem:$0x3FC0] =	sst s2  }
0x8f: {  	_ = 	snop  }
0x90: {  	s2 =	sld [smem:$0x3FD0];
	(tm) =	ssettm $0x1  }
0x91: {  	s18 =	sld [smem:$0x3FFB];
	_ =	sdelay $0x3  }
0x92: {  	_ =	strace s18  }
0x93: {  	s3 =	sld [smem:$0x3FFC];
	_ =	sdelay $0x3  }
0x94: {  	_ =	strace s3  }
0x95: {  	s3 =	sld [smem:$0x3FFD];
	_ =	sdelay $0x3  }
0x96: {  	_ =	strace s3  }
0x97: {  	_ =	strace $0x8FFFFFFF  }
0x98: {  	s19 =	sld [smem:$0x3FDB];
	_ =	sdelay $0x1  }
0x99: {  	s4 =	simm.s32 $_scs_section_size  }
0x9a: {  	s5 =	simm.s32 $_size__tile_overlayer_lowered;
	s6 =	simm.s32 $_tile_overlayer_lowered  }
0x9b: {  	s22 =	simm.s32 $0x1BFF;
	s21 =	sshll.u32 s6, $0x1;
	s3 =	sadd.s32 s4, s19  }
0x9c: {  	s7 =	simm.s32 $0x0;
	s20 =	sshll.u32 s5, $0x1;
	s5 =	sadd.s32 s21, s3  }
0x9d: {  	[timem:s7], [sflag:s22] =	dma.local [hbm:s5], s20  }
0x9e: {  	_ =	swait.ge [sflag:s22], s20  }
0x9f: {  	s4 =	ssub.s32 $0x0, s20;
	[sflag:s22] =	ssyncset.done $0x0  }
0xa0: {  	[sflag:s22] =	ssyncadd.s32 s4;
	_ =	sdelay $0x1  }
0xa1: {  	s23 =	simm.s32 $0x1B8B  }
0xa2: {  	_ =	swait.ge [sflag:s23], $0x1  }
0xa3: {  	[sflag:s23] =	ssyncset.done $0x0  }
0xa4: {  	s25 =	simm.s32 $0x1B8E;
	s24 =	sld [smem:$0x3FFE];
	[sflag:s23] =	ssyncadd.s32 $0xFFFFFFFF  }
0xa5: {  	s26 =	simm.s32 $execute0_lowered;
	[smem:$0x3FD2] =	sst s25  }
0xa6: {  	s5 =	sshll.u32 s26, $0x1;
	_ =	strace $0x80000046;
	[dreg:$0x1] =	wrdreg $0xFFFFFFFF  }
0xa7: {  	s28 =	simm.s32 $_size_execute0_lowered;
	s3 =	sadd.s32 s3, s5;
	[dreg:$0x0] =	wrdreg $0x0  }
0xa8: {  	s5 =	sshll.u32 s28, $0x1;
	[dreg:$0x2] =	wrdreg s3  }
0xa9: {  	[dreg:$0x3] =	wrdreg s5  }
0xaa: {  	[dreg:$0x4] =	wrdreg $0xC0  }
0xab: {  	_ =	task [dreg:s7], $0x5FFFF  }
0xac: {  	[dreg:$0x1] =	wrdreg $0xFFFFFFFF  }
0xad: {  	[dreg:$0x0] =	wrdreg $0x60  }
0xae: {  	[dreg:$0x2] =	wrdreg s24  }
0xaf: {  	[dreg:$0x3] =	wrdreg s2  }
0xb0: {  	[dreg:$0x4] =	wrdreg $0x118000  }
0xb1: {  	[dreg:$0x5] =	wrdreg $0x1B4800  }
0xb2: {  	[dreg:$0x6] =	wrdreg $0x9  }
0xb3: {  	_ =	task.clear_ibuf [dreg:s7], $0x7FFFF;
	_ =	strace $0x90000046  }
0xb4: {  	s29 =	simm.s32 $0x9;
	_ =	strace $0x80000048  }
0xb5: {  	_ =	swait.ge [sflag:s29], $0x1  }
0xb6: {  	[sflag:s29] =	ssyncadd.s32 $0xFFFFFFFF  }
0xb7: {  	_ =	strace $0x90000048  }
0xb8: {  	_ =	sfence  }
0xb9: {  	s30 =	sld [smem:$0x0];
	_ =	sdelay $0x2  }
0xba: {  	s31 =	sshll.u32 s1, $0xD;
	s1 =	sshrl.u32 s1, $0x2  }
0xbb: {  	s3 =	sand.u32 $0x4000, s31;
	s1 =	sadd.s32 s1, s30  }
0xbc: {  	s0 =	sor.u32 s3, s0;
	s1 =	sshll.u32 s1, $0x11  }
0xbd: {  	s0 =	sor.u32 s1, s0  }
0xbe: {  	s0 =	sadd.s32 $0x8F2B, s0  }
0xbf: {  	[sflag:s0] =	ssyncadd.remote.s32 $0x1  }
0xc0: {  	_ =	sfence.sel $0xFFFF  }
0xc1: {  	[dreg:$0x0] =	wrdreg $0xFFFFFFFF;
	(pc) =	sbr.abs _section_cstart, $3  }
0xc2: {  	[dreg:$0x1] =	wrdreg $0xFFFFFFFF  }
0xc3: {  	_ =	task.clear_ibuf [dreg:s7], $0x2FFFF;
	_ =	strace $0x9FFFFFFF  }
0xc4: {  	(tm) =	ssettm $0x7FFFFFFF  }
0xc5: {  	_ =	shalt  }
tec
execute0_lowered:
.L_overlay_start_1:
0x0: {  	(tag) =	ssettag $0x1  }
0x1: {  	s0 =	rddreg [dreg:$0x0]  }
0x2: {  	s4 =	rddreg [dreg:$0x1]  }
0x3: {  	s1 =	rddreg [dreg:$0x2]  }
0x4: {  	s2 =	rddreg [dreg:$0x3];
	s3 =	simm.s32 $0x0  }
0x5: {  	s9 =	srdreg.scid;
	s22 =	stileid.u32;
	s28 =	simm.s32 $0x11000  }
0x6: {  	s30 =	simm.s32 $0x5;
	s31 =	simm.s32 $0x80;
	s29 =	simm.s32 $0x5000  }
0x7: {  	[smem:$0x7FF] =	sst s3;
	s5 =	sadd.s32 $0x16200, s0;
	s6 =	sadd.s32 $0x2800, s0  }
0x8: {  	s7 =	sadd.s32 $0x2EC00, s0;
	s8 =	sadd.s32 $0x29C00, s0;
	s12 =	smul.u32 $0x272, s22  }
0x9: {  	s11 =	sand.u32 $0x1, s9;
	s13 =	sadd.s32 $0x33C00, s0;
	s14 =	smul.u32 $0x13900, s22  }
0xa: {  	s15 =	sadd.s32 $0x47600, s0;
	s0 =	sadd.s32 $0x4C600, s0;
	s17 =	smul.u32 $0x2720, s22  }
0xb: {  	_ =	strace $0x80000047;
	s9 =	ssub.s32 $0x2, s11;
	p0 =	seq.s32 s11, $0x1  }
0xc: {  	p1 =	seq.s32 s11, $0x0;
	p2 =	sne.s32 s11, $0x0;
	s11 =	simm.s32 $0x9000  }
0xd: {  	s10 =	sshrl.u32 s9, $0x1;
	s16 =	sshrl.u32 s14, $0x1;
	s18 =	sadd.s32 $0x80, s12  }
0xe: {  	s24 =	sadd.s32 $0x100, s12;
	s25 =	sadd.s32 $0x180, s12;
	s12 =	sadd.s32 $0x200, s12  }
0xf: {  	s4 =	smov.u32 @p0 s13;
	s14 =	sshrl.u32 s14, $0x4;
	s15 =	smov.u32 @p0 s0  }
0x10: {  	s19 =	ssub.s32 s9, s10;
	s9 =	sadd.s32 s16, s1;
	s21 =	sshll.u32 s18, $0x6  }
0x11: {  	s10 =	sadd.s32 s17, s2;
	s23 =	sshll.u32 s18, $0x4;
	s20 =	sshll.u32 s24, $0x6  }
0x12: {  	s18 =	sshll.u32 s25, $0x4;
	s4 =	sadd.s32 s4, s14;
	s16 =	sadd.s32 s21, s1  }
0x13: {  	s21 =	sshll.u32 s25, $0x6;
	s20 =	sadd.s32 s20, s1;
	[dreg:$0xa] =	wrdreg s4  }
0x14: {  	s25 =	sshrl.u32 s17, $0x3;
	[dreg:$0x5] =	wrdreg s16;
	s16 =	sadd.s32 s23, s2  }
0x15: {  	[dreg:$0x7] =	wrdreg s20;
	s26 =	sadd.s32 s21, s1;
	s20 =	sshll.u32 s12, $0x6  }
0x16: {  	s12 =	sshll.u32 s12, $0x4;
	s21 =	smul.u32 $0x500, s22;
	[dreg:$0x6] =	wrdreg s16  }
0x17: {  	s23 =	sadd.s32 s18, s2;
	s0 =	sadd.s32 s15, s25;
	[dreg:$0x9] =	wrdreg s26  }
0x18: {  	s25 =	simm.s32 $0x1000;
	s16 =	sshll.u32 s24, $0x4;
	[dreg:$0xb] =	wrdreg s23  }
0x19: {  	s13 =	sadd.s32 s20, s1;
	s12 =	sadd.s32 s12, s2;
	[dreg:$0x10] =	wrdreg s0  }
0x1a: {  	s23 =	smul.u32 $0x2800, s22;
	s26 =	smax.u32 s19, $0x1;
	[dreg:$0xc] =	wrdreg s13  }
.Ltmp0:
0x1b: {  	s0 =	simm.s32 $0x7;
	[dreg:$0xd] =	wrdreg s12;
	(pc) =	sbr.rel .LBB2_1-.Ltmp0, $4  }
0x1c: {  	s22 =	simm.s32 $0x0;
	s16 =	sadd.s32 s16, s2;
	[dreg:$0x11] =	wrdreg s26  }
0x1d: {  	s24 =	sadd.s32 s7, s21;
	s4 =	sadd.s32 s8, s21;
	[dreg:$0x8] =	wrdreg s16  }
0x1e: {  	s26 =	simm.s32 $0x16;
	s12 =	simm.s32 $0xB;
	[dreg:$0xe] =	wrdreg s24  }
0x1f: {  	v0 =	vimm.f32 $0.0e+00;
	v1 =	vimm.bf16 $0.0e+00;
	v2 =	vimm.f32 $1.000000000e+00;
	s13 =	simm.s32 $0xD000;
	[dreg:$0xf] =	wrdreg s4;
	s4 =	simm.s32 $0x9  }
.LBB2_11:
0x20: {  	s14 =	simm.s32 $0xD  }
0x21: {  	_ =	swait.ge [sflag:s14], $0x2000  }
0x22: {  	[sflag:s14] =	ssyncset.done $0x0  }
0x23: {  	s20 =	simm.s32 $0xE;
	[sflag:s14] =	ssyncadd.s32 $0xFFFFE000  }
0x24: {  	_ =	swait.ge [sflag:s20], $0x2000  }
0x25: {  	[sflag:s20] =	ssyncset.done $0x0  }
0x26: {  	s21 =	simm.s32 $0xF;
	[sflag:s20] =	ssyncadd.s32 $0xFFFFE000  }
0x27: {  	_ =	swait.ge [sflag:s21], $0x2000  }
0x28: {  	[sflag:s21] =	ssyncset.done $0x0  }
0x29: {  	s24 =	simm.s32 $0x10;
	[sflag:s21] =	ssyncadd.s32 $0xFFFFE000  }
0x2a: {  	_ =	swait.ge [sflag:s24], $0x2000  }
0x2b: {  	[sflag:s24] =	ssyncset.done $0x0  }
0x2c: {  	s15 =	simm.s32 $0x11;
	[sflag:s24] =	ssyncadd.s32 $0xFFFFE000  }
0x2d: {  	_ =	swait.ge [sflag:s15], $0x2000  }
0x2e: {  	[sflag:s15] =	ssyncset.done $0x0  }
0x2f: {  	s16 =	simm.s32 $0x12;
	[sflag:s15] =	ssyncadd.s32 $0xFFFFE000  }
0x30: {  	_ =	swait.ge [sflag:s16], $0x2000  }
0x31: {  	[sflag:s16] =	ssyncset.done $0x0  }
0x32: {  	s17 =	simm.s32 $0x13;
	[sflag:s16] =	ssyncadd.s32 $0xFFFFE000  }
0x33: {  	_ =	swait.ge [sflag:s17], $0x2000  }
0x34: {  	[sflag:s17] =	ssyncset.done $0x0  }
0x35: {  	s18 =	simm.s32 $0x14;
	[sflag:s17] =	ssyncadd.s32 $0xFFFFE000  }
0x36: {  	_ =	swait.ge [sflag:s18], $0x2000  }
0x37: {  	[sflag:s18] =	ssyncset.done $0x0  }
0x38: {  	s19 =	stileid.u32;
	[sflag:s18] =	ssyncadd.s32 $0xFFFFE000  }
0x39: {  	s14 =	sshll.u32 s19, $0x6;
	[bflag:$0x0] =	sbarrier.arrive $0xFFFF  }
0x3a: {  	s14 =	sor.u32 $0x1C16, s14;
	s15 =	sshrl.u32 s9, $0x3;
	s16 =	rddreg [dreg:$0xa]  }
0x3b: {  	[hbm:s16], [sflag:s14] =	dma.local [spmem:s15], $0x1390  }
0x3c: {  	_ =	swait.ge [sflag:s26], $0x1390  }
0x3d: {  	[sflag:s26] =	ssyncset.done $0x0  }
0x3e: {  	s20 =	sshrl.u32 s10, $0x3;
	s21 =	rddreg [dreg:$0x10];
	[sflag:s26] =	ssyncadd.s32 $0xFFFFEC70  }
0x3f: {  	[hbm:s21], [sflag:s14] =	dma.local [spmem:s20], $0x4E4  }
0x40: {  	_ =	swait.ge [sflag:s26], $0x4E4  }
0x41: {  	s22 =	sadd.s32 $0x1, s22;
	s24 =	rddreg [dreg:$0x11]  }
0x42: {  	p3 =	sne.s32 s22, s24  }
.Ltmp1:
0x43: {  	_ = 	snop;
	(pc) =	sbr.rel @!p3 .LBB2_12-.Ltmp1, $3  }
0x44: {  	_ =	sdelay $0x1  }
0x45: {  	[sflag:s26] =	ssyncset.done $0x0  }
0x46: {  	[sflag:s26] =	ssyncadd.s32 $0xFFFFFB1C  }
.LBB2_1:
0x47: {  	s14 =	simm.s32 $0x0  }
.LBB2_2:
0x48: {  	p3 =	sne.s32 s14, $0x1FC0  }
.Ltmp2:
0x49: {  	_ = 	snop;
	(pc) =	sbr.rel @p3 .LBB2_2-.Ltmp2, $3  }
0x4a: {  	_ =	sdelay $0x1  }
0x4b: {  	s15 =	sshra.s32 s14, $0x2  }
0x4c: {  	s14 =	sadd.s32 $0x40, s14;
	[tilespmem:s15+$0x11000] =	vst v0  }
0x4d: {  	s14 =	simm.s32 $0x0  }
0x4e: {  	s15 =	sand.u32 $0x7F00, s14;
	s16 =	sand.u32 $0x60, s14  }
0x4f: {  	s15 =	sshrl.u32 s15, $0x2;
	s16 =	sshrl.u32 s16, $0x1  }
0x50: {  	s16 =	sor.u32 s16, s15  }
0x51: {  	s15 =	simm.s32 $0x40;
	[tilespmem:s16+$0x1000] =	vst v1  }
.LBB2_4:
0x52: {  	p3 =	sne.s32 s15, $0x7FC0  }
.Ltmp3:
0x53: {  	s16 =	sand.u32 $0x7F00, s15;
	s14 =	sadd.s32 $0x20, s14;
	(pc) =	sbr.rel @p3 .LBB2_4-.Ltmp3, $4  }
0x54: {  	s15 =	sadd.s32 $0x40, s15;
	s17 =	sand.u32 $0x60, s14  }
0x55: {  	s16 =	sshrl.u32 s16, $0x2;
	s17 =	sshrl.u32 s17, $0x1  }
0x56: {  	s16 =	sor.u32 s17, s16  }
0x57: {  	[tilespmem:s16+$0x1000] =	vst v1  }
0x58: {  	[spmem:s9] =	stream.linear.scatter [tilespmem:s25], [sflag:$0x16], $0x2000, $0x38;
	[tilespmem:$0x1DBA0] =	vst v63  }
0x59: {  	_ =	swait.ge [sflag:s26], $0x2000  }
0x5a: {  	[sflag:s26] =	ssyncset.done $0x0  }
0x5b: {  	[sflag:s26] =	ssyncadd.s32 $0xFFFFE000  }
0x5c: {  	[spmem:s10] =	stream.linear.scatter [tilespmem:s28], [sflag:$0x16], $0x800, $0x38;
	[tilespmem:$0x1DBA0] =	vst v63  }
0x5d: {  	_ =	swait.ge [sflag:s26], $0x800  }
0x5e: {  	[sflag:s26] =	ssyncset.done $0x0  }
0x5f: {  	s14 =	rddreg [dreg:$0x5];
	[sflag:s26] =	ssyncadd.s32 $0xFFFFF800  }
0x60: {  	[spmem:s14] =	stream.linear.scatter [tilespmem:s25], [sflag:$0x16], $0x2000, $0x38;
	[tilespmem:$0x1DBA0] =	vst v63  }
0x61: {  	_ =	swait.ge [sflag:s26], $0x2000  }
0x62: {  	[sflag:s26] =	ssyncset.done $0x0  }
0x63: {  	s16 =	rddreg [dreg:$0x6];
	[sflag:s26] =	ssyncadd.s32 $0xFFFFE000  }
0x64: {  	[spmem:s16] =	stream.linear.scatter [tilespmem:s28], [sflag:$0x16], $0x800, $0x38;
	[tilespmem:$0x1DBA0] =	vst v63  }
0x65: {  	_ =	swait.ge [sflag:s26], $0x800  }
0x66: {  	[sflag:s26] =	ssyncset.done $0x0  }
0x67: {  	s17 =	rddreg [dreg:$0x7];
	[sflag:s26] =	ssyncadd.s32 $0xFFFFF800  }
0x68: {  	[spmem:s17] =	stream.linear.scatter [tilespmem:s25], [sflag:$0x16], $0x2000, $0x38;
	[tilespmem:$0x1DBA0] =	vst v63  }
0x69: {  	_ =	swait.ge [sflag:s26], $0x2000  }
0x6a: {  	[sflag:s26] =	ssyncset.done $0x0  }
0x6b: {  	s18 =	rddreg [dreg:$0x8];
	[sflag:s26] =	ssyncadd.s32 $0xFFFFE000  }
0x6c: {  	[spmem:s18] =	stream.linear.scatter [tilespmem:s28], [sflag:$0x16], $0x800, $0x38;
	[tilespmem:$0x1DBA0] =	vst v63  }
0x6d: {  	_ =	swait.ge [sflag:s26], $0x800  }
0x6e: {  	[sflag:s26] =	ssyncset.done $0x0  }
0x6f: {  	s19 =	rddreg [dreg:$0x9];
	[sflag:s26] =	ssyncadd.s32 $0xFFFFF800  }
0x70: {  	[spmem:s19] =	stream.linear.scatter [tilespmem:s25], [sflag:$0x16], $0x2000, $0x38;
	[tilespmem:$0x1DBA0] =	vst v63  }
0x71: {  	_ =	swait.ge [sflag:s26], $0x2000  }
0x72: {  	[sflag:s26] =	ssyncset.done $0x0  }
0x73: {  	s20 =	rddreg [dreg:$0xb];
	[sflag:s26] =	ssyncadd.s32 $0xFFFFE000  }
0x74: {  	[spmem:s20] =	stream.linear.scatter [tilespmem:s28], [sflag:$0x16], $0x800, $0x38;
	[tilespmem:$0x1DBA0] =	vst v63  }
0x75: {  	_ =	swait.ge [sflag:s26], $0x800  }
0x76: {  	[sflag:s26] =	ssyncset.done $0x0  }
0x77: {  	s21 =	rddreg [dreg:$0xc];
	[sflag:s26] =	ssyncadd.s32 $0xFFFFF800  }
0x78: {  	[spmem:s21] =	stream.linear.scatter [tilespmem:s25], [sflag:$0x16], $0x1C80, $0x38;
	[tilespmem:$0x1DBA0] =	vst v63  }
0x79: {  	_ =	swait.ge [sflag:s26], $0x1C80  }
0x7a: {  	[sflag:s26] =	ssyncset.done $0x0  }
0x7b: {  	s24 =	rddreg [dreg:$0xd];
	[sflag:s26] =	ssyncadd.s32 $0xFFFFE380  }
0x7c: {  	[spmem:s24] =	stream.linear.scatter [tilespmem:s28], [sflag:$0x16], $0x720, $0x38;
	[tilespmem:$0x1DBA0] =	vst v63  }
0x7d: {  	_ =	swait.ge [sflag:s26], $0x720  }
0x7e: {  	[sflag:s26] =	ssyncset.done $0x0  }
0x7f: {  	s15 =	simm.s32 $0x0;
	s14 =	simm.s32 $0x40;
	[sflag:s26] =	ssyncadd.s32 $0xFFFFF8E0  }
.LBB2_6:
0x80: {  	p3 =	sne.s32 s14, $0x1FC0;
	[tilespmem:s15+$0x11000] =	vst v2;
	s15 =	smov.u32 s14;
	s14 =	sadd.s32 $0x40, s14  }
.Ltmp4:
0x81: {  	(pc) =	sbr.rel @p3 .LBB2_6-.Ltmp4, $2  }
0x82: {  	_ =	sdelay $0x2  }
0x83: {  	s15 =	sshra.s32 s15, $0x2  }
0x84: {  	[tilespmem:s15+$0x11000] =	vst v2;
	s24 =	simm.s32 $0x0;
	s14 =	rddreg [dreg:$0xe]  }
0x85: {  	[tilespmem:s24], [sflag:$0x1] =	stream.linear.gather [hbm4b:s14+s24], $0x400, $0x38;
	[tilespmem:$0x1DBA0] =	vst v63  }
.Ltmp5:
0x86: {  	_ = 	snop;
	(pc) =	sbr.rel .LBB2_8-.Ltmp5, $3  }
0x87: {  	s20 =	rddreg [dreg:$0xf];
	s21 =	simm.s32 $0x800  }
0x88: {  	[tilespmem:s21], [sflag:$0x3] =	stream.linear.gather [hbm4b:s20+s24], $0x400, $0x38;
	[tilespmem:$0x1DBA0] =	vst v63  }
0x89: {  	[bflag:$0x0] =	sbarrier.arrive $0xFFFF;
	_ =	sdelay $0x1  }
.LBB2_10:
0x8a: {  	s16 =	sadd.s32 $0x1, s15  }
0x8b: {  	_ =	swait.ge [sflag:s16], $0x400  }
0x8c: {  	[sflag:s16] =	ssyncset.done $0x0  }
0x8d: {  	s21 =	sadd.s32 $0x3, s15;
	[sflag:s16] =	ssyncadd.s32 $0xFFFFFC00  }
0x8e: {  	_ =	swait.ge [sflag:s21], $0x400  }
0x8f: {  	s17 =	simm.s32 @!p2 $0x80;
	[sflag:s21] =	ssyncset.done $0x0  }
0x90: {  	s18 =	simm.s32 @!p2 $0x1000;
	s16 =	sshll.u32 @!p2 s15, $0xA;
	[sflag:s21] =	ssyncadd.s32 $0xFFFFFC00  }
0x91: {  	[tilespmem:s18], [sflag:$0x5] =	stream.indirect.gather @!p2 [hbm4b:s5+s17], $0x40, s16, s17, $0xb8;
	[tilespmem:$0x1DBA0] =	vst v63  }
0x92: {  	s19 =	simm.s32 @p0 $0x80;
	s20 =	simm.s32 @p0 $0x1000;
	s18 =	sshll.u32 @p0 s15, $0xA  }
0x93: {  	[tilespmem:s20], [sflag:$0x5] =	stream.indirect.gather @p0 [hbm4b:s6+s19], $0x40, s18, s19, $0xb8;
	[tilespmem:$0x1DBA0] =	vst v63  }
0x94: {  	s21 =	simm.s32 @!p2 $0x3000;
	s20 =	sor.u32 @!p2 $0x80, s16  }
0x95: {  	[tilespmem:s21], [sflag:$0x6] =	stream.indirect.gather @!p2 [hbm4b:s5+s17], $0x40, s20, s17, $0xb8;
	[tilespmem:$0x1DBA0] =	vst v63  }
0x96: {  	s20 =	sor.u32 @p0 $0x80, s18;
	s21 =	simm.s32 @p0 $0x3000  }
0x97: {  	[tilespmem:s21], [sflag:$0x6] =	stream.indirect.gather @p0 [hbm4b:s6+s19], $0x40, s20, s19, $0xb8;
	[tilespmem:$0x1DBA0] =	vst v63  }
0x98: {  	s20 =	sor.u32 @!p2 $0x100, s16;
	s21 =	simm.s32 @!p2 $0x5000  }
0x99: {  	[tilespmem:s21], [sflag:$0x7] =	stream.indirect.gather @!p2 [hbm4b:s5+s17], $0x40, s20, s17, $0xb8;
	[tilespmem:$0x1DBA0] =	vst v63  }
0x9a: {  	s20 =	sor.u32 @p0 $0x100, s18;
	s21 =	simm.s32 @p0 $0x5000  }
0x9b: {  	[tilespmem:s21], [sflag:$0x7] =	stream.indirect.gather @p0 [hbm4b:s6+s19], $0x40, s20, s19, $0xb8;
	[tilespmem:$0x1DBA0] =	vst v63  }
0x9c: {  	s20 =	sor.u32 @!p2 $0x180, s16;
	s21 =	simm.s32 @!p2 $0x7000  }
0x9d: {  	[tilespmem:s21], [sflag:$0x8] =	stream.indirect.gather @!p2 [hbm4b:s5+s17], $0x40, s20, s17, $0xb8;
	[tilespmem:$0x1DBA0] =	vst v63  }
0x9e: {  	s20 =	sor.u32 @p0 $0x180, s18;
	s21 =	simm.s32 @p0 $0x7000  }
0x9f: {  	[tilespmem:s21], [sflag:$0x8] =	stream.indirect.gather @p0 [hbm4b:s6+s19], $0x40, s20, s19, $0xb8;
	[tilespmem:$0x1DBA0] =	vst v63  }
0xa0: {  	s20 =	sor.u32 @!p2 $0x200, s16;
	s21 =	simm.s32 @!p2 $0x9000  }
0xa1: {  	[tilespmem:s21], [sflag:$0x9] =	stream.indirect.gather @!p2 [hbm4b:s5+s17], $0x40, s20, s17, $0xb8;
	[tilespmem:$0x1DBA0] =	vst v63  }
0xa2: {  	s20 =	sor.u32 @p0 $0x200, s18;
	s21 =	simm.s32 @p0 $0x9000  }
0xa3: {  	[tilespmem:s21], [sflag:$0x9] =	stream.indirect.gather @p0 [hbm4b:s6+s19], $0x40, s20, s19, $0xb8;
	[tilespmem:$0x1DBA0] =	vst v63  }
0xa4: {  	s20 =	sor.u32 @!p2 $0x280, s16;
	s21 =	simm.s32 @!p2 $0xB000  }
0xa5: {  	[tilespmem:s21], [sflag:$0xA] =	stream.indirect.gather @!p2 [hbm4b:s5+s17], $0x40, s20, s17, $0xb8;
	[tilespmem:$0x1DBA0] =	vst v63  }
0xa6: {  	s20 =	sor.u32 @p0 $0x280, s18;
	s21 =	simm.s32 @p0 $0xB000  }
0xa7: {  	[tilespmem:s21], [sflag:$0xA] =	stream.indirect.gather @p0 [hbm4b:s6+s19], $0x40, s20, s19, $0xb8;
	[tilespmem:$0x1DBA0] =	vst v63  }
0xa8: {  	s20 =	sor.u32 @!p2 $0x300, s16;
	s21 =	simm.s32 @!p2 $0xD000  }
0xa9: {  	[tilespmem:s21], [sflag:$0xB] =	stream.indirect.gather @!p2 [hbm4b:s5+s17], $0x40, s20, s17, $0xb8;
	[tilespmem:$0x1DBA0] =	vst v63  }
0xaa: {  	p3 =	slt.u32 s24, $0x5;
	s18 =	sor.u32 @p0 $0x300, s18;
	s20 =	simm.s32 @p0 $0xD000  }
0xab: {  	[tilespmem:s20], [sflag:$0xB] =	stream.indirect.gather @p0 [hbm4b:s6+s19], $0x40, s18, s19, $0xb8;
	[tilespmem:$0x1DBA0] =	vst v63  }
0xac: {  	s15 =	sshll.u32 s15, $0xC;
	s16 =	sor.u32 @!p2 $0x380, s16;
	s18 =	simm.s32 @!p2 $0xF000  }
0xad: {  	[tilespmem:s18], [sflag:$0xC] =	stream.indirect.gather @!p2 [hbm4b:s5+s17], $0x40, s16, s17, $0xb8;
	[tilespmem:$0x1DBA0] =	vst v63  }
0xae: {  	p4 =	sgt.u32 s24, $0x4;
	p3 =	por !p1, !p3;
	s16 =	sshrl.u32 @p0 s15, $0x2  }
0xaf: {  	p4 =	por !p4, !p0;
	s17 =	simm.s32 @p0 $0xF000;
	s16 =	sadd.s32 @p0 $0x380, s16  }
0xb0: {  	[tilespmem:s17], [sflag:$0xC] =	stream.indirect.gather @p0 [hbm4b:s6+s19], $0x40, s16, s19, $0xb8;
	[tilespmem:$0x1DBA0] =	vst v63  }
0xb1: {  	p3 =	por !p3, !p3;
	p4 =	por !p4, !p4;
	_ =	swait.ge [sflag:s30], $0x2000  }
0xb2: {  	p3 =	por p3, p4;
	s24 =	sshrl.u32 s15, $0x2;
	[sflag:s30] =	ssyncset.done $0x0  }
0xb3: {  	s18 =	sor.u32 $0x800, s24;
	s15 =	simm.s32 @!p3 $0x6;
	[sflag:s30] =	ssyncadd.s32 $0xFFFFE000  }
0xb4: {  	[spmem:s1] =	stream.indirect.scatter.add.bf16 [tilespmem:s25], [sflag:$0xD], $0x40, s18, s31, $0xb8;
	[tilespmem:$0x1DBA0] =	vst v63  }
0xb5: {  	_ =	swait.ge @!p3 [sflag:s15], $0x2000  }
0xb6: {  	s17 =	simm.s32 @!p3 $0x80;
	[sflag:s15] =	ssyncset.done @!p3 $0x0  }
0xb7: {  	s16 =	simm.s32 @!p3 $0x3000;
	[sflag:s15] =	ssyncadd.s32 @!p3 $0xFFFFE000;
	s15 =	sadd.s32 @!p3 $0x880, s24  }
0xb8: {  	[spmem:s1] =	stream.indirect.scatter.add.bf16 @!p3 [tilespmem:s16], [sflag:$0xE], $0x40, s15, s17, $0xb8;
	[tilespmem:$0x1DBA0] =	vst v63  }
0xb9: {  	s15 =	simm.s32 @p3 $0x80;
	s16 =	simm.s32 @p3 $0x11000  }
0xba: {  	[spmem:s2] =	stream.indirect.scatter.add.f32 @p3 [tilespmem:s16], [sflag:$0x15], $0x10, s18, s15, $0xb8;
	[tilespmem:$0x1DBA0] =	vst v63  }
0xbb: {  	s18 =	simm.s32 @p3 $0x6  }
0xbc: {  	_ =	swait.ge @p3 [sflag:s18], $0x2000  }
0xbd: {  	[sflag:s18] =	ssyncset.done @p3 $0x0  }
0xbe: {  	s19 =	simm.s32 @p3 $0x3000;
	[sflag:s18] =	ssyncadd.s32 @p3 $0xFFFFE000;
	s18 =	sadd.s32 @p3 $0x880, s24  }
0xbf: {  	[spmem:s1] =	stream.indirect.scatter.add.bf16 @p3 [tilespmem:s19], [sflag:$0xE], $0x40, s18, s15, $0xb8;
	[tilespmem:$0x1DBA0] =	vst v63  }
0xc0: {  	_ = 	snop  }
0xc1: {  	[spmem:s2] =	stream.indirect.scatter.add.f32 @p3 [tilespmem:s16], [sflag:$0x15], $0x10, s18, s15, $0xb8;
	[tilespmem:$0x1DBA0] =	vst v63  }
0xc2: {  	_ =	swait.ge [sflag:s0], $0x2000  }
0xc3: {  	[sflag:s0] =	ssyncset.done $0x0  }
0xc4: {  	s19 =	simm.s32 @!p3 $0x8;
	s18 =	sadd.s32 $0x900, s24;
	[sflag:s0] =	ssyncadd.s32 $0xFFFFE000  }
0xc5: {  	[spmem:s1] =	stream.indirect.scatter.add.bf16 [tilespmem:s29], [sflag:$0xF], $0x40, s18, s31, $0xb8;
	[tilespmem:$0x1DBA0] =	vst v63  }
0xc6: {  	_ =	swait.ge @!p3 [sflag:s19], $0x2000  }
0xc7: {  	[sflag:s19] =	ssyncset.done @!p3 $0x0  }
0xc8: {  	s20 =	simm.s32 @!p3 $0x7000;
	[sflag:s19] =	ssyncadd.s32 @!p3 $0xFFFFE000;
	s19 =	sadd.s32 @!p3 $0x980, s24  }
0xc9: {  	[spmem:s1] =	stream.indirect.scatter.add.bf16 @!p3 [tilespmem:s20], [sflag:$0x10], $0x40, s19, s17, $0xb8;
	[tilespmem:$0x1DBA0] =	vst v63  }
0xca: {  	_ = 	snop  }
0xcb: {  	[spmem:s2] =	stream.indirect.scatter.add.f32 @p3 [tilespmem:s16], [sflag:$0x15], $0x10, s18, s15, $0xb8;
	[tilespmem:$0x1DBA0] =	vst v63  }
0xcc: {  	s18 =	simm.s32 @p3 $0x8  }
0xcd: {  	_ =	swait.ge @p3 [sflag:s18], $0x2000  }
0xce: {  	[sflag:s18] =	ssyncset.done @p3 $0x0  }
0xcf: {  	s19 =	simm.s32 @p3 $0x7000;
	[sflag:s18] =	ssyncadd.s32 @p3 $0xFFFFE000;
	s18 =	sadd.s32 @p3 $0x980, s24  }
0xd0: {  	[spmem:s1] =	stream.indirect.scatter.add.bf16 @p3 [tilespmem:s19], [sflag:$0x10], $0x40, s18, s15, $0xb8;
	[tilespmem:$0x1DBA0] =	vst v63  }
0xd1: {  	_ = 	snop  }
0xd2: {  	[spmem:s2] =	stream.indirect.scatter.add.f32 @p3 [tilespmem:s16], [sflag:$0x15], $0x10, s18, s15, $0xb8;
	[tilespmem:$0x1DBA0] =	vst v63  }
0xd3: {  	_ =	swait.ge [sflag:s4], $0x2000  }
0xd4: {  	[sflag:s4] =	ssyncset.done $0x0  }
0xd5: {  	s19 =	simm.s32 @!p3 $0xA;
	s18 =	sadd.s32 $0xA00, s24;
	[sflag:s4] =	ssyncadd.s32 $0xFFFFE000  }
0xd6: {  	[spmem:s1] =	stream.indirect.scatter.add.bf16 [tilespmem:s11], [sflag:$0x11], $0x40, s18, s31, $0xb8;
	[tilespmem:$0x1DBA0] =	vst v63  }
0xd7: {  	_ =	swait.ge @!p3 [sflag:s19], $0x2000  }
0xd8: {  	[sflag:s19] =	ssyncset.done @!p3 $0x0  }
0xd9: {  	s20 =	simm.s32 @!p3 $0xB000;
	[sflag:s19] =	ssyncadd.s32 @!p3 $0xFFFFE000;
	s19 =	sadd.s32 @!p3 $0xA80, s24  }
0xda: {  	[spmem:s1] =	stream.indirect.scatter.add.bf16 @!p3 [tilespmem:s20], [sflag:$0x12], $0x40, s19, s17, $0xb8;
	[tilespmem:$0x1DBA0] =	vst v63  }
0xdb: {  	_ = 	snop  }
0xdc: {  	[spmem:s2] =	stream.indirect.scatter.add.f32 @p3 [tilespmem:s16], [sflag:$0x15], $0x10, s18, s15, $0xb8;
	[tilespmem:$0x1DBA0] =	vst v63  }
0xdd: {  	s18 =	simm.s32 @p3 $0xA  }
0xde: {  	_ =	swait.ge @p3 [sflag:s18], $0x2000  }
0xdf: {  	[sflag:s18] =	ssyncset.done @p3 $0x0  }
0xe0: {  	s19 =	simm.s32 @p3 $0xB000;
	[sflag:s18] =	ssyncadd.s32 @p3 $0xFFFFE000;
	s18 =	sadd.s32 @p3 $0xA80, s24  }
0xe1: {  	[spmem:s1] =	stream.indirect.scatter.add.bf16 @p3 [tilespmem:s19], [sflag:$0x12], $0x40, s18, s15, $0xb8;
	[tilespmem:$0x1DBA0] =	vst v63  }
0xe2: {  	_ = 	snop  }
0xe3: {  	[spmem:s2] =	stream.indirect.scatter.add.f32 @p3 [tilespmem:s16], [sflag:$0x15], $0x10, s18, s15, $0xb8;
	[tilespmem:$0x1DBA0] =	vst v63  }
0xe4: {  	_ =	swait.ge [sflag:s12], $0x2000  }
0xe5: {  	[sflag:s12] =	ssyncset.done $0x0  }
0xe6: {  	s19 =	simm.s32 @!p3 $0xC;
	s18 =	sadd.s32 $0xB00, s24;
	[sflag:s12] =	ssyncadd.s32 $0xFFFFE000  }
0xe7: {  	[spmem:s1] =	stream.indirect.scatter.add.bf16 [tilespmem:s13], [sflag:$0x13], $0x40, s18, s31, $0xb8;
	[tilespmem:$0x1DBA0] =	vst v63  }
0xe8: {  	_ =	swait.ge @!p3 [sflag:s19], $0x2000  }
0xe9: {  	[sflag:s19] =	ssyncset.done @!p3 $0x0  }
0xea: {  	s20 =	simm.s32 @!p3 $0xF000;
	[sflag:s19] =	ssyncadd.s32 @!p3 $0xFFFFE000;
	s19 =	sadd.s32 @!p3 $0xB80, s24  }
0xeb: {  	[spmem:s1] =	stream.indirect.scatter.add.bf16 @!p3 [tilespmem:s20], [sflag:$0x14], $0x40, s19, s17, $0xb8;
	[tilespmem:$0x1DBA0] =	vst v63  }
0xec: {  	s17 =	simm.s32 @p3 $0xC  }
0xed: {  	[spmem:s2] =	stream.indirect.scatter.add.f32 @p3 [tilespmem:s16], [sflag:$0x15], $0x10, s18, s15, $0xb8;
	[tilespmem:$0x1DBA0] =	vst v63  }
0xee: {  	_ =	swait.ge @p3 [sflag:s17], $0x2000  }
0xef: {  	[sflag:s17] =	ssyncset.done @p3 $0x0  }
0xf0: {  	s18 =	simm.s32 @p3 $0xF000;
	[sflag:s17] =	ssyncadd.s32 @p3 $0xFFFFE000;
	s17 =	sadd.s32 @p3 $0xB80, s24  }
0xf1: {  	[spmem:s1] =	stream.indirect.scatter.add.bf16 @p3 [tilespmem:s18], [sflag:$0x14], $0x40, s17, s15, $0xb8;
	[tilespmem:$0x1DBA0] =	vst v63  }
0xf2: {  	_ = 	snop  }
0xf3: {  	[spmem:s2] =	stream.indirect.scatter.add.f32 @p3 [tilespmem:s16], [sflag:$0x15], $0x10, s17, s15, $0xb8;
	[tilespmem:$0x1DBA0] =	vst v63  }
0xf4: {  	s15 =	simm.s32 @p3 $0x15  }
0xf5: {  	_ =	swait.ge @p3 [sflag:s15], $0x800  }
0xf6: {  	[sflag:s15] =	ssyncset.done @p3 $0x0  }
0xf7: {  	[sflag:s15] =	ssyncadd.s32 @p3 $0xFFFFF800  }
0xf8: {  	_ =	swait.ge @p3 [sflag:s15], $0x800  }
0xf9: {  	[sflag:s15] =	ssyncset.done @p3 $0x0  }
0xfa: {  	[sflag:s15] =	ssyncadd.s32 @p3 $0xFFFFF800  }
0xfb: {  	_ =	swait.ge @p3 [sflag:s15], $0x800  }
0xfc: {  	[sflag:s15] =	ssyncset.done @p3 $0x0  }
0xfd: {  	[sflag:s15] =	ssyncadd.s32 @p3 $0xFFFFF800  }
0xfe: {  	_ =	swait.ge @p3 [sflag:s15], $0x800  }
0xff: {  	[sflag:s15] =	ssyncset.done @p3 $0x0  }
0x100: {  	[sflag:s15] =	ssyncadd.s32 @p3 $0xFFFFF800  }
0x101: {  	_ =	swait.ge @p3 [sflag:s15], $0x800  }
0x102: {  	[sflag:s15] =	ssyncset.done @p3 $0x0  }
0x103: {  	[sflag:s15] =	ssyncadd.s32 @p3 $0xFFFFF800  }
0x104: {  	_ =	swait.ge @p3 [sflag:s15], $0x800  }
0x105: {  	[sflag:s15] =	ssyncset.done @p3 $0x0  }
0x106: {  	[sflag:s15] =	ssyncadd.s32 @p3 $0xFFFFF800  }
0x107: {  	p4 =	slt.u32 s14, $0xA;
	_ =	swait.ge @p3 [sflag:s15], $0x800  }
.Ltmp6:
0x108: {  	[sflag:s15] =	ssyncset.done @p3 $0x0;
	(pc) =	sbr.rel @!p4 .LBB2_11-.Ltmp6, $4  }
0x109: {  	[sflag:s15] =	ssyncadd.s32 @p3 $0xFFFFF800  }
0x10a: {  	_ =	swait.ge @p3 [sflag:s15], $0x800  }
0x10b: {  	[sflag:s15] =	ssyncset.done @p3 $0x0  }
0x10c: {  	s24 =	smov.u32 s14;
	[sflag:s15] =	ssyncadd.s32 @p3 $0xFFFFF800  }
.LBB2_8:
0x10d: {  	p3 =	seq.s32 s24, $0x0  }
0x10e: {  	s14 =	simm.s32 @!p3 $0xD  }
0x10f: {  	_ =	swait.ge @!p3 [sflag:s14], $0x2000  }
0x110: {  	[sflag:s14] =	ssyncset.done @!p3 $0x0  }
0x111: {  	[sflag:s14] =	ssyncadd.s32 @!p3 $0xFFFFE000;
	s14 =	simm.s32 @!p3 $0xE  }
0x112: {  	_ =	swait.ge @!p3 [sflag:s14], $0x2000  }
0x113: {  	[sflag:s14] =	ssyncset.done @!p3 $0x0  }
0x114: {  	[sflag:s14] =	ssyncadd.s32 @!p3 $0xFFFFE000;
	s14 =	simm.s32 @!p3 $0xF  }
0x115: {  	_ =	swait.ge @!p3 [sflag:s14], $0x2000  }
0x116: {  	[sflag:s14] =	ssyncset.done @!p3 $0x0  }
0x117: {  	[sflag:s14] =	ssyncadd.s32 @!p3 $0xFFFFE000;
	s14 =	simm.s32 @!p3 $0x10  }
0x118: {  	_ =	swait.ge @!p3 [sflag:s14], $0x2000  }
0x119: {  	[sflag:s14] =	ssyncset.done @!p3 $0x0  }
0x11a: {  	[sflag:s14] =	ssyncadd.s32 @!p3 $0xFFFFE000;
	s14 =	simm.s32 @!p3 $0x11  }
0x11b: {  	_ =	swait.ge @!p3 [sflag:s14], $0x2000  }
0x11c: {  	[sflag:s14] =	ssyncset.done @!p3 $0x0  }
0x11d: {  	[sflag:s14] =	ssyncadd.s32 @!p3 $0xFFFFE000;
	s14 =	simm.s32 @!p3 $0x12  }
0x11e: {  	_ =	swait.ge @!p3 [sflag:s14], $0x2000  }
0x11f: {  	[sflag:s14] =	ssyncset.done @!p3 $0x0  }
0x120: {  	p4 =	seq.s32 @!p3 s24, $0x9;
	[sflag:s14] =	ssyncadd.s32 @!p3 $0xFFFFE000;
	s14 =	simm.s32 @!p3 $0x13  }
0x121: {  	p4 =	por p3, !p4;
	_ =	swait.ge @!p3 [sflag:s14], $0x2000  }
.Ltmp7:
0x122: {  	[sflag:s14] =	ssyncset.done @!p3 $0x0;
	(pc) =	sbr.rel @!p4 .LBB2_10-.Ltmp7, $4  }
0x123: {  	[sflag:s14] =	ssyncadd.s32 @!p3 $0xFFFFE000;
	s14 =	simm.s32 @!p3 $0x14  }
0x124: {  	_ =	swait.ge @!p3 [sflag:s14], $0x2000  }
0x125: {  	[sflag:s14] =	ssyncset.done @!p3 $0x0  }
0x126: {  	s15 =	sand.u32 $0x1, s24;
	[sflag:s14] =	ssyncadd.s32 @!p3 $0xFFFFE000;
	s14 =	simm.s32 @!p3 $0xA  }
0x127: {  	s14 =	sadd.s32 @!p3 $0x1, s24  }
0x128: {  	s14 =	simm.s32 @p3 $0x1  }
0x129: {  	s16 =	sshll.u32 s14, $0xA  }
0x12a: {  	s16 =	sadd.s32 s23, s16  }
.Ltmp8:
0x12b: {  	s17 =	sxor.u32 $0x1, s15;
	s16 =	sshrl.u32 s16, $0x3;
	(pc) =	sbr.rel .LBB2_10-.Ltmp8, $4  }
0x12c: {  	s18 =	sshll.u32 s17, $0xA;
	s19 =	sadd.s32 $0x1, s17;
	s20 =	sadd.s32 s7, s16  }
0x12d: {  	[tilespmem:s18], [sflag:s19] =	stream.linear.gather [hbm4b:s20+s3], $0x400, $0x38;
	[tilespmem:$0x1DBA0] =	vst v63  }
0x12e: {  	s17 =	sadd.s32 $0x3, s17;
	s16 =	sadd.s32 s8, s16;
	s18 =	sor.u32 $0x800, s18  }
0x12f: {  	[tilespmem:s18], [sflag:s17] =	stream.linear.gather [hbm4b:s16+s3], $0x400, $0x38;
	[tilespmem:$0x1DBA0] =	vst v63  }
.LBB2_12:
0x130: {  	_ =	sfence.sel $0x180000  }
0x131: {  	[bflag:$0x0] =	sbarrier.arrive $0xFFFF  }
0x132: {  	_ =	strace $0x90000047  }
0x133: {  	s0 =	stileid.u32;
	[bflag:$0x2] =	sbarrier.arrive $0xFFFF  }
0x134: {  	p0 =	sne.s32 s0, $0x0;
	s0 =	rddreg [dreg:$0x4]  }
0x135: {  	s0 =	sadd.s32 @!p0 $0x100000, s0  }
0x136: {  	[sflag:s0] =	ssyncadd.tile.s32 @!p0 $0x1;
	_ =	shalt  }
.Lfunc_end2:
_tile_overlayer_lowered:
.L_overlay_start_2:
0x137: {  	(tag) =	ssettag $0x2  }
0x138: {  	s0 =	rddreg [dreg:$0x0];
	s2 =	stileid.u32  }
0x139: {  	s1 =	rddreg [dreg:$0x1];
	p0 =	sne.s32 s2, $0x0  }
0x13a: {  	s3 =	rddreg [dreg:$0x2];
	[bflag:$0x3] =	sbarrier.arrive $0xFFFF;
	s2 =	simm.s32 @!p0 $0x1C16  }
0x13b: {  	[timem:s3], [sflag:s2] =	dma.local @!p0 [hbm:s0], s1  }
0x13c: {  	s0 =	simm.s32 @!p0 $0x16  }
0x13d: {  	_ =	swait.ge @!p0 [sflag:s0], s1  }
0x13e: {  	s1 =	ssub.s32 @!p0 $0x0, s1;
	[sflag:s0] =	ssyncset.done @!p0 $0x0  }
0x13f: {  	[sflag:s0] =	ssyncadd.s32 @!p0 s1  }
0x140: {  	[bflag:$0x3] =	sbarrier.arrive $0xFFFF  }
0x141: {  	_ =	shalt  }

// kernel: kernel.9.cloned.1.call-start
scs
__scs_entry_jumppad:
0x0: {  	(pc) =	sbr.rel $0x88, $3  }
0x1: {  	(tag) =	ssettag $0x0;
	lr =	simm.s32 $0x1  }
0x2: {  	[smem:$0x3F99] =	sst lr;
	_ =	strace $0xD0000000  }
0x3: {  	_ = 	snop  }
0x4: {  	_ = 	snop  }
0x5: {  	_ = 	snop  }
0x6: {  	_ = 	snop  }
0x7: {  	_ = 	snop  }
__scs_overlays_trampoline_lowered:
0x8: {  	[smem:$0x3FA8] =	sst s0  }
0x9: {  	[smem:$0x3FA9] =	sst s1  }
0xa: {  	[smem:$0x3FAA] =	sst s2  }
0xb: {  	[smem:$0x3FAB] =	sst s3  }
0xc: {  	[smem:$0x3FAC] =	sst s4  }
0xd: {  	[smem:$0x3FAD] =	sst s5  }
0xe: {  	[smem:$0x3FAE] =	sst s6  }
0xf: {  	[smem:$0x3FAF] =	sst s7  }
0x10: {  	[smem:$0x3FB0] =	sst s8  }
0x11: {  	[smem:$0x3FB1] =	sst s9;
	s0 =	simm.s32 @!p0 $0x0  }
0x12: {  	s1 =	sld [smem:$0x3F97];
	s0 =	simm.s32 @p0 $0x1  }
0x13: {  	[smem:$0x3FB2] =	sst s0;
	s0 =	simm.s32 @!p1 $0x0  }
0x14: {  	s2 =	sld [smem:$0x3F96];
	s0 =	simm.s32 @p1 $0x1  }
0x15: {  	[smem:$0x3FB3] =	sst s0;
	s0 =	simm.s32 @!p2 $0x0  }
0x16: {  	s3 =	sld [smem:$0x3FDB];
	s0 =	simm.s32 @p2 $0x1  }
0x17: {  	s4 =	simm.s32 $0x1BF5;
	[smem:$0x3FB5] =	sst s0  }
0x18: {  	s0 =	sld [smem:$0x3F98];
	_ =	swait.ge [sflag:s4], $0x0  }
0x19: {  	s7 =	sld [smem:$0x3F99]  }
0x1a: {  	s8 =	sadd.s32 $0xFFFFE003, lr  }
0x1b: {  	s9 =	sadd.s32 $0xFFFFFEF7, lr;
	s5 =	simm.s32 $0xFFFFFFFF;
	p2 =	slt.u32 s8, $0xFFFFF086  }
0x1c: {  	p1 =	slt.u32 s9, $0xF7A;
	s5 =	simm.s32 @!p2 $0x0  }
0x1d: {  	s5 =	simm.s32 @p1 $0x1;
	p0 =	seq.s32 s7, s2  }
0x1e: {  	s7 =	smul.u32 @!p0 $0xF7A, s2;
	p2 =	seq.s32 @!p0 s5, $0x0  }
0x1f: {  	s9 =	smul.u32 $0xF7A, s1;
	s8 =	simm.s32 @!p0 $0x1BF5;
	p2 =	por !p2, p0  }
0x20: {  	[sflag:s8] =	ssyncset.s32 @!p0 $0xFFFFF086;
	s6 =	sadd.s32 @!p0 s3, s7;
	s7 =	simm.s32 @!p0 $0x108  }
0x21: {  	s3 =	sadd.s32 s3, s9;
	s6 =	sadd.s32 @!p0 $0x88, s6;
	s7 =	simm.s32 @p2 $0x1082  }
0x22: {  	[simem:s7], [sflag:s8] =	dma.local @!p0 [hbm:s6], $0xF7A  }
0x23: {  	s9 =	sor.u32 $0xD0000000, s2;
	s6 =	simm.s32 $0x108;
	_ =	swait.ge @!p0 [sflag:s8], $0x0  }
0x24: {  	s3 =	sadd.s32 $0x88, s3;
	s6 =	simm.s32 @!p1 $0x1082;
	[sflag:s4] =	ssyncset.s32 $0xFFFFF086  }
0x25: {  	[simem:s6], [sflag:s4] =	dma.local [hbm:s3], $0xF7A  }
0x26: {  	[smem:$0x3F99] =	sst s1;
	(tag) =	ssettag s2;
	_ =	strace s9  }
0x27: {  	s1 =	sld [smem:$0x3FA9]  }
0x28: {  	s2 =	sld [smem:$0x3FAA]  }
0x29: {  	s4 =	sld [smem:$0x3FAC]  }
0x2a: {  	p0 =	seq.s32 s5, $0x0;
	s5 =	sld [smem:$0x3FAD]  }
0x2b: {  	s6 =	sld [smem:$0x3FAE]  }
0x2c: {  	s7 =	sld [smem:$0x3FAF]  }
0x2d: {  	s3 =	simm.s32 $0x108;
	s8 =	sld [smem:$0x3FB0]  }
0x2e: {  	s3 =	simm.s32 @!p0 $0x1082;
	s9 =	sld [smem:$0x3FB1]  }
0x2f: {  	lr =	sadd.s32 s0, s3;
	s0 =	sld [smem:$0x3FA8]  }
0x30: {  	s3 =	sld [smem:$0x3FAB]  }
0x31: {  	[smem:$0x3FB4] =	sst s10  }
0x32: {  	s10 =	sld [smem:$0x3FB2];
	_ =	sdelay $0x3  }
0x33: {  	p0 =	seq.s32 s10, $0x1;
	s10 =	sld [smem:$0x3FB4];
	_ =	sdelay $0x3  }
0x34: {  	[smem:$0x3FB4] =	sst s10  }
0x35: {  	s10 =	sld [smem:$0x3FB3];
	_ =	sdelay $0x3  }
0x36: {  	p1 =	seq.s32 s10, $0x1;
	s10 =	sld [smem:$0x3FB4];
	_ =	sdelay $0x3  }
0x37: {  	[smem:$0x3FB4] =	sst s10  }
0x38: {  	s10 =	sld [smem:$0x3FB5]  }
0x39: {  	_ = 	snop;
	(pc) =	sbr.ind lr, $3  }
0x3a: {  	_ = 	snop  }
0x3b: {  	_ = 	snop  }
0x3c: {  	p2 =	seq.s32 s10, $0x1;
	s10 =	sld [smem:$0x3FB4]  }
0x3d: {  	_ =	shalt  }
0x3e: {  	_ =	shalt  }
0x3f: {  	_ =	shalt  }
0x40: {  	_ =	shalt  }
0x41: {  	_ =	shalt  }
0x42: {  	_ =	shalt  }
0x43: {  	_ =	shalt  }
0x44: {  	_ =	shalt  }
0x45: {  	_ =	shalt  }
0x46: {  	_ =	shalt  }
0x47: {  	_ =	shalt  }
0x48: {  	_ =	shalt  }
0x49: {  	_ =	shalt  }
0x4a: {  	_ =	shalt  }
0x4b: {  	_ =	shalt  }
0x4c: {  	_ =	shalt  }
0x4d: {  	_ =	shalt  }
0x4e: {  	_ =	shalt  }
0x4f: {  	_ =	shalt  }
0x50: {  	_ =	shalt  }
0x51: {  	_ =	shalt  }
0x52: {  	_ =	shalt  }
0x53: {  	_ =	shalt  }
0x54: {  	_ =	shalt  }
0x55: {  	_ =	shalt  }
0x56: {  	_ =	shalt  }
0x57: {  	_ =	shalt  }
0x58: {  	_ =	shalt  }
0x59: {  	_ =	shalt  }
0x5a: {  	_ =	shalt  }
0x5b: {  	_ =	shalt  }
0x5c: {  	_ =	shalt  }
0x5d: {  	_ =	shalt  }
0x5e: {  	_ =	shalt  }
0x5f: {  	_ =	shalt  }
0x60: {  	_ =	shalt  }
0x61: {  	_ =	shalt  }
0x62: {  	_ =	shalt  }
0x63: {  	_ =	shalt  }
0x64: {  	_ =	shalt  }
0x65: {  	_ =	shalt  }
0x66: {  	_ =	shalt  }
0x67: {  	_ =	shalt  }
0x68: {  	_ =	shalt  }
0x69: {  	_ =	shalt  }
0x6a: {  	_ =	shalt  }
0x6b: {  	_ =	shalt  }
0x6c: {  	_ =	shalt  }
0x6d: {  	_ =	shalt  }
0x6e: {  	_ =	shalt  }
0x6f: {  	_ =	shalt  }
0x70: {  	_ =	shalt  }
0x71: {  	_ =	shalt  }
0x72: {  	_ =	shalt  }
0x73: {  	_ =	shalt  }
0x74: {  	_ =	shalt  }
0x75: {  	_ =	shalt  }
0x76: {  	_ =	shalt  }
0x77: {  	_ =	shalt  }
0x78: {  	_ =	shalt  }
0x79: {  	_ =	shalt  }
0x7a: {  	_ =	shalt  }
0x7b: {  	_ =	shalt  }
0x7c: {  	_ =	shalt  }
0x7d: {  	_ =	shalt  }
0x7e: {  	_ =	shalt  }
0x7f: {  	_ =	shalt  }
0x80: {  	_ =	shalt  }
0x81: {  	_ =	shalt  }
0x82: {  	_ =	shalt  }
0x83: {  	_ =	shalt  }
0x84: {  	_ =	shalt  }
0x85: {  	_ =	shalt  }
0x86: {  	_ =	shalt  }
0x87: {  	_ =	shalt  }
.Lfunc_end0:
.L_simem_size_0:
called_computation.1_lowered:
.L_overlay_start_0:
0x88: {  	s2 =	sld [smem:$0x3FD9]  }
0x89: {  	s3 =	sld [smem:$0x3FFE];
	_ =	sdelay $0x1  }
0x8a: {  	s1 =	srdreg.scid  }
0x8b: {  	s0 =	sand.u32 $0x1, s1  }
0x8c: {  	s17 =	sshll.u32 s0, $0xA;
	s2 =	sadd.s32 s3, s2  }
0x8d: {  	s2 =	sadd.s32 s2, s17  }
0x8e: {  	[smem:$0x3FC0] =	sst s2  }
0x8f: {  	_ = 	snop  }
0x90: {  	s2 =	sld [smem:$0x3FD0];
	(tm) =	ssettm $0x1  }
0x91: {  	s18 =	sld [smem:$0x3FFB];
	_ =	sdelay $0x3  }
0x92: {  	_ =	strace s18  }
0x93: {  	s3 =	sld [smem:$0x3FFC];
	_ =	sdelay $0x3  }
0x94: {  	_ =	strace s3  }
0x95: {  	s3 =	sld [smem:$0x3FFD];
	_ =	sdelay $0x3  }
0x96: {  	_ =	strace s3  }
0x97: {  	_ =	strace $0x8FFFFFFF  }
0x98: {  	s19 =	sld [smem:$0x3FDB];
	_ =	sdelay $0x1  }
0x99: {  	s4 =	simm.s32 $_scs_section_size  }
0x9a: {  	s5 =	simm.s32 $_size__tile_overlayer_lowered;
	s6 =	simm.s32 $_tile_overlayer_lowered  }
0x9b: {  	s22 =	simm.s32 $0x1BFF;
	s21 =	sshll.u32 s6, $0x1;
	s3 =	sadd.s32 s4, s19  }
0x9c: {  	s7 =	simm.s32 $0x0;
	s20 =	sshll.u32 s5, $0x1;
	s5 =	sadd.s32 s21, s3  }
0x9d: {  	[timem:s7], [sflag:s22] =	dma.local [hbm:s5], s20  }
0x9e: {  	_ =	swait.ge [sflag:s22], s20  }
0x9f: {  	s4 =	ssub.s32 $0x0, s20;
	[sflag:s22] =	ssyncset.done $0x0  }
0xa0: {  	[sflag:s22] =	ssyncadd.s32 s4;
	_ =	sdelay $0x1  }
0xa1: {  	s23 =	simm.s32 $0x1B8B  }
0xa2: {  	_ =	swait.ge [sflag:s23], $0x1  }
0xa3: {  	[sflag:s23] =	ssyncset.done $0x0  }
0xa4: {  	s25 =	simm.s32 $0x1B8E;
	s24 =	sld [smem:$0x3FFE];
	[sflag:s23] =	ssyncadd.s32 $0xFFFFFFFF  }
0xa5: {  	s26 =	simm.s32 $execute0_lowered;
	[smem:$0x3FD2] =	sst s25  }
0xa6: {  	s5 =	sshll.u32 s26, $0x1;
	_ =	strace $0x80000049;
	[dreg:$0x1] =	wrdreg $0xFFFFFFFF  }
0xa7: {  	s28 =	simm.s32 $_size_execute0_lowered;
	s3 =	sadd.s32 s3, s5;
	[dreg:$0x0] =	wrdreg $0x0  }
0xa8: {  	s5 =	sshll.u32 s28, $0x1;
	[dreg:$0x2] =	wrdreg s3  }
0xa9: {  	[dreg:$0x3] =	wrdreg s5  }
0xaa: {  	[dreg:$0x4] =	wrdreg $0xC0  }
0xab: {  	_ =	task [dreg:s7], $0x5FFFF  }
0xac: {  	[dreg:$0x1] =	wrdreg $0xFFFFFFFF  }
0xad: {  	[dreg:$0x0] =	wrdreg $0x60  }
0xae: {  	[dreg:$0x2] =	wrdreg s24  }
0xaf: {  	[dreg:$0x3] =	wrdreg s2  }
0xb0: {  	[dreg:$0x4] =	wrdreg $0xB8000  }
0xb1: {  	[dreg:$0x5] =	wrdreg $0x9  }
0xb2: {  	_ =	task.clear_ibuf [dreg:s7], $0x6FFFF;
	_ =	strace $0x90000049  }
0xb3: {  	s29 =	simm.s32 $0x9;
	_ =	strace $0x8000004B  }
0xb4: {  	_ =	swait.ge [sflag:s29], $0x1  }
0xb5: {  	[sflag:s29] =	ssyncadd.s32 $0xFFFFFFFF  }
0xb6: {  	_ =	strace $0x9000004B  }
0xb7: {  	_ =	sfence  }
0xb8: {  	s30 =	sld [smem:$0x0];
	_ =	sdelay $0x2  }
0xb9: {  	s31 =	sshll.u32 s1, $0xD;
	s1 =	sshrl.u32 s1, $0x2  }
0xba: {  	s3 =	sand.u32 $0x4000, s31;
	s1 =	sadd.s32 s1, s30  }
0xbb: {  	s0 =	sor.u32 s3, s0;
	s1 =	sshll.u32 s1, $0x11  }
0xbc: {  	s0 =	sor.u32 s1, s0  }
0xbd: {  	s0 =	sadd.s32 $0x8F2B, s0  }
0xbe: {  	[sflag:s0] =	ssyncadd.remote.s32 $0x1  }
0xbf: {  	_ =	sfence.sel $0xFFFF  }
0xc0: {  	[dreg:$0x0] =	wrdreg $0xFFFFFFFF;
	(pc) =	sbr.abs _section_cstart, $3  }
0xc1: {  	[dreg:$0x1] =	wrdreg $0xFFFFFFFF  }
0xc2: {  	_ =	task.clear_ibuf [dreg:s7], $0x2FFFF;
	_ =	strace $0x9FFFFFFF  }
0xc3: {  	(tm) =	ssettm $0x7FFFFFFF  }
tec
execute0_lowered:
.L_overlay_start_1:
0x0: {  	(tag) =	ssettag $0x1  }
0x1: {  	s0 =	rddreg [dreg:$0x0]  }
0x2: {  	s3 =	rddreg [dreg:$0x1]  }
0x3: {  	s2 =	rddreg [dreg:$0x2];
	s5 =	simm.s32 $0x0  }
0x4: {  	s1 =	srdreg.scid;
	s24 =	simm.s32 $0x2800;
	[smem:$0x7FF] =	sst s5  }
0x5: {  	s25 =	simm.s32 $0x3800;
	_ =	strace $0x8000004A;
	[dreg:$0x4] =	wrdreg s24  }
0x6: {  	s9 =	stileid.u32;
	s26 =	simm.s32 $0x4800;
	[dreg:$0x5] =	wrdreg s25  }
0x7: {  	s28 =	simm.s32 $0x5800;
	s29 =	simm.s32 $0x6800;
	[dreg:$0x6] =	wrdreg s26  }
0x8: {  	s30 =	simm.s32 $0x7800;
	s31 =	simm.s32 $0x8800;
	[dreg:$0x7] =	wrdreg s28  }
0x9: {  	s1 =	sand.u32 $0x1, s1;
	s8 =	smul.u32 $0xA000, s9;
	[dreg:$0x8] =	wrdreg s29  }
0xa: {  	s4 =	sshll.u32 s1, $0x4;
	s6 =	ssub.s32 $0x2, s1;
	[dreg:$0x9] =	wrdreg s30  }
0xb: {  	p0 =	seq.s32 s1, $0x1;
	s24 =	simm.s32 $0x6;
	[dreg:$0xa] =	wrdreg s31  }
0xc: {  	s25 =	simm.s32 $0x7;
	s26 =	simm.s32 $0x8;
	s1 =	simm.s32 $0xF  }
0xd: {  	s4 =	sor.u32 s9, s4;
	s7 =	sshrl.u32 s6, $0x1;
	s9 =	smul.u32 $0x14000, s9  }
0xe: {  	s16 =	sshrl.u32 s8, $0x1;
	s20 =	sshrl.u32 s8, $0x4;
	s14 =	smul.u32 $0x280, s4  }
0xf: {  	s4 =	sadd.s32 $0x5AE00, s0;
	s6 =	ssub.s32 s6, s7;
	s7 =	sadd.s32 s16, s2  }
0x10: {  	s16 =	simm.s32 $0xA800;
	s22 =	smax.u32 s6, $0x1;
	s5 =	sadd.s32 s14, s0  }
0x11: {  	s9 =	sshrl.u32 s9, $0x2;
	[dreg:$0x11] =	wrdreg s22;
	s15 =	sadd.s32 $0x2EC00, s5  }
0x12: {  	s17 =	sadd.s32 s9, s2;
	s5 =	sadd.s32 $0x29C00, s5;
	[dreg:$0xb] =	wrdreg s15  }
0x13: {  	s0 =	sadd.s32 $0x64C00, s0;
	s9 =	sadd.s32 $0x1000, s17;
	[dreg:$0xc] =	wrdreg s5  }
0x14: {  	s14 =	simm.s32 $0x11;
	s18 =	sadd.s32 $0x2000, s17;
	[dreg:$0xd] =	wrdreg s9  }
0x15: {  	s22 =	simm.s32 $0x4;
	s19 =	sadd.s32 $0x3000, s17;
	[dreg:$0xe] =	wrdreg s18  }
0x16: {  	s3 =	smov.u32 @p0 s0;
	s21 =	sadd.s32 $0x4000, s17;
	[dreg:$0xf] =	wrdreg s19  }
0x17: {  	s17 =	simm.s32 $0x80;
	[dreg:$0x10] =	wrdreg s21;
	s23 =	sadd.s32 s3, s20  }
0x18: {  	s18 =	simm.s32 $0x9800;
	s19 =	simm.s32 $0x1;
	s20 =	simm.s32 $0x2  }
0x19: {  	s21 =	simm.s32 $0x3;
	s15 =	simm.s32 $0xE;
	s3 =	simm.s32 $0x10  }
0x1a: {  	v0 =	vimm.bf16 $0.0e+00;
	s5 =	simm.s32 $0x0;
	[dreg:$0x12] =	wrdreg s23;
	s23 =	simm.s32 $0x5  }
.LBB2_1:
0x1b: {  	s0 =	simm.s32 $0x0  }
0x1c: {  	s6 =	sand.u32 $0x3F80, s0;
	s8 =	sand.u32 $0x20, s0  }
0x1d: {  	s6 =	sshrl.u32 s6, $0x2;
	s8 =	sshrl.u32 s8, $0x1  }
0x1e: {  	s8 =	sor.u32 s8, s6  }
0x1f: {  	s6 =	simm.s32 $0x40;
	[tilespmem:s8+$0xA800] =	vst v0;
	s8 =	simm.s32 $0x0  }
.LBB2_2:
0x20: {  	p0 =	sne.s32 s6, $0x3FC0  }
.Ltmp0:
0x21: {  	s9 =	sand.u32 $0x3F80, s6;
	s8 =	sadd.s32 $0x20, s8;
	(pc) =	sbr.rel @p0 .LBB2_2-.Ltmp0, $4  }
0x22: {  	s6 =	sadd.s32 $0x40, s6;
	s10 =	sand.u32 $0x20, s8  }
0x23: {  	s9 =	sshrl.u32 s9, $0x2;
	s10 =	sshrl.u32 s10, $0x1  }
0x24: {  	s9 =	sor.u32 s10, s9  }
0x25: {  	[tilespmem:s9+$0xA800] =	vst v0  }
0x26: {  	s6 =	simm.s32 $0x0;
	s0 =	rddreg [dreg:$0xb]  }
0x27: {  	[tilespmem:s6], [sflag:$0x11] =	stream.linear.gather [hbm4b:s0+s6], $0x1400, $0x38;
	[tilespmem:$0x10800] =	vst v63  }
0x28: {  	_ =	swait.ge [sflag:s14], $0x1400  }
0x29: {  	[sflag:s14] =	ssyncset.done $0x0  }
0x2a: {  	s8 =	simm.s32 $0x1400;
	s30 =	rddreg [dreg:$0xc];
	[sflag:s14] =	ssyncadd.s32 $0xFFFFEC00  }
0x2b: {  	[tilespmem:s8], [sflag:$0x11] =	stream.linear.gather [hbm4b:s30+s6], $0x1400, $0x38;
	[tilespmem:$0x10800] =	vst v63  }
0x2c: {  	_ =	swait.ge [sflag:s14], $0x1400  }
0x2d: {  	[sflag:s14] =	ssyncset.done $0x0  }
0x2e: {  	[sflag:s14] =	ssyncadd.s32 $0xFFFFEC00  }
0x2f: {  	[spmem:s7] =	stream.linear.scatter [tilespmem:s16], [sflag:$0x11], $0x1000, $0x38;
	[tilespmem:$0x10800] =	vst v63  }
0x30: {  	_ =	swait.ge [sflag:s14], $0x1000  }
0x31: {  	[sflag:s14] =	ssyncset.done $0x0  }
0x32: {  	s31 =	rddreg [dreg:$0xd];
	[sflag:s14] =	ssyncadd.s32 $0xFFFFF000  }
0x33: {  	[spmem:s31] =	stream.linear.scatter [tilespmem:s16], [sflag:$0x11], $0x1000, $0x38;
	[tilespmem:$0x10800] =	vst v63  }
0x34: {  	_ =	swait.ge [sflag:s14], $0x1000  }
0x35: {  	[sflag:s14] =	ssyncset.done $0x0  }
0x36: {  	s6 =	rddreg [dreg:$0xe];
	[sflag:s14] =	ssyncadd.s32 $0xFFFFF000  }
0x37: {  	[spmem:s6] =	stream.linear.scatter [tilespmem:s16], [sflag:$0x11], $0x1000, $0x38;
	[tilespmem:$0x10800] =	vst v63  }
0x38: {  	_ =	swait.ge [sflag:s14], $0x1000  }
0x39: {  	[sflag:s14] =	ssyncset.done $0x0  }
0x3a: {  	s8 =	rddreg [dreg:$0xf];
	[sflag:s14] =	ssyncadd.s32 $0xFFFFF000  }
0x3b: {  	[spmem:s8] =	stream.linear.scatter [tilespmem:s16], [sflag:$0x11], $0x1000, $0x38;
	[tilespmem:$0x10800] =	vst v63  }
0x3c: {  	_ =	swait.ge [sflag:s14], $0x1000  }
0x3d: {  	[sflag:s14] =	ssyncset.done $0x0  }
0x3e: {  	s9 =	rddreg [dreg:$0x10];
	[sflag:s14] =	ssyncadd.s32 $0xFFFFF000  }
0x3f: {  	[spmem:s9] =	stream.linear.scatter [tilespmem:s16], [sflag:$0x11], $0x1000, $0x38;
	[tilespmem:$0x10800] =	vst v63  }
0x40: {  	_ =	swait.ge [sflag:s14], $0x1000  }
0x41: {  	[sflag:s14] =	ssyncset.done $0x0  }
0x42: {  	p0 =	por $0x0, $0x0;
	[sflag:s14] =	ssyncadd.s32 $0xFFFFF000  }
0x43: {  	s6 =	simm.s32 @p0 $0x9;
	[bflag:$0x0] =	sbarrier.arrive $0xFFFF  }
0x44: {  	_ =	swait.ge @p0 [sflag:s6], $0x1000  }
0x45: {  	s10 =	simm.s32 @p0 $0x80;
	s8 =	simm.s32 @p0 $0x2800;
	[sflag:s6] =	ssyncset.done @p0 $0x0  }
0x46: {  	s9 =	simm.s32 @p0 $0xA;
	[sflag:s6] =	ssyncadd.s32 @p0 $0xFFFFF000;
	s6 =	simm.s32 @p0 $0x0  }
0x47: {  	[tilespmem:s8], [sflag:$0x1] =	stream.indirect.gather @p0 [hbm4b:s4+s10], $0x20, s6, s10, $0xb8;
	[tilespmem:$0x10800] =	vst v63  }
0x48: {  	_ =	swait.ge @p0 [sflag:s9], $0x1000  }
0x49: {  	s6 =	simm.s32 @p0 $0x80;
	[sflag:s9] =	ssyncset.done @p0 $0x0  }
0x4a: {  	s8 =	simm.s32 @p0 $0x3800;
	[sflag:s9] =	ssyncadd.s32 @p0 $0xFFFFF000;
	s9 =	simm.s32 @p0 $0xB  }
0x4b: {  	[tilespmem:s8], [sflag:$0x2] =	stream.indirect.gather @p0 [hbm4b:s4+s10], $0x20, s6, s10, $0xb8;
	[tilespmem:$0x10800] =	vst v63  }
0x4c: {  	_ =	swait.ge @p0 [sflag:s9], $0x1000  }
0x4d: {  	s6 =	simm.s32 @p0 $0x100;
	[sflag:s9] =	ssyncset.done @p0 $0x0  }
0x4e: {  	s8 =	simm.s32 @p0 $0x4800;
	[sflag:s9] =	ssyncadd.s32 @p0 $0xFFFFF000;
	s9 =	simm.s32 @p0 $0xC  }
0x4f: {  	[tilespmem:s8], [sflag:$0x3] =	stream.indirect.gather @p0 [hbm4b:s4+s10], $0x20, s6, s10, $0xb8;
	[tilespmem:$0x10800] =	vst v63  }
0x50: {  	_ =	swait.ge @p0 [sflag:s9], $0x1000  }
0x51: {  	s6 =	simm.s32 @p0 $0x180;
	[sflag:s9] =	ssyncset.done @p0 $0x0  }
0x52: {  	s8 =	simm.s32 @p0 $0x5800;
	[sflag:s9] =	ssyncadd.s32 @p0 $0xFFFFF000;
	s9 =	simm.s32 @p0 $0xD  }
0x53: {  	[tilespmem:s8], [sflag:$0x4] =	stream.indirect.gather @p0 [hbm4b:s4+s10], $0x20, s6, s10, $0xb8;
	[tilespmem:$0x10800] =	vst v63  }
0x54: {  	_ =	swait.ge @p0 [sflag:s9], $0x1000  }
0x55: {  	s6 =	simm.s32 @p0 $0x200;
	[sflag:s9] =	ssyncset.done @p0 $0x0  }
0x56: {  	s8 =	simm.s32 @p0 $0x6800;
	[sflag:s9] =	ssyncadd.s32 @p0 $0xFFFFF000;
	s9 =	simm.s32 @p0 $0xE  }
0x57: {  	[tilespmem:s8], [sflag:$0x5] =	stream.indirect.gather @p0 [hbm4b:s4+s10], $0x20, s6, s10, $0xb8;
	[tilespmem:$0x10800] =	vst v63  }
0x58: {  	_ =	swait.ge @p0 [sflag:s9], $0x1000  }
0x59: {  	s6 =	simm.s32 @p0 $0x280;
	[sflag:s9] =	ssyncset.done @p0 $0x0  }
0x5a: {  	s8 =	simm.s32 @p0 $0x7800;
	[sflag:s9] =	ssyncadd.s32 @p0 $0xFFFFF000;
	s9 =	simm.s32 @p0 $0xF  }
0x5b: {  	[tilespmem:s8], [sflag:$0x6] =	stream.indirect.gather @p0 [hbm4b:s4+s10], $0x20, s6, s10, $0xb8;
	[tilespmem:$0x10800] =	vst v63  }
0x5c: {  	_ =	swait.ge @p0 [sflag:s9], $0x1000  }
0x5d: {  	s6 =	simm.s32 @p0 $0x300;
	[sflag:s9] =	ssyncset.done @p0 $0x0  }
0x5e: {  	s8 =	simm.s32 @p0 $0x8800;
	[sflag:s9] =	ssyncadd.s32 @p0 $0xFFFFF000;
	s9 =	simm.s32 @p0 $0x10  }
0x5f: {  	[tilespmem:s8], [sflag:$0x7] =	stream.indirect.gather @p0 [hbm4b:s4+s10], $0x20, s6, s10, $0xb8;
	[tilespmem:$0x10800] =	vst v63  }
0x60: {  	_ =	swait.ge @p0 [sflag:s9], $0x1000  }
0x61: {  	s6 =	simm.s32 @!p0 $0x2800;
	[sflag:s9] =	ssyncset.done @p0 $0x0  }
0x62: {  	s8 =	simm.s32 @!p0 $0x0;
	[sflag:s9] =	ssyncadd.s32 @p0 $0xFFFFF000;
	s9 =	simm.s32 @!p0 $0x80  }
0x63: {  	[tilespmem:s6], [sflag:$0x1] =	stream.indirect.gather @!p0 [hbm4b:s4+s9], $0x20, s8, s9, $0xb8;
	[tilespmem:$0x10800] =	vst v63  }
0x64: {  	s6 =	simm.s32 @!p0 $0x3800  }
0x65: {  	[tilespmem:s6], [sflag:$0x2] =	stream.indirect.gather @!p0 [hbm4b:s4+s9], $0x20, s9, s9, $0xb8;
	[tilespmem:$0x10800] =	vst v63  }
0x66: {  	s8 =	simm.s32 @!p0 $0x4800;
	s6 =	simm.s32 @!p0 $0x100  }
0x67: {  	[tilespmem:s8], [sflag:$0x3] =	stream.indirect.gather @!p0 [hbm4b:s4+s9], $0x20, s6, s9, $0xb8;
	[tilespmem:$0x10800] =	vst v63  }
0x68: {  	s6 =	simm.s32 @!p0 $0x180;
	s8 =	simm.s32 @!p0 $0x5800  }
0x69: {  	[tilespmem:s8], [sflag:$0x4] =	stream.indirect.gather @!p0 [hbm4b:s4+s9], $0x20, s6, s9, $0xb8;
	[tilespmem:$0x10800] =	vst v63  }
0x6a: {  	s6 =	simm.s32 @!p0 $0x200;
	s8 =	simm.s32 @!p0 $0x6800  }
0x6b: {  	[tilespmem:s8], [sflag:$0x5] =	stream.indirect.gather @!p0 [hbm4b:s4+s9], $0x20, s6, s9, $0xb8;
	[tilespmem:$0x10800] =	vst v63  }
0x6c: {  	s6 =	simm.s32 @!p0 $0x280;
	s8 =	simm.s32 @!p0 $0x7800  }
0x6d: {  	[tilespmem:s8], [sflag:$0x6] =	stream.indirect.gather @!p0 [hbm4b:s4+s9], $0x20, s6, s9, $0xb8;
	[tilespmem:$0x10800] =	vst v63  }
0x6e: {  	s10 =	simm.s32 @!p0 $0x8800;
	s6 =	simm.s32 $0x380;
	s8 =	simm.s32 @!p0 $0x300  }
0x6f: {  	[tilespmem:s10], [sflag:$0x7] =	stream.indirect.gather @!p0 [hbm4b:s4+s9], $0x20, s8, s9, $0xb8;
	[tilespmem:$0x10800] =	vst v63  }
0x70: {  	s6 =	simm.s32 @!p0 $0x380  }
0x71: {  	[tilespmem:s18], [sflag:$0x8] =	stream.indirect.gather [hbm4b:s4+s17], $0x20, s6, s17, $0xb8;
	[tilespmem:$0x10800] =	vst v63  }
0x72: {  	_ =	swait.ge [sflag:s19], $0x1000  }
0x73: {  	[sflag:s19] =	ssyncset.done $0x0  }
0x74: {  	s11 =	simm.s32 $0x1400;
	s10 =	rddreg [dreg:$0x4];
	[sflag:s19] =	ssyncadd.s32 $0xFFFFF000  }
0x75: {  	[spmem:s2] =	stream.indirect.scatter.add.bf16 [tilespmem:s10], [sflag:$0x9], $0x20, s11, s17, $0xb8;
	[tilespmem:$0x10800] =	vst v63  }
0x76: {  	s8 =	simm.s32 @p0 $0x80;
	_ =	swait.ge [sflag:s20], $0x1000  }
0x77: {  	s8 =	simm.s32 @!p0 $0x80;
	[sflag:s20] =	ssyncset.done $0x0  }
0x78: {  	s8 =	sadd.s32 $0x1400, s8;
	s12 =	rddreg [dreg:$0x5];
	[sflag:s20] =	ssyncadd.s32 $0xFFFFF000  }
0x79: {  	[spmem:s2] =	stream.indirect.scatter.add.bf16 [tilespmem:s12], [sflag:$0xA], $0x20, s8, s17, $0xb8;
	[tilespmem:$0x10800] =	vst v63  }
0x7a: {  	s8 =	simm.s32 @p0 $0x100;
	_ =	swait.ge [sflag:s21], $0x1000  }
0x7b: {  	s8 =	simm.s32 @!p0 $0x100;
	[sflag:s21] =	ssyncset.done $0x0  }
0x7c: {  	s13 =	rddreg [dreg:$0x6];
	s8 =	sadd.s32 $0x1400, s8;
	[sflag:s21] =	ssyncadd.s32 $0xFFFFF000  }
0x7d: {  	[spmem:s2] =	stream.indirect.scatter.add.bf16 [tilespmem:s13], [sflag:$0xB], $0x20, s8, s17, $0xb8;
	[tilespmem:$0x10800] =	vst v63  }
0x7e: {  	s8 =	simm.s32 @p0 $0x180;
	_ =	swait.ge [sflag:s22], $0x1000  }
0x7f: {  	s8 =	simm.s32 @!p0 $0x180;
	[sflag:s22] =	ssyncset.done $0x0  }
0x80: {  	s28 =	rddreg [dreg:$0x7];
	s8 =	sadd.s32 $0x1400, s8;
	[sflag:s22] =	ssyncadd.s32 $0xFFFFF000  }
0x81: {  	[spmem:s2] =	stream.indirect.scatter.add.bf16 [tilespmem:s28], [sflag:$0xC], $0x20, s8, s17, $0xb8;
	[tilespmem:$0x10800] =	vst v63  }
0x82: {  	s8 =	simm.s32 @p0 $0x200;
	_ =	swait.ge [sflag:s23], $0x1000  }
0x83: {  	s8 =	simm.s32 @!p0 $0x200;
	[sflag:s23] =	ssyncset.done $0x0  }
0x84: {  	s29 =	rddreg [dreg:$0x8];
	s8 =	sadd.s32 $0x1400, s8;
	[sflag:s23] =	ssyncadd.s32 $0xFFFFF000  }
0x85: {  	[spmem:s2] =	stream.indirect.scatter.add.bf16 [tilespmem:s29], [sflag:$0xD], $0x20, s8, s17, $0xb8;
	[tilespmem:$0x10800] =	vst v63  }
0x86: {  	s8 =	simm.s32 @p0 $0x280;
	_ =	swait.ge [sflag:s24], $0x1000  }
0x87: {  	s9 =	simm.s32 @p0 $0x300;
	s8 =	simm.s32 @!p0 $0x280;
	[sflag:s24] =	ssyncset.done $0x0  }
0x88: {  	s30 =	rddreg [dreg:$0x9];
	s8 =	sadd.s32 $0x1400, s8;
	[sflag:s24] =	ssyncadd.s32 $0xFFFFF000  }
0x89: {  	[spmem:s2] =	stream.indirect.scatter.add.bf16 [tilespmem:s30], [sflag:$0xE], $0x20, s8, s17, $0xb8;
	[tilespmem:$0x10800] =	vst v63  }
0x8a: {  	s9 =	simm.s32 @!p0 $0x300;
	_ =	swait.ge [sflag:s25], $0x1000  }
0x8b: {  	s9 =	sadd.s32 $0x1400, s9;
	[sflag:s25] =	ssyncset.done $0x0  }
0x8c: {  	s6 =	sadd.s32 $0x1400, s6;
	s31 =	rddreg [dreg:$0xa];
	[sflag:s25] =	ssyncadd.s32 $0xFFFFF000  }
0x8d: {  	[spmem:s2] =	stream.indirect.scatter.add.bf16 [tilespmem:s31], [sflag:$0xF], $0x20, s9, s17, $0xb8;
	[tilespmem:$0x10800] =	vst v63  }
0x8e: {  	s11 =	simm.s32 $0x780;
	p0 =	por $0x1, $0x1;
	_ =	swait.ge [sflag:s26], $0x1000  }
0x8f: {  	s8 =	simm.s32 $0x1000;
	s9 =	simm.s32 $0x2000;
	[sflag:s26] =	ssyncset.done $0x0  }
.LBB2_4:
0x90: {  	s12 =	simm.s32 @p0 $0x9;
	[sflag:s26] =	ssyncadd.s32 $0xFFFFF000  }
0x91: {  	[spmem:s2] =	stream.indirect.scatter.add.bf16 [tilespmem:s18], [sflag:$0x10], $0x20, s6, s17, $0xb8;
	[tilespmem:$0x10800] =	vst v63  }
0x92: {  	_ =	swait.ge @p0 [sflag:s12], $0x1000  }
0x93: {  	s13 =	simm.s32 @p0 $0x2800;
	s28 =	simm.s32 @p0 $0xA;
	[sflag:s12] =	ssyncset.done @p0 $0x0  }
0x94: {  	s6 =	simm.s32 @p0 $0x80;
	[sflag:s12] =	ssyncadd.s32 @p0 $0xFFFFF000;
	s12 =	sshra.s32 @p0 s8, $0x2  }
0x95: {  	[tilespmem:s13], [sflag:$0x1] =	stream.indirect.gather @p0 [hbm4b:s4+s6], $0x20, s12, s6, $0xb8;
	[tilespmem:$0x10800] =	vst v63  }
0x96: {  	_ =	swait.ge @p0 [sflag:s28], $0x1000  }
0x97: {  	s0 =	simm.s32 @p0 $0xB;
	[sflag:s28] =	ssyncset.done @p0 $0x0  }
0x98: {  	s13 =	sadd.s32 @p0 $0x80, s12;
	[sflag:s28] =	ssyncadd.s32 @p0 $0xFFFFF000;
	s28 =	simm.s32 @p0 $0x3800  }
0x99: {  	[tilespmem:s28], [sflag:$0x2] =	stream.indirect.gather @p0 [hbm4b:s4+s6], $0x20, s13, s6, $0xb8;
	[tilespmem:$0x10800] =	vst v63  }
0x9a: {  	_ =	swait.ge @p0 [sflag:s0], $0x1000  }
0x9b: {  	s29 =	sadd.s32 @p0 $0x100, s12;
	[sflag:s0] =	ssyncset.done @p0 $0x0  }
0x9c: {  	s28 =	simm.s32 @p0 $0xC;
	[sflag:s0] =	ssyncadd.s32 @p0 $0xFFFFF000;
	s0 =	simm.s32 @p0 $0x4800  }
0x9d: {  	[tilespmem:s0], [sflag:$0x3] =	stream.indirect.gather @p0 [hbm4b:s4+s6], $0x20, s29, s6, $0xb8;
	[tilespmem:$0x10800] =	vst v63  }
0x9e: {  	_ =	swait.ge @p0 [sflag:s28], $0x1000  }
0x9f: {  	s30 =	sadd.s32 @p0 $0x180, s12;
	[sflag:s28] =	ssyncset.done @p0 $0x0  }
0xa0: {  	s0 =	simm.s32 @p0 $0x5800;
	[sflag:s28] =	ssyncadd.s32 @p0 $0xFFFFF000;
	s28 =	simm.s32 @p0 $0xD  }
0xa1: {  	[tilespmem:s0], [sflag:$0x4] =	stream.indirect.gather @p0 [hbm4b:s4+s6], $0x20, s30, s6, $0xb8;
	[tilespmem:$0x10800] =	vst v63  }
0xa2: {  	_ =	swait.ge @p0 [sflag:s28], $0x1000  }
0xa3: {  	s31 =	sadd.s32 @p0 $0x200, s12;
	[sflag:s28] =	ssyncset.done @p0 $0x0  }
0xa4: {  	s0 =	simm.s32 @p0 $0x6800;
	[sflag:s28] =	ssyncadd.s32 @p0 $0xFFFFF000;
	s28 =	simm.s32 @p0 $0xE  }
0xa5: {  	[tilespmem:s0], [sflag:$0x5] =	stream.indirect.gather @p0 [hbm4b:s4+s6], $0x20, s31, s6, $0xb8;
	[tilespmem:$0x10800] =	vst v63  }
0xa6: {  	_ =	swait.ge @p0 [sflag:s28], $0x1000  }
0xa7: {  	s13 =	sadd.s32 @p0 $0x280, s12;
	[sflag:s28] =	ssyncset.done @p0 $0x0  }
0xa8: {  	s0 =	simm.s32 @p0 $0x7800;
	[sflag:s28] =	ssyncadd.s32 @p0 $0xFFFFF000;
	s28 =	simm.s32 @p0 $0xF  }
0xa9: {  	[tilespmem:s0], [sflag:$0x6] =	stream.indirect.gather @p0 [hbm4b:s4+s6], $0x20, s13, s6, $0xb8;
	[tilespmem:$0x10800] =	vst v63  }
0xaa: {  	_ =	swait.ge @p0 [sflag:s28], $0x1000  }
0xab: {  	s12 =	sadd.s32 @p0 $0x300, s12;
	[sflag:s28] =	ssyncset.done @p0 $0x0  }
0xac: {  	s0 =	simm.s32 @p0 $0x8800;
	s13 =	simm.s32 @p0 $0x10;
	[sflag:s28] =	ssyncadd.s32 @p0 $0xFFFFF000  }
0xad: {  	[tilespmem:s0], [sflag:$0x7] =	stream.indirect.gather @p0 [hbm4b:s4+s6], $0x20, s12, s6, $0xb8;
	[tilespmem:$0x10800] =	vst v63  }
0xae: {  	_ =	swait.ge @p0 [sflag:s13], $0x1000  }
0xaf: {  	s0 =	simm.s32 @!p0 $0x2800;
	[sflag:s13] =	ssyncset.done @p0 $0x0  }
0xb0: {  	s6 =	sshra.s32 @!p0 s8, $0x2;
	s12 =	simm.s32 @!p0 $0x80;
	[sflag:s13] =	ssyncadd.s32 @p0 $0xFFFFF000  }
0xb1: {  	[tilespmem:s0], [sflag:$0x1] =	stream.indirect.gather @!p0 [hbm4b:s4+s12], $0x20, s6, s12, $0xb8;
	[tilespmem:$0x10800] =	vst v63  }
0xb2: {  	s0 =	simm.s32 @!p0 $0x3800  }
0xb3: {  	[tilespmem:s0], [sflag:$0x2] =	stream.indirect.gather @!p0 [hbm4b:s4+s12], $0x20, s12, s12, $0xb8;
	[tilespmem:$0x10800] =	vst v63  }
0xb4: {  	s6 =	simm.s32 @!p0 $0x4800;
	s0 =	simm.s32 @!p0 $0x100  }
0xb5: {  	[tilespmem:s6], [sflag:$0x3] =	stream.indirect.gather @!p0 [hbm4b:s4+s12], $0x20, s0, s12, $0xb8;
	[tilespmem:$0x10800] =	vst v63  }
0xb6: {  	s0 =	simm.s32 @!p0 $0x180;
	s6 =	simm.s32 @!p0 $0x5800  }
0xb7: {  	[tilespmem:s6], [sflag:$0x4] =	stream.indirect.gather @!p0 [hbm4b:s4+s12], $0x20, s0, s12, $0xb8;
	[tilespmem:$0x10800] =	vst v63  }
0xb8: {  	s0 =	simm.s32 @!p0 $0x200;
	s6 =	simm.s32 @!p0 $0x6800  }
0xb9: {  	[tilespmem:s6], [sflag:$0x5] =	stream.indirect.gather @!p0 [hbm4b:s4+s12], $0x20, s0, s12, $0xb8;
	[tilespmem:$0x10800] =	vst v63  }
0xba: {  	s0 =	simm.s32 @!p0 $0x280;
	s6 =	simm.s32 @!p0 $0x7800  }
0xbb: {  	[tilespmem:s6], [sflag:$0x6] =	stream.indirect.gather @!p0 [hbm4b:s4+s12], $0x20, s0, s12, $0xb8;
	[tilespmem:$0x10800] =	vst v63  }
0xbc: {  	s0 =	simm.s32 @!p0 $0x300;
	s6 =	simm.s32 @!p0 $0x8800  }
0xbd: {  	[tilespmem:s6], [sflag:$0x7] =	stream.indirect.gather @!p0 [hbm4b:s4+s12], $0x20, s0, s12, $0xb8;
	[tilespmem:$0x10800] =	vst v63  }
0xbe: {  	s6 =	smov.u32 s11  }
0xbf: {  	s6 =	simm.s32 @!p0 $0x380  }
0xc0: {  	[tilespmem:s18], [sflag:$0x8] =	stream.indirect.gather [hbm4b:s4+s17], $0x20, s6, s17, $0xb8;
	[tilespmem:$0x10800] =	vst v63  }
0xc1: {  	_ =	swait.ge [sflag:s19], $0x1000  }
0xc2: {  	s30 =	sshra.s32 s8, $0x2;
	[sflag:s19] =	ssyncset.done $0x0  }
0xc3: {  	s31 =	sadd.s32 $0x1400, s30;
	s29 =	rddreg [dreg:$0x4];
	[sflag:s19] =	ssyncadd.s32 $0xFFFFF000  }
0xc4: {  	[spmem:s2] =	stream.indirect.scatter.add.bf16 [tilespmem:s29], [sflag:$0x9], $0x20, s31, s17, $0xb8;
	[tilespmem:$0x10800] =	vst v63  }
0xc5: {  	s0 =	sadd.s32 @p0 $0xFFFFFD00, s11;
	_ =	swait.ge [sflag:s20], $0x1000  }
0xc6: {  	s0 =	simm.s32 @!p0 $0x80;
	[sflag:s20] =	ssyncset.done $0x0  }
0xc7: {  	s0 =	sadd.s32 $0x1400, s0;
	s12 =	rddreg [dreg:$0x5];
	[sflag:s20] =	ssyncadd.s32 $0xFFFFF000  }
0xc8: {  	[spmem:s2] =	stream.indirect.scatter.add.bf16 [tilespmem:s12], [sflag:$0xA], $0x20, s0, s17, $0xb8;
	[tilespmem:$0x10800] =	vst v63  }
0xc9: {  	s0 =	sadd.s32 @p0 $0xFFFFFD80, s11;
	_ =	swait.ge [sflag:s21], $0x1000  }
0xca: {  	s0 =	simm.s32 @!p0 $0x100;
	[sflag:s21] =	ssyncset.done $0x0  }
0xcb: {  	s13 =	rddreg [dreg:$0x6];
	s0 =	sadd.s32 $0x1400, s0;
	[sflag:s21] =	ssyncadd.s32 $0xFFFFF000  }
0xcc: {  	[spmem:s2] =	stream.indirect.scatter.add.bf16 [tilespmem:s13], [sflag:$0xB], $0x20, s0, s17, $0xb8;
	[tilespmem:$0x10800] =	vst v63  }
0xcd: {  	s0 =	sadd.s32 @p0 $0xFFFFFE00, s11;
	_ =	swait.ge [sflag:s22], $0x1000  }
0xce: {  	s0 =	simm.s32 @!p0 $0x180;
	[sflag:s22] =	ssyncset.done $0x0  }
0xcf: {  	s28 =	rddreg [dreg:$0x7];
	s0 =	sadd.s32 $0x1400, s0;
	[sflag:s22] =	ssyncadd.s32 $0xFFFFF000  }
0xd0: {  	[spmem:s2] =	stream.indirect.scatter.add.bf16 [tilespmem:s28], [sflag:$0xC], $0x20, s0, s17, $0xb8;
	[tilespmem:$0x10800] =	vst v63  }
0xd1: {  	s0 =	sadd.s32 @p0 $0xFFFFFE80, s11;
	_ =	swait.ge [sflag:s23], $0x1000  }
0xd2: {  	s0 =	simm.s32 @!p0 $0x200;
	[sflag:s23] =	ssyncset.done $0x0  }
0xd3: {  	s29 =	rddreg [dreg:$0x8];
	s0 =	sadd.s32 $0x1400, s0;
	[sflag:s23] =	ssyncadd.s32 $0xFFFFF000  }
0xd4: {  	[spmem:s2] =	stream.indirect.scatter.add.bf16 [tilespmem:s29], [sflag:$0xD], $0x20, s0, s17, $0xb8;
	[tilespmem:$0x10800] =	vst v63  }
0xd5: {  	s10 =	smov.u32 s9;
	s0 =	sadd.s32 @p0 $0xFFFFFF00, s11;
	_ =	swait.ge [sflag:s24], $0x1000  }
0xd6: {  	s9 =	sadd.s32 $0x1000, s9;
	s0 =	simm.s32 @!p0 $0x280;
	[sflag:s24] =	ssyncset.done $0x0  }
0xd7: {  	s30 =	rddreg [dreg:$0x9];
	s0 =	sadd.s32 $0x1400, s0;
	[sflag:s24] =	ssyncadd.s32 $0xFFFFF000  }
0xd8: {  	[spmem:s2] =	stream.indirect.scatter.add.bf16 [tilespmem:s30], [sflag:$0xE], $0x20, s0, s17, $0xb8;
	[tilespmem:$0x10800] =	vst v63  }
0xd9: {  	p1 =	sne.s32 s9, $0x5000;
	s0 =	sadd.s32 @p0 $0xFFFFFF80, s11;
	_ =	swait.ge [sflag:s25], $0x1000  }
.Ltmp1:
0xda: {  	s0 =	simm.s32 @!p0 $0x300;
	[sflag:s25] =	ssyncset.done $0x0;
	(pc) =	sbr.rel @p1 .LBB2_4-.Ltmp1, $4  }
0xdb: {  	s31 =	rddreg [dreg:$0xa];
	s0 =	sadd.s32 $0x1400, s0;
	[sflag:s25] =	ssyncadd.s32 $0xFFFFF000  }
0xdc: {  	[spmem:s2] =	stream.indirect.scatter.add.bf16 [tilespmem:s31], [sflag:$0xF], $0x20, s0, s17, $0xb8;
	[tilespmem:$0x10800] =	vst v63  }
0xdd: {  	s8 =	smov.u32 s10;
	s6 =	sadd.s32 $0x1400, s6;
	_ =	swait.ge [sflag:s26], $0x1000  }
0xde: {  	s11 =	sadd.s32 $0x400, s11;
	p0 =	sne.s32 s8, $0x0;
	[sflag:s26] =	ssyncset.done $0x0  }
0xdf: {  	s0 =	simm.s32 @p0 $0x9;
	[sflag:s26] =	ssyncadd.s32 $0xFFFFF000  }
0xe0: {  	[spmem:s2] =	stream.indirect.scatter.add.bf16 [tilespmem:s18], [sflag:$0x10], $0x20, s6, s17, $0xb8;
	[tilespmem:$0x10800] =	vst v63  }
0xe1: {  	_ =	swait.ge @p0 [sflag:s0], $0x1000  }
0xe2: {  	s9 =	simm.s32 @p0 $0xA;
	s10 =	simm.s32 @p0 $0x80;
	[sflag:s0] =	ssyncset.done @p0 $0x0  }
0xe3: {  	s6 =	simm.s32 @p0 $0x2800;
	[sflag:s0] =	ssyncadd.s32 @p0 $0xFFFFF000;
	s0 =	sshra.s32 @p0 s8, $0x2  }
0xe4: {  	[tilespmem:s6], [sflag:$0x1] =	stream.indirect.gather @p0 [hbm4b:s4+s10], $0x20, s0, s10, $0xb8;
	[tilespmem:$0x10800] =	vst v63  }
0xe5: {  	_ =	swait.ge @p0 [sflag:s9], $0x1000  }
0xe6: {  	[sflag:s9] =	ssyncset.done @p0 $0x0  }
0xe7: {  	s6 =	sadd.s32 @p0 $0x80, s0;
	[sflag:s9] =	ssyncadd.s32 @p0 $0xFFFFF000;
	s9 =	simm.s32 @p0 $0x3800  }
0xe8: {  	[tilespmem:s9], [sflag:$0x2] =	stream.indirect.gather @p0 [hbm4b:s4+s10], $0x20, s6, s10, $0xb8;
	[tilespmem:$0x10800] =	vst v63  }
0xe9: {  	s6 =	simm.s32 @p0 $0xB  }
0xea: {  	_ =	swait.ge @p0 [sflag:s6], $0x1000  }
0xeb: {  	[sflag:s6] =	ssyncset.done @p0 $0x0  }
0xec: {  	s9 =	sadd.s32 @p0 $0x100, s0;
	[sflag:s6] =	ssyncadd.s32 @p0 $0xFFFFF000;
	s6 =	simm.s32 @p0 $0x4800  }
0xed: {  	[tilespmem:s6], [sflag:$0x3] =	stream.indirect.gather @p0 [hbm4b:s4+s10], $0x20, s9, s10, $0xb8;
	[tilespmem:$0x10800] =	vst v63  }
0xee: {  	s6 =	simm.s32 @p0 $0xC  }
0xef: {  	_ =	swait.ge @p0 [sflag:s6], $0x1000  }
0xf0: {  	[sflag:s6] =	ssyncset.done @p0 $0x0  }
0xf1: {  	s9 =	sadd.s32 @p0 $0x180, s0;
	[sflag:s6] =	ssyncadd.s32 @p0 $0xFFFFF000;
	s6 =	simm.s32 @p0 $0x5800  }
0xf2: {  	[tilespmem:s6], [sflag:$0x4] =	stream.indirect.gather @p0 [hbm4b:s4+s10], $0x20, s9, s10, $0xb8;
	[tilespmem:$0x10800] =	vst v63  }
0xf3: {  	s6 =	simm.s32 @p0 $0xD  }
0xf4: {  	_ =	swait.ge @p0 [sflag:s6], $0x1000  }
0xf5: {  	[sflag:s6] =	ssyncset.done @p0 $0x0  }
0xf6: {  	s9 =	sadd.s32 @p0 $0x200, s0;
	[sflag:s6] =	ssyncadd.s32 @p0 $0xFFFFF000;
	s6 =	simm.s32 @p0 $0x6800  }
0xf7: {  	[tilespmem:s6], [sflag:$0x5] =	stream.indirect.gather @p0 [hbm4b:s4+s10], $0x20, s9, s10, $0xb8;
	[tilespmem:$0x10800] =	vst v63  }
0xf8: {  	s6 =	simm.s32 @p0 $0xE  }
0xf9: {  	_ =	swait.ge @p0 [sflag:s6], $0x1000  }
0xfa: {  	[sflag:s6] =	ssyncset.done @p0 $0x0  }
0xfb: {  	s9 =	sadd.s32 @p0 $0x280, s0;
	[sflag:s6] =	ssyncadd.s32 @p0 $0xFFFFF000;
	s6 =	simm.s32 @p0 $0x7800  }
0xfc: {  	[tilespmem:s6], [sflag:$0x6] =	stream.indirect.gather @p0 [hbm4b:s4+s10], $0x20, s9, s10, $0xb8;
	[tilespmem:$0x10800] =	vst v63  }
0xfd: {  	s6 =	simm.s32 @p0 $0xF  }
0xfe: {  	_ =	swait.ge @p0 [sflag:s6], $0x1000  }
0xff: {  	[sflag:s6] =	ssyncset.done @p0 $0x0  }
0x100: {  	s0 =	sadd.s32 @p0 $0x300, s0;
	[sflag:s6] =	ssyncadd.s32 @p0 $0xFFFFF000;
	s6 =	simm.s32 @p0 $0x8800  }
0x101: {  	[tilespmem:s6], [sflag:$0x7] =	stream.indirect.gather @p0 [hbm4b:s4+s10], $0x20, s0, s10, $0xb8;
	[tilespmem:$0x10800] =	vst v63  }
0x102: {  	s0 =	simm.s32 @p0 $0x10  }
0x103: {  	_ =	swait.ge @p0 [sflag:s0], $0x1000  }
0x104: {  	s9 =	simm.s32 @!p0 $0x80;
	[sflag:s0] =	ssyncset.done @p0 $0x0  }
0x105: {  	s6 =	simm.s32 @!p0 $0x2800;
	[sflag:s0] =	ssyncadd.s32 @p0 $0xFFFFF000;
	s0 =	sshra.s32 @!p0 s8, $0x2  }
0x106: {  	[tilespmem:s6], [sflag:$0x1] =	stream.indirect.gather @!p0 [hbm4b:s4+s9], $0x20, s0, s9, $0xb8;
	[tilespmem:$0x10800] =	vst v63  }
0x107: {  	s0 =	simm.s32 @!p0 $0x3800  }
0x108: {  	[tilespmem:s0], [sflag:$0x2] =	stream.indirect.gather @!p0 [hbm4b:s4+s9], $0x20, s9, s9, $0xb8;
	[tilespmem:$0x10800] =	vst v63  }
0x109: {  	s6 =	simm.s32 @!p0 $0x4800;
	s0 =	simm.s32 @!p0 $0x100  }
0x10a: {  	[tilespmem:s6], [sflag:$0x3] =	stream.indirect.gather @!p0 [hbm4b:s4+s9], $0x20, s0, s9, $0xb8;
	[tilespmem:$0x10800] =	vst v63  }
0x10b: {  	s0 =	simm.s32 @!p0 $0x180;
	s6 =	simm.s32 @!p0 $0x5800  }
0x10c: {  	[tilespmem:s6], [sflag:$0x4] =	stream.indirect.gather @!p0 [hbm4b:s4+s9], $0x20, s0, s9, $0xb8;
	[tilespmem:$0x10800] =	vst v63  }
0x10d: {  	s0 =	simm.s32 @!p0 $0x200;
	s6 =	simm.s32 @!p0 $0x6800  }
0x10e: {  	[tilespmem:s6], [sflag:$0x5] =	stream.indirect.gather @!p0 [hbm4b:s4+s9], $0x20, s0, s9, $0xb8;
	[tilespmem:$0x10800] =	vst v63  }
0x10f: {  	s0 =	simm.s32 @!p0 $0x280;
	s6 =	simm.s32 @!p0 $0x7800  }
0x110: {  	[tilespmem:s6], [sflag:$0x6] =	stream.indirect.gather @!p0 [hbm4b:s4+s9], $0x20, s0, s9, $0xb8;
	[tilespmem:$0x10800] =	vst v63  }
0x111: {  	s0 =	simm.s32 @!p0 $0x300;
	s6 =	simm.s32 @!p0 $0x8800  }
0x112: {  	[tilespmem:s6], [sflag:$0x7] =	stream.indirect.gather @!p0 [hbm4b:s4+s9], $0x20, s0, s9, $0xb8;
	[tilespmem:$0x10800] =	vst v63  }
0x113: {  	s0 =	smov.u32 s11  }
0x114: {  	s0 =	simm.s32 @!p0 $0x380  }
0x115: {  	[tilespmem:s18], [sflag:$0x8] =	stream.indirect.gather [hbm4b:s4+s17], $0x20, s0, s17, $0xb8;
	[tilespmem:$0x10800] =	vst v63  }
0x116: {  	_ =	swait.ge [sflag:s19], $0x1000  }
0x117: {  	s10 =	sshra.s32 s8, $0x2;
	[sflag:s19] =	ssyncset.done $0x0  }
0x118: {  	s8 =	sadd.s32 $0x1400, s10;
	s9 =	rddreg [dreg:$0x4];
	[sflag:s19] =	ssyncadd.s32 $0xFFFFF000  }
0x119: {  	[spmem:s2] =	stream.indirect.scatter.add.bf16 [tilespmem:s9], [sflag:$0x9], $0x20, s8, s17, $0xb8;
	[tilespmem:$0x10800] =	vst v63  }
0x11a: {  	s6 =	sadd.s32 @p0 $0xFFFFFD00, s11;
	_ =	swait.ge [sflag:s20], $0x1000  }
0x11b: {  	s6 =	simm.s32 @!p0 $0x80;
	[sflag:s20] =	ssyncset.done $0x0  }
0x11c: {  	s6 =	sadd.s32 $0x1400, s6;
	s12 =	rddreg [dreg:$0x5];
	[sflag:s20] =	ssyncadd.s32 $0xFFFFF000  }
0x11d: {  	[spmem:s2] =	stream.indirect.scatter.add.bf16 [tilespmem:s12], [sflag:$0xA], $0x20, s6, s17, $0xb8;
	[tilespmem:$0x10800] =	vst v63  }
0x11e: {  	s6 =	sadd.s32 @p0 $0xFFFFFD80, s11;
	_ =	swait.ge [sflag:s21], $0x1000  }
0x11f: {  	s6 =	simm.s32 @!p0 $0x100;
	[sflag:s21] =	ssyncset.done $0x0  }
0x120: {  	s13 =	rddreg [dreg:$0x6];
	s6 =	sadd.s32 $0x1400, s6;
	[sflag:s21] =	ssyncadd.s32 $0xFFFFF000  }
0x121: {  	[spmem:s2] =	stream.indirect.scatter.add.bf16 [tilespmem:s13], [sflag:$0xB], $0x20, s6, s17, $0xb8;
	[tilespmem:$0x10800] =	vst v63  }
0x122: {  	s6 =	sadd.s32 @p0 $0xFFFFFE00, s11;
	_ =	swait.ge [sflag:s22], $0x1000  }
0x123: {  	s6 =	simm.s32 @!p0 $0x180;
	[sflag:s22] =	ssyncset.done $0x0  }
0x124: {  	s28 =	rddreg [dreg:$0x7];
	s6 =	sadd.s32 $0x1400, s6;
	[sflag:s22] =	ssyncadd.s32 $0xFFFFF000  }
0x125: {  	[spmem:s2] =	stream.indirect.scatter.add.bf16 [tilespmem:s28], [sflag:$0xC], $0x20, s6, s17, $0xb8;
	[tilespmem:$0x10800] =	vst v63  }
0x126: {  	s6 =	sadd.s32 @p0 $0xFFFFFE80, s11;
	_ =	swait.ge [sflag:s23], $0x1000  }
0x127: {  	s6 =	simm.s32 @!p0 $0x200;
	[sflag:s23] =	ssyncset.done $0x0  }
0x128: {  	s29 =	rddreg [dreg:$0x8];
	s6 =	sadd.s32 $0x1400, s6;
	[sflag:s23] =	ssyncadd.s32 $0xFFFFF000  }
0x129: {  	[spmem:s2] =	stream.indirect.scatter.add.bf16 [tilespmem:s29], [sflag:$0xD], $0x20, s6, s17, $0xb8;
	[tilespmem:$0x10800] =	vst v63  }
0x12a: {  	s6 =	sadd.s32 @p0 $0xFFFFFF00, s11;
	_ =	swait.ge [sflag:s24], $0x1000  }
0x12b: {  	s6 =	simm.s32 @!p0 $0x280;
	[sflag:s24] =	ssyncset.done $0x0  }
0x12c: {  	s30 =	rddreg [dreg:$0x9];
	s6 =	sadd.s32 $0x1400, s6;
	[sflag:s24] =	ssyncadd.s32 $0xFFFFF000  }
0x12d: {  	[spmem:s2] =	stream.indirect.scatter.add.bf16 [tilespmem:s30], [sflag:$0xE], $0x20, s6, s17, $0xb8;
	[tilespmem:$0x10800] =	vst v63  }
0x12e: {  	s6 =	sadd.s32 @p0 $0xFFFFFF80, s11;
	_ =	swait.ge [sflag:s25], $0x1000  }
0x12f: {  	s6 =	simm.s32 @!p0 $0x300;
	[sflag:s25] =	ssyncset.done $0x0  }
0x130: {  	s31 =	rddreg [dreg:$0xa];
	s6 =	sadd.s32 $0x1400, s6;
	[sflag:s25] =	ssyncadd.s32 $0xFFFFF000  }
0x131: {  	[spmem:s2] =	stream.indirect.scatter.add.bf16 [tilespmem:s31], [sflag:$0xF], $0x20, s6, s17, $0xb8;
	[tilespmem:$0x10800] =	vst v63  }
0x132: {  	_ =	swait.ge [sflag:s26], $0x1000  }
0x133: {  	[sflag:s26] =	ssyncset.done $0x0  }
0x134: {  	s0 =	sadd.s32 $0x1400, s0;
	s9 =	simm.s32 $0x9;
	[sflag:s26] =	ssyncadd.s32 $0xFFFFF000  }
0x135: {  	[spmem:s2] =	stream.indirect.scatter.add.bf16 [tilespmem:s18], [sflag:$0x10], $0x20, s0, s17, $0xb8;
	[tilespmem:$0x10800] =	vst v63  }
0x136: {  	_ =	swait.ge [sflag:s9], $0x1000  }
0x137: {  	[sflag:s9] =	ssyncset.done $0x0  }
0x138: {  	s10 =	simm.s32 $0xA;
	[sflag:s9] =	ssyncadd.s32 $0xFFFFF000  }
0x139: {  	_ =	swait.ge [sflag:s10], $0x1000  }
0x13a: {  	[sflag:s10] =	ssyncset.done $0x0  }
0x13b: {  	s11 =	simm.s32 $0xB;
	[sflag:s10] =	ssyncadd.s32 $0xFFFFF000  }
0x13c: {  	_ =	swait.ge [sflag:s11], $0x1000  }
0x13d: {  	[sflag:s11] =	ssyncset.done $0x0  }
0x13e: {  	s12 =	simm.s32 $0xC;
	[sflag:s11] =	ssyncadd.s32 $0xFFFFF000  }
0x13f: {  	_ =	swait.ge [sflag:s12], $0x1000  }
0x140: {  	[sflag:s12] =	ssyncset.done $0x0  }
0x141: {  	s13 =	simm.s32 $0xD;
	[sflag:s12] =	ssyncadd.s32 $0xFFFFF000  }
0x142: {  	_ =	swait.ge [sflag:s13], $0x1000  }
0x143: {  	[sflag:s13] =	ssyncset.done $0x0  }
0x144: {  	[sflag:s13] =	ssyncadd.s32 $0xFFFFF000  }
0x145: {  	_ =	swait.ge [sflag:s15], $0x1000  }
0x146: {  	[sflag:s15] =	ssyncset.done $0x0  }
0x147: {  	[sflag:s15] =	ssyncadd.s32 $0xFFFFF000  }
0x148: {  	_ =	swait.ge [sflag:s1], $0x1000  }
0x149: {  	[sflag:s1] =	ssyncset.done $0x0  }
0x14a: {  	[sflag:s1] =	ssyncadd.s32 $0xFFFFF000  }
0x14b: {  	_ =	swait.ge [sflag:s3], $0x1000  }
0x14c: {  	[sflag:s3] =	ssyncset.done $0x0  }
0x14d: {  	s28 =	stileid.u32;
	[sflag:s3] =	ssyncadd.s32 $0xFFFFF000  }
0x14e: {  	s0 =	sshll.u32 s28, $0x6;
	[bflag:$0x0] =	sbarrier.arrive $0xFFFF  }
0x14f: {  	s29 =	sshrl.u32 s7, $0x3;
	s0 =	sor.u32 $0x1C11, s0;
	s30 =	rddreg [dreg:$0x12]  }
0x150: {  	[hbm:s30], [sflag:s0] =	dma.local [spmem:s29], $0xA00  }
0x151: {  	_ =	swait.ge [sflag:s14], $0xA00  }
0x152: {  	s5 =	sadd.s32 $0x1, s5;
	s31 =	rddreg [dreg:$0x11]  }
0x153: {  	p0 =	sne.s32 s5, s31  }
.Ltmp2:
0x154: {  	_ = 	snop;
	(pc) =	sbr.rel @p0 .LBB2_1-.Ltmp2, $3  }
0x155: {  	_ =	sdelay $0x1  }
0x156: {  	[sflag:s14] =	ssyncset.done $0x0  }
0x157: {  	[sflag:s14] =	ssyncadd.s32 $0xFFFFF600  }
0x158: {  	_ =	sfence.sel $0x180000  }
0x159: {  	[bflag:$0x0] =	sbarrier.arrive $0xFFFF  }
0x15a: {  	_ =	strace $0x9000004A  }
0x15b: {  	s0 =	stileid.u32;
	[bflag:$0x2] =	sbarrier.arrive $0xFFFF  }
0x15c: {  	p0 =	sne.s32 s0, $0x0;
	s0 =	rddreg [dreg:$0x3]  }
0x15d: {  	s0 =	sadd.s32 @!p0 $0x100000, s0  }
0x15e: {  	[sflag:s0] =	ssyncadd.tile.s32 @!p0 $0x1;
	_ =	shalt  }
.Lfunc_end2:
_tile_overlayer_lowered:
.L_overlay_start_2:
0x15f: {  	(tag) =	ssettag $0x2  }
0x160: {  	s0 =	rddreg [dreg:$0x0];
	s2 =	stileid.u32  }
0x161: {  	s1 =	rddreg [dreg:$0x1];
	p0 =	sne.s32 s2, $0x0  }
0x162: {  	s3 =	rddreg [dreg:$0x2];
	[bflag:$0x3] =	sbarrier.arrive $0xFFFF;
	s2 =	simm.s32 @!p0 $0x1C11  }
0x163: {  	[timem:s3], [sflag:s2] =	dma.local @!p0 [hbm:s0], s1  }
0x164: {  	s0 =	simm.s32 @!p0 $0x11  }
0x165: {  	_ =	swait.ge @!p0 [sflag:s0], s1  }
0x166: {  	s1 =	ssub.s32 @!p0 $0x0, s1;
	[sflag:s0] =	ssyncset.done @!p0 $0x0  }
0x167: {  	[sflag:s0] =	ssyncadd.s32 @!p0 s1  }
0x168: {  	[bflag:$0x3] =	sbarrier.arrive $0xFFFF  }
0x169: {  	_ =	shalt  }

</sc_bundles>
